<compile_context>
chip_gen: v7x
topology: tpu7x:2x2x1
jax: 0.10.2.dev20260603
libtpu: 0.0.44.dev20260713+nightly
codegen_flags: <defaults>
</compile_context>

<pallas_src>
import functools

import jax
import jax.numpy as jnp
from jax import lax
from jax.experimental import pallas as pl
from jax.experimental.pallas import tpu as pltpu
from jax.experimental.pallas import tpu_sc as plsc

_V = 3
_C2D = 64
_D3 = 96
_BS = 2
_H = 120
_W = 160
_N = 100000
_HW = _H * _W
_PAD_ROWS = 1920
_SLAB = _HW + _PAD_ROWS
_ZROW = _HW
_NVB = _V * _BS
_TROWS = _NVB * _SLAB

_NW = 32
_K = 256
_NBLK = 14
_NRUN = 13
_NPAD = _NW * _K * _NBLK

_BN = 4000
_NTB = _N // _BN
_EPS = 1e-5



_TBLK = 1920


def _transpose_body(in_ref, out_ref):
    j = pl.program_id(1)

    @pl.when(j < 10)
    def _():
        t = in_ref[0].T
        out_ref[0] = jnp.concatenate(
            [t[0:_TBLK // 2, :], t[_TBLK // 2:_TBLK, :]], axis=1)

    @pl.when(j == 10)
    def _():
        out_ref[0] = jnp.zeros((_TBLK // 2, 2 * _C2D), jnp.float32)


def _build_table(feat6):
    return pl.pallas_call(
        _transpose_body,
        grid=(_NVB, _SLAB // _TBLK),
        in_specs=[pl.BlockSpec((1, _C2D, _TBLK),
                               lambda i, j: (i, 0, jnp.minimum(j, 9)))],
        out_specs=pl.BlockSpec((1, _TBLK // 2, 2 * _C2D),
                               lambda i, j: (i, j, 0)),
        out_shape=jax.ShapeDtypeStruct((_NVB, _SLAB // 2, 2 * _C2D),
                                       jnp.float32),
    )(feat6)



def _sc_body(table_hbm, rowids_hbm, maps_hbm,
             x0_hbm, x1_hbm, x2_hbm,
             m0, m1, r0, r1,
             i00, i01, i02, i10, i11, i12,
             f00, f01, f02, f10, f11, f12,
             ms0, ms1, gs0, gs1, fs0, fs1, ss0, ss1):
    wid = lax.axis_index("s") * 2 + lax.axis_index("c")
    maps = (m0, m1)
    rids = (r0, r1)
    idxs = ((i00, i01, i02), (i10, i11, i12))
    feats = ((f00, f01, f02), (f10, f11, f12))
    msems = (ms0, ms1)
    gsems = (gs0, gs1)
    fsems = (fs0, fs1)
    ssems = (ss0, ss1)
    xs = (x0_hbm, x1_hbm, x2_hbm)

    def map_copy(b, p):
        gb = wid + _NW * b
        return pltpu.make_async_copy(
            maps_hbm.at[pl.ds(gb * 4, 4)], maps[p], msems[p])

    def rid_copies(p):
        return [pltpu.make_async_copy(
            rowids_hbm.at[maps[p].at[sub]],
            rids[p].at[pl.ds(sub * 128, 128)], gsems[p]) for sub in range(2)]

    def compute_idx(p):
        for sub in range(2):
            for g in range(8):
                rows = lax.iota(jnp.int32, 16) + (sub * 128 + g * 16)
                for v in range(_V):
                    cv = jnp.full((16,), v, jnp.int32)
                    idxs[p][v][sub, pl.ds(g * 16, 16)] = plsc.load_gather(
                        rids[p], [rows, cv])

    def fgather_copies(p):
        return [pltpu.make_async_copy(
            table_hbm.at[idxs[p][v].at[sub]],
            feats[p][v].at[pl.ds(sub * 128, 128)], fsems[p])
            for v in range(_V) for sub in range(2)]

    def scatter_copies(p):
        return [pltpu.make_async_copy(
            feats[p][v].at[pl.ds(sub * 128, 128)],
            xs[v].at[maps[p].at[2 + sub]], ssems[p])
            for v in range(_V) for sub in range(2)]

    def start(copies):
        for c in copies:
            c.start()

    def drain(copies):
        for c in copies:
            c.wait()

    def prefetch(b1, q):
        map_copy(b1, q).start()
        map_copy(b1, q).wait()
        start(rid_copies(q))
        drain(rid_copies(q))
        compute_idx(q)

    def body(b, p, first, prefetch_next):
        q = 1 - p
        start(fgather_copies(p))
        if not first:
            drain(scatter_copies(q))
        drain(fgather_copies(p))
        start(scatter_copies(p))
        if prefetch_next:
            prefetch(b + 1, q)

    prefetch(0, 0)
    body(0, 0, True, True)

    def chunk(c, carry):
        b = 1 + 2 * c
        body(b, 1, False, True)
        body(b + 1, 0, False, True)
        return carry

    lax.fori_loop(0, (_NRUN - 1) // 2, chunk, 0)

    drain(scatter_copies(0))


_RBN = 4096


def _rowid_body(lk_ref, out_ref):
    lk = lk_ref[...]
    cols = []
    for v in range(_V):
        b = lk[:, v:v + 1]
        vi = lk[:, 3 + v:4 + v]
        ui = lk[:, 6 + v:7 + v]
        val = lk[:, 9 + v:10 + v]
        pix = jnp.where(val > 0, vi * _W + ui, _ZROW)
        j = pix // _TBLK
        p = pix - j * _TBLK
        hi = (p >= _TBLK // 2).astype(jnp.int32)
        row = 2 * ((_TBLK // 2) * j + p - hi * (_TBLK // 2)) + hi
        cols.append((v * _BS + b) * _SLAB + row)
    cols.append(jnp.zeros((_RBN, 16 - _V), jnp.int32))
    out_ref[...] = jnp.concatenate(cols, axis=1)


def _build_rowids(links2d):
    return pl.pallas_call(
        _rowid_body,
        grid=((_N + _RBN - 1) // _RBN,),
        in_specs=[pl.BlockSpec((_RBN, 4 * _V), lambda i: (i, 0))],
        out_specs=pl.BlockSpec((_RBN, 16), lambda i: (i, 0)),
        out_shape=jax.ShapeDtypeStruct((_N, 16), jnp.int32),
    )(links2d)


def _sc_gather(table2d, rowids, maps):
    mesh = plsc.VectorSubcoreMesh(core_axis_name="c", subcore_axis_name="s",
                                  num_cores=2, num_subcores=16)
    xshape = jax.ShapeDtypeStruct((_NPAD, _C2D), jnp.float32)
    fn = pl.kernel(
        _sc_body,
        out_type=[xshape, xshape, xshape],
        mesh=mesh,
        compiler_params=pltpu.CompilerParams(needs_layout_passes=False,
                                             use_tc_tiling_on_sc=False),
        scratch_types=(
            [pltpu.VMEM((4, 128), jnp.int32)] * 2
            + [pltpu.VMEM((_K, 16), jnp.int32)] * 2
            + [pltpu.VMEM((2, 128), jnp.int32)] * 6
            + [pltpu.VMEM((_K, _C2D), jnp.float32)] * 6
            + [pltpu.SemaphoreType.DMA] * 8
        ),
    )
    return fn(table2d, rowids, maps)



def _scale_shift(stats_ref, g_ref, be_ref):
    inv_n = jnp.float32(1.0 / _N)
    mu = stats_ref[0:1, :] * inv_n
    var = stats_ref[1:2, :] * inv_n - mu * mu
    sc = g_ref[...] * lax.rsqrt(var + _EPS)
    sh = be_ref[...] - mu * sc
    return sc, sh


def _accum(i, y, acc_ref, stats_ref):
    @pl.when(i == 0)
    def _():
        acc_ref[...] = jnp.zeros_like(acc_ref)

    acc_ref[0:1, :] += jnp.sum(y, axis=0, keepdims=True)
    acc_ref[1:2, :] += jnp.sum(y * y, axis=0, keepdims=True)

    @pl.when(i == _NTB - 1)
    def _():
        stats_ref[...] = acc_ref[...]


def _accum2(i, ya, yb, acc_ref, stats_ref):
    @pl.when(i == 0)
    def _():
        acc_ref[...] = jnp.zeros_like(acc_ref)

    acc_ref[0:1, :] += jnp.sum(ya, axis=0, keepdims=True) + jnp.sum(
        yb, axis=0, keepdims=True)
    acc_ref[1:2, :] += jnp.sum(ya * ya, axis=0, keepdims=True) + jnp.sum(
        yb * yb, axis=0, keepdims=True)

    @pl.when(i == _NTB - 1)
    def _():
        stats_ref[...] = acc_ref[...]


def _dot(a, b):
    return jnp.dot(a, b, preferred_element_type=jnp.float32)


def _p1_body(x0, x1, x2, w1, b1, y1_out, stats_out, acc):
    i = pl.program_id(0)
    ys = []
    for h in range(2):
        sl = slice(h * _C2D, (h + 1) * _C2D)
        ys.append(_dot(x0[:, sl], w1[0:64, :])
                  + _dot(x1[:, sl], w1[64:128, :])
                  + _dot(x2[:, sl], w1[128:192, :]) + b1[...])
    y1_out[...] = jnp.concatenate(ys, axis=1)
    _accum2(i, ys[0], ys[1], acc, stats_out)


def _y2_half(y1_ref, h, sc1, sh1, w2, b2):
    hh = jnp.maximum(y1_ref[:, h * _C2D:(h + 1) * _C2D] * sc1 + sh1, 0.0)
    return _dot(hh, w2[...]) + b2[...]


def _p2_body(y1, s1, g1, be1, w2, b2, stats_out, acc):
    i = pl.program_id(0)
    sc1, sh1 = _scale_shift(s1, g1, be1)
    y2a = _y2_half(y1, 0, sc1, sh1, w2, b2)
    y2b = _y2_half(y1, 1, sc1, sh1, w2, b2)
    _accum2(i, y2a, y2b, acc, stats_out)


def _y3(y1, f3d, s1, g1, be1, w2, b2, s2, g2, be2, w3, b3):
    sc1, sh1 = _scale_shift(s1, g1, be1)
    sc2, sh2 = _scale_shift(s2, g2, be2)
    h2s = []
    for h in range(2):
        y2 = _y2_half(y1, h, sc1, sh1, w2, b2)
        h2s.append(jnp.maximum(y2 * sc2 + sh2, 0.0))
    h2 = jnp.stack(h2s, axis=1).reshape(_BN, _D3)
    return (_dot(f3d[...], w3[0:_D3, :])
            + _dot(h2, w3[_D3:2 * _D3, :]) + b3[...])


def _p3_body(y1, f3d, s1, g1, be1, w2, b2, s2, g2, be2, w3, b3,
             stats_out, acc):
    i = pl.program_id(0)
    y3 = _y3(y1, f3d, s1, g1, be1, w2, b2, s2, g2, be2, w3, b3)
    _accum(i, y3, acc, stats_out)


def _p4_body(y1, f3d, s1, g1, be1, w2, b2, s2, g2, be2, w3, b3, s3, g3, be3,
             out):
    y3 = _y3(y1, f3d, s1, g1, be1, w2, b2, s2, g2, be2, w3, b3)
    sc3, sh3 = _scale_shift(s3, g3, be3)
    out[...] = jnp.maximum(y3 * sc3 + sh3, 0.0)


def _row_spec(c):
    return pl.BlockSpec((_BN, c), lambda i: (i, 0))


def _full_spec(r, c):
    return pl.BlockSpec((r, c), lambda i: (0, 0))


def _stats_spec(c):
    return pl.BlockSpec((2, c), lambda i: (0, 0))



def _half_spec():
    return pl.BlockSpec((_BN // 2, 128), lambda i: (i, 0))


def kernel(feat_2d_all, sparse_feat_3d_F, links, coords_map_in,
           coords_map_out, W1, b1, g1, be1, W2, b2, g2, be2, W3, b3, g3,
           be3):
    feat6 = feat_2d_all.reshape(_NVB, _C2D, _HW)
    table = _build_table(feat6).reshape(_TROWS, _C2D)

    links2d = links.reshape(_N, 4 * _V)
    pad = _NPAD - _N
    cin_p = jnp.concatenate(
        [coords_map_in, jnp.zeros((pad,), jnp.int32)]).reshape(-1, 2, 128)
    cout_p = jnp.concatenate(
        [coords_map_out,
         jnp.arange(_N, _NPAD, dtype=jnp.int32)]).reshape(-1, 2, 128)
    maps = jnp.concatenate([cin_p, cout_p], axis=1).reshape(-1, 128)

    rowids = _build_rowids(links2d).reshape(_N, 16)
    x0, x1, x2 = _sc_gather(table, rowids, maps)
    x0r = x0.reshape(_NPAD // 2, 128)
    x1r = x1.reshape(_NPAD // 2, 128)
    x2r = x2.reshape(_NPAD // 2, 128)

    r = lambda a: a.reshape(1, -1)
    b1r, g1r, be1r = r(b1), r(g1), r(be1)
    b2r, g2r, be2r = r(b2), r(g2), r(be2)
    b3r, g3r, be3r = r(b3), r(g3), r(be3)

    y1, s1 = pl.pallas_call(
        _p1_body,
        grid=(_NTB,),
        in_specs=[_half_spec(), _half_spec(), _half_spec(),
                  _full_spec(_V * _C2D, _C2D), _full_spec(1, _C2D)],
        out_specs=[_half_spec(), _stats_spec(_C2D)],
        out_shape=[jax.ShapeDtypeStruct((_N // 2, 128), jnp.float32),
                   jax.ShapeDtypeStruct((2, _C2D), jnp.float32)],
        scratch_shapes=[pltpu.VMEM((2, _C2D), jnp.float32)],
    )(x0r, x1r, x2r, W1, b1r)

    s2 = pl.pallas_call(
        _p2_body,
        grid=(_NTB,),
        in_specs=[_half_spec(), _stats_spec(_C2D), _full_spec(1, _C2D),
                  _full_spec(1, _C2D), _full_spec(_C2D, _D3),
                  _full_spec(1, _D3)],
        out_specs=_stats_spec(_D3),
        out_shape=jax.ShapeDtypeStruct((2, _D3), jnp.float32),
        scratch_shapes=[pltpu.VMEM((2, _D3), jnp.float32)],
    )(y1, s1, g1r, be1r, W2, b2r)

    big_in = [_half_spec(), _row_spec(_D3), _stats_spec(_C2D),
              _full_spec(1, _C2D), _full_spec(1, _C2D),
              _full_spec(_C2D, _D3), _full_spec(1, _D3), _stats_spec(_D3),
              _full_spec(1, _D3), _full_spec(1, _D3),
              _full_spec(2 * _D3, _D3), _full_spec(1, _D3)]

    s3 = pl.pallas_call(
        _p3_body,
        grid=(_NTB,),
        in_specs=big_in,
        out_specs=_stats_spec(_D3),
        out_shape=jax.ShapeDtypeStruct((2, _D3), jnp.float32),
        scratch_shapes=[pltpu.VMEM((2, _D3), jnp.float32)],
    )(y1, sparse_feat_3d_F, s1, g1r, be1r, W2, b2r, s2, g2r, be2r, W3, b3r)

    out = pl.pallas_call(
        _p4_body,
        grid=(_NTB,),
        in_specs=big_in + [_stats_spec(_D3), _full_spec(1, _D3),
                           _full_spec(1, _D3)],
        out_specs=_row_spec(_D3),
        out_shape=jax.ShapeDtypeStruct((_N, _D3), jnp.float32),
    )(y1, sparse_feat_3d_F, s1, g1r, be1r, W2, b2r, s2, g2r, be2r, W3, b3r,
      s3, g3r, be3r)

    return out

# --- scband reference (transcript-rebuilt; emitter-appended) ---
"""Pipeline reference for scband-semseg-cdrlink-48284022341777 (READ-ONLY COPY).

The authoritative reference and input builder live on the scoring server;
editing this copy changes nothing except your own understanding.
"""

import jax, jax.numpy as jnp
import numpy as np

V = 3
C2D = 64
D3 = 96
BS = 2
H = 120
W = 160
N = 100000


def setup_inputs(seed: int = 0) -> dict:
    key = jax.random.key(seed)
    ks = jax.random.split(key, 12)
    feat_2d_all = jax.random.normal(ks[0], (V, BS, C2D, H, W), dtype=jnp.float32)
    sparse_feat_3d_F = jax.random.normal(ks[1], (N, D3), dtype=jnp.float32)
    lb = jax.random.randint(ks[2], (N, V), 0, BS)
    lv = jax.random.randint(ks[3], (N, V), 0, H)
    lu = jax.random.randint(ks[4], (N, V), 0, W)
    lval = jax.random.randint(ks[5], (N, V), 0, 2)
    links = jnp.stack([lb, lv, lu, lval], axis=1).astype(jnp.int32)  # [N, 4, V]
    coords_map_in = jax.random.permutation(ks[6], N).astype(jnp.int32)
    coords_map_out = jax.random.permutation(ks[7], N).astype(jnp.int32)

    def lin(k, i, o):
        return jax.random.normal(k, (i, o), dtype=jnp.float32) * (1.0 / np.sqrt(i))

    W1 = lin(ks[8], V * C2D, C2D)
    b1 = jnp.zeros((C2D,), jnp.float32)
    g1 = jnp.ones((C2D,), jnp.float32)
    be1 = jnp.zeros((C2D,), jnp.float32)
    W2 = lin(ks[9], C2D, D3)
    b2 = jnp.zeros((D3,), jnp.float32)
    g2 = jnp.ones((D3,), jnp.float32)
    be2 = jnp.zeros((D3,), jnp.float32)
    W3 = lin(ks[10], 2 * D3, D3)
    b3 = jnp.zeros((D3,), jnp.float32)
    g3 = jnp.ones((D3,), jnp.float32)
    be3 = jnp.zeros((D3,), jnp.float32)
    return {
        "feat_2d_all": feat_2d_all,
        "sparse_feat_3d_F": sparse_feat_3d_F,
        "links": links,
        "coords_map_in": coords_map_in,
        "coords_map_out": coords_map_out,
        "W1": W1, "b1": b1, "g1": g1, "be1": be1,
        "W2": W2, "b2": b2, "g2": g2, "be2": be2,
        "W3": W3, "b3": b3, "g3": g3, "be3": be3,
    }


def _bn(x, g, b, eps=1e-5):
    mu = jnp.mean(x, axis=0)
    var = jnp.var(x, axis=0)
    return (x - mu) / jnp.sqrt(var + eps) * g + b


def reference(feat_2d_all, sparse_feat_3d_F, links, coords_map_in, coords_map_out,
              W1, b1, g1, be1, W2, b2, g2, be2, W3, b3, g3, be3):
    n = sparse_feat_3d_F.shape[0]
    # current_links[coords_map_out] = links[coords_map_in]  (gather + scatter-overwrite)
    current_links = jnp.zeros((n, 4, V), dtype=jnp.int32).at[coords_map_out].set(
        jnp.take(links, coords_map_in, axis=0))
    feats = []
    for v in range(V):
        bidx = current_links[:, 0, v]
        vi = current_links[:, 1, v]
        ui = current_links[:, 2, v]
        valid = current_links[:, 3, v].astype(jnp.float32)
        # gather pixel features: [N, C2D]
        view_feat = feat_2d_all[v, bidx, :, vi, ui]
        feats.append(view_feat * valid[:, None])
    feat_2d_to_3d = jnp.concatenate(feats, axis=1)  # [N, V*C2D]
    # view_fusion (Minkowski convs approximated as pointwise linear + BN + ReLU)
    x = jax.nn.relu(_bn(feat_2d_to_3d @ W1 + b1, g1, be1))
    x = jax.nn.relu(_bn(x @ W2 + b2, g2, be2))  # [N, D3]
    # concat with 3D features and fuse_to_3d
    x = jnp.concatenate([sparse_feat_3d_F, x], axis=1)  # [N, 2*D3]
    fused_3d = jax.nn.relu(_bn(x @ W3 + b3, g3, be3))  # [N, D3]
    return fused_3d

if __name__ == "__main__":
    import jax
    _d = setup_inputs()
    print(jax.jit(kernel)(*tuple(_d.values())))

</pallas_src>

<mosaic_0001>
#map = affine_map<(d0, d1) -> (0, 0)>
module attributes {stable_mosaic.version = 14 : i64} {
  func.func @_sc_body(%arg0: i32, %arg1: i32, %arg2: memref<126720x64xf32, #tpu.memory_space<hbm>>, %arg3: memref<100000x16xi32, #tpu.memory_space<hbm>>, %arg4: memref<1792x128xi32, #tpu.memory_space<hbm>>, %arg5: memref<114688x64xf32, #tpu.memory_space<hbm>>, %arg6: memref<114688x64xf32, #tpu.memory_space<hbm>>, %arg7: memref<114688x64xf32, #tpu.memory_space<hbm>>, %arg8: memref<4x128xi32, #tpu.memory_space<vmem>>, %arg9: memref<4x128xi32, #tpu.memory_space<vmem>>, %arg10: memref<256x16xi32, #tpu.memory_space<vmem>>, %arg11: memref<256x16xi32, #tpu.memory_space<vmem>>, %arg12: memref<2x128xi32, #tpu.memory_space<vmem>>, %arg13: memref<2x128xi32, #tpu.memory_space<vmem>>, %arg14: memref<2x128xi32, #tpu.memory_space<vmem>>, %arg15: memref<2x128xi32, #tpu.memory_space<vmem>>, %arg16: memref<2x128xi32, #tpu.memory_space<vmem>>, %arg17: memref<2x128xi32, #tpu.memory_space<vmem>>, %arg18: memref<256x64xf32, #tpu.memory_space<vmem>>, %arg19: memref<256x64xf32, #tpu.memory_space<vmem>>, %arg20: memref<256x64xf32, #tpu.memory_space<vmem>>, %arg21: memref<256x64xf32, #tpu.memory_space<vmem>>, %arg22: memref<256x64xf32, #tpu.memory_space<vmem>>, %arg23: memref<256x64xf32, #tpu.memory_space<vmem>>, %arg24: memref<!tpu.dma_semaphore, #tpu.memory_space<semaphore_mem>>, %arg25: memref<!tpu.dma_semaphore, #tpu.memory_space<semaphore_mem>>, %arg26: memref<!tpu.dma_semaphore, #tpu.memory_space<semaphore_mem>>, %arg27: memref<!tpu.dma_semaphore, #tpu.memory_space<semaphore_mem>>, %arg28: memref<!tpu.dma_semaphore, #tpu.memory_space<semaphore_mem>>, %arg29: memref<!tpu.dma_semaphore, #tpu.memory_space<semaphore_mem>>, %arg30: memref<!tpu.dma_semaphore, #tpu.memory_space<semaphore_mem>>, %arg31: memref<!tpu.dma_semaphore, #tpu.memory_space<semaphore_mem>>) attributes {dimension_semantics = [#tpu.dimension_semantics<core_parallel>, #tpu.dimension_semantics<subcore_parallel>], iteration_bounds = array<i64: 2, 16>, scalar_prefetch = 0 : i64, scratch_operands = 24 : i64, tpu.core_type = #tpu.core_type<sc_vector_subcore>, window_params = [{transform_indices = #map}, {transform_indices = #map}, {transform_indices = #map}, {transform_indices = #map}, {transform_indices = #map}, {transform_indices = #map}]} {
    %mul3A = arith.constant 2 : i32
    %mul3A_0 = arith.muli %arg1, %mul3A : i32
    %add3A = arith.addi %mul3A_0, %arg0 : i32
    %add3A_1 = arith.constant 0 : i32
    %add3A_2 = arith.addi %add3A, %add3A_1 : i32
    %mul3A_3 = arith.constant 4 : i32
    %mul3A_4 = arith.muli %add3A_2, %mul3A_3 : i32
    %dma_start3A = arith.constant 0 : i32
    %dma_start3A_5 = tpu.memref_slice %arg4[%mul3A_4, %dma_start3A] : memref<1792x128xi32, #tpu.memory_space<hbm>> -> memref<4x128xi32, #tpu.memory_space<hbm>>
    %dma_start3A_6 = arith.constant 0 : i32
    %dma_start3A_7 = tpu.memref_slice %arg4[%mul3A_4, %dma_start3A_6] : memref<1792x128xi32, #tpu.memory_space<hbm>> -> memref<4x128xi32, #tpu.memory_space<hbm>>
    tpu.enqueue_dma source(%dma_start3A_7 : memref<4x128xi32, #tpu.memory_space<hbm>>) target(%arg8 : memref<4x128xi32, #tpu.memory_space<vmem>>) target_semaphore(%arg24 : memref<!tpu.dma_semaphore, #tpu.memory_space<semaphore_mem>>)
    %add3A_8 = arith.constant 0 : i32
    %add3A_9 = arith.addi %add3A, %add3A_8 : i32
    %mul3A_10 = arith.constant 4 : i32
    %mul3A_11 = arith.muli %add3A_9, %mul3A_10 : i32
    %dma_wait3A = arith.constant 0 : i32
    %dma_wait3A_12 = tpu.memref_slice %arg4[%mul3A_11, %dma_wait3A] : memref<1792x128xi32, #tpu.memory_space<hbm>> -> memref<4x128xi32, #tpu.memory_space<hbm>>
    %dma_wait3A_13 = arith.constant 0 : i32
    %dma_wait3A_14 = tpu.memref_slice %arg4[%mul3A_11, %dma_wait3A_13] : memref<1792x128xi32, #tpu.memory_space<hbm>> -> memref<4x128xi32, #tpu.memory_space<hbm>>
    tpu.wait_dma2 semaphore(%arg24 : memref<!tpu.dma_semaphore, #tpu.memory_space<semaphore_mem>>) src(%dma_wait3A_14 : memref<4x128xi32, #tpu.memory_space<hbm>>) dst(%arg8 : memref<4x128xi32, #tpu.memory_space<vmem>>)
    %dma_start3A_15 = arith.constant 0 : i32
    %dma_start3A_16 = arith.constant 0 : i32
    %dma_start3A_17 = arith.constant 0 : i32
    %dma_start3A_18 = tpu.memref_slice %arg10[%dma_start3A_16, %dma_start3A_17] : memref<256x16xi32, #tpu.memory_space<vmem>> -> memref<128x16xi32, #tpu.memory_space<vmem>>
    %dma_start3A_19 = arith.constant 0 : i32
    %dma_start3A_20 = tpu.memref_slice %arg8[%dma_start3A_15, %dma_start3A_19] : memref<4x128xi32, #tpu.memory_space<vmem>> -> memref<1x128xi32, #tpu.memory_space<vmem>>
    %dma_start3A_21 = tpu.memref_squeeze %dma_start3A_20 : memref<1x128xi32, #tpu.memory_space<vmem>> -> memref<128xi32, #tpu.memory_space<vmem>>
    %dma_start3A_22 = arith.constant 0 : i32
    %dma_start3A_23 = arith.constant 0 : i32
    %dma_start3A_24 = tpu.memref_slice %arg3[%dma_start3A_22, %dma_start3A_23] : memref<100000x16xi32, #tpu.memory_space<hbm>> -> memref<100000x16xi32, #tpu.memory_space<hbm>>
    tpu.enqueue_indirect_dma source(%dma_start3A_24 : memref<100000x16xi32, #tpu.memory_space<hbm>>) target(%dma_start3A_18 : memref<128x16xi32, #tpu.memory_space<vmem>>) offsets(%dma_start3A_21 : memref<128xi32, #tpu.memory_space<vmem>>) semaphore(%arg26 : memref<!tpu.dma_semaphore, #tpu.memory_space<semaphore_mem>>)
    %dma_start3A_25 = arith.constant 1 : i32
    %dma_start3A_26 = arith.constant 128 : i32
    %dma_start3A_27 = arith.constant 0 : i32
    %dma_start3A_28 = tpu.memref_slice %arg10[%dma_start3A_26, %dma_start3A_27] : memref<256x16xi32, #tpu.memory_space<vmem>> -> memref<128x16xi32, #tpu.memory_space<vmem>>
    %dma_start3A_29 = arith.constant 0 : i32
    %dma_start3A_30 = tpu.memref_slice %arg8[%dma_start3A_25, %dma_start3A_29] : memref<4x128xi32, #tpu.memory_space<vmem>> -> memref<1x128xi32, #tpu.memory_space<vmem>>
    %dma_start3A_31 = tpu.memref_squeeze %dma_start3A_30 : memref<1x128xi32, #tpu.memory_space<vmem>> -> memref<128xi32, #tpu.memory_space<vmem>>
    %dma_start3A_32 = arith.constant 0 : i32
    %dma_start3A_33 = arith.constant 0 : i32
    %dma_start3A_34 = tpu.memref_slice %arg3[%dma_start3A_32, %dma_start3A_33] : memref<100000x16xi32, #tpu.memory_space<hbm>> -> memref<100000x16xi32, #tpu.memory_space<hbm>>
    tpu.enqueue_indirect_dma source(%dma_start3A_34 : memref<100000x16xi32, #tpu.memory_space<hbm>>) target(%dma_start3A_28 : memref<128x16xi32, #tpu.memory_space<vmem>>) offsets(%dma_start3A_31 : memref<128xi32, #tpu.memory_space<vmem>>) semaphore(%arg26 : memref<!tpu.dma_semaphore, #tpu.memory_space<semaphore_mem>>)
    %dma_wait3A_35 = arith.constant 0 : i32
    %dma_wait3A_36 = arith.constant 0 : i32
    %dma_wait3A_37 = arith.constant 0 : i32
    %dma_wait3A_38 = tpu.memref_slice %arg10[%dma_wait3A_36, %dma_wait3A_37] : memref<256x16xi32, #tpu.memory_space<vmem>> -> memref<128x16xi32, #tpu.memory_space<vmem>>
    %dma_wait3A_39 = arith.constant 0 : i32
    %dma_wait3A_40 = tpu.memref_slice %arg8[%dma_wait3A_35, %dma_wait3A_39] : memref<4x128xi32, #tpu.memory_space<vmem>> -> memref<1x128xi32, #tpu.memory_space<vmem>>
    %dma_wait3A_41 = tpu.memref_squeeze %dma_wait3A_40 : memref<1x128xi32, #tpu.memory_space<vmem>> -> memref<128xi32, #tpu.memory_space<vmem>>
    %dma_wait3A_42 = arith.constant 0 : i32
    %dma_wait3A_43 = arith.constant 0 : i32
    %dma_wait3A_44 = tpu.memref_slice %arg3[%dma_wait3A_42, %dma_wait3A_43] : memref<100000x16xi32, #tpu.memory_space<hbm>> -> memref<100000x16xi32, #tpu.memory_space<hbm>>
    tpu.wait_indirect_dma semaphore(%arg26 : memref<!tpu.dma_semaphore, #tpu.memory_space<semaphore_mem>>) src(%dma_wait3A_44 : memref<100000x16xi32, #tpu.memory_space<hbm>>) dst(%dma_wait3A_38 : memref<128x16xi32, #tpu.memory_space<vmem>>)
    %dma_wait3A_45 = arith.constant 1 : i32
    %dma_wait3A_46 = arith.constant 128 : i32
    %dma_wait3A_47 = arith.constant 0 : i32
    %dma_wait3A_48 = tpu.memref_slice %arg10[%dma_wait3A_46, %dma_wait3A_47] : memref<256x16xi32, #tpu.memory_space<vmem>> -> memref<128x16xi32, #tpu.memory_space<vmem>>
    %dma_wait3A_49 = arith.constant 0 : i32
    %dma_wait3A_50 = tpu.memref_slice %arg8[%dma_wait3A_45, %dma_wait3A_49] : memref<4x128xi32, #tpu.memory_space<vmem>> -> memref<1x128xi32, #tpu.memory_space<vmem>>
    %dma_wait3A_51 = tpu.memref_squeeze %dma_wait3A_50 : memref<1x128xi32, #tpu.memory_space<vmem>> -> memref<128xi32, #tpu.memory_space<vmem>>
    %dma_wait3A_52 = arith.constant 0 : i32
    %dma_wait3A_53 = arith.constant 0 : i32
    %dma_wait3A_54 = tpu.memref_slice %arg3[%dma_wait3A_52, %dma_wait3A_53] : memref<100000x16xi32, #tpu.memory_space<hbm>> -> memref<100000x16xi32, #tpu.memory_space<hbm>>
    tpu.wait_indirect_dma semaphore(%arg26 : memref<!tpu.dma_semaphore, #tpu.memory_space<semaphore_mem>>) src(%dma_wait3A_54 : memref<100000x16xi32, #tpu.memory_space<hbm>>) dst(%dma_wait3A_48 : memref<128x16xi32, #tpu.memory_space<vmem>>)
    %iota3A = tpu.iota {dimensions = array<i32: 0>} : vector<16xi32>
    %add3A_55 = arith.constant 0 : i32
    %add3A_56 = vector.broadcast %add3A_55 : i32 to vector<16xi32>
    %add3A_57 = arith.addi %iota3A, %add3A_56 : vector<16xi32>
    %broadcast_in_dim3A = arith.constant 0 : i32
    %broadcast_in_dim3A_58 = vector.broadcast %broadcast_in_dim3A : i32 to vector<16xi32>
    %gather3A = tpu.vector_load_idx %arg10[%add3A_57, %broadcast_in_dim3A_58] : memref<256x16xi32, #tpu.memory_space<vmem>>[vector<16xi32>, vector<16xi32>], vector<16xi32>,
    %swap3A = arith.constant 0 : i32
    %swap3A_59 = arith.index_cast %swap3A : i32 to index
    %swap3A_60 = arith.constant 0 : index
    %swap3A_61 = tpu.vector_load %arg12[%swap3A_59, %swap3A_60] {strides = array<i32>} : memref<2x128xi32, #tpu.memory_space<vmem>>, vector<16xi32>,
    tpu.vector_store %arg12[%swap3A_59, %swap3A_60], %gather3A {strides = array<i32>} : memref<2x128xi32, #tpu.memory_space<vmem>>, vector<16xi32>,
    %broadcast_in_dim3A_62 = arith.constant 1 : i32
    %broadcast_in_dim3A_63 = vector.broadcast %broadcast_in_dim3A_62 : i32 to vector<16xi32>
    %gather3A_64 = tpu.vector_load_idx %arg10[%add3A_57, %broadcast_in_dim3A_63] : memref<256x16xi32, #tpu.memory_space<vmem>>[vector<16xi32>, vector<16xi32>], vector<16xi32>,
    %swap3A_65 = arith.constant 0 : i32
    %swap3A_66 = arith.index_cast %swap3A_65 : i32 to index
    %swap3A_67 = arith.constant 0 : index
    %swap3A_68 = tpu.vector_load %arg13[%swap3A_66, %swap3A_67] {strides = array<i32>} : memref<2x128xi32, #tpu.memory_space<vmem>>, vector<16xi32>,
    tpu.vector_store %arg13[%swap3A_66, %swap3A_67], %gather3A_64 {strides = array<i32>} : memref<2x128xi32, #tpu.memory_space<vmem>>, vector<16xi32>,
    %broadcast_in_dim3A_69 = arith.constant 2 : i32
    %broadcast_in_dim3A_70 = vector.broadcast %broadcast_in_dim3A_69 : i32 to vector<16xi32>
    %gather3A_71 = tpu.vector_load_idx %arg10[%add3A_57, %broadcast_in_dim3A_70] : memref<256x16xi32, #tpu.memory_space<vmem>>[vector<16xi32>, vector<16xi32>], vector<16xi32>,
    %swap3A_72 = arith.constant 0 : i32
    %swap3A_73 = arith.index_cast %swap3A_72 : i32 to index
    %swap3A_74 = arith.constant 0 : index
    %swap3A_75 = tpu.vector_load %arg14[%swap3A_73, %swap3A_74] {strides = array<i32>} : memref<2x128xi32, #tpu.memory_space<vmem>>, vector<16xi32>,
    tpu.vector_store %arg14[%swap3A_73, %swap3A_74], %gather3A_71 {strides = array<i32>} : memref<2x128xi32, #tpu.memory_space<vmem>>, vector<16xi32>,
    %iota3A_76 = tpu.iota {dimensions = array<i32: 0>} : vector<16xi32>
    %add3A_77 = arith.constant 16 : i32
    %add3A_78 = vector.broadcast %add3A_77 : i32 to vector<16xi32>
    %add3A_79 = arith.addi %iota3A_76, %add3A_78 : vector<16xi32>
    %broadcast_in_dim3A_80 = arith.constant 0 : i32
    %broadcast_in_dim3A_81 = vector.broadcast %broadcast_in_dim3A_80 : i32 to vector<16xi32>
    %gather3A_82 = tpu.vector_load_idx %arg10[%add3A_79, %broadcast_in_dim3A_81] : memref<256x16xi32, #tpu.memory_space<vmem>>[vector<16xi32>, vector<16xi32>], vector<16xi32>,
    %swap3A_83 = arith.constant 0 : i32
    %swap3A_84 = arith.index_cast %swap3A_83 : i32 to index
    %swap3A_85 = arith.constant 16 : index
    %swap3A_86 = tpu.vector_load %arg12[%swap3A_84, %swap3A_85] {strides = array<i32>} : memref<2x128xi32, #tpu.memory_space<vmem>>, vector<16xi32>,
    tpu.vector_store %arg12[%swap3A_84, %swap3A_85], %gather3A_82 {strides = array<i32>} : memref<2x128xi32, #tpu.memory_space<vmem>>, vector<16xi32>,
    %broadcast_in_dim3A_87 = arith.constant 1 : i32
    %broadcast_in_dim3A_88 = vector.broadcast %broadcast_in_dim3A_87 : i32 to vector<16xi32>
    %gather3A_89 = tpu.vector_load_idx %arg10[%add3A_79, %broadcast_in_dim3A_88] : memref<256x16xi32, #tpu.memory_space<vmem>>[vector<16xi32>, vector<16xi32>], vector<16xi32>,
    %swap3A_90 = arith.constant 0 : i32
    %swap3A_91 = arith.index_cast %swap3A_90 : i32 to index
    %swap3A_92 = arith.constant 16 : index
    %swap3A_93 = tpu.vector_load %arg13[%swap3A_91, %swap3A_92] {strides = array<i32>} : memref<2x128xi32, #tpu.memory_space<vmem>>, vector<16xi32>,
    tpu.vector_store %arg13[%swap3A_91, %swap3A_92], %gather3A_89 {strides = array<i32>} : memref<2x128xi32, #tpu.memory_space<vmem>>, vector<16xi32>,
    %broadcast_in_dim3A_94 = arith.constant 2 : i32
    %broadcast_in_dim3A_95 = vector.broadcast %broadcast_in_dim3A_94 : i32 to vector<16xi32>
    %gather3A_96 = tpu.vector_load_idx %arg10[%add3A_79, %broadcast_in_dim3A_95] : memref<256x16xi32, #tpu.memory_space<vmem>>[vector<16xi32>, vector<16xi32>], vector<16xi32>,
    %swap3A_97 = arith.constant 0 : i32
    %swap3A_98 = arith.index_cast %swap3A_97 : i32 to index
    %swap3A_99 = arith.constant 16 : index
    %swap3A_100 = tpu.vector_load %arg14[%swap3A_98, %swap3A_99] {strides = array<i32>} : memref<2x128xi32, #tpu.memory_space<vmem>>, vector<16xi32>,
    tpu.vector_store %arg14[%swap3A_98, %swap3A_99], %gather3A_96 {strides = array<i32>} : memref<2x128xi32, #tpu.memory_space<vmem>>, vector<16xi32>,
    %iota3A_101 = tpu.iota {dimensions = array<i32: 0>} : vector<16xi32>
    %add3A_102 = arith.constant 32 : i32
    %add3A_103 = vector.broadcast %add3A_102 : i32 to vector<16xi32>
    %add3A_104 = arith.addi %iota3A_101, %add3A_103 : vector<16xi32>
    %broadcast_in_dim3A_105 = arith.constant 0 : i32
    %broadcast_in_dim3A_106 = vector.broadcast %broadcast_in_dim3A_105 : i32 to vector<16xi32>
    %gather3A_107 = tpu.vector_load_idx %arg10[%add3A_104, %broadcast_in_dim3A_106] : memref<256x16xi32, #tpu.memory_space<vmem>>[vector<16xi32>, vector<16xi32>], vector<16xi32>,
    %swap3A_108 = arith.constant 0 : i32
    %swap3A_109 = arith.index_cast %swap3A_108 : i32 to index
    %swap3A_110 = arith.constant 32 : index
    %swap3A_111 = tpu.vector_load %arg12[%swap3A_109, %swap3A_110] {strides = array<i32>} : memref<2x128xi32, #tpu.memory_space<vmem>>, vector<16xi32>,
    tpu.vector_store %arg12[%swap3A_109, %swap3A_110], %gather3A_107 {strides = array<i32>} : memref<2x128xi32, #tpu.memory_space<vmem>>, vector<16xi32>,
    %broadcast_in_dim3A_112 = arith.constant 1 : i32
    %broadcast_in_dim3A_113 = vector.broadcast %broadcast_in_dim3A_112 : i32 to vector<16xi32>
    %gather3A_114 = tpu.vector_load_idx %arg10[%add3A_104, %broadcast_in_dim3A_113] : memref<256x16xi32, #tpu.memory_space<vmem>>[vector<16xi32>, vector<16xi32>], vector<16xi32>,
    %swap3A_115 = arith.constant 0 : i32
    %swap3A_116 = arith.index_cast %swap3A_115 : i32 to index
    %swap3A_117 = arith.constant 32 : index
    %swap3A_118 = tpu.vector_load %arg13[%swap3A_116, %swap3A_117] {strides = array<i32>} : memref<2x128xi32, #tpu.memory_space<vmem>>, vector<16xi32>,
    tpu.vector_store %arg13[%swap3A_116, %swap3A_117], %gather3A_114 {strides = array<i32>} : memref<2x128xi32, #tpu.memory_space<vmem>>, vector<16xi32>,
    %broadcast_in_dim3A_119 = arith.constant 2 : i32
    %broadcast_in_dim3A_120 = vector.broadcast %broadcast_in_dim3A_119 : i32 to vector<16xi32>
    %gather3A_121 = tpu.vector_load_idx %arg10[%add3A_104, %broadcast_in_dim3A_120] : memref<256x16xi32, #tpu.memory_space<vmem>>[vector<16xi32>, vector<16xi32>], vector<16xi32>,
    %swap3A_122 = arith.constant 0 : i32
    %swap3A_123 = arith.index_cast %swap3A_122 : i32 to index
    %swap3A_124 = arith.constant 32 : index
    %swap3A_125 = tpu.vector_load %arg14[%swap3A_123, %swap3A_124] {strides = array<i32>} : memref<2x128xi32, #tpu.memory_space<vmem>>, vector<16xi32>,
    tpu.vector_store %arg14[%swap3A_123, %swap3A_124], %gather3A_121 {strides = array<i32>} : memref<2x128xi32, #tpu.memory_space<vmem>>, vector<16xi32>,
    %iota3A_126 = tpu.iota {dimensions = array<i32: 0>} : vector<16xi32>
    %add3A_127 = arith.constant 48 : i32
    %add3A_128 = vector.broadcast %add3A_127 : i32 to vector<16xi32>
    %add3A_129 = arith.addi %iota3A_126, %add3A_128 : vector<16xi32>
    %broadcast_in_dim3A_130 = arith.constant 0 : i32
    %broadcast_in_dim3A_131 = vector.broadcast %broadcast_in_dim3A_130 : i32 to vector<16xi32>
    %gather3A_132 = tpu.vector_load_idx %arg10[%add3A_129, %broadcast_in_dim3A_131] : memref<256x16xi32, #tpu.memory_space<vmem>>[vector<16xi32>, vector<16xi32>], vector<16xi32>,
    %swap3A_133 = arith.constant 0 : i32
    %swap3A_134 = arith.index_cast %swap3A_133 : i32 to index
    %swap3A_135 = arith.constant 48 : index
    %swap3A_136 = tpu.vector_load %arg12[%swap3A_134, %swap3A_135] {strides = array<i32>} : memref<2x128xi32, #tpu.memory_space<vmem>>, vector<16xi32>,
    tpu.vector_store %arg12[%swap3A_134, %swap3A_135], %gather3A_132 {strides = array<i32>} : memref<2x128xi32, #tpu.memory_space<vmem>>, vector<16xi32>,
    %broadcast_in_dim3A_137 = arith.constant 1 : i32
    %broadcast_in_dim3A_138 = vector.broadcast %broadcast_in_dim3A_137 : i32 to vector<16xi32>
    %gather3A_139 = tpu.vector_load_idx %arg10[%add3A_129, %broadcast_in_dim3A_138] : memref<256x16xi32, #tpu.memory_space<vmem>>[vector<16xi32>, vector<16xi32>], vector<16xi32>,
    %swap3A_140 = arith.constant 0 : i32
    %swap3A_141 = arith.index_cast %swap3A_140 : i32 to index
    %swap3A_142 = arith.constant 48 : index
    %swap3A_143 = tpu.vector_load %arg13[%swap3A_141, %swap3A_142] {strides = array<i32>} : memref<2x128xi32, #tpu.memory_space<vmem>>, vector<16xi32>,
    tpu.vector_store %arg13[%swap3A_141, %swap3A_142], %gather3A_139 {strides = array<i32>} : memref<2x128xi32, #tpu.memory_space<vmem>>, vector<16xi32>,
    %broadcast_in_dim3A_144 = arith.constant 2 : i32
    %broadcast_in_dim3A_145 = vector.broadcast %broadcast_in_dim3A_144 : i32 to vector<16xi32>
    %gather3A_146 = tpu.vector_load_idx %arg10[%add3A_129, %broadcast_in_dim3A_145] : memref<256x16xi32, #tpu.memory_space<vmem>>[vector<16xi32>, vector<16xi32>], vector<16xi32>,
    %swap3A_147 = arith.constant 0 : i32
    %swap3A_148 = arith.index_cast %swap3A_147 : i32 to index
    %swap3A_149 = arith.constant 48 : index
    %swap3A_150 = tpu.vector_load %arg14[%swap3A_148, %swap3A_149] {strides = array<i32>} : memref<2x128xi32, #tpu.memory_space<vmem>>, vector<16xi32>,
    tpu.vector_store %arg14[%swap3A_148, %swap3A_149], %gather3A_146 {strides = array<i32>} : memref<2x128xi32, #tpu.memory_space<vmem>>, vector<16xi32>,
    %iota3A_151 = tpu.iota {dimensions = array<i32: 0>} : vector<16xi32>
    %add3A_152 = arith.constant 64 : i32
    %add3A_153 = vector.broadcast %add3A_152 : i32 to vector<16xi32>
    %add3A_154 = arith.addi %iota3A_151, %add3A_153 : vector<16xi32>
    %broadcast_in_dim3A_155 = arith.constant 0 : i32
    %broadcast_in_dim3A_156 = vector.broadcast %broadcast_in_dim3A_155 : i32 to vector<16xi32>
    %gather3A_157 = tpu.vector_load_idx %arg10[%add3A_154, %broadcast_in_dim3A_156] : memref<256x16xi32, #tpu.memory_space<vmem>>[vector<16xi32>, vector<16xi32>], vector<16xi32>,
    %swap3A_158 = arith.constant 0 : i32
    %swap3A_159 = arith.index_cast %swap3A_158 : i32 to index
    %swap3A_160 = arith.constant 64 : index
    %swap3A_161 = tpu.vector_load %arg12[%swap3A_159, %swap3A_160] {strides = array<i32>} : memref<2x128xi32, #tpu.memory_space<vmem>>, vector<16xi32>,
    tpu.vector_store %arg12[%swap3A_159, %swap3A_160], %gather3A_157 {strides = array<i32>} : memref<2x128xi32, #tpu.memory_space<vmem>>, vector<16xi32>,
    %broadcast_in_dim3A_162 = arith.constant 1 : i32
    %broadcast_in_dim3A_163 = vector.broadcast %broadcast_in_dim3A_162 : i32 to vector<16xi32>
    %gather3A_164 = tpu.vector_load_idx %arg10[%add3A_154, %broadcast_in_dim3A_163] : memref<256x16xi32, #tpu.memory_space<vmem>>[vector<16xi32>, vector<16xi32>], vector<16xi32>,
    %swap3A_165 = arith.constant 0 : i32
    %swap3A_166 = arith.index_cast %swap3A_165 : i32 to index
    %swap3A_167 = arith.constant 64 : index
    %swap3A_168 = tpu.vector_load %arg13[%swap3A_166, %swap3A_167] {strides = array<i32>} : memref<2x128xi32, #tpu.memory_space<vmem>>, vector<16xi32>,
    tpu.vector_store %arg13[%swap3A_166, %swap3A_167], %gather3A_164 {strides = array<i32>} : memref<2x128xi32, #tpu.memory_space<vmem>>, vector<16xi32>,
    %broadcast_in_dim3A_169 = arith.constant 2 : i32
    %broadcast_in_dim3A_170 = vector.broadcast %broadcast_in_dim3A_169 : i32 to vector<16xi32>
    %gather3A_171 = tpu.vector_load_idx %arg10[%add3A_154, %broadcast_in_dim3A_170] : memref<256x16xi32, #tpu.memory_space<vmem>>[vector<16xi32>, vector<16xi32>], vector<16xi32>,
    %swap3A_172 = arith.constant 0 : i32
    %swap3A_173 = arith.index_cast %swap3A_172 : i32 to index
    %swap3A_174 = arith.constant 64 : index
    %swap3A_175 = tpu.vector_load %arg14[%swap3A_173, %swap3A_174] {strides = array<i32>} : memref<2x128xi32, #tpu.memory_space<vmem>>, vector<16xi32>,
    tpu.vector_store %arg14[%swap3A_173, %swap3A_174], %gather3A_171 {strides = array<i32>} : memref<2x128xi32, #tpu.memory_space<vmem>>, vector<16xi32>,
    %iota3A_176 = tpu.iota {dimensions = array<i32: 0>} : vector<16xi32>
    %add3A_177 = arith.constant 80 : i32
    %add3A_178 = vector.broadcast %add3A_177 : i32 to vector<16xi32>
    %add3A_179 = arith.addi %iota3A_176, %add3A_178 : vector<16xi32>
    %broadcast_in_dim3A_180 = arith.constant 0 : i32
    %broadcast_in_dim3A_181 = vector.broadcast %broadcast_in_dim3A_180 : i32 to vector<16xi32>
    %gather3A_182 = tpu.vector_load_idx %arg10[%add3A_179, %broadcast_in_dim3A_181] : memref<256x16xi32, #tpu.memory_space<vmem>>[vector<16xi32>, vector<16xi32>], vector<16xi32>,
    %swap3A_183 = arith.constant 0 : i32
    %swap3A_184 = arith.index_cast %swap3A_183 : i32 to index
    %swap3A_185 = arith.constant 80 : index
    %swap3A_186 = tpu.vector_load %arg12[%swap3A_184, %swap3A_185] {strides = array<i32>} : memref<2x128xi32, #tpu.memory_space<vmem>>, vector<16xi32>,
    tpu.vector_store %arg12[%swap3A_184, %swap3A_185], %gather3A_182 {strides = array<i32>} : memref<2x128xi32, #tpu.memory_space<vmem>>, vector<16xi32>,
    %broadcast_in_dim3A_187 = arith.constant 1 : i32
    %broadcast_in_dim3A_188 = vector.broadcast %broadcast_in_dim3A_187 : i32 to vector<16xi32>
    %gather3A_189 = tpu.vector_load_idx %arg10[%add3A_179, %broadcast_in_dim3A_188] : memref<256x16xi32, #tpu.memory_space<vmem>>[vector<16xi32>, vector<16xi32>], vector<16xi32>,
    %swap3A_190 = arith.constant 0 : i32
    %swap3A_191 = arith.index_cast %swap3A_190 : i32 to index
    %swap3A_192 = arith.constant 80 : index
    %swap3A_193 = tpu.vector_load %arg13[%swap3A_191, %swap3A_192] {strides = array<i32>} : memref<2x128xi32, #tpu.memory_space<vmem>>, vector<16xi32>,
    tpu.vector_store %arg13[%swap3A_191, %swap3A_192], %gather3A_189 {strides = array<i32>} : memref<2x128xi32, #tpu.memory_space<vmem>>, vector<16xi32>,
    %broadcast_in_dim3A_194 = arith.constant 2 : i32
    %broadcast_in_dim3A_195 = vector.broadcast %broadcast_in_dim3A_194 : i32 to vector<16xi32>
    %gather3A_196 = tpu.vector_load_idx %arg10[%add3A_179, %broadcast_in_dim3A_195] : memref<256x16xi32, #tpu.memory_space<vmem>>[vector<16xi32>, vector<16xi32>], vector<16xi32>,
    %swap3A_197 = arith.constant 0 : i32
    %swap3A_198 = arith.index_cast %swap3A_197 : i32 to index
    %swap3A_199 = arith.constant 80 : index
    %swap3A_200 = tpu.vector_load %arg14[%swap3A_198, %swap3A_199] {strides = array<i32>} : memref<2x128xi32, #tpu.memory_space<vmem>>, vector<16xi32>,
    tpu.vector_store %arg14[%swap3A_198, %swap3A_199], %gather3A_196 {strides = array<i32>} : memref<2x128xi32, #tpu.memory_space<vmem>>, vector<16xi32>,
    %iota3A_201 = tpu.iota {dimensions = array<i32: 0>} : vector<16xi32>
    %add3A_202 = arith.constant 96 : i32
    %add3A_203 = vector.broadcast %add3A_202 : i32 to vector<16xi32>
    %add3A_204 = arith.addi %iota3A_201, %add3A_203 : vector<16xi32>
    %broadcast_in_dim3A_205 = arith.constant 0 : i32
    %broadcast_in_dim3A_206 = vector.broadcast %broadcast_in_dim3A_205 : i32 to vector<16xi32>
    %gather3A_207 = tpu.vector_load_idx %arg10[%add3A_204, %broadcast_in_dim3A_206] : memref<256x16xi32, #tpu.memory_space<vmem>>[vector<16xi32>, vector<16xi32>], vector<16xi32>,
    %swap3A_208 = arith.constant 0 : i32
    %swap3A_209 = arith.index_cast %swap3A_208 : i32 to index
    %swap3A_210 = arith.constant 96 : index
    %swap3A_211 = tpu.vector_load %arg12[%swap3A_209, %swap3A_210] {strides = array<i32>} : memref<2x128xi32, #tpu.memory_space<vmem>>, vector<16xi32>,
    tpu.vector_store %arg12[%swap3A_209, %swap3A_210], %gather3A_207 {strides = array<i32>} : memref<2x128xi32, #tpu.memory_space<vmem>>, vector<16xi32>,
    %broadcast_in_dim3A_212 = arith.constant 1 : i32
    %broadcast_in_dim3A_213 = vector.broadcast %broadcast_in_dim3A_212 : i32 to vector<16xi32>
    %gather3A_214 = tpu.vector_load_idx %arg10[%add3A_204, %broadcast_in_dim3A_213] : memref<256x16xi32, #tpu.memory_space<vmem>>[vector<16xi32>, vector<16xi32>], vector<16xi32>,
    %swap3A_215 = arith.constant 0 : i32
    %swap3A_216 = arith.index_cast %swap3A_215 : i32 to index
    %swap3A_217 = arith.constant 96 : index
    %swap3A_218 = tpu.vector_load %arg13[%swap3A_216, %swap3A_217] {strides = array<i32>} : memref<2x128xi32, #tpu.memory_space<vmem>>, vector<16xi32>,
    tpu.vector_store %arg13[%swap3A_216, %swap3A_217], %gather3A_214 {strides = array<i32>} : memref<2x128xi32, #tpu.memory_space<vmem>>, vector<16xi32>,
    %broadcast_in_dim3A_219 = arith.constant 2 : i32
    %broadcast_in_dim3A_220 = vector.broadcast %broadcast_in_dim3A_219 : i32 to vector<16xi32>
    %gather3A_221 = tpu.vector_load_idx %arg10[%add3A_204, %broadcast_in_dim3A_220] : memref<256x16xi32, #tpu.memory_space<vmem>>[vector<16xi32>, vector<16xi32>], vector<16xi32>,
    %swap3A_222 = arith.constant 0 : i32
    %swap3A_223 = arith.index_cast %swap3A_222 : i32 to index
    %swap3A_224 = arith.constant 96 : index
    %swap3A_225 = tpu.vector_load %arg14[%swap3A_223, %swap3A_224] {strides = array<i32>} : memref<2x128xi32, #tpu.memory_space<vmem>>, vector<16xi32>,
    tpu.vector_store %arg14[%swap3A_223, %swap3A_224], %gather3A_221 {strides = array<i32>} : memref<2x128xi32, #tpu.memory_space<vmem>>, vector<16xi32>,
    %iota3A_226 = tpu.iota {dimensions = array<i32: 0>} : vector<16xi32>
    %add3A_227 = arith.constant 112 : i32
    %add3A_228 = vector.broadcast %add3A_227 : i32 to vector<16xi32>
    %add3A_229 = arith.addi %iota3A_226, %add3A_228 : vector<16xi32>
    %broadcast_in_dim3A_230 = arith.constant 0 : i32
    %broadcast_in_dim3A_231 = vector.broadcast %broadcast_in_dim3A_230 : i32 to vector<16xi32>
    %gather3A_232 = tpu.vector_load_idx %arg10[%add3A_229, %broadcast_in_dim3A_231] : memref<256x16xi32, #tpu.memory_space<vmem>>[vector<16xi32>, vector<16xi32>], vector<16xi32>,
    %swap3A_233 = arith.constant 0 : i32
    %swap3A_234 = arith.index_cast %swap3A_233 : i32 to index
    %swap3A_235 = arith.constant 112 : index
    %swap3A_236 = tpu.vector_load %arg12[%swap3A_234, %swap3A_235] {strides = array<i32>} : memref<2x128xi32, #tpu.memory_space<vmem>>, vector<16xi32>,
    tpu.vector_store %arg12[%swap3A_234, %swap3A_235], %gather3A_232 {strides = array<i32>} : memref<2x128xi32, #tpu.memory_space<vmem>>, vector<16xi32>,
    %broadcast_in_dim3A_237 = arith.constant 1 : i32
    %broadcast_in_dim3A_238 = vector.broadcast %broadcast_in_dim3A_237 : i32 to vector<16xi32>
    %gather3A_239 = tpu.vector_load_idx %arg10[%add3A_229, %broadcast_in_dim3A_238] : memref<256x16xi32, #tpu.memory_space<vmem>>[vector<16xi32>, vector<16xi32>], vector<16xi32>,
    %swap3A_240 = arith.constant 0 : i32
    %swap3A_241 = arith.index_cast %swap3A_240 : i32 to index
    %swap3A_242 = arith.constant 112 : index
    %swap3A_243 = tpu.vector_load %arg13[%swap3A_241, %swap3A_242] {strides = array<i32>} : memref<2x128xi32, #tpu.memory_space<vmem>>, vector<16xi32>,
    tpu.vector_store %arg13[%swap3A_241, %swap3A_242], %gather3A_239 {strides = array<i32>} : memref<2x128xi32, #tpu.memory_space<vmem>>, vector<16xi32>,
    %broadcast_in_dim3A_244 = arith.constant 2 : i32
    %broadcast_in_dim3A_245 = vector.broadcast %broadcast_in_dim3A_244 : i32 to vector<16xi32>
    %gather3A_246 = tpu.vector_load_idx %arg10[%add3A_229, %broadcast_in_dim3A_245] : memref<256x16xi32, #tpu.memory_space<vmem>>[vector<16xi32>, vector<16xi32>], vector<16xi32>,
    %swap3A_247 = arith.constant 0 : i32
    %swap3A_248 = arith.index_cast %swap3A_247 : i32 to index
    %swap3A_249 = arith.constant 112 : index
    %swap3A_250 = tpu.vector_load %arg14[%swap3A_248, %swap3A_249] {strides = array<i32>} : memref<2x128xi32, #tpu.memory_space<vmem>>, vector<16xi32>,
    tpu.vector_store %arg14[%swap3A_248, %swap3A_249], %gather3A_246 {strides = array<i32>} : memref<2x128xi32, #tpu.memory_space<vmem>>, vector<16xi32>,
    %iota3A_251 = tpu.iota {dimensions = array<i32: 0>} : vector<16xi32>
    %add3A_252 = arith.constant 128 : i32
    %add3A_253 = vector.broadcast %add3A_252 : i32 to vector<16xi32>
    %add3A_254 = arith.addi %iota3A_251, %add3A_253 : vector<16xi32>
    %broadcast_in_dim3A_255 = arith.constant 0 : i32
    %broadcast_in_dim3A_256 = vector.broadcast %broadcast_in_dim3A_255 : i32 to vector<16xi32>
    %gather3A_257 = tpu.vector_load_idx %arg10[%add3A_254, %broadcast_in_dim3A_256] : memref<256x16xi32, #tpu.memory_space<vmem>>[vector<16xi32>, vector<16xi32>], vector<16xi32>,
    %swap3A_258 = arith.constant 1 : i32
    %swap3A_259 = arith.index_cast %swap3A_258 : i32 to index
    %swap3A_260 = arith.constant 0 : index
    %swap3A_261 = tpu.vector_load %arg12[%swap3A_259, %swap3A_260] {strides = array<i32>} : memref<2x128xi32, #tpu.memory_space<vmem>>, vector<16xi32>,
    tpu.vector_store %arg12[%swap3A_259, %swap3A_260], %gather3A_257 {strides = array<i32>} : memref<2x128xi32, #tpu.memory_space<vmem>>, vector<16xi32>,
    %broadcast_in_dim3A_262 = arith.constant 1 : i32
    %broadcast_in_dim3A_263 = vector.broadcast %broadcast_in_dim3A_262 : i32 to vector<16xi32>
    %gather3A_264 = tpu.vector_load_idx %arg10[%add3A_254, %broadcast_in_dim3A_263] : memref<256x16xi32, #tpu.memory_space<vmem>>[vector<16xi32>, vector<16xi32>], vector<16xi32>,
    %swap3A_265 = arith.constant 1 : i32
    %swap3A_266 = arith.index_cast %swap3A_265 : i32 to index
    %swap3A_267 = arith.constant 0 : index
    %swap3A_268 = tpu.vector_load %arg13[%swap3A_266, %swap3A_267] {strides = array<i32>} : memref<2x128xi32, #tpu.memory_space<vmem>>, vector<16xi32>,
    tpu.vector_store %arg13[%swap3A_266, %swap3A_267], %gather3A_264 {strides = array<i32>} : memref<2x128xi32, #tpu.memory_space<vmem>>, vector<16xi32>,
    %broadcast_in_dim3A_269 = arith.constant 2 : i32
    %broadcast_in_dim3A_270 = vector.broadcast %broadcast_in_dim3A_269 : i32 to vector<16xi32>
    %gather3A_271 = tpu.vector_load_idx %arg10[%add3A_254, %broadcast_in_dim3A_270] : memref<256x16xi32, #tpu.memory_space<vmem>>[vector<16xi32>, vector<16xi32>], vector<16xi32>,
    %swap3A_272 = arith.constant 1 : i32
    %swap3A_273 = arith.index_cast %swap3A_272 : i32 to index
    %swap3A_274 = arith.constant 0 : index
    %swap3A_275 = tpu.vector_load %arg14[%swap3A_273, %swap3A_274] {strides = array<i32>} : memref<2x128xi32, #tpu.memory_space<vmem>>, vector<16xi32>,
    tpu.vector_store %arg14[%swap3A_273, %swap3A_274], %gather3A_271 {strides = array<i32>} : memref<2x128xi32, #tpu.memory_space<vmem>>, vector<16xi32>,
    %iota3A_276 = tpu.iota {dimensions = array<i32: 0>} : vector<16xi32>
    %add3A_277 = arith.constant 144 : i32
    %add3A_278 = vector.broadcast %add3A_277 : i32 to vector<16xi32>
    %add3A_279 = arith.addi %iota3A_276, %add3A_278 : vector<16xi32>
    %broadcast_in_dim3A_280 = arith.constant 0 : i32
    %broadcast_in_dim3A_281 = vector.broadcast %broadcast_in_dim3A_280 : i32 to vector<16xi32>
    %gather3A_282 = tpu.vector_load_idx %arg10[%add3A_279, %broadcast_in_dim3A_281] : memref<256x16xi32, #tpu.memory_space<vmem>>[vector<16xi32>, vector<16xi32>], vector<16xi32>,
    %swap3A_283 = arith.constant 1 : i32
    %swap3A_284 = arith.index_cast %swap3A_283 : i32 to index
    %swap3A_285 = arith.constant 16 : index
    %swap3A_286 = tpu.vector_load %arg12[%swap3A_284, %swap3A_285] {strides = array<i32>} : memref<2x128xi32, #tpu.memory_space<vmem>>, vector<16xi32>,
    tpu.vector_store %arg12[%swap3A_284, %swap3A_285], %gather3A_282 {strides = array<i32>} : memref<2x128xi32, #tpu.memory_space<vmem>>, vector<16xi32>,
    %broadcast_in_dim3A_287 = arith.constant 1 : i32
    %broadcast_in_dim3A_288 = vector.broadcast %broadcast_in_dim3A_287 : i32 to vector<16xi32>
    %gather3A_289 = tpu.vector_load_idx %arg10[%add3A_279, %broadcast_in_dim3A_288] : memref<256x16xi32, #tpu.memory_space<vmem>>[vector<16xi32>, vector<16xi32>], vector<16xi32>,
    %swap3A_290 = arith.constant 1 : i32
    %swap3A_291 = arith.index_cast %swap3A_290 : i32 to index
    %swap3A_292 = arith.constant 16 : index
    %swap3A_293 = tpu.vector_load %arg13[%swap3A_291, %swap3A_292] {strides = array<i32>} : memref<2x128xi32, #tpu.memory_space<vmem>>, vector<16xi32>,
    tpu.vector_store %arg13[%swap3A_291, %swap3A_292], %gather3A_289 {strides = array<i32>} : memref<2x128xi32, #tpu.memory_space<vmem>>, vector<16xi32>,
    %broadcast_in_dim3A_294 = arith.constant 2 : i32
    %broadcast_in_dim3A_295 = vector.broadcast %broadcast_in_dim3A_294 : i32 to vector<16xi32>
    %gather3A_296 = tpu.vector_load_idx %arg10[%add3A_279, %broadcast_in_dim3A_295] : memref<256x16xi32, #tpu.memory_space<vmem>>[vector<16xi32>, vector<16xi32>], vector<16xi32>,
    %swap3A_297 = arith.constant 1 : i32
    %swap3A_298 = arith.index_cast %swap3A_297 : i32 to index
    %swap3A_299 = arith.constant 16 : index
    %swap3A_300 = tpu.vector_load %arg14[%swap3A_298, %swap3A_299] {strides = array<i32>} : memref<2x128xi32, #tpu.memory_space<vmem>>, vector<16xi32>,
    tpu.vector_store %arg14[%swap3A_298, %swap3A_299], %gather3A_296 {strides = array<i32>} : memref<2x128xi32, #tpu.memory_space<vmem>>, vector<16xi32>,
    %iota3A_301 = tpu.iota {dimensions = array<i32: 0>} : vector<16xi32>
    %add3A_302 = arith.constant 160 : i32
    %add3A_303 = vector.broadcast %add3A_302 : i32 to vector<16xi32>
    %add3A_304 = arith.addi %iota3A_301, %add3A_303 : vector<16xi32>
    %broadcast_in_dim3A_305 = arith.constant 0 : i32
    %broadcast_in_dim3A_306 = vector.broadcast %broadcast_in_dim3A_305 : i32 to vector<16xi32>
    %gather3A_307 = tpu.vector_load_idx %arg10[%add3A_304, %broadcast_in_dim3A_306] : memref<256x16xi32, #tpu.memory_space<vmem>>[vector<16xi32>, vector<16xi32>], vector<16xi32>,
    %swap3A_308 = arith.constant 1 : i32
    %swap3A_309 = arith.index_cast %swap3A_308 : i32 to index
    %swap3A_310 = arith.constant 32 : index
    %swap3A_311 = tpu.vector_load %arg12[%swap3A_309, %swap3A_310] {strides = array<i32>} : memref<2x128xi32, #tpu.memory_space<vmem>>, vector<16xi32>,
    tpu.vector_store %arg12[%swap3A_309, %swap3A_310], %gather3A_307 {strides = array<i32>} : memref<2x128xi32, #tpu.memory_space<vmem>>, vector<16xi32>,
    %broadcast_in_dim3A_312 = arith.constant 1 : i32
    %broadcast_in_dim3A_313 = vector.broadcast %broadcast_in_dim3A_312 : i32 to vector<16xi32>
    %gather3A_314 = tpu.vector_load_idx %arg10[%add3A_304, %broadcast_in_dim3A_313] : memref<256x16xi32, #tpu.memory_space<vmem>>[vector<16xi32>, vector<16xi32>], vector<16xi32>,
    %swap3A_315 = arith.constant 1 : i32
    %swap3A_316 = arith.index_cast %swap3A_315 : i32 to index
    %swap3A_317 = arith.constant 32 : index
    %swap3A_318 = tpu.vector_load %arg13[%swap3A_316, %swap3A_317] {strides = array<i32>} : memref<2x128xi32, #tpu.memory_space<vmem>>, vector<16xi32>,
    tpu.vector_store %arg13[%swap3A_316, %swap3A_317], %gather3A_314 {strides = array<i32>} : memref<2x128xi32, #tpu.memory_space<vmem>>, vector<16xi32>,
    %broadcast_in_dim3A_319 = arith.constant 2 : i32
    %broadcast_in_dim3A_320 = vector.broadcast %broadcast_in_dim3A_319 : i32 to vector<16xi32>
    %gather3A_321 = tpu.vector_load_idx %arg10[%add3A_304, %broadcast_in_dim3A_320] : memref<256x16xi32, #tpu.memory_space<vmem>>[vector<16xi32>, vector<16xi32>], vector<16xi32>,
    %swap3A_322 = arith.constant 1 : i32
    %swap3A_323 = arith.index_cast %swap3A_322 : i32 to index
    %swap3A_324 = arith.constant 32 : index
    %swap3A_325 = tpu.vector_load %arg14[%swap3A_323, %swap3A_324] {strides = array<i32>} : memref<2x128xi32, #tpu.memory_space<vmem>>, vector<16xi32>,
    tpu.vector_store %arg14[%swap3A_323, %swap3A_324], %gather3A_321 {strides = array<i32>} : memref<2x128xi32, #tpu.memory_space<vmem>>, vector<16xi32>,
    %iota3A_326 = tpu.iota {dimensions = array<i32: 0>} : vector<16xi32>
    %add3A_327 = arith.constant 176 : i32
    %add3A_328 = vector.broadcast %add3A_327 : i32 to vector<16xi32>
    %add3A_329 = arith.addi %iota3A_326, %add3A_328 : vector<16xi32>
    %broadcast_in_dim3A_330 = arith.constant 0 : i32
    %broadcast_in_dim3A_331 = vector.broadcast %broadcast_in_dim3A_330 : i32 to vector<16xi32>
    %gather3A_332 = tpu.vector_load_idx %arg10[%add3A_329, %broadcast_in_dim3A_331] : memref<256x16xi32, #tpu.memory_space<vmem>>[vector<16xi32>, vector<16xi32>], vector<16xi32>,
    %swap3A_333 = arith.constant 1 : i32
    %swap3A_334 = arith.index_cast %swap3A_333 : i32 to index
    %swap3A_335 = arith.constant 48 : index
    %swap3A_336 = tpu.vector_load %arg12[%swap3A_334, %swap3A_335] {strides = array<i32>} : memref<2x128xi32, #tpu.memory_space<vmem>>, vector<16xi32>,
    tpu.vector_store %arg12[%swap3A_334, %swap3A_335], %gather3A_332 {strides = array<i32>} : memref<2x128xi32, #tpu.memory_space<vmem>>, vector<16xi32>,
    %broadcast_in_dim3A_337 = arith.constant 1 : i32
    %broadcast_in_dim3A_338 = vector.broadcast %broadcast_in_dim3A_337 : i32 to vector<16xi32>
    %gather3A_339 = tpu.vector_load_idx %arg10[%add3A_329, %broadcast_in_dim3A_338] : memref<256x16xi32, #tpu.memory_space<vmem>>[vector<16xi32>, vector<16xi32>], vector<16xi32>,
    %swap3A_340 = arith.constant 1 : i32
    %swap3A_341 = arith.index_cast %swap3A_340 : i32 to index
    %swap3A_342 = arith.constant 48 : index
    %swap3A_343 = tpu.vector_load %arg13[%swap3A_341, %swap3A_342] {strides = array<i32>} : memref<2x128xi32, #tpu.memory_space<vmem>>, vector<16xi32>,
    tpu.vector_store %arg13[%swap3A_341, %swap3A_342], %gather3A_339 {strides = array<i32>} : memref<2x128xi32, #tpu.memory_space<vmem>>, vector<16xi32>,
    %broadcast_in_dim3A_344 = arith.constant 2 : i32
    %broadcast_in_dim3A_345 = vector.broadcast %broadcast_in_dim3A_344 : i32 to vector<16xi32>
    %gather3A_346 = tpu.vector_load_idx %arg10[%add3A_329, %broadcast_in_dim3A_345] : memref<256x16xi32, #tpu.memory_space<vmem>>[vector<16xi32>, vector<16xi32>], vector<16xi32>,
    %swap3A_347 = arith.constant 1 : i32
    %swap3A_348 = arith.index_cast %swap3A_347 : i32 to index
    %swap3A_349 = arith.constant 48 : index
    %swap3A_350 = tpu.vector_load %arg14[%swap3A_348, %swap3A_349] {strides = array<i32>} : memref<2x128xi32, #tpu.memory_space<vmem>>, vector<16xi32>,
    tpu.vector_store %arg14[%swap3A_348, %swap3A_349], %gather3A_346 {strides = array<i32>} : memref<2x128xi32, #tpu.memory_space<vmem>>, vector<16xi32>,
    %iota3A_351 = tpu.iota {dimensions = array<i32: 0>} : vector<16xi32>
    %add3A_352 = arith.constant 192 : i32
    %add3A_353 = vector.broadcast %add3A_352 : i32 to vector<16xi32>
    %add3A_354 = arith.addi %iota3A_351, %add3A_353 : vector<16xi32>
    %broadcast_in_dim3A_355 = arith.constant 0 : i32
    %broadcast_in_dim3A_356 = vector.broadcast %broadcast_in_dim3A_355 : i32 to vector<16xi32>
    %gather3A_357 = tpu.vector_load_idx %arg10[%add3A_354, %broadcast_in_dim3A_356] : memref<256x16xi32, #tpu.memory_space<vmem>>[vector<16xi32>, vector<16xi32>], vector<16xi32>,
    %swap3A_358 = arith.constant 1 : i32
    %swap3A_359 = arith.index_cast %swap3A_358 : i32 to index
    %swap3A_360 = arith.constant 64 : index
    %swap3A_361 = tpu.vector_load %arg12[%swap3A_359, %swap3A_360] {strides = array<i32>} : memref<2x128xi32, #tpu.memory_space<vmem>>, vector<16xi32>,
    tpu.vector_store %arg12[%swap3A_359, %swap3A_360], %gather3A_357 {strides = array<i32>} : memref<2x128xi32, #tpu.memory_space<vmem>>, vector<16xi32>,
    %broadcast_in_dim3A_362 = arith.constant 1 : i32
    %broadcast_in_dim3A_363 = vector.broadcast %broadcast_in_dim3A_362 : i32 to vector<16xi32>
    %gather3A_364 = tpu.vector_load_idx %arg10[%add3A_354, %broadcast_in_dim3A_363] : memref<256x16xi32, #tpu.memory_space<vmem>>[vector<16xi32>, vector<16xi32>], vector<16xi32>,
    %swap3A_365 = arith.constant 1 : i32
    %swap3A_366 = arith.index_cast %swap3A_365 : i32 to index
    %swap3A_367 = arith.constant 64 : index
    %swap3A_368 = tpu.vector_load %arg13[%swap3A_366, %swap3A_367] {strides = array<i32>} : memref<2x128xi32, #tpu.memory_space<vmem>>, vector<16xi32>,
    tpu.vector_store %arg13[%swap3A_366, %swap3A_367], %gather3A_364 {strides = array<i32>} : memref<2x128xi32, #tpu.memory_space<vmem>>, vector<16xi32>,
    %broadcast_in_dim3A_369 = arith.constant 2 : i32
    %broadcast_in_dim3A_370 = vector.broadcast %broadcast_in_dim3A_369 : i32 to vector<16xi32>
    %gather3A_371 = tpu.vector_load_idx %arg10[%add3A_354, %broadcast_in_dim3A_370] : memref<256x16xi32, #tpu.memory_space<vmem>>[vector<16xi32>, vector<16xi32>], vector<16xi32>,
    %swap3A_372 = arith.constant 1 : i32
    %swap3A_373 = arith.index_cast %swap3A_372 : i32 to index
    %swap3A_374 = arith.constant 64 : index
    %swap3A_375 = tpu.vector_load %arg14[%swap3A_373, %swap3A_374] {strides = array<i32>} : memref<2x128xi32, #tpu.memory_space<vmem>>, vector<16xi32>,
    tpu.vector_store %arg14[%swap3A_373, %swap3A_374], %gather3A_371 {strides = array<i32>} : memref<2x128xi32, #tpu.memory_space<vmem>>, vector<16xi32>,
    %iota3A_376 = tpu.iota {dimensions = array<i32: 0>} : vector<16xi32>
    %add3A_377 = arith.constant 208 : i32
    %add3A_378 = vector.broadcast %add3A_377 : i32 to vector<16xi32>
    %add3A_379 = arith.addi %iota3A_376, %add3A_378 : vector<16xi32>
    %broadcast_in_dim3A_380 = arith.constant 0 : i32
    %broadcast_in_dim3A_381 = vector.broadcast %broadcast_in_dim3A_380 : i32 to vector<16xi32>
    %gather3A_382 = tpu.vector_load_idx %arg10[%add3A_379, %broadcast_in_dim3A_381] : memref<256x16xi32, #tpu.memory_space<vmem>>[vector<16xi32>, vector<16xi32>], vector<16xi32>,
    %swap3A_383 = arith.constant 1 : i32
    %swap3A_384 = arith.index_cast %swap3A_383 : i32 to index
    %swap3A_385 = arith.constant 80 : index
    %swap3A_386 = tpu.vector_load %arg12[%swap3A_384, %swap3A_385] {strides = array<i32>} : memref<2x128xi32, #tpu.memory_space<vmem>>, vector<16xi32>,
    tpu.vector_store %arg12[%swap3A_384, %swap3A_385], %gather3A_382 {strides = array<i32>} : memref<2x128xi32, #tpu.memory_space<vmem>>, vector<16xi32>,
    %broadcast_in_dim3A_387 = arith.constant 1 : i32
    %broadcast_in_dim3A_388 = vector.broadcast %broadcast_in_dim3A_387 : i32 to vector<16xi32>
    %gather3A_389 = tpu.vector_load_idx %arg10[%add3A_379, %broadcast_in_dim3A_388] : memref<256x16xi32, #tpu.memory_space<vmem>>[vector<16xi32>, vector<16xi32>], vector<16xi32>,
    %swap3A_390 = arith.constant 1 : i32
    %swap3A_391 = arith.index_cast %swap3A_390 : i32 to index
    %swap3A_392 = arith.constant 80 : index
    %swap3A_393 = tpu.vector_load %arg13[%swap3A_391, %swap3A_392] {strides = array<i32>} : memref<2x128xi32, #tpu.memory_space<vmem>>, vector<16xi32>,
    tpu.vector_store %arg13[%swap3A_391, %swap3A_392], %gather3A_389 {strides = array<i32>} : memref<2x128xi32, #tpu.memory_space<vmem>>, vector<16xi32>,
    %broadcast_in_dim3A_394 = arith.constant 2 : i32
    %broadcast_in_dim3A_395 = vector.broadcast %broadcast_in_dim3A_394 : i32 to vector<16xi32>
    %gather3A_396 = tpu.vector_load_idx %arg10[%add3A_379, %broadcast_in_dim3A_395] : memref<256x16xi32, #tpu.memory_space<vmem>>[vector<16xi32>, vector<16xi32>], vector<16xi32>,
    %swap3A_397 = arith.constant 1 : i32
    %swap3A_398 = arith.index_cast %swap3A_397 : i32 to index
    %swap3A_399 = arith.constant 80 : index
    %swap3A_400 = tpu.vector_load %arg14[%swap3A_398, %swap3A_399] {strides = array<i32>} : memref<2x128xi32, #tpu.memory_space<vmem>>, vector<16xi32>,
    tpu.vector_store %arg14[%swap3A_398, %swap3A_399], %gather3A_396 {strides = array<i32>} : memref<2x128xi32, #tpu.memory_space<vmem>>, vector<16xi32>,
    %iota3A_401 = tpu.iota {dimensions = array<i32: 0>} : vector<16xi32>
    %add3A_402 = arith.constant 224 : i32
    %add3A_403 = vector.broadcast %add3A_402 : i32 to vector<16xi32>
    %add3A_404 = arith.addi %iota3A_401, %add3A_403 : vector<16xi32>
    %broadcast_in_dim3A_405 = arith.constant 0 : i32
    %broadcast_in_dim3A_406 = vector.broadcast %broadcast_in_dim3A_405 : i32 to vector<16xi32>
    %gather3A_407 = tpu.vector_load_idx %arg10[%add3A_404, %broadcast_in_dim3A_406] : memref<256x16xi32, #tpu.memory_space<vmem>>[vector<16xi32>, vector<16xi32>], vector<16xi32>,
    %swap3A_408 = arith.constant 1 : i32
    %swap3A_409 = arith.index_cast %swap3A_408 : i32 to index
    %swap3A_410 = arith.constant 96 : index
    %swap3A_411 = tpu.vector_load %arg12[%swap3A_409, %swap3A_410] {strides = array<i32>} : memref<2x128xi32, #tpu.memory_space<vmem>>, vector<16xi32>,
    tpu.vector_store %arg12[%swap3A_409, %swap3A_410], %gather3A_407 {strides = array<i32>} : memref<2x128xi32, #tpu.memory_space<vmem>>, vector<16xi32>,
    %broadcast_in_dim3A_412 = arith.constant 1 : i32
    %broadcast_in_dim3A_413 = vector.broadcast %broadcast_in_dim3A_412 : i32 to vector<16xi32>
    %gather3A_414 = tpu.vector_load_idx %arg10[%add3A_404, %broadcast_in_dim3A_413] : memref<256x16xi32, #tpu.memory_space<vmem>>[vector<16xi32>, vector<16xi32>], vector<16xi32>,
    %swap3A_415 = arith.constant 1 : i32
    %swap3A_416 = arith.index_cast %swap3A_415 : i32 to index
    %swap3A_417 = arith.constant 96 : index
    %swap3A_418 = tpu.vector_load %arg13[%swap3A_416, %swap3A_417] {strides = array<i32>} : memref<2x128xi32, #tpu.memory_space<vmem>>, vector<16xi32>,
    tpu.vector_store %arg13[%swap3A_416, %swap3A_417], %gather3A_414 {strides = array<i32>} : memref<2x128xi32, #tpu.memory_space<vmem>>, vector<16xi32>,
    %broadcast_in_dim3A_419 = arith.constant 2 : i32
    %broadcast_in_dim3A_420 = vector.broadcast %broadcast_in_dim3A_419 : i32 to vector<16xi32>
    %gather3A_421 = tpu.vector_load_idx %arg10[%add3A_404, %broadcast_in_dim3A_420] : memref<256x16xi32, #tpu.memory_space<vmem>>[vector<16xi32>, vector<16xi32>], vector<16xi32>,
    %swap3A_422 = arith.constant 1 : i32
    %swap3A_423 = arith.index_cast %swap3A_422 : i32 to index
    %swap3A_424 = arith.constant 96 : index
    %swap3A_425 = tpu.vector_load %arg14[%swap3A_423, %swap3A_424] {strides = array<i32>} : memref<2x128xi32, #tpu.memory_space<vmem>>, vector<16xi32>,
    tpu.vector_store %arg14[%swap3A_423, %swap3A_424], %gather3A_421 {strides = array<i32>} : memref<2x128xi32, #tpu.memory_space<vmem>>, vector<16xi32>,
    %iota3A_426 = tpu.iota {dimensions = array<i32: 0>} : vector<16xi32>
    %add3A_427 = arith.constant 240 : i32
    %add3A_428 = vector.broadcast %add3A_427 : i32 to vector<16xi32>
    %add3A_429 = arith.addi %iota3A_426, %add3A_428 : vector<16xi32>
    %broadcast_in_dim3A_430 = arith.constant 0 : i32
    %broadcast_in_dim3A_431 = vector.broadcast %broadcast_in_dim3A_430 : i32 to vector<16xi32>
    %gather3A_432 = tpu.vector_load_idx %arg10[%add3A_429, %broadcast_in_dim3A_431] : memref<256x16xi32, #tpu.memory_space<vmem>>[vector<16xi32>, vector<16xi32>], vector<16xi32>,
    %swap3A_433 = arith.constant 1 : i32
    %swap3A_434 = arith.index_cast %swap3A_433 : i32 to index
    %swap3A_435 = arith.constant 112 : index
    %swap3A_436 = tpu.vector_load %arg12[%swap3A_434, %swap3A_435] {strides = array<i32>} : memref<2x128xi32, #tpu.memory_space<vmem>>, vector<16xi32>,
    tpu.vector_store %arg12[%swap3A_434, %swap3A_435], %gather3A_432 {strides = array<i32>} : memref<2x128xi32, #tpu.memory_space<vmem>>, vector<16xi32>,
    %broadcast_in_dim3A_437 = arith.constant 1 : i32
    %broadcast_in_dim3A_438 = vector.broadcast %broadcast_in_dim3A_437 : i32 to vector<16xi32>
    %gather3A_439 = tpu.vector_load_idx %arg10[%add3A_429, %broadcast_in_dim3A_438] : memref<256x16xi32, #tpu.memory_space<vmem>>[vector<16xi32>, vector<16xi32>], vector<16xi32>,
    %swap3A_440 = arith.constant 1 : i32
    %swap3A_441 = arith.index_cast %swap3A_440 : i32 to index
    %swap3A_442 = arith.constant 112 : index
    %swap3A_443 = tpu.vector_load %arg13[%swap3A_441, %swap3A_442] {strides = array<i32>} : memref<2x128xi32, #tpu.memory_space<vmem>>, vector<16xi32>,
    tpu.vector_store %arg13[%swap3A_441, %swap3A_442], %gather3A_439 {strides = array<i32>} : memref<2x128xi32, #tpu.memory_space<vmem>>, vector<16xi32>,
    %broadcast_in_dim3A_444 = arith.constant 2 : i32
    %broadcast_in_dim3A_445 = vector.broadcast %broadcast_in_dim3A_444 : i32 to vector<16xi32>
    %gather3A_446 = tpu.vector_load_idx %arg10[%add3A_429, %broadcast_in_dim3A_445] : memref<256x16xi32, #tpu.memory_space<vmem>>[vector<16xi32>, vector<16xi32>], vector<16xi32>,
    %swap3A_447 = arith.constant 1 : i32
    %swap3A_448 = arith.index_cast %swap3A_447 : i32 to index
    %swap3A_449 = arith.constant 112 : index
    %swap3A_450 = tpu.vector_load %arg14[%swap3A_448, %swap3A_449] {strides = array<i32>} : memref<2x128xi32, #tpu.memory_space<vmem>>, vector<16xi32>,
    tpu.vector_store %arg14[%swap3A_448, %swap3A_449], %gather3A_446 {strides = array<i32>} : memref<2x128xi32, #tpu.memory_space<vmem>>, vector<16xi32>,
    %dma_start3A_451 = arith.constant 0 : i32
    %dma_start3A_452 = arith.constant 0 : i32
    %dma_start3A_453 = arith.constant 0 : i32
    %dma_start3A_454 = tpu.memref_slice %arg18[%dma_start3A_452, %dma_start3A_453] : memref<256x64xf32, #tpu.memory_space<vmem>> -> memref<128x64xf32, #tpu.memory_space<vmem>>
    %dma_start3A_455 = arith.constant 0 : i32
    %dma_start3A_456 = tpu.memref_slice %arg12[%dma_start3A_451, %dma_start3A_455] : memref<2x128xi32, #tpu.memory_space<vmem>> -> memref<1x128xi32, #tpu.memory_space<vmem>>
    %dma_start3A_457 = tpu.memref_squeeze %dma_start3A_456 : memref<1x128xi32, #tpu.memory_space<vmem>> -> memref<128xi32, #tpu.memory_space<vmem>>
    %dma_start3A_458 = arith.constant 0 : i32
    %dma_start3A_459 = arith.constant 0 : i32
    %dma_start3A_460 = tpu.memref_slice %arg2[%dma_start3A_458, %dma_start3A_459] : memref<126720x64xf32, #tpu.memory_space<hbm>> -> memref<126720x64xf32, #tpu.memory_space<hbm>>
    tpu.enqueue_indirect_dma source(%dma_start3A_460 : memref<126720x64xf32, #tpu.memory_space<hbm>>) target(%dma_start3A_454 : memref<128x64xf32, #tpu.memory_space<vmem>>) offsets(%dma_start3A_457 : memref<128xi32, #tpu.memory_space<vmem>>) semaphore(%arg28 : memref<!tpu.dma_semaphore, #tpu.memory_space<semaphore_mem>>)
    %dma_start3A_461 = arith.constant 1 : i32
    %dma_start3A_462 = arith.constant 128 : i32
    %dma_start3A_463 = arith.constant 0 : i32
    %dma_start3A_464 = tpu.memref_slice %arg18[%dma_start3A_462, %dma_start3A_463] : memref<256x64xf32, #tpu.memory_space<vmem>> -> memref<128x64xf32, #tpu.memory_space<vmem>>
    %dma_start3A_465 = arith.constant 0 : i32
    %dma_start3A_466 = tpu.memref_slice %arg12[%dma_start3A_461, %dma_start3A_465] : memref<2x128xi32, #tpu.memory_space<vmem>> -> memref<1x128xi32, #tpu.memory_space<vmem>>
    %dma_start3A_467 = tpu.memref_squeeze %dma_start3A_466 : memref<1x128xi32, #tpu.memory_space<vmem>> -> memref<128xi32, #tpu.memory_space<vmem>>
    %dma_start3A_468 = arith.constant 0 : i32
    %dma_start3A_469 = arith.constant 0 : i32
    %dma_start3A_470 = tpu.memref_slice %arg2[%dma_start3A_468, %dma_start3A_469] : memref<126720x64xf32, #tpu.memory_space<hbm>> -> memref<126720x64xf32, #tpu.memory_space<hbm>>
    tpu.enqueue_indirect_dma source(%dma_start3A_470 : memref<126720x64xf32, #tpu.memory_space<hbm>>) target(%dma_start3A_464 : memref<128x64xf32, #tpu.memory_space<vmem>>) offsets(%dma_start3A_467 : memref<128xi32, #tpu.memory_space<vmem>>) semaphore(%arg28 : memref<!tpu.dma_semaphore, #tpu.memory_space<semaphore_mem>>)
    %dma_start3A_471 = arith.constant 0 : i32
    %dma_start3A_472 = arith.constant 0 : i32
    %dma_start3A_473 = arith.constant 0 : i32
    %dma_start3A_474 = tpu.memref_slice %arg19[%dma_start3A_472, %dma_start3A_473] : memref<256x64xf32, #tpu.memory_space<vmem>> -> memref<128x64xf32, #tpu.memory_space<vmem>>
    %dma_start3A_475 = arith.constant 0 : i32
    %dma_start3A_476 = tpu.memref_slice %arg13[%dma_start3A_471, %dma_start3A_475] : memref<2x128xi32, #tpu.memory_space<vmem>> -> memref<1x128xi32, #tpu.memory_space<vmem>>
    %dma_start3A_477 = tpu.memref_squeeze %dma_start3A_476 : memref<1x128xi32, #tpu.memory_space<vmem>> -> memref<128xi32, #tpu.memory_space<vmem>>
    %dma_start3A_478 = arith.constant 0 : i32
    %dma_start3A_479 = arith.constant 0 : i32
    %dma_start3A_480 = tpu.memref_slice %arg2[%dma_start3A_478, %dma_start3A_479] : memref<126720x64xf32, #tpu.memory_space<hbm>> -> memref<126720x64xf32, #tpu.memory_space<hbm>>
    tpu.enqueue_indirect_dma source(%dma_start3A_480 : memref<126720x64xf32, #tpu.memory_space<hbm>>) target(%dma_start3A_474 : memref<128x64xf32, #tpu.memory_space<vmem>>) offsets(%dma_start3A_477 : memref<128xi32, #tpu.memory_space<vmem>>) semaphore(%arg28 : memref<!tpu.dma_semaphore, #tpu.memory_space<semaphore_mem>>)
    %dma_start3A_481 = arith.constant 1 : i32
    %dma_start3A_482 = arith.constant 128 : i32
    %dma_start3A_483 = arith.constant 0 : i32
    %dma_start3A_484 = tpu.memref_slice %arg19[%dma_start3A_482, %dma_start3A_483] : memref<256x64xf32, #tpu.memory_space<vmem>> -> memref<128x64xf32, #tpu.memory_space<vmem>>
    %dma_start3A_485 = arith.constant 0 : i32
    %dma_start3A_486 = tpu.memref_slice %arg13[%dma_start3A_481, %dma_start3A_485] : memref<2x128xi32, #tpu.memory_space<vmem>> -> memref<1x128xi32, #tpu.memory_space<vmem>>
    %dma_start3A_487 = tpu.memref_squeeze %dma_start3A_486 : memref<1x128xi32, #tpu.memory_space<vmem>> -> memref<128xi32, #tpu.memory_space<vmem>>
    %dma_start3A_488 = arith.constant 0 : i32
    %dma_start3A_489 = arith.constant 0 : i32
    %dma_start3A_490 = tpu.memref_slice %arg2[%dma_start3A_488, %dma_start3A_489] : memref<126720x64xf32, #tpu.memory_space<hbm>> -> memref<126720x64xf32, #tpu.memory_space<hbm>>
    tpu.enqueue_indirect_dma source(%dma_start3A_490 : memref<126720x64xf32, #tpu.memory_space<hbm>>) target(%dma_start3A_484 : memref<128x64xf32, #tpu.memory_space<vmem>>) offsets(%dma_start3A_487 : memref<128xi32, #tpu.memory_space<vmem>>) semaphore(%arg28 : memref<!tpu.dma_semaphore, #tpu.memory_space<semaphore_mem>>)
    %dma_start3A_491 = arith.constant 0 : i32
    %dma_start3A_492 = arith.constant 0 : i32
    %dma_start3A_493 = arith.constant 0 : i32
    %dma_start3A_494 = tpu.memref_slice %arg20[%dma_start3A_492, %dma_start3A_493] : memref<256x64xf32, #tpu.memory_space<vmem>> -> memref<128x64xf32, #tpu.memory_space<vmem>>
    %dma_start3A_495 = arith.constant 0 : i32
    %dma_start3A_496 = tpu.memref_slice %arg14[%dma_start3A_491, %dma_start3A_495] : memref<2x128xi32, #tpu.memory_space<vmem>> -> memref<1x128xi32, #tpu.memory_space<vmem>>
    %dma_start3A_497 = tpu.memref_squeeze %dma_start3A_496 : memref<1x128xi32, #tpu.memory_space<vmem>> -> memref<128xi32, #tpu.memory_space<vmem>>
    %dma_start3A_498 = arith.constant 0 : i32
    %dma_start3A_499 = arith.constant 0 : i32
    %dma_start3A_500 = tpu.memref_slice %arg2[%dma_start3A_498, %dma_start3A_499] : memref<126720x64xf32, #tpu.memory_space<hbm>> -> memref<126720x64xf32, #tpu.memory_space<hbm>>
    tpu.enqueue_indirect_dma source(%dma_start3A_500 : memref<126720x64xf32, #tpu.memory_space<hbm>>) target(%dma_start3A_494 : memref<128x64xf32, #tpu.memory_space<vmem>>) offsets(%dma_start3A_497 : memref<128xi32, #tpu.memory_space<vmem>>) semaphore(%arg28 : memref<!tpu.dma_semaphore, #tpu.memory_space<semaphore_mem>>)
    %dma_start3A_501 = arith.constant 1 : i32
    %dma_start3A_502 = arith.constant 128 : i32
    %dma_start3A_503 = arith.constant 0 : i32
    %dma_start3A_504 = tpu.memref_slice %arg20[%dma_start3A_502, %dma_start3A_503] : memref<256x64xf32, #tpu.memory_space<vmem>> -> memref<128x64xf32, #tpu.memory_space<vmem>>
    %dma_start3A_505 = arith.constant 0 : i32
    %dma_start3A_506 = tpu.memref_slice %arg14[%dma_start3A_501, %dma_start3A_505] : memref<2x128xi32, #tpu.memory_space<vmem>> -> memref<1x128xi32, #tpu.memory_space<vmem>>
    %dma_start3A_507 = tpu.memref_squeeze %dma_start3A_506 : memref<1x128xi32, #tpu.memory_space<vmem>> -> memref<128xi32, #tpu.memory_space<vmem>>
    %dma_start3A_508 = arith.constant 0 : i32
    %dma_start3A_509 = arith.constant 0 : i32
    %dma_start3A_510 = tpu.memref_slice %arg2[%dma_start3A_508, %dma_start3A_509] : memref<126720x64xf32, #tpu.memory_space<hbm>> -> memref<126720x64xf32, #tpu.memory_space<hbm>>
    tpu.enqueue_indirect_dma source(%dma_start3A_510 : memref<126720x64xf32, #tpu.memory_space<hbm>>) target(%dma_start3A_504 : memref<128x64xf32, #tpu.memory_space<vmem>>) offsets(%dma_start3A_507 : memref<128xi32, #tpu.memory_space<vmem>>) semaphore(%arg28 : memref<!tpu.dma_semaphore, #tpu.memory_space<semaphore_mem>>)
    %dma_wait3A_511 = arith.constant 0 : i32
    %dma_wait3A_512 = arith.constant 0 : i32
    %dma_wait3A_513 = arith.constant 0 : i32
    %dma_wait3A_514 = tpu.memref_slice %arg18[%dma_wait3A_512, %dma_wait3A_513] : memref<256x64xf32, #tpu.memory_space<vmem>> -> memref<128x64xf32, #tpu.memory_space<vmem>>
    %dma_wait3A_515 = arith.constant 0 : i32
    %dma_wait3A_516 = tpu.memref_slice %arg12[%dma_wait3A_511, %dma_wait3A_515] : memref<2x128xi32, #tpu.memory_space<vmem>> -> memref<1x128xi32, #tpu.memory_space<vmem>>
    %dma_wait3A_517 = tpu.memref_squeeze %dma_wait3A_516 : memref<1x128xi32, #tpu.memory_space<vmem>> -> memref<128xi32, #tpu.memory_space<vmem>>
    %dma_wait3A_518 = arith.constant 0 : i32
    %dma_wait3A_519 = arith.constant 0 : i32
    %dma_wait3A_520 = tpu.memref_slice %arg2[%dma_wait3A_518, %dma_wait3A_519] : memref<126720x64xf32, #tpu.memory_space<hbm>> -> memref<126720x64xf32, #tpu.memory_space<hbm>>
    tpu.wait_indirect_dma semaphore(%arg28 : memref<!tpu.dma_semaphore, #tpu.memory_space<semaphore_mem>>) src(%dma_wait3A_520 : memref<126720x64xf32, #tpu.memory_space<hbm>>) dst(%dma_wait3A_514 : memref<128x64xf32, #tpu.memory_space<vmem>>)
    %dma_wait3A_521 = arith.constant 1 : i32
    %dma_wait3A_522 = arith.constant 128 : i32
    %dma_wait3A_523 = arith.constant 0 : i32
    %dma_wait3A_524 = tpu.memref_slice %arg18[%dma_wait3A_522, %dma_wait3A_523] : memref<256x64xf32, #tpu.memory_space<vmem>> -> memref<128x64xf32, #tpu.memory_space<vmem>>
    %dma_wait3A_525 = arith.constant 0 : i32
    %dma_wait3A_526 = tpu.memref_slice %arg12[%dma_wait3A_521, %dma_wait3A_525] : memref<2x128xi32, #tpu.memory_space<vmem>> -> memref<1x128xi32, #tpu.memory_space<vmem>>
    %dma_wait3A_527 = tpu.memref_squeeze %dma_wait3A_526 : memref<1x128xi32, #tpu.memory_space<vmem>> -> memref<128xi32, #tpu.memory_space<vmem>>
    %dma_wait3A_528 = arith.constant 0 : i32
    %dma_wait3A_529 = arith.constant 0 : i32
    %dma_wait3A_530 = tpu.memref_slice %arg2[%dma_wait3A_528, %dma_wait3A_529] : memref<126720x64xf32, #tpu.memory_space<hbm>> -> memref<126720x64xf32, #tpu.memory_space<hbm>>
    tpu.wait_indirect_dma semaphore(%arg28 : memref<!tpu.dma_semaphore, #tpu.memory_space<semaphore_mem>>) src(%dma_wait3A_530 : memref<126720x64xf32, #tpu.memory_space<hbm>>) dst(%dma_wait3A_524 : memref<128x64xf32, #tpu.memory_space<vmem>>)
    %dma_wait3A_531 = arith.constant 0 : i32
    %dma_wait3A_532 = arith.constant 0 : i32
    %dma_wait3A_533 = arith.constant 0 : i32
    %dma_wait3A_534 = tpu.memref_slice %arg19[%dma_wait3A_532, %dma_wait3A_533] : memref<256x64xf32, #tpu.memory_space<vmem>> -> memref<128x64xf32, #tpu.memory_space<vmem>>
    %dma_wait3A_535 = arith.constant 0 : i32
    %dma_wait3A_536 = tpu.memref_slice %arg13[%dma_wait3A_531, %dma_wait3A_535] : memref<2x128xi32, #tpu.memory_space<vmem>> -> memref<1x128xi32, #tpu.memory_space<vmem>>
    %dma_wait3A_537 = tpu.memref_squeeze %dma_wait3A_536 : memref<1x128xi32, #tpu.memory_space<vmem>> -> memref<128xi32, #tpu.memory_space<vmem>>
    %dma_wait3A_538 = arith.constant 0 : i32
    %dma_wait3A_539 = arith.constant 0 : i32
    %dma_wait3A_540 = tpu.memref_slice %arg2[%dma_wait3A_538, %dma_wait3A_539] : memref<126720x64xf32, #tpu.memory_space<hbm>> -> memref<126720x64xf32, #tpu.memory_space<hbm>>
    tpu.wait_indirect_dma semaphore(%arg28 : memref<!tpu.dma_semaphore, #tpu.memory_space<semaphore_mem>>) src(%dma_wait3A_540 : memref<126720x64xf32, #tpu.memory_space<hbm>>) dst(%dma_wait3A_534 : memref<128x64xf32, #tpu.memory_space<vmem>>)
    %dma_wait3A_541 = arith.constant 1 : i32
    %dma_wait3A_542 = arith.constant 128 : i32
    %dma_wait3A_543 = arith.constant 0 : i32
    %dma_wait3A_544 = tpu.memref_slice %arg19[%dma_wait3A_542, %dma_wait3A_543] : memref<256x64xf32, #tpu.memory_space<vmem>> -> memref<128x64xf32, #tpu.memory_space<vmem>>
    %dma_wait3A_545 = arith.constant 0 : i32
    %dma_wait3A_546 = tpu.memref_slice %arg13[%dma_wait3A_541, %dma_wait3A_545] : memref<2x128xi32, #tpu.memory_space<vmem>> -> memref<1x128xi32, #tpu.memory_space<vmem>>
    %dma_wait3A_547 = tpu.memref_squeeze %dma_wait3A_546 : memref<1x128xi32, #tpu.memory_space<vmem>> -> memref<128xi32, #tpu.memory_space<vmem>>
    %dma_wait3A_548 = arith.constant 0 : i32
    %dma_wait3A_549 = arith.constant 0 : i32
    %dma_wait3A_550 = tpu.memref_slice %arg2[%dma_wait3A_548, %dma_wait3A_549] : memref<126720x64xf32, #tpu.memory_space<hbm>> -> memref<126720x64xf32, #tpu.memory_space<hbm>>
    tpu.wait_indirect_dma semaphore(%arg28 : memref<!tpu.dma_semaphore, #tpu.memory_space<semaphore_mem>>) src(%dma_wait3A_550 : memref<126720x64xf32, #tpu.memory_space<hbm>>) dst(%dma_wait3A_544 : memref<128x64xf32, #tpu.memory_space<vmem>>)
    %dma_wait3A_551 = arith.constant 0 : i32
    %dma_wait3A_552 = arith.constant 0 : i32
    %dma_wait3A_553 = arith.constant 0 : i32
    %dma_wait3A_554 = tpu.memref_slice %arg20[%dma_wait3A_552, %dma_wait3A_553] : memref<256x64xf32, #tpu.memory_space<vmem>> -> memref<128x64xf32, #tpu.memory_space<vmem>>
    %dma_wait3A_555 = arith.constant 0 : i32
    %dma_wait3A_556 = tpu.memref_slice %arg14[%dma_wait3A_551, %dma_wait3A_555] : memref<2x128xi32, #tpu.memory_space<vmem>> -> memref<1x128xi32, #tpu.memory_space<vmem>>
    %dma_wait3A_557 = tpu.memref_squeeze %dma_wait3A_556 : memref<1x128xi32, #tpu.memory_space<vmem>> -> memref<128xi32, #tpu.memory_space<vmem>>
    %dma_wait3A_558 = arith.constant 0 : i32
    %dma_wait3A_559 = arith.constant 0 : i32
    %dma_wait3A_560 = tpu.memref_slice %arg2[%dma_wait3A_558, %dma_wait3A_559] : memref<126720x64xf32, #tpu.memory_space<hbm>> -> memref<126720x64xf32, #tpu.memory_space<hbm>>
    tpu.wait_indirect_dma semaphore(%arg28 : memref<!tpu.dma_semaphore, #tpu.memory_space<semaphore_mem>>) src(%dma_wait3A_560 : memref<126720x64xf32, #tpu.memory_space<hbm>>) dst(%dma_wait3A_554 : memref<128x64xf32, #tpu.memory_space<vmem>>)
    %dma_wait3A_561 = arith.constant 1 : i32
    %dma_wait3A_562 = arith.constant 128 : i32
    %dma_wait3A_563 = arith.constant 0 : i32
    %dma_wait3A_564 = tpu.memref_slice %arg20[%dma_wait3A_562, %dma_wait3A_563] : memref<256x64xf32, #tpu.memory_space<vmem>> -> memref<128x64xf32, #tpu.memory_space<vmem>>
    %dma_wait3A_565 = arith.constant 0 : i32
    %dma_wait3A_566 = tpu.memref_slice %arg14[%dma_wait3A_561, %dma_wait3A_565] : memref<2x128xi32, #tpu.memory_space<vmem>> -> memref<1x128xi32, #tpu.memory_space<vmem>>
    %dma_wait3A_567 = tpu.memref_squeeze %dma_wait3A_566 : memref<1x128xi32, #tpu.memory_space<vmem>> -> memref<128xi32, #tpu.memory_space<vmem>>
    %dma_wait3A_568 = arith.constant 0 : i32
    %dma_wait3A_569 = arith.constant 0 : i32
    %dma_wait3A_570 = tpu.memref_slice %arg2[%dma_wait3A_568, %dma_wait3A_569] : memref<126720x64xf32, #tpu.memory_space<hbm>> -> memref<126720x64xf32, #tpu.memory_space<hbm>>
    tpu.wait_indirect_dma semaphore(%arg28 : memref<!tpu.dma_semaphore, #tpu.memory_space<semaphore_mem>>) src(%dma_wait3A_570 : memref<126720x64xf32, #tpu.memory_space<hbm>>) dst(%dma_wait3A_564 : memref<128x64xf32, #tpu.memory_space<vmem>>)
    %dma_start3A_571 = arith.constant 2 : i32
    %dma_start3A_572 = arith.constant 0 : i32
    %dma_start3A_573 = arith.constant 0 : i32
    %dma_start3A_574 = tpu.memref_slice %arg18[%dma_start3A_572, %dma_start3A_573] : memref<256x64xf32, #tpu.memory_space<vmem>> -> memref<128x64xf32, #tpu.memory_space<vmem>>
    %dma_start3A_575 = arith.constant 0 : i32
    %dma_start3A_576 = tpu.memref_slice %arg8[%dma_start3A_571, %dma_start3A_575] : memref<4x128xi32, #tpu.memory_space<vmem>> -> memref<1x128xi32, #tpu.memory_space<vmem>>
    %dma_start3A_577 = tpu.memref_squeeze %dma_start3A_576 : memref<1x128xi32, #tpu.memory_space<vmem>> -> memref<128xi32, #tpu.memory_space<vmem>>
    %dma_start3A_578 = arith.constant 0 : i32
    %dma_start3A_579 = arith.constant 0 : i32
    %dma_start3A_580 = tpu.memref_slice %arg5[%dma_start3A_578, %dma_start3A_579] : memref<114688x64xf32, #tpu.memory_space<hbm>> -> memref<114688x64xf32, #tpu.memory_space<hbm>>
    tpu.enqueue_indirect_dma source(%dma_start3A_574 : memref<128x64xf32, #tpu.memory_space<vmem>>) target(%dma_start3A_580 : memref<114688x64xf32, #tpu.memory_space<hbm>>) offsets(%dma_start3A_577 : memref<128xi32, #tpu.memory_space<vmem>>) semaphore(%arg30 : memref<!tpu.dma_semaphore, #tpu.memory_space<semaphore_mem>>)
    %dma_start3A_581 = arith.constant 3 : i32
    %dma_start3A_582 = arith.constant 128 : i32
    %dma_start3A_583 = arith.constant 0 : i32
    %dma_start3A_584 = tpu.memref_slice %arg18[%dma_start3A_582, %dma_start3A_583] : memref<256x64xf32, #tpu.memory_space<vmem>> -> memref<128x64xf32, #tpu.memory_space<vmem>>
    %dma_start3A_585 = arith.constant 0 : i32
    %dma_start3A_586 = tpu.memref_slice %arg8[%dma_start3A_581, %dma_start3A_585] : memref<4x128xi32, #tpu.memory_space<vmem>> -> memref<1x128xi32, #tpu.memory_space<vmem>>
    %dma_start3A_587 = tpu.memref_squeeze %dma_start3A_586 : memref<1x128xi32, #tpu.memory_space<vmem>> -> memref<128xi32, #tpu.memory_space<vmem>>
    %dma_start3A_588 = arith.constant 0 : i32
    %dma_start3A_589 = arith.constant 0 : i32
    %dma_start3A_590 = tpu.memref_slice %arg5[%dma_start3A_588, %dma_start3A_589] : memref<114688x64xf32, #tpu.memory_space<hbm>> -> memref<114688x64xf32, #tpu.memory_space<hbm>>
    tpu.enqueue_indirect_dma source(%dma_start3A_584 : memref<128x64xf32, #tpu.memory_space<vmem>>) target(%dma_start3A_590 : memref<114688x64xf32, #tpu.memory_space<hbm>>) offsets(%dma_start3A_587 : memref<128xi32, #tpu.memory_space<vmem>>) semaphore(%arg30 : memref<!tpu.dma_semaphore, #tpu.memory_space<semaphore_mem>>)
    %dma_start3A_591 = arith.constant 2 : i32
    %dma_start3A_592 = arith.constant 0 : i32
    %dma_start3A_593 = arith.constant 0 : i32
    %dma_start3A_594 = tpu.memref_slice %arg19[%dma_start3A_592, %dma_start3A_593] : memref<256x64xf32, #tpu.memory_space<vmem>> -> memref<128x64xf32, #tpu.memory_space<vmem>>
    %dma_start3A_595 = arith.constant 0 : i32
    %dma_start3A_596 = tpu.memref_slice %arg8[%dma_start3A_591, %dma_start3A_595] : memref<4x128xi32, #tpu.memory_space<vmem>> -> memref<1x128xi32, #tpu.memory_space<vmem>>
    %dma_start3A_597 = tpu.memref_squeeze %dma_start3A_596 : memref<1x128xi32, #tpu.memory_space<vmem>> -> memref<128xi32, #tpu.memory_space<vmem>>
    %dma_start3A_598 = arith.constant 0 : i32
    %dma_start3A_599 = arith.constant 0 : i32
    %dma_start3A_600 = tpu.memref_slice %arg6[%dma_start3A_598, %dma_start3A_599] : memref<114688x64xf32, #tpu.memory_space<hbm>> -> memref<114688x64xf32, #tpu.memory_space<hbm>>
    tpu.enqueue_indirect_dma source(%dma_start3A_594 : memref<128x64xf32, #tpu.memory_space<vmem>>) target(%dma_start3A_600 : memref<114688x64xf32, #tpu.memory_space<hbm>>) offsets(%dma_start3A_597 : memref<128xi32, #tpu.memory_space<vmem>>) semaphore(%arg30 : memref<!tpu.dma_semaphore, #tpu.memory_space<semaphore_mem>>)
    %dma_start3A_601 = arith.constant 3 : i32
    %dma_start3A_602 = arith.constant 128 : i32
    %dma_start3A_603 = arith.constant 0 : i32
    %dma_start3A_604 = tpu.memref_slice %arg19[%dma_start3A_602, %dma_start3A_603] : memref<256x64xf32, #tpu.memory_space<vmem>> -> memref<128x64xf32, #tpu.memory_space<vmem>>
    %dma_start3A_605 = arith.constant 0 : i32
    %dma_start3A_606 = tpu.memref_slice %arg8[%dma_start3A_601, %dma_start3A_605] : memref<4x128xi32, #tpu.memory_space<vmem>> -> memref<1x128xi32, #tpu.memory_space<vmem>>
    %dma_start3A_607 = tpu.memref_squeeze %dma_start3A_606 : memref<1x128xi32, #tpu.memory_space<vmem>> -> memref<128xi32, #tpu.memory_space<vmem>>
    %dma_start3A_608 = arith.constant 0 : i32
    %dma_start3A_609 = arith.constant 0 : i32
    %dma_start3A_610 = tpu.memref_slice %arg6[%dma_start3A_608, %dma_start3A_609] : memref<114688x64xf32, #tpu.memory_space<hbm>> -> memref<114688x64xf32, #tpu.memory_space<hbm>>
    tpu.enqueue_indirect_dma source(%dma_start3A_604 : memref<128x64xf32, #tpu.memory_space<vmem>>) target(%dma_start3A_610 : memref<114688x64xf32, #tpu.memory_space<hbm>>) offsets(%dma_start3A_607 : memref<128xi32, #tpu.memory_space<vmem>>) semaphore(%arg30 : memref<!tpu.dma_semaphore, #tpu.memory_space<semaphore_mem>>)
    %dma_start3A_611 = arith.constant 2 : i32
    %dma_start3A_612 = arith.constant 0 : i32
    %dma_start3A_613 = arith.constant 0 : i32
    %dma_start3A_614 = tpu.memref_slice %arg20[%dma_start3A_612, %dma_start3A_613] : memref<256x64xf32, #tpu.memory_space<vmem>> -> memref<128x64xf32, #tpu.memory_space<vmem>>
    %dma_start3A_615 = arith.constant 0 : i32
    %dma_start3A_616 = tpu.memref_slice %arg8[%dma_start3A_611, %dma_start3A_615] : memref<4x128xi32, #tpu.memory_space<vmem>> -> memref<1x128xi32, #tpu.memory_space<vmem>>
    %dma_start3A_617 = tpu.memref_squeeze %dma_start3A_616 : memref<1x128xi32, #tpu.memory_space<vmem>> -> memref<128xi32, #tpu.memory_space<vmem>>
    %dma_start3A_618 = arith.constant 0 : i32
    %dma_start3A_619 = arith.constant 0 : i32
    %dma_start3A_620 = tpu.memref_slice %arg7[%dma_start3A_618, %dma_start3A_619] : memref<114688x64xf32, #tpu.memory_space<hbm>> -> memref<114688x64xf32, #tpu.memory_space<hbm>>
    tpu.enqueue_indirect_dma source(%dma_start3A_614 : memref<128x64xf32, #tpu.memory_space<vmem>>) target(%dma_start3A_620 : memref<114688x64xf32, #tpu.memory_space<hbm>>) offsets(%dma_start3A_617 : memref<128xi32, #tpu.memory_space<vmem>>) semaphore(%arg30 : memref<!tpu.dma_semaphore, #tpu.memory_space<semaphore_mem>>)
    %dma_start3A_621 = arith.constant 3 : i32
    %dma_start3A_622 = arith.constant 128 : i32
    %dma_start3A_623 = arith.constant 0 : i32
    %dma_start3A_624 = tpu.memref_slice %arg20[%dma_start3A_622, %dma_start3A_623] : memref<256x64xf32, #tpu.memory_space<vmem>> -> memref<128x64xf32, #tpu.memory_space<vmem>>
    %dma_start3A_625 = arith.constant 0 : i32
    %dma_start3A_626 = tpu.memref_slice %arg8[%dma_start3A_621, %dma_start3A_625] : memref<4x128xi32, #tpu.memory_space<vmem>> -> memref<1x128xi32, #tpu.memory_space<vmem>>
    %dma_start3A_627 = tpu.memref_squeeze %dma_start3A_626 : memref<1x128xi32, #tpu.memory_space<vmem>> -> memref<128xi32, #tpu.memory_space<vmem>>
    %dma_start3A_628 = arith.constant 0 : i32
    %dma_start3A_629 = arith.constant 0 : i32
    %dma_start3A_630 = tpu.memref_slice %arg7[%dma_start3A_628, %dma_start3A_629] : memref<114688x64xf32, #tpu.memory_space<hbm>> -> memref<114688x64xf32, #tpu.memory_space<hbm>>
    tpu.enqueue_indirect_dma source(%dma_start3A_624 : memref<128x64xf32, #tpu.memory_space<vmem>>) target(%dma_start3A_630 : memref<114688x64xf32, #tpu.memory_space<hbm>>) offsets(%dma_start3A_627 : memref<128xi32, #tpu.memory_space<vmem>>) semaphore(%arg30 : memref<!tpu.dma_semaphore, #tpu.memory_space<semaphore_mem>>)
    %add3A_631 = arith.constant 32 : i32
    %add3A_632 = arith.addi %add3A, %add3A_631 : i32
    %mul3A_633 = arith.constant 4 : i32
    %mul3A_634 = arith.muli %add3A_632, %mul3A_633 : i32
    %dma_start3A_635 = arith.constant 0 : i32
    %dma_start3A_636 = tpu.memref_slice %arg4[%mul3A_634, %dma_start3A_635] : memref<1792x128xi32, #tpu.memory_space<hbm>> -> memref<4x128xi32, #tpu.memory_space<hbm>>
    %dma_start3A_637 = arith.constant 0 : i32
    %dma_start3A_638 = tpu.memref_slice %arg4[%mul3A_634, %dma_start3A_637] : memref<1792x128xi32, #tpu.memory_space<hbm>> -> memref<4x128xi32, #tpu.memory_space<hbm>>
    tpu.enqueue_dma source(%dma_start3A_638 : memref<4x128xi32, #tpu.memory_space<hbm>>) target(%arg9 : memref<4x128xi32, #tpu.memory_space<vmem>>) target_semaphore(%arg25 : memref<!tpu.dma_semaphore, #tpu.memory_space<semaphore_mem>>)
    %add3A_639 = arith.constant 32 : i32
    %add3A_640 = arith.addi %add3A, %add3A_639 : i32
    %mul3A_641 = arith.constant 4 : i32
    %mul3A_642 = arith.muli %add3A_640, %mul3A_641 : i32
    %dma_wait3A_643 = arith.constant 0 : i32
    %dma_wait3A_644 = tpu.memref_slice %arg4[%mul3A_642, %dma_wait3A_643] : memref<1792x128xi32, #tpu.memory_space<hbm>> -> memref<4x128xi32, #tpu.memory_space<hbm>>
    %dma_wait3A_645 = arith.constant 0 : i32
    %dma_wait3A_646 = tpu.memref_slice %arg4[%mul3A_642, %dma_wait3A_645] : memref<1792x128xi32, #tpu.memory_space<hbm>> -> memref<4x128xi32, #tpu.memory_space<hbm>>
    tpu.wait_dma2 semaphore(%arg25 : memref<!tpu.dma_semaphore, #tpu.memory_space<semaphore_mem>>) src(%dma_wait3A_646 : memref<4x128xi32, #tpu.memory_space<hbm>>) dst(%arg9 : memref<4x128xi32, #tpu.memory_space<vmem>>)
    %dma_start3A_647 = arith.constant 0 : i32
    %dma_start3A_648 = arith.constant 0 : i32
    %dma_start3A_649 = arith.constant 0 : i32
    %dma_start3A_650 = tpu.memref_slice %arg11[%dma_start3A_648, %dma_start3A_649] : memref<256x16xi32, #tpu.memory_space<vmem>> -> memref<128x16xi32, #tpu.memory_space<vmem>>
    %dma_start3A_651 = arith.constant 0 : i32
    %dma_start3A_652 = tpu.memref_slice %arg9[%dma_start3A_647, %dma_start3A_651] : memref<4x128xi32, #tpu.memory_space<vmem>> -> memref<1x128xi32, #tpu.memory_space<vmem>>
    %dma_start3A_653 = tpu.memref_squeeze %dma_start3A_652 : memref<1x128xi32, #tpu.memory_space<vmem>> -> memref<128xi32, #tpu.memory_space<vmem>>
    %dma_start3A_654 = arith.constant 0 : i32
    %dma_start3A_655 = arith.constant 0 : i32
    %dma_start3A_656 = tpu.memref_slice %arg3[%dma_start3A_654, %dma_start3A_655] : memref<100000x16xi32, #tpu.memory_space<hbm>> -> memref<100000x16xi32, #tpu.memory_space<hbm>>
    tpu.enqueue_indirect_dma source(%dma_start3A_656 : memref<100000x16xi32, #tpu.memory_space<hbm>>) target(%dma_start3A_650 : memref<128x16xi32, #tpu.memory_space<vmem>>) offsets(%dma_start3A_653 : memref<128xi32, #tpu.memory_space<vmem>>) semaphore(%arg27 : memref<!tpu.dma_semaphore, #tpu.memory_space<semaphore_mem>>)
    %dma_start3A_657 = arith.constant 1 : i32
    %dma_start3A_658 = arith.constant 128 : i32
    %dma_start3A_659 = arith.constant 0 : i32
    %dma_start3A_660 = tpu.memref_slice %arg11[%dma_start3A_658, %dma_start3A_659] : memref<256x16xi32, #tpu.memory_space<vmem>> -> memref<128x16xi32, #tpu.memory_space<vmem>>
    %dma_start3A_661 = arith.constant 0 : i32
    %dma_start3A_662 = tpu.memref_slice %arg9[%dma_start3A_657, %dma_start3A_661] : memref<4x128xi32, #tpu.memory_space<vmem>> -> memref<1x128xi32, #tpu.memory_space<vmem>>
    %dma_start3A_663 = tpu.memref_squeeze %dma_start3A_662 : memref<1x128xi32, #tpu.memory_space<vmem>> -> memref<128xi32, #tpu.memory_space<vmem>>
    %dma_start3A_664 = arith.constant 0 : i32
    %dma_start3A_665 = arith.constant 0 : i32
    %dma_start3A_666 = tpu.memref_slice %arg3[%dma_start3A_664, %dma_start3A_665] : memref<100000x16xi32, #tpu.memory_space<hbm>> -> memref<100000x16xi32, #tpu.memory_space<hbm>>
    tpu.enqueue_indirect_dma source(%dma_start3A_666 : memref<100000x16xi32, #tpu.memory_space<hbm>>) target(%dma_start3A_660 : memref<128x16xi32, #tpu.memory_space<vmem>>) offsets(%dma_start3A_663 : memref<128xi32, #tpu.memory_space<vmem>>) semaphore(%arg27 : memref<!tpu.dma_semaphore, #tpu.memory_space<semaphore_mem>>)
    %dma_wait3A_667 = arith.constant 0 : i32
    %dma_wait3A_668 = arith.constant 0 : i32
    %dma_wait3A_669 = arith.constant 0 : i32
    %dma_wait3A_670 = tpu.memref_slice %arg11[%dma_wait3A_668, %dma_wait3A_669] : memref<256x16xi32, #tpu.memory_space<vmem>> -> memref<128x16xi32, #tpu.memory_space<vmem>>
    %dma_wait3A_671 = arith.constant 0 : i32
    %dma_wait3A_672 = tpu.memref_slice %arg9[%dma_wait3A_667, %dma_wait3A_671] : memref<4x128xi32, #tpu.memory_space<vmem>> -> memref<1x128xi32, #tpu.memory_space<vmem>>
    %dma_wait3A_673 = tpu.memref_squeeze %dma_wait3A_672 : memref<1x128xi32, #tpu.memory_space<vmem>> -> memref<128xi32, #tpu.memory_space<vmem>>
    %dma_wait3A_674 = arith.constant 0 : i32
    %dma_wait3A_675 = arith.constant 0 : i32
    %dma_wait3A_676 = tpu.memref_slice %arg3[%dma_wait3A_674, %dma_wait3A_675] : memref<100000x16xi32, #tpu.memory_space<hbm>> -> memref<100000x16xi32, #tpu.memory_space<hbm>>
    tpu.wait_indirect_dma semaphore(%arg27 : memref<!tpu.dma_semaphore, #tpu.memory_space<semaphore_mem>>) src(%dma_wait3A_676 : memref<100000x16xi32, #tpu.memory_space<hbm>>) dst(%dma_wait3A_670 : memref<128x16xi32, #tpu.memory_space<vmem>>)
    %dma_wait3A_677 = arith.constant 1 : i32
    %dma_wait3A_678 = arith.constant 128 : i32
    %dma_wait3A_679 = arith.constant 0 : i32
    %dma_wait3A_680 = tpu.memref_slice %arg11[%dma_wait3A_678, %dma_wait3A_679] : memref<256x16xi32, #tpu.memory_space<vmem>> -> memref<128x16xi32, #tpu.memory_space<vmem>>
    %dma_wait3A_681 = arith.constant 0 : i32
    %dma_wait3A_682 = tpu.memref_slice %arg9[%dma_wait3A_677, %dma_wait3A_681] : memref<4x128xi32, #tpu.memory_space<vmem>> -> memref<1x128xi32, #tpu.memory_space<vmem>>
    %dma_wait3A_683 = tpu.memref_squeeze %dma_wait3A_682 : memref<1x128xi32, #tpu.memory_space<vmem>> -> memref<128xi32, #tpu.memory_space<vmem>>
    %dma_wait3A_684 = arith.constant 0 : i32
    %dma_wait3A_685 = arith.constant 0 : i32
    %dma_wait3A_686 = tpu.memref_slice %arg3[%dma_wait3A_684, %dma_wait3A_685] : memref<100000x16xi32, #tpu.memory_space<hbm>> -> memref<100000x16xi32, #tpu.memory_space<hbm>>
    tpu.wait_indirect_dma semaphore(%arg27 : memref<!tpu.dma_semaphore, #tpu.memory_space<semaphore_mem>>) src(%dma_wait3A_686 : memref<100000x16xi32, #tpu.memory_space<hbm>>) dst(%dma_wait3A_680 : memref<128x16xi32, #tpu.memory_space<vmem>>)
    %iota3A_687 = tpu.iota {dimensions = array<i32: 0>} : vector<16xi32>
    %add3A_688 = arith.constant 0 : i32
    %add3A_689 = vector.broadcast %add3A_688 : i32 to vector<16xi32>
    %add3A_690 = arith.addi %iota3A_687, %add3A_689 : vector<16xi32>
    %broadcast_in_dim3A_691 = arith.constant 0 : i32
    %broadcast_in_dim3A_692 = vector.broadcast %broadcast_in_dim3A_691 : i32 to vector<16xi32>
    %gather3A_693 = tpu.vector_load_idx %arg11[%add3A_690, %broadcast_in_dim3A_692] : memref<256x16xi32, #tpu.memory_space<vmem>>[vector<16xi32>, vector<16xi32>], vector<16xi32>,
    %swap3A_694 = arith.constant 0 : i32
    %swap3A_695 = arith.index_cast %swap3A_694 : i32 to index
    %swap3A_696 = arith.constant 0 : index
    %swap3A_697 = tpu.vector_load %arg15[%swap3A_695, %swap3A_696] {strides = array<i32>} : memref<2x128xi32, #tpu.memory_space<vmem>>, vector<16xi32>,
    tpu.vector_store %arg15[%swap3A_695, %swap3A_696], %gather3A_693 {strides = array<i32>} : memref<2x128xi32, #tpu.memory_space<vmem>>, vector<16xi32>,
    %broadcast_in_dim3A_698 = arith.constant 1 : i32
    %broadcast_in_dim3A_699 = vector.broadcast %broadcast_in_dim3A_698 : i32 to vector<16xi32>
    %gather3A_700 = tpu.vector_load_idx %arg11[%add3A_690, %broadcast_in_dim3A_699] : memref<256x16xi32, #tpu.memory_space<vmem>>[vector<16xi32>, vector<16xi32>], vector<16xi32>,
    %swap3A_701 = arith.constant 0 : i32
    %swap3A_702 = arith.index_cast %swap3A_701 : i32 to index
    %swap3A_703 = arith.constant 0 : index
    %swap3A_704 = tpu.vector_load %arg16[%swap3A_702, %swap3A_703] {strides = array<i32>} : memref<2x128xi32, #tpu.memory_space<vmem>>, vector<16xi32>,
    tpu.vector_store %arg16[%swap3A_702, %swap3A_703], %gather3A_700 {strides = array<i32>} : memref<2x128xi32, #tpu.memory_space<vmem>>, vector<16xi32>,
    %broadcast_in_dim3A_705 = arith.constant 2 : i32
    %broadcast_in_dim3A_706 = vector.broadcast %broadcast_in_dim3A_705 : i32 to vector<16xi32>
    %gather3A_707 = tpu.vector_load_idx %arg11[%add3A_690, %broadcast_in_dim3A_706] : memref<256x16xi32, #tpu.memory_space<vmem>>[vector<16xi32>, vector<16xi32>], vector<16xi32>,
    %swap3A_708 = arith.constant 0 : i32
    %swap3A_709 = arith.index_cast %swap3A_708 : i32 to index
    %swap3A_710 = arith.constant 0 : index
    %swap3A_711 = tpu.vector_load %arg17[%swap3A_709, %swap3A_710] {strides = array<i32>} : memref<2x128xi32, #tpu.memory_space<vmem>>, vector<16xi32>,
    tpu.vector_store %arg17[%swap3A_709, %swap3A_710], %gather3A_707 {strides = array<i32>} : memref<2x128xi32, #tpu.memory_space<vmem>>, vector<16xi32>,
    %iota3A_712 = tpu.iota {dimensions = array<i32: 0>} : vector<16xi32>
    %add3A_713 = arith.constant 16 : i32
    %add3A_714 = vector.broadcast %add3A_713 : i32 to vector<16xi32>
    %add3A_715 = arith.addi %iota3A_712, %add3A_714 : vector<16xi32>
    %broadcast_in_dim3A_716 = arith.constant 0 : i32
    %broadcast_in_dim3A_717 = vector.broadcast %broadcast_in_dim3A_716 : i32 to vector<16xi32>
    %gather3A_718 = tpu.vector_load_idx %arg11[%add3A_715, %broadcast_in_dim3A_717] : memref<256x16xi32, #tpu.memory_space<vmem>>[vector<16xi32>, vector<16xi32>], vector<16xi32>,
    %swap3A_719 = arith.constant 0 : i32
    %swap3A_720 = arith.index_cast %swap3A_719 : i32 to index
    %swap3A_721 = arith.constant 16 : index
    %swap3A_722 = tpu.vector_load %arg15[%swap3A_720, %swap3A_721] {strides = array<i32>} : memref<2x128xi32, #tpu.memory_space<vmem>>, vector<16xi32>,
    tpu.vector_store %arg15[%swap3A_720, %swap3A_721], %gather3A_718 {strides = array<i32>} : memref<2x128xi32, #tpu.memory_space<vmem>>, vector<16xi32>,
    %broadcast_in_dim3A_723 = arith.constant 1 : i32
    %broadcast_in_dim3A_724 = vector.broadcast %broadcast_in_dim3A_723 : i32 to vector<16xi32>
    %gather3A_725 = tpu.vector_load_idx %arg11[%add3A_715, %broadcast_in_dim3A_724] : memref<256x16xi32, #tpu.memory_space<vmem>>[vector<16xi32>, vector<16xi32>], vector<16xi32>,
    %swap3A_726 = arith.constant 0 : i32
    %swap3A_727 = arith.index_cast %swap3A_726 : i32 to index
    %swap3A_728 = arith.constant 16 : index
    %swap3A_729 = tpu.vector_load %arg16[%swap3A_727, %swap3A_728] {strides = array<i32>} : memref<2x128xi32, #tpu.memory_space<vmem>>, vector<16xi32>,
    tpu.vector_store %arg16[%swap3A_727, %swap3A_728], %gather3A_725 {strides = array<i32>} : memref<2x128xi32, #tpu.memory_space<vmem>>, vector<16xi32>,
    %broadcast_in_dim3A_730 = arith.constant 2 : i32
    %broadcast_in_dim3A_731 = vector.broadcast %broadcast_in_dim3A_730 : i32 to vector<16xi32>
    %gather3A_732 = tpu.vector_load_idx %arg11[%add3A_715, %broadcast_in_dim3A_731] : memref<256x16xi32, #tpu.memory_space<vmem>>[vector<16xi32>, vector<16xi32>], vector<16xi32>,
    %swap3A_733 = arith.constant 0 : i32
    %swap3A_734 = arith.index_cast %swap3A_733 : i32 to index
    %swap3A_735 = arith.constant 16 : index
    %swap3A_736 = tpu.vector_load %arg17[%swap3A_734, %swap3A_735] {strides = array<i32>} : memref<2x128xi32, #tpu.memory_space<vmem>>, vector<16xi32>,
    tpu.vector_store %arg17[%swap3A_734, %swap3A_735], %gather3A_732 {strides = array<i32>} : memref<2x128xi32, #tpu.memory_space<vmem>>, vector<16xi32>,
    %iota3A_737 = tpu.iota {dimensions = array<i32: 0>} : vector<16xi32>
    %add3A_738 = arith.constant 32 : i32
    %add3A_739 = vector.broadcast %add3A_738 : i32 to vector<16xi32>
    %add3A_740 = arith.addi %iota3A_737, %add3A_739 : vector<16xi32>
    %broadcast_in_dim3A_741 = arith.constant 0 : i32
    %broadcast_in_dim3A_742 = vector.broadcast %broadcast_in_dim3A_741 : i32 to vector<16xi32>
    %gather3A_743 = tpu.vector_load_idx %arg11[%add3A_740, %broadcast_in_dim3A_742] : memref<256x16xi32, #tpu.memory_space<vmem>>[vector<16xi32>, vector<16xi32>], vector<16xi32>,
    %swap3A_744 = arith.constant 0 : i32
    %swap3A_745 = arith.index_cast %swap3A_744 : i32 to index
    %swap3A_746 = arith.constant 32 : index
    %swap3A_747 = tpu.vector_load %arg15[%swap3A_745, %swap3A_746] {strides = array<i32>} : memref<2x128xi32, #tpu.memory_space<vmem>>, vector<16xi32>,
    tpu.vector_store %arg15[%swap3A_745, %swap3A_746], %gather3A_743 {strides = array<i32>} : memref<2x128xi32, #tpu.memory_space<vmem>>, vector<16xi32>,
    %broadcast_in_dim3A_748 = arith.constant 1 : i32
    %broadcast_in_dim3A_749 = vector.broadcast %broadcast_in_dim3A_748 : i32 to vector<16xi32>
    %gather3A_750 = tpu.vector_load_idx %arg11[%add3A_740, %broadcast_in_dim3A_749] : memref<256x16xi32, #tpu.memory_space<vmem>>[vector<16xi32>, vector<16xi32>], vector<16xi32>,
    %swap3A_751 = arith.constant 0 : i32
    %swap3A_752 = arith.index_cast %swap3A_751 : i32 to index
    %swap3A_753 = arith.constant 32 : index
    %swap3A_754 = tpu.vector_load %arg16[%swap3A_752, %swap3A_753] {strides = array<i32>} : memref<2x128xi32, #tpu.memory_space<vmem>>, vector<16xi32>,
    tpu.vector_store %arg16[%swap3A_752, %swap3A_753], %gather3A_750 {strides = array<i32>} : memref<2x128xi32, #tpu.memory_space<vmem>>, vector<16xi32>,
    %broadcast_in_dim3A_755 = arith.constant 2 : i32
    %broadcast_in_dim3A_756 = vector.broadcast %broadcast_in_dim3A_755 : i32 to vector<16xi32>
    %gather3A_757 = tpu.vector_load_idx %arg11[%add3A_740, %broadcast_in_dim3A_756] : memref<256x16xi32, #tpu.memory_space<vmem>>[vector<16xi32>, vector<16xi32>], vector<16xi32>,
    %swap3A_758 = arith.constant 0 : i32
    %swap3A_759 = arith.index_cast %swap3A_758 : i32 to index
    %swap3A_760 = arith.constant 32 : index
    %swap3A_761 = tpu.vector_load %arg17[%swap3A_759, %swap3A_760] {strides = array<i32>} : memref<2x128xi32, #tpu.memory_space<vmem>>, vector<16xi32>,
    tpu.vector_store %arg17[%swap3A_759, %swap3A_760], %gather3A_757 {strides = array<i32>} : memref<2x128xi32, #tpu.memory_space<vmem>>, vector<16xi32>,
    %iota3A_762 = tpu.iota {dimensions = array<i32: 0>} : vector<16xi32>
    %add3A_763 = arith.constant 48 : i32
    %add3A_764 = vector.broadcast %add3A_763 : i32 to vector<16xi32>
    %add3A_765 = arith.addi %iota3A_762, %add3A_764 : vector<16xi32>
    %broadcast_in_dim3A_766 = arith.constant 0 : i32
    %broadcast_in_dim3A_767 = vector.broadcast %broadcast_in_dim3A_766 : i32 to vector<16xi32>
    %gather3A_768 = tpu.vector_load_idx %arg11[%add3A_765, %broadcast_in_dim3A_767] : memref<256x16xi32, #tpu.memory_space<vmem>>[vector<16xi32>, vector<16xi32>], vector<16xi32>,
    %swap3A_769 = arith.constant 0 : i32
    %swap3A_770 = arith.index_cast %swap3A_769 : i32 to index
    %swap3A_771 = arith.constant 48 : index
    %swap3A_772 = tpu.vector_load %arg15[%swap3A_770, %swap3A_771] {strides = array<i32>} : memref<2x128xi32, #tpu.memory_space<vmem>>, vector<16xi32>,
    tpu.vector_store %arg15[%swap3A_770, %swap3A_771], %gather3A_768 {strides = array<i32>} : memref<2x128xi32, #tpu.memory_space<vmem>>, vector<16xi32>,
    %broadcast_in_dim3A_773 = arith.constant 1 : i32
    %broadcast_in_dim3A_774 = vector.broadcast %broadcast_in_dim3A_773 : i32 to vector<16xi32>
    %gather3A_775 = tpu.vector_load_idx %arg11[%add3A_765, %broadcast_in_dim3A_774] : memref<256x16xi32, #tpu.memory_space<vmem>>[vector<16xi32>, vector<16xi32>], vector<16xi32>,
    %swap3A_776 = arith.constant 0 : i32
    %swap3A_777 = arith.index_cast %swap3A_776 : i32 to index
    %swap3A_778 = arith.constant 48 : index
    %swap3A_779 = tpu.vector_load %arg16[%swap3A_777, %swap3A_778] {strides = array<i32>} : memref<2x128xi32, #tpu.memory_space<vmem>>, vector<16xi32>,
    tpu.vector_store %arg16[%swap3A_777, %swap3A_778], %gather3A_775 {strides = array<i32>} : memref<2x128xi32, #tpu.memory_space<vmem>>, vector<16xi32>,
    %broadcast_in_dim3A_780 = arith.constant 2 : i32
    %broadcast_in_dim3A_781 = vector.broadcast %broadcast_in_dim3A_780 : i32 to vector<16xi32>
    %gather3A_782 = tpu.vector_load_idx %arg11[%add3A_765, %broadcast_in_dim3A_781] : memref<256x16xi32, #tpu.memory_space<vmem>>[vector<16xi32>, vector<16xi32>], vector<16xi32>,
    %swap3A_783 = arith.constant 0 : i32
    %swap3A_784 = arith.index_cast %swap3A_783 : i32 to index
    %swap3A_785 = arith.constant 48 : index
    %swap3A_786 = tpu.vector_load %arg17[%swap3A_784, %swap3A_785] {strides = array<i32>} : memref<2x128xi32, #tpu.memory_space<vmem>>, vector<16xi32>,
    tpu.vector_store %arg17[%swap3A_784, %swap3A_785], %gather3A_782 {strides = array<i32>} : memref<2x128xi32, #tpu.memory_space<vmem>>, vector<16xi32>,
    %iota3A_787 = tpu.iota {dimensions = array<i32: 0>} : vector<16xi32>
    %add3A_788 = arith.constant 64 : i32
    %add3A_789 = vector.broadcast %add3A_788 : i32 to vector<16xi32>
    %add3A_790 = arith.addi %iota3A_787, %add3A_789 : vector<16xi32>
    %broadcast_in_dim3A_791 = arith.constant 0 : i32
    %broadcast_in_dim3A_792 = vector.broadcast %broadcast_in_dim3A_791 : i32 to vector<16xi32>
    %gather3A_793 = tpu.vector_load_idx %arg11[%add3A_790, %broadcast_in_dim3A_792] : memref<256x16xi32, #tpu.memory_space<vmem>>[vector<16xi32>, vector<16xi32>], vector<16xi32>,
    %swap3A_794 = arith.constant 0 : i32
    %swap3A_795 = arith.index_cast %swap3A_794 : i32 to index
    %swap3A_796 = arith.constant 64 : index
    %swap3A_797 = tpu.vector_load %arg15[%swap3A_795, %swap3A_796] {strides = array<i32>} : memref<2x128xi32, #tpu.memory_space<vmem>>, vector<16xi32>,
    tpu.vector_store %arg15[%swap3A_795, %swap3A_796], %gather3A_793 {strides = array<i32>} : memref<2x128xi32, #tpu.memory_space<vmem>>, vector<16xi32>,
    %broadcast_in_dim3A_798 = arith.constant 1 : i32
    %broadcast_in_dim3A_799 = vector.broadcast %broadcast_in_dim3A_798 : i32 to vector<16xi32>
    %gather3A_800 = tpu.vector_load_idx %arg11[%add3A_790, %broadcast_in_dim3A_799] : memref<256x16xi32, #tpu.memory_space<vmem>>[vector<16xi32>, vector<16xi32>], vector<16xi32>,
    %swap3A_801 = arith.constant 0 : i32
    %swap3A_802 = arith.index_cast %swap3A_801 : i32 to index
    %swap3A_803 = arith.constant 64 : index
    %swap3A_804 = tpu.vector_load %arg16[%swap3A_802, %swap3A_803] {strides = array<i32>} : memref<2x128xi32, #tpu.memory_space<vmem>>, vector<16xi32>,
    tpu.vector_store %arg16[%swap3A_802, %swap3A_803], %gather3A_800 {strides = array<i32>} : memref<2x128xi32, #tpu.memory_space<vmem>>, vector<16xi32>,
    %broadcast_in_dim3A_805 = arith.constant 2 : i32
    %broadcast_in_dim3A_806 = vector.broadcast %broadcast_in_dim3A_805 : i32 to vector<16xi32>
    %gather3A_807 = tpu.vector_load_idx %arg11[%add3A_790, %broadcast_in_dim3A_806] : memref<256x16xi32, #tpu.memory_space<vmem>>[vector<16xi32>, vector<16xi32>], vector<16xi32>,
    %swap3A_808 = arith.constant 0 : i32
    %swap3A_809 = arith.index_cast %swap3A_808 : i32 to index
    %swap3A_810 = arith.constant 64 : index
    %swap3A_811 = tpu.vector_load %arg17[%swap3A_809, %swap3A_810] {strides = array<i32>} : memref<2x128xi32, #tpu.memory_space<vmem>>, vector<16xi32>,
    tpu.vector_store %arg17[%swap3A_809, %swap3A_810], %gather3A_807 {strides = array<i32>} : memref<2x128xi32, #tpu.memory_space<vmem>>, vector<16xi32>,
    %iota3A_812 = tpu.iota {dimensions = array<i32: 0>} : vector<16xi32>
    %add3A_813 = arith.constant 80 : i32
    %add3A_814 = vector.broadcast %add3A_813 : i32 to vector<16xi32>
    %add3A_815 = arith.addi %iota3A_812, %add3A_814 : vector<16xi32>
    %broadcast_in_dim3A_816 = arith.constant 0 : i32
    %broadcast_in_dim3A_817 = vector.broadcast %broadcast_in_dim3A_816 : i32 to vector<16xi32>
    %gather3A_818 = tpu.vector_load_idx %arg11[%add3A_815, %broadcast_in_dim3A_817] : memref<256x16xi32, #tpu.memory_space<vmem>>[vector<16xi32>, vector<16xi32>], vector<16xi32>,
    %swap3A_819 = arith.constant 0 : i32
    %swap3A_820 = arith.index_cast %swap3A_819 : i32 to index
    %swap3A_821 = arith.constant 80 : index
    %swap3A_822 = tpu.vector_load %arg15[%swap3A_820, %swap3A_821] {strides = array<i32>} : memref<2x128xi32, #tpu.memory_space<vmem>>, vector<16xi32>,
    tpu.vector_store %arg15[%swap3A_820, %swap3A_821], %gather3A_818 {strides = array<i32>} : memref<2x128xi32, #tpu.memory_space<vmem>>, vector<16xi32>,
    %broadcast_in_dim3A_823 = arith.constant 1 : i32
    %broadcast_in_dim3A_824 = vector.broadcast %broadcast_in_dim3A_823 : i32 to vector<16xi32>
    %gather3A_825 = tpu.vector_load_idx %arg11[%add3A_815, %broadcast_in_dim3A_824] : memref<256x16xi32, #tpu.memory_space<vmem>>[vector<16xi32>, vector<16xi32>], vector<16xi32>,
    %swap3A_826 = arith.constant 0 : i32
    %swap3A_827 = arith.index_cast %swap3A_826 : i32 to index
    %swap3A_828 = arith.constant 80 : index
    %swap3A_829 = tpu.vector_load %arg16[%swap3A_827, %swap3A_828] {strides = array<i32>} : memref<2x128xi32, #tpu.memory_space<vmem>>, vector<16xi32>,
    tpu.vector_store %arg16[%swap3A_827, %swap3A_828], %gather3A_825 {strides = array<i32>} : memref<2x128xi32, #tpu.memory_space<vmem>>, vector<16xi32>,
    %broadcast_in_dim3A_830 = arith.constant 2 : i32
    %broadcast_in_dim3A_831 = vector.broadcast %broadcast_in_dim3A_830 : i32 to vector<16xi32>
    %gather3A_832 = tpu.vector_load_idx %arg11[%add3A_815, %broadcast_in_dim3A_831] : memref<256x16xi32, #tpu.memory_space<vmem>>[vector<16xi32>, vector<16xi32>], vector<16xi32>,
    %swap3A_833 = arith.constant 0 : i32
    %swap3A_834 = arith.index_cast %swap3A_833 : i32 to index
    %swap3A_835 = arith.constant 80 : index
    %swap3A_836 = tpu.vector_load %arg17[%swap3A_834, %swap3A_835] {strides = array<i32>} : memref<2x128xi32, #tpu.memory_space<vmem>>, vector<16xi32>,
    tpu.vector_store %arg17[%swap3A_834, %swap3A_835], %gather3A_832 {strides = array<i32>} : memref<2x128xi32, #tpu.memory_space<vmem>>, vector<16xi32>,
    %iota3A_837 = tpu.iota {dimensions = array<i32: 0>} : vector<16xi32>
    %add3A_838 = arith.constant 96 : i32
    %add3A_839 = vector.broadcast %add3A_838 : i32 to vector<16xi32>
    %add3A_840 = arith.addi %iota3A_837, %add3A_839 : vector<16xi32>
    %broadcast_in_dim3A_841 = arith.constant 0 : i32
    %broadcast_in_dim3A_842 = vector.broadcast %broadcast_in_dim3A_841 : i32 to vector<16xi32>
    %gather3A_843 = tpu.vector_load_idx %arg11[%add3A_840, %broadcast_in_dim3A_842] : memref<256x16xi32, #tpu.memory_space<vmem>>[vector<16xi32>, vector<16xi32>], vector<16xi32>,
    %swap3A_844 = arith.constant 0 : i32
    %swap3A_845 = arith.index_cast %swap3A_844 : i32 to index
    %swap3A_846 = arith.constant 96 : index
    %swap3A_847 = tpu.vector_load %arg15[%swap3A_845, %swap3A_846] {strides = array<i32>} : memref<2x128xi32, #tpu.memory_space<vmem>>, vector<16xi32>,
    tpu.vector_store %arg15[%swap3A_845, %swap3A_846], %gather3A_843 {strides = array<i32>} : memref<2x128xi32, #tpu.memory_space<vmem>>, vector<16xi32>,
    %broadcast_in_dim3A_848 = arith.constant 1 : i32
    %broadcast_in_dim3A_849 = vector.broadcast %broadcast_in_dim3A_848 : i32 to vector<16xi32>
    %gather3A_850 = tpu.vector_load_idx %arg11[%add3A_840, %broadcast_in_dim3A_849] : memref<256x16xi32, #tpu.memory_space<vmem>>[vector<16xi32>, vector<16xi32>], vector<16xi32>,
    %swap3A_851 = arith.constant 0 : i32
    %swap3A_852 = arith.index_cast %swap3A_851 : i32 to index
    %swap3A_853 = arith.constant 96 : index
    %swap3A_854 = tpu.vector_load %arg16[%swap3A_852, %swap3A_853] {strides = array<i32>} : memref<2x128xi32, #tpu.memory_space<vmem>>, vector<16xi32>,
    tpu.vector_store %arg16[%swap3A_852, %swap3A_853], %gather3A_850 {strides = array<i32>} : memref<2x128xi32, #tpu.memory_space<vmem>>, vector<16xi32>,
    %broadcast_in_dim3A_855 = arith.constant 2 : i32
    %broadcast_in_dim3A_856 = vector.broadcast %broadcast_in_dim3A_855 : i32 to vector<16xi32>
    %gather3A_857 = tpu.vector_load_idx %arg11[%add3A_840, %broadcast_in_dim3A_856] : memref<256x16xi32, #tpu.memory_space<vmem>>[vector<16xi32>, vector<16xi32>], vector<16xi32>,
    %swap3A_858 = arith.constant 0 : i32
    %swap3A_859 = arith.index_cast %swap3A_858 : i32 to index
    %swap3A_860 = arith.constant 96 : index
    %swap3A_861 = tpu.vector_load %arg17[%swap3A_859, %swap3A_860] {strides = array<i32>} : memref<2x128xi32, #tpu.memory_space<vmem>>, vector<16xi32>,
    tpu.vector_store %arg17[%swap3A_859, %swap3A_860], %gather3A_857 {strides = array<i32>} : memref<2x128xi32, #tpu.memory_space<vmem>>, vector<16xi32>,
    %iota3A_862 = tpu.iota {dimensions = array<i32: 0>} : vector<16xi32>
    %add3A_863 = arith.constant 112 : i32
    %add3A_864 = vector.broadcast %add3A_863 : i32 to vector<16xi32>
    %add3A_865 = arith.addi %iota3A_862, %add3A_864 : vector<16xi32>
    %broadcast_in_dim3A_866 = arith.constant 0 : i32
    %broadcast_in_dim3A_867 = vector.broadcast %broadcast_in_dim3A_866 : i32 to vector<16xi32>
    %gather3A_868 = tpu.vector_load_idx %arg11[%add3A_865, %broadcast_in_dim3A_867] : memref<256x16xi32, #tpu.memory_space<vmem>>[vector<16xi32>, vector<16xi32>], vector<16xi32>,
    %swap3A_869 = arith.constant 0 : i32
    %swap3A_870 = arith.index_cast %swap3A_869 : i32 to index
    %swap3A_871 = arith.constant 112 : index
    %swap3A_872 = tpu.vector_load %arg15[%swap3A_870, %swap3A_871] {strides = array<i32>} : memref<2x128xi32, #tpu.memory_space<vmem>>, vector<16xi32>,
    tpu.vector_store %arg15[%swap3A_870, %swap3A_871], %gather3A_868 {strides = array<i32>} : memref<2x128xi32, #tpu.memory_space<vmem>>, vector<16xi32>,
    %broadcast_in_dim3A_873 = arith.constant 1 : i32
    %broadcast_in_dim3A_874 = vector.broadcast %broadcast_in_dim3A_873 : i32 to vector<16xi32>
    %gather3A_875 = tpu.vector_load_idx %arg11[%add3A_865, %broadcast_in_dim3A_874] : memref<256x16xi32, #tpu.memory_space<vmem>>[vector<16xi32>, vector<16xi32>], vector<16xi32>,
    %swap3A_876 = arith.constant 0 : i32
    %swap3A_877 = arith.index_cast %swap3A_876 : i32 to index
    %swap3A_878 = arith.constant 112 : index
    %swap3A_879 = tpu.vector_load %arg16[%swap3A_877, %swap3A_878] {strides = array<i32>} : memref<2x128xi32, #tpu.memory_space<vmem>>, vector<16xi32>,
    tpu.vector_store %arg16[%swap3A_877, %swap3A_878], %gather3A_875 {strides = array<i32>} : memref<2x128xi32, #tpu.memory_space<vmem>>, vector<16xi32>,
    %broadcast_in_dim3A_880 = arith.constant 2 : i32
    %broadcast_in_dim3A_881 = vector.broadcast %broadcast_in_dim3A_880 : i32 to vector<16xi32>
    %gather3A_882 = tpu.vector_load_idx %arg11[%add3A_865, %broadcast_in_dim3A_881] : memref<256x16xi32, #tpu.memory_space<vmem>>[vector<16xi32>, vector<16xi32>], vector<16xi32>,
    %swap3A_883 = arith.constant 0 : i32
    %swap3A_884 = arith.index_cast %swap3A_883 : i32 to index
    %swap3A_885 = arith.constant 112 : index
    %swap3A_886 = tpu.vector_load %arg17[%swap3A_884, %swap3A_885] {strides = array<i32>} : memref<2x128xi32, #tpu.memory_space<vmem>>, vector<16xi32>,
    tpu.vector_store %arg17[%swap3A_884, %swap3A_885], %gather3A_882 {strides = array<i32>} : memref<2x128xi32, #tpu.memory_space<vmem>>, vector<16xi32>,
    %iota3A_887 = tpu.iota {dimensions = array<i32: 0>} : vector<16xi32>
    %add3A_888 = arith.constant 128 : i32
    %add3A_889 = vector.broadcast %add3A_888 : i32 to vector<16xi32>
    %add3A_890 = arith.addi %iota3A_887, %add3A_889 : vector<16xi32>
    %broadcast_in_dim3A_891 = arith.constant 0 : i32
    %broadcast_in_dim3A_892 = vector.broadcast %broadcast_in_dim3A_891 : i32 to vector<16xi32>
    %gather3A_893 = tpu.vector_load_idx %arg11[%add3A_890, %broadcast_in_dim3A_892] : memref<256x16xi32, #tpu.memory_space<vmem>>[vector<16xi32>, vector<16xi32>], vector<16xi32>,
    %swap3A_894 = arith.constant 1 : i32
    %swap3A_895 = arith.index_cast %swap3A_894 : i32 to index
    %swap3A_896 = arith.constant 0 : index
    %swap3A_897 = tpu.vector_load %arg15[%swap3A_895, %swap3A_896] {strides = array<i32>} : memref<2x128xi32, #tpu.memory_space<vmem>>, vector<16xi32>,
    tpu.vector_store %arg15[%swap3A_895, %swap3A_896], %gather3A_893 {strides = array<i32>} : memref<2x128xi32, #tpu.memory_space<vmem>>, vector<16xi32>,
    %broadcast_in_dim3A_898 = arith.constant 1 : i32
    %broadcast_in_dim3A_899 = vector.broadcast %broadcast_in_dim3A_898 : i32 to vector<16xi32>
    %gather3A_900 = tpu.vector_load_idx %arg11[%add3A_890, %broadcast_in_dim3A_899] : memref<256x16xi32, #tpu.memory_space<vmem>>[vector<16xi32>, vector<16xi32>], vector<16xi32>,
    %swap3A_901 = arith.constant 1 : i32
    %swap3A_902 = arith.index_cast %swap3A_901 : i32 to index
    %swap3A_903 = arith.constant 0 : index
    %swap3A_904 = tpu.vector_load %arg16[%swap3A_902, %swap3A_903] {strides = array<i32>} : memref<2x128xi32, #tpu.memory_space<vmem>>, vector<16xi32>,
    tpu.vector_store %arg16[%swap3A_902, %swap3A_903], %gather3A_900 {strides = array<i32>} : memref<2x128xi32, #tpu.memory_space<vmem>>, vector<16xi32>,
    %broadcast_in_dim3A_905 = arith.constant 2 : i32
    %broadcast_in_dim3A_906 = vector.broadcast %broadcast_in_dim3A_905 : i32 to vector<16xi32>
    %gather3A_907 = tpu.vector_load_idx %arg11[%add3A_890, %broadcast_in_dim3A_906] : memref<256x16xi32, #tpu.memory_space<vmem>>[vector<16xi32>, vector<16xi32>], vector<16xi32>,
    %swap3A_908 = arith.constant 1 : i32
    %swap3A_909 = arith.index_cast %swap3A_908 : i32 to index
    %swap3A_910 = arith.constant 0 : index
    %swap3A_911 = tpu.vector_load %arg17[%swap3A_909, %swap3A_910] {strides = array<i32>} : memref<2x128xi32, #tpu.memory_space<vmem>>, vector<16xi32>,
    tpu.vector_store %arg17[%swap3A_909, %swap3A_910], %gather3A_907 {strides = array<i32>} : memref<2x128xi32, #tpu.memory_space<vmem>>, vector<16xi32>,
    %iota3A_912 = tpu.iota {dimensions = array<i32: 0>} : vector<16xi32>
    %add3A_913 = arith.constant 144 : i32
    %add3A_914 = vector.broadcast %add3A_913 : i32 to vector<16xi32>
    %add3A_915 = arith.addi %iota3A_912, %add3A_914 : vector<16xi32>
    %broadcast_in_dim3A_916 = arith.constant 0 : i32
    %broadcast_in_dim3A_917 = vector.broadcast %broadcast_in_dim3A_916 : i32 to vector<16xi32>
    %gather3A_918 = tpu.vector_load_idx %arg11[%add3A_915, %broadcast_in_dim3A_917] : memref<256x16xi32, #tpu.memory_space<vmem>>[vector<16xi32>, vector<16xi32>], vector<16xi32>,
    %swap3A_919 = arith.constant 1 : i32
    %swap3A_920 = arith.index_cast %swap3A_919 : i32 to index
    %swap3A_921 = arith.constant 16 : index
    %swap3A_922 = tpu.vector_load %arg15[%swap3A_920, %swap3A_921] {strides = array<i32>} : memref<2x128xi32, #tpu.memory_space<vmem>>, vector<16xi32>,
    tpu.vector_store %arg15[%swap3A_920, %swap3A_921], %gather3A_918 {strides = array<i32>} : memref<2x128xi32, #tpu.memory_space<vmem>>, vector<16xi32>,
    %broadcast_in_dim3A_923 = arith.constant 1 : i32
    %broadcast_in_dim3A_924 = vector.broadcast %broadcast_in_dim3A_923 : i32 to vector<16xi32>
    %gather3A_925 = tpu.vector_load_idx %arg11[%add3A_915, %broadcast_in_dim3A_924] : memref<256x16xi32, #tpu.memory_space<vmem>>[vector<16xi32>, vector<16xi32>], vector<16xi32>,
    %swap3A_926 = arith.constant 1 : i32
    %swap3A_927 = arith.index_cast %swap3A_926 : i32 to index
    %swap3A_928 = arith.constant 16 : index
    %swap3A_929 = tpu.vector_load %arg16[%swap3A_927, %swap3A_928] {strides = array<i32>} : memref<2x128xi32, #tpu.memory_space<vmem>>, vector<16xi32>,
    tpu.vector_store %arg16[%swap3A_927, %swap3A_928], %gather3A_925 {strides = array<i32>} : memref<2x128xi32, #tpu.memory_space<vmem>>, vector<16xi32>,
    %broadcast_in_dim3A_930 = arith.constant 2 : i32
    %broadcast_in_dim3A_931 = vector.broadcast %broadcast_in_dim3A_930 : i32 to vector<16xi32>
    %gather3A_932 = tpu.vector_load_idx %arg11[%add3A_915, %broadcast_in_dim3A_931] : memref<256x16xi32, #tpu.memory_space<vmem>>[vector<16xi32>, vector<16xi32>], vector<16xi32>,
    %swap3A_933 = arith.constant 1 : i32
    %swap3A_934 = arith.index_cast %swap3A_933 : i32 to index
    %swap3A_935 = arith.constant 16 : index
    %swap3A_936 = tpu.vector_load %arg17[%swap3A_934, %swap3A_935] {strides = array<i32>} : memref<2x128xi32, #tpu.memory_space<vmem>>, vector<16xi32>,
    tpu.vector_store %arg17[%swap3A_934, %swap3A_935], %gather3A_932 {strides = array<i32>} : memref<2x128xi32, #tpu.memory_space<vmem>>, vector<16xi32>,
    %iota3A_937 = tpu.iota {dimensions = array<i32: 0>} : vector<16xi32>
    %add3A_938 = arith.constant 160 : i32
    %add3A_939 = vector.broadcast %add3A_938 : i32 to vector<16xi32>
    %add3A_940 = arith.addi %iota3A_937, %add3A_939 : vector<16xi32>
    %broadcast_in_dim3A_941 = arith.constant 0 : i32
    %broadcast_in_dim3A_942 = vector.broadcast %broadcast_in_dim3A_941 : i32 to vector<16xi32>
    %gather3A_943 = tpu.vector_load_idx %arg11[%add3A_940, %broadcast_in_dim3A_942] : memref<256x16xi32, #tpu.memory_space<vmem>>[vector<16xi32>, vector<16xi32>], vector<16xi32>,
    %swap3A_944 = arith.constant 1 : i32
    %swap3A_945 = arith.index_cast %swap3A_944 : i32 to index
    %swap3A_946 = arith.constant 32 : index
    %swap3A_947 = tpu.vector_load %arg15[%swap3A_945, %swap3A_946] {strides = array<i32>} : memref<2x128xi32, #tpu.memory_space<vmem>>, vector<16xi32>,
    tpu.vector_store %arg15[%swap3A_945, %swap3A_946], %gather3A_943 {strides = array<i32>} : memref<2x128xi32, #tpu.memory_space<vmem>>, vector<16xi32>,
    %broadcast_in_dim3A_948 = arith.constant 1 : i32
    %broadcast_in_dim3A_949 = vector.broadcast %broadcast_in_dim3A_948 : i32 to vector<16xi32>
    %gather3A_950 = tpu.vector_load_idx %arg11[%add3A_940, %broadcast_in_dim3A_949] : memref<256x16xi32, #tpu.memory_space<vmem>>[vector<16xi32>, vector<16xi32>], vector<16xi32>,
    %swap3A_951 = arith.constant 1 : i32
    %swap3A_952 = arith.index_cast %swap3A_951 : i32 to index
    %swap3A_953 = arith.constant 32 : index
    %swap3A_954 = tpu.vector_load %arg16[%swap3A_952, %swap3A_953] {strides = array<i32>} : memref<2x128xi32, #tpu.memory_space<vmem>>, vector<16xi32>,
    tpu.vector_store %arg16[%swap3A_952, %swap3A_953], %gather3A_950 {strides = array<i32>} : memref<2x128xi32, #tpu.memory_space<vmem>>, vector<16xi32>,
    %broadcast_in_dim3A_955 = arith.constant 2 : i32
    %broadcast_in_dim3A_956 = vector.broadcast %broadcast_in_dim3A_955 : i32 to vector<16xi32>
    %gather3A_957 = tpu.vector_load_idx %arg11[%add3A_940, %broadcast_in_dim3A_956] : memref<256x16xi32, #tpu.memory_space<vmem>>[vector<16xi32>, vector<16xi32>], vector<16xi32>,
    %swap3A_958 = arith.constant 1 : i32
    %swap3A_959 = arith.index_cast %swap3A_958 : i32 to index
    %swap3A_960 = arith.constant 32 : index
    %swap3A_961 = tpu.vector_load %arg17[%swap3A_959, %swap3A_960] {strides = array<i32>} : memref<2x128xi32, #tpu.memory_space<vmem>>, vector<16xi32>,
    tpu.vector_store %arg17[%swap3A_959, %swap3A_960], %gather3A_957 {strides = array<i32>} : memref<2x128xi32, #tpu.memory_space<vmem>>, vector<16xi32>,
    %iota3A_962 = tpu.iota {dimensions = array<i32: 0>} : vector<16xi32>
    %add3A_963 = arith.constant 176 : i32
    %add3A_964 = vector.broadcast %add3A_963 : i32 to vector<16xi32>
    %add3A_965 = arith.addi %iota3A_962, %add3A_964 : vector<16xi32>
    %broadcast_in_dim3A_966 = arith.constant 0 : i32
    %broadcast_in_dim3A_967 = vector.broadcast %broadcast_in_dim3A_966 : i32 to vector<16xi32>
    %gather3A_968 = tpu.vector_load_idx %arg11[%add3A_965, %broadcast_in_dim3A_967] : memref<256x16xi32, #tpu.memory_space<vmem>>[vector<16xi32>, vector<16xi32>], vector<16xi32>,
    %swap3A_969 = arith.constant 1 : i32
    %swap3A_970 = arith.index_cast %swap3A_969 : i32 to index
    %swap3A_971 = arith.constant 48 : index
    %swap3A_972 = tpu.vector_load %arg15[%swap3A_970, %swap3A_971] {strides = array<i32>} : memref<2x128xi32, #tpu.memory_space<vmem>>, vector<16xi32>,
    tpu.vector_store %arg15[%swap3A_970, %swap3A_971], %gather3A_968 {strides = array<i32>} : memref<2x128xi32, #tpu.memory_space<vmem>>, vector<16xi32>,
    %broadcast_in_dim3A_973 = arith.constant 1 : i32
    %broadcast_in_dim3A_974 = vector.broadcast %broadcast_in_dim3A_973 : i32 to vector<16xi32>
    %gather3A_975 = tpu.vector_load_idx %arg11[%add3A_965, %broadcast_in_dim3A_974] : memref<256x16xi32, #tpu.memory_space<vmem>>[vector<16xi32>, vector<16xi32>], vector<16xi32>,
    %swap3A_976 = arith.constant 1 : i32
    %swap3A_977 = arith.index_cast %swap3A_976 : i32 to index
    %swap3A_978 = arith.constant 48 : index
    %swap3A_979 = tpu.vector_load %arg16[%swap3A_977, %swap3A_978] {strides = array<i32>} : memref<2x128xi32, #tpu.memory_space<vmem>>, vector<16xi32>,
    tpu.vector_store %arg16[%swap3A_977, %swap3A_978], %gather3A_975 {strides = array<i32>} : memref<2x128xi32, #tpu.memory_space<vmem>>, vector<16xi32>,
    %broadcast_in_dim3A_980 = arith.constant 2 : i32
    %broadcast_in_dim3A_981 = vector.broadcast %broadcast_in_dim3A_980 : i32 to vector<16xi32>
    %gather3A_982 = tpu.vector_load_idx %arg11[%add3A_965, %broadcast_in_dim3A_981] : memref<256x16xi32, #tpu.memory_space<vmem>>[vector<16xi32>, vector<16xi32>], vector<16xi32>,
    %swap3A_983 = arith.constant 1 : i32
    %swap3A_984 = arith.index_cast %swap3A_983 : i32 to index
    %swap3A_985 = arith.constant 48 : index
    %swap3A_986 = tpu.vector_load %arg17[%swap3A_984, %swap3A_985] {strides = array<i32>} : memref<2x128xi32, #tpu.memory_space<vmem>>, vector<16xi32>,
    tpu.vector_store %arg17[%swap3A_984, %swap3A_985], %gather3A_982 {strides = array<i32>} : memref<2x128xi32, #tpu.memory_space<vmem>>, vector<16xi32>,
    %iota3A_987 = tpu.iota {dimensions = array<i32: 0>} : vector<16xi32>
    %add3A_988 = arith.constant 192 : i32
    %add3A_989 = vector.broadcast %add3A_988 : i32 to vector<16xi32>
    %add3A_990 = arith.addi %iota3A_987, %add3A_989 : vector<16xi32>
    %broadcast_in_dim3A_991 = arith.constant 0 : i32
    %broadcast_in_dim3A_992 = vector.broadcast %broadcast_in_dim3A_991 : i32 to vector<16xi32>
    %gather3A_993 = tpu.vector_load_idx %arg11[%add3A_990, %broadcast_in_dim3A_992] : memref<256x16xi32, #tpu.memory_space<vmem>>[vector<16xi32>, vector<16xi32>], vector<16xi32>,
    %swap3A_994 = arith.constant 1 : i32
    %swap3A_995 = arith.index_cast %swap3A_994 : i32 to index
    %swap3A_996 = arith.constant 64 : index
    %swap3A_997 = tpu.vector_load %arg15[%swap3A_995, %swap3A_996] {strides = array<i32>} : memref<2x128xi32, #tpu.memory_space<vmem>>, vector<16xi32>,
    tpu.vector_store %arg15[%swap3A_995, %swap3A_996], %gather3A_993 {strides = array<i32>} : memref<2x128xi32, #tpu.memory_space<vmem>>, vector<16xi32>,
    %broadcast_in_dim3A_998 = arith.constant 1 : i32
    %broadcast_in_dim3A_999 = vector.broadcast %broadcast_in_dim3A_998 : i32 to vector<16xi32>
    %gather3A_1000 = tpu.vector_load_idx %arg11[%add3A_990, %broadcast_in_dim3A_999] : memref<256x16xi32, #tpu.memory_space<vmem>>[vector<16xi32>, vector<16xi32>], vector<16xi32>,
    %swap3A_1001 = arith.constant 1 : i32
    %swap3A_1002 = arith.index_cast %swap3A_1001 : i32 to index
    %swap3A_1003 = arith.constant 64 : index
    %swap3A_1004 = tpu.vector_load %arg16[%swap3A_1002, %swap3A_1003] {strides = array<i32>} : memref<2x128xi32, #tpu.memory_space<vmem>>, vector<16xi32>,
    tpu.vector_store %arg16[%swap3A_1002, %swap3A_1003], %gather3A_1000 {strides = array<i32>} : memref<2x128xi32, #tpu.memory_space<vmem>>, vector<16xi32>,
    %broadcast_in_dim3A_1005 = arith.constant 2 : i32
    %broadcast_in_dim3A_1006 = vector.broadcast %broadcast_in_dim3A_1005 : i32 to vector<16xi32>
    %gather3A_1007 = tpu.vector_load_idx %arg11[%add3A_990, %broadcast_in_dim3A_1006] : memref<256x16xi32, #tpu.memory_space<vmem>>[vector<16xi32>, vector<16xi32>], vector<16xi32>,
    %swap3A_1008 = arith.constant 1 : i32
    %swap3A_1009 = arith.index_cast %swap3A_1008 : i32 to index
    %swap3A_1010 = arith.constant 64 : index
    %swap3A_1011 = tpu.vector_load %arg17[%swap3A_1009, %swap3A_1010] {strides = array<i32>} : memref<2x128xi32, #tpu.memory_space<vmem>>, vector<16xi32>,
    tpu.vector_store %arg17[%swap3A_1009, %swap3A_1010], %gather3A_1007 {strides = array<i32>} : memref<2x128xi32, #tpu.memory_space<vmem>>, vector<16xi32>,
    %iota3A_1012 = tpu.iota {dimensions = array<i32: 0>} : vector<16xi32>
    %add3A_1013 = arith.constant 208 : i32
    %add3A_1014 = vector.broadcast %add3A_1013 : i32 to vector<16xi32>
    %add3A_1015 = arith.addi %iota3A_1012, %add3A_1014 : vector<16xi32>
    %broadcast_in_dim3A_1016 = arith.constant 0 : i32
    %broadcast_in_dim3A_1017 = vector.broadcast %broadcast_in_dim3A_1016 : i32 to vector<16xi32>
    %gather3A_1018 = tpu.vector_load_idx %arg11[%add3A_1015, %broadcast_in_dim3A_1017] : memref<256x16xi32, #tpu.memory_space<vmem>>[vector<16xi32>, vector<16xi32>], vector<16xi32>,
    %swap3A_1019 = arith.constant 1 : i32
    %swap3A_1020 = arith.index_cast %swap3A_1019 : i32 to index
    %swap3A_1021 = arith.constant 80 : index
    %swap3A_1022 = tpu.vector_load %arg15[%swap3A_1020, %swap3A_1021] {strides = array<i32>} : memref<2x128xi32, #tpu.memory_space<vmem>>, vector<16xi32>,
    tpu.vector_store %arg15[%swap3A_1020, %swap3A_1021], %gather3A_1018 {strides = array<i32>} : memref<2x128xi32, #tpu.memory_space<vmem>>, vector<16xi32>,
    %broadcast_in_dim3A_1023 = arith.constant 1 : i32
    %broadcast_in_dim3A_1024 = vector.broadcast %broadcast_in_dim3A_1023 : i32 to vector<16xi32>
    %gather3A_1025 = tpu.vector_load_idx %arg11[%add3A_1015, %broadcast_in_dim3A_1024] : memref<256x16xi32, #tpu.memory_space<vmem>>[vector<16xi32>, vector<16xi32>], vector<16xi32>,
    %swap3A_1026 = arith.constant 1 : i32
    %swap3A_1027 = arith.index_cast %swap3A_1026 : i32 to index
    %swap3A_1028 = arith.constant 80 : index
    %swap3A_1029 = tpu.vector_load %arg16[%swap3A_1027, %swap3A_1028] {strides = array<i32>} : memref<2x128xi32, #tpu.memory_space<vmem>>, vector<16xi32>,
    tpu.vector_store %arg16[%swap3A_1027, %swap3A_1028], %gather3A_1025 {strides = array<i32>} : memref<2x128xi32, #tpu.memory_space<vmem>>, vector<16xi32>,
    %broadcast_in_dim3A_1030 = arith.constant 2 : i32
    %broadcast_in_dim3A_1031 = vector.broadcast %broadcast_in_dim3A_1030 : i32 to vector<16xi32>
    %gather3A_1032 = tpu.vector_load_idx %arg11[%add3A_1015, %broadcast_in_dim3A_1031] : memref<256x16xi32, #tpu.memory_space<vmem>>[vector<16xi32>, vector<16xi32>], vector<16xi32>,
    %swap3A_1033 = arith.constant 1 : i32
    %swap3A_1034 = arith.index_cast %swap3A_1033 : i32 to index
    %swap3A_1035 = arith.constant 80 : index
    %swap3A_1036 = tpu.vector_load %arg17[%swap3A_1034, %swap3A_1035] {strides = array<i32>} : memref<2x128xi32, #tpu.memory_space<vmem>>, vector<16xi32>,
    tpu.vector_store %arg17[%swap3A_1034, %swap3A_1035], %gather3A_1032 {strides = array<i32>} : memref<2x128xi32, #tpu.memory_space<vmem>>, vector<16xi32>,
    %iota3A_1037 = tpu.iota {dimensions = array<i32: 0>} : vector<16xi32>
    %add3A_1038 = arith.constant 224 : i32
    %add3A_1039 = vector.broadcast %add3A_1038 : i32 to vector<16xi32>
    %add3A_1040 = arith.addi %iota3A_1037, %add3A_1039 : vector<16xi32>
    %broadcast_in_dim3A_1041 = arith.constant 0 : i32
    %broadcast_in_dim3A_1042 = vector.broadcast %broadcast_in_dim3A_1041 : i32 to vector<16xi32>
    %gather3A_1043 = tpu.vector_load_idx %arg11[%add3A_1040, %broadcast_in_dim3A_1042] : memref<256x16xi32, #tpu.memory_space<vmem>>[vector<16xi32>, vector<16xi32>], vector<16xi32>,
    %swap3A_1044 = arith.constant 1 : i32
    %swap3A_1045 = arith.index_cast %swap3A_1044 : i32 to index
    %swap3A_1046 = arith.constant 96 : index
    %swap3A_1047 = tpu.vector_load %arg15[%swap3A_1045, %swap3A_1046] {strides = array<i32>} : memref<2x128xi32, #tpu.memory_space<vmem>>, vector<16xi32>,
    tpu.vector_store %arg15[%swap3A_1045, %swap3A_1046], %gather3A_1043 {strides = array<i32>} : memref<2x128xi32, #tpu.memory_space<vmem>>, vector<16xi32>,
    %broadcast_in_dim3A_1048 = arith.constant 1 : i32
    %broadcast_in_dim3A_1049 = vector.broadcast %broadcast_in_dim3A_1048 : i32 to vector<16xi32>
    %gather3A_1050 = tpu.vector_load_idx %arg11[%add3A_1040, %broadcast_in_dim3A_1049] : memref<256x16xi32, #tpu.memory_space<vmem>>[vector<16xi32>, vector<16xi32>], vector<16xi32>,
    %swap3A_1051 = arith.constant 1 : i32
    %swap3A_1052 = arith.index_cast %swap3A_1051 : i32 to index
    %swap3A_1053 = arith.constant 96 : index
    %swap3A_1054 = tpu.vector_load %arg16[%swap3A_1052, %swap3A_1053] {strides = array<i32>} : memref<2x128xi32, #tpu.memory_space<vmem>>, vector<16xi32>,
    tpu.vector_store %arg16[%swap3A_1052, %swap3A_1053], %gather3A_1050 {strides = array<i32>} : memref<2x128xi32, #tpu.memory_space<vmem>>, vector<16xi32>,
    %broadcast_in_dim3A_1055 = arith.constant 2 : i32
    %broadcast_in_dim3A_1056 = vector.broadcast %broadcast_in_dim3A_1055 : i32 to vector<16xi32>
    %gather3A_1057 = tpu.vector_load_idx %arg11[%add3A_1040, %broadcast_in_dim3A_1056] : memref<256x16xi32, #tpu.memory_space<vmem>>[vector<16xi32>, vector<16xi32>], vector<16xi32>,
    %swap3A_1058 = arith.constant 1 : i32
    %swap3A_1059 = arith.index_cast %swap3A_1058 : i32 to index
    %swap3A_1060 = arith.constant 96 : index
    %swap3A_1061 = tpu.vector_load %arg17[%swap3A_1059, %swap3A_1060] {strides = array<i32>} : memref<2x128xi32, #tpu.memory_space<vmem>>, vector<16xi32>,
    tpu.vector_store %arg17[%swap3A_1059, %swap3A_1060], %gather3A_1057 {strides = array<i32>} : memref<2x128xi32, #tpu.memory_space<vmem>>, vector<16xi32>,
    %iota3A_1062 = tpu.iota {dimensions = array<i32: 0>} : vector<16xi32>
    %add3A_1063 = arith.constant 240 : i32
    %add3A_1064 = vector.broadcast %add3A_1063 : i32 to vector<16xi32>
    %add3A_1065 = arith.addi %iota3A_1062, %add3A_1064 : vector<16xi32>
    %broadcast_in_dim3A_1066 = arith.constant 0 : i32
    %broadcast_in_dim3A_1067 = vector.broadcast %broadcast_in_dim3A_1066 : i32 to vector<16xi32>
    %gather3A_1068 = tpu.vector_load_idx %arg11[%add3A_1065, %broadcast_in_dim3A_1067] : memref<256x16xi32, #tpu.memory_space<vmem>>[vector<16xi32>, vector<16xi32>], vector<16xi32>,
    %swap3A_1069 = arith.constant 1 : i32
    %swap3A_1070 = arith.index_cast %swap3A_1069 : i32 to index
    %swap3A_1071 = arith.constant 112 : index
    %swap3A_1072 = tpu.vector_load %arg15[%swap3A_1070, %swap3A_1071] {strides = array<i32>} : memref<2x128xi32, #tpu.memory_space<vmem>>, vector<16xi32>,
    tpu.vector_store %arg15[%swap3A_1070, %swap3A_1071], %gather3A_1068 {strides = array<i32>} : memref<2x128xi32, #tpu.memory_space<vmem>>, vector<16xi32>,
    %broadcast_in_dim3A_1073 = arith.constant 1 : i32
    %broadcast_in_dim3A_1074 = vector.broadcast %broadcast_in_dim3A_1073 : i32 to vector<16xi32>
    %gather3A_1075 = tpu.vector_load_idx %arg11[%add3A_1065, %broadcast_in_dim3A_1074] : memref<256x16xi32, #tpu.memory_space<vmem>>[vector<16xi32>, vector<16xi32>], vector<16xi32>,
    %swap3A_1076 = arith.constant 1 : i32
    %swap3A_1077 = arith.index_cast %swap3A_1076 : i32 to index
    %swap3A_1078 = arith.constant 112 : index
    %swap3A_1079 = tpu.vector_load %arg16[%swap3A_1077, %swap3A_1078] {strides = array<i32>} : memref<2x128xi32, #tpu.memory_space<vmem>>, vector<16xi32>,
    tpu.vector_store %arg16[%swap3A_1077, %swap3A_1078], %gather3A_1075 {strides = array<i32>} : memref<2x128xi32, #tpu.memory_space<vmem>>, vector<16xi32>,
    %broadcast_in_dim3A_1080 = arith.constant 2 : i32
    %broadcast_in_dim3A_1081 = vector.broadcast %broadcast_in_dim3A_1080 : i32 to vector<16xi32>
    %gather3A_1082 = tpu.vector_load_idx %arg11[%add3A_1065, %broadcast_in_dim3A_1081] : memref<256x16xi32, #tpu.memory_space<vmem>>[vector<16xi32>, vector<16xi32>], vector<16xi32>,
    %swap3A_1083 = arith.constant 1 : i32
    %swap3A_1084 = arith.index_cast %swap3A_1083 : i32 to index
    %swap3A_1085 = arith.constant 112 : index
    %swap3A_1086 = tpu.vector_load %arg17[%swap3A_1084, %swap3A_1085] {strides = array<i32>} : memref<2x128xi32, #tpu.memory_space<vmem>>, vector<16xi32>,
    tpu.vector_store %arg17[%swap3A_1084, %swap3A_1085], %gather3A_1082 {strides = array<i32>} : memref<2x128xi32, #tpu.memory_space<vmem>>, vector<16xi32>,
    %scan3A = arith.constant 0 : i32
    %scan3A_1087 = arith.constant 0 : i32
    %scan3A_1088 = arith.constant 6 : i32
    %scan3A_1089 = arith.addi %scan3A_1087, %scan3A_1088 : i32
    %scan3A_1090 = arith.constant 1 : i32
    scf.for %scan3A_1152 = %scan3A_1087 to %scan3A_1089 step %scan3A_1090  : i32 {
      %mul3A_1153 = arith.constant 2 : i32
      %mul3A_1154 = arith.muli %mul3A_1153, %scan3A_1152 : i32
      %add3A_1155 = arith.constant 1 : i32
      %add3A_1156 = arith.addi %add3A_1155, %mul3A_1154 : i32
      %dma_start3A_1157 = arith.constant 0 : i32
      %dma_start3A_1158 = arith.constant 0 : i32
      %dma_start3A_1159 = arith.constant 0 : i32
      %dma_start3A_1160 = tpu.memref_slice %arg21[%dma_start3A_1158, %dma_start3A_1159] : memref<256x64xf32, #tpu.memory_space<vmem>> -> memref<128x64xf32, #tpu.memory_space<vmem>>
      %dma_start3A_1161 = arith.constant 0 : i32
      %dma_start3A_1162 = tpu.memref_slice %arg15[%dma_start3A_1157, %dma_start3A_1161] : memref<2x128xi32, #tpu.memory_space<vmem>> -> memref<1x128xi32, #tpu.memory_space<vmem>>
      %dma_start3A_1163 = tpu.memref_squeeze %dma_start3A_1162 : memref<1x128xi32, #tpu.memory_space<vmem>> -> memref<128xi32, #tpu.memory_space<vmem>>
      %dma_start3A_1164 = arith.constant 0 : i32
      %dma_start3A_1165 = arith.constant 0 : i32
      %dma_start3A_1166 = tpu.memref_slice %arg2[%dma_start3A_1164, %dma_start3A_1165] : memref<126720x64xf32, #tpu.memory_space<hbm>> -> memref<126720x64xf32, #tpu.memory_space<hbm>>
      tpu.enqueue_indirect_dma source(%dma_start3A_1166 : memref<126720x64xf32, #tpu.memory_space<hbm>>) target(%dma_start3A_1160 : memref<128x64xf32, #tpu.memory_space<vmem>>) offsets(%dma_start3A_1163 : memref<128xi32, #tpu.memory_space<vmem>>) semaphore(%arg29 : memref<!tpu.dma_semaphore, #tpu.memory_space<semaphore_mem>>)
      %dma_start3A_1167 = arith.constant 1 : i32
      %dma_start3A_1168 = arith.constant 128 : i32
      %dma_start3A_1169 = arith.constant 0 : i32
      %dma_start3A_1170 = tpu.memref_slice %arg21[%dma_start3A_1168, %dma_start3A_1169] : memref<256x64xf32, #tpu.memory_space<vmem>> -> memref<128x64xf32, #tpu.memory_space<vmem>>
      %dma_start3A_1171 = arith.constant 0 : i32
      %dma_start3A_1172 = tpu.memref_slice %arg15[%dma_start3A_1167, %dma_start3A_1171] : memref<2x128xi32, #tpu.memory_space<vmem>> -> memref<1x128xi32, #tpu.memory_space<vmem>>
      %dma_start3A_1173 = tpu.memref_squeeze %dma_start3A_1172 : memref<1x128xi32, #tpu.memory_space<vmem>> -> memref<128xi32, #tpu.memory_space<vmem>>
      %dma_start3A_1174 = arith.constant 0 : i32
      %dma_start3A_1175 = arith.constant 0 : i32
      %dma_start3A_1176 = tpu.memref_slice %arg2[%dma_start3A_1174, %dma_start3A_1175] : memref<126720x64xf32, #tpu.memory_space<hbm>> -> memref<126720x64xf32, #tpu.memory_space<hbm>>
      tpu.enqueue_indirect_dma source(%dma_start3A_1176 : memref<126720x64xf32, #tpu.memory_space<hbm>>) target(%dma_start3A_1170 : memref<128x64xf32, #tpu.memory_space<vmem>>) offsets(%dma_start3A_1173 : memref<128xi32, #tpu.memory_space<vmem>>) semaphore(%arg29 : memref<!tpu.dma_semaphore, #tpu.memory_space<semaphore_mem>>)
      %dma_start3A_1177 = arith.constant 0 : i32
      %dma_start3A_1178 = arith.constant 0 : i32
      %dma_start3A_1179 = arith.constant 0 : i32
      %dma_start3A_1180 = tpu.memref_slice %arg22[%dma_start3A_1178, %dma_start3A_1179] : memref<256x64xf32, #tpu.memory_space<vmem>> -> memref<128x64xf32, #tpu.memory_space<vmem>>
      %dma_start3A_1181 = arith.constant 0 : i32
      %dma_start3A_1182 = tpu.memref_slice %arg16[%dma_start3A_1177, %dma_start3A_1181] : memref<2x128xi32, #tpu.memory_space<vmem>> -> memref<1x128xi32, #tpu.memory_space<vmem>>
      %dma_start3A_1183 = tpu.memref_squeeze %dma_start3A_1182 : memref<1x128xi32, #tpu.memory_space<vmem>> -> memref<128xi32, #tpu.memory_space<vmem>>
      %dma_start3A_1184 = arith.constant 0 : i32
      %dma_start3A_1185 = arith.constant 0 : i32
      %dma_start3A_1186 = tpu.memref_slice %arg2[%dma_start3A_1184, %dma_start3A_1185] : memref<126720x64xf32, #tpu.memory_space<hbm>> -> memref<126720x64xf32, #tpu.memory_space<hbm>>
      tpu.enqueue_indirect_dma source(%dma_start3A_1186 : memref<126720x64xf32, #tpu.memory_space<hbm>>) target(%dma_start3A_1180 : memref<128x64xf32, #tpu.memory_space<vmem>>) offsets(%dma_start3A_1183 : memref<128xi32, #tpu.memory_space<vmem>>) semaphore(%arg29 : memref<!tpu.dma_semaphore, #tpu.memory_space<semaphore_mem>>)
      %dma_start3A_1187 = arith.constant 1 : i32
      %dma_start3A_1188 = arith.constant 128 : i32
      %dma_start3A_1189 = arith.constant 0 : i32
      %dma_start3A_1190 = tpu.memref_slice %arg22[%dma_start3A_1188, %dma_start3A_1189] : memref<256x64xf32, #tpu.memory_space<vmem>> -> memref<128x64xf32, #tpu.memory_space<vmem>>
      %dma_start3A_1191 = arith.constant 0 : i32
      %dma_start3A_1192 = tpu.memref_slice %arg16[%dma_start3A_1187, %dma_start3A_1191] : memref<2x128xi32, #tpu.memory_space<vmem>> -> memref<1x128xi32, #tpu.memory_space<vmem>>
      %dma_start3A_1193 = tpu.memref_squeeze %dma_start3A_1192 : memref<1x128xi32, #tpu.memory_space<vmem>> -> memref<128xi32, #tpu.memory_space<vmem>>
      %dma_start3A_1194 = arith.constant 0 : i32
      %dma_start3A_1195 = arith.constant 0 : i32
      %dma_start3A_1196 = tpu.memref_slice %arg2[%dma_start3A_1194, %dma_start3A_1195] : memref<126720x64xf32, #tpu.memory_space<hbm>> -> memref<126720x64xf32, #tpu.memory_space<hbm>>
      tpu.enqueue_indirect_dma source(%dma_start3A_1196 : memref<126720x64xf32, #tpu.memory_space<hbm>>) target(%dma_start3A_1190 : memref<128x64xf32, #tpu.memory_space<vmem>>) offsets(%dma_start3A_1193 : memref<128xi32, #tpu.memory_space<vmem>>) semaphore(%arg29 : memref<!tpu.dma_semaphore, #tpu.memory_space<semaphore_mem>>)
      %dma_start3A_1197 = arith.constant 0 : i32
      %dma_start3A_1198 = arith.constant 0 : i32
      %dma_start3A_1199 = arith.constant 0 : i32
      %dma_start3A_1200 = tpu.memref_slice %arg23[%dma_start3A_1198, %dma_start3A_1199] : memref<256x64xf32, #tpu.memory_space<vmem>> -> memref<128x64xf32, #tpu.memory_space<vmem>>
      %dma_start3A_1201 = arith.constant 0 : i32
      %dma_start3A_1202 = tpu.memref_slice %arg17[%dma_start3A_1197, %dma_start3A_1201] : memref<2x128xi32, #tpu.memory_space<vmem>> -> memref<1x128xi32, #tpu.memory_space<vmem>>
      %dma_start3A_1203 = tpu.memref_squeeze %dma_start3A_1202 : memref<1x128xi32, #tpu.memory_space<vmem>> -> memref<128xi32, #tpu.memory_space<vmem>>
      %dma_start3A_1204 = arith.constant 0 : i32
      %dma_start3A_1205 = arith.constant 0 : i32
      %dma_start3A_1206 = tpu.memref_slice %arg2[%dma_start3A_1204, %dma_start3A_1205] : memref<126720x64xf32, #tpu.memory_space<hbm>> -> memref<126720x64xf32, #tpu.memory_space<hbm>>
      tpu.enqueue_indirect_dma source(%dma_start3A_1206 : memref<126720x64xf32, #tpu.memory_space<hbm>>) target(%dma_start3A_1200 : memref<128x64xf32, #tpu.memory_space<vmem>>) offsets(%dma_start3A_1203 : memref<128xi32, #tpu.memory_space<vmem>>) semaphore(%arg29 : memref<!tpu.dma_semaphore, #tpu.memory_space<semaphore_mem>>)
      %dma_start3A_1207 = arith.constant 1 : i32
      %dma_start3A_1208 = arith.constant 128 : i32
      %dma_start3A_1209 = arith.constant 0 : i32
      %dma_start3A_1210 = tpu.memref_slice %arg23[%dma_start3A_1208, %dma_start3A_1209] : memref<256x64xf32, #tpu.memory_space<vmem>> -> memref<128x64xf32, #tpu.memory_space<vmem>>
      %dma_start3A_1211 = arith.constant 0 : i32
      %dma_start3A_1212 = tpu.memref_slice %arg17[%dma_start3A_1207, %dma_start3A_1211] : memref<2x128xi32, #tpu.memory_space<vmem>> -> memref<1x128xi32, #tpu.memory_space<vmem>>
      %dma_start3A_1213 = tpu.memref_squeeze %dma_start3A_1212 : memref<1x128xi32, #tpu.memory_space<vmem>> -> memref<128xi32, #tpu.memory_space<vmem>>
      %dma_start3A_1214 = arith.constant 0 : i32
      %dma_start3A_1215 = arith.constant 0 : i32
      %dma_start3A_1216 = tpu.memref_slice %arg2[%dma_start3A_1214, %dma_start3A_1215] : memref<126720x64xf32, #tpu.memory_space<hbm>> -> memref<126720x64xf32, #tpu.memory_space<hbm>>
      tpu.enqueue_indirect_dma source(%dma_start3A_1216 : memref<126720x64xf32, #tpu.memory_space<hbm>>) target(%dma_start3A_1210 : memref<128x64xf32, #tpu.memory_space<vmem>>) offsets(%dma_start3A_1213 : memref<128xi32, #tpu.memory_space<vmem>>) semaphore(%arg29 : memref<!tpu.dma_semaphore, #tpu.memory_space<semaphore_mem>>)
      %dma_wait3A_1217 = arith.constant 2 : i32
      %dma_wait3A_1218 = arith.constant 0 : i32
      %dma_wait3A_1219 = arith.constant 0 : i32
      %dma_wait3A_1220 = tpu.memref_slice %arg18[%dma_wait3A_1218, %dma_wait3A_1219] : memref<256x64xf32, #tpu.memory_space<vmem>> -> memref<128x64xf32, #tpu.memory_space<vmem>>
      %dma_wait3A_1221 = arith.constant 0 : i32
      %dma_wait3A_1222 = tpu.memref_slice %arg8[%dma_wait3A_1217, %dma_wait3A_1221] : memref<4x128xi32, #tpu.memory_space<vmem>> -> memref<1x128xi32, #tpu.memory_space<vmem>>
      %dma_wait3A_1223 = tpu.memref_squeeze %dma_wait3A_1222 : memref<1x128xi32, #tpu.memory_space<vmem>> -> memref<128xi32, #tpu.memory_space<vmem>>
      %dma_wait3A_1224 = arith.constant 0 : i32
      %dma_wait3A_1225 = arith.constant 0 : i32
      %dma_wait3A_1226 = tpu.memref_slice %arg5[%dma_wait3A_1224, %dma_wait3A_1225] : memref<114688x64xf32, #tpu.memory_space<hbm>> -> memref<114688x64xf32, #tpu.memory_space<hbm>>
      tpu.wait_indirect_dma semaphore(%arg30 : memref<!tpu.dma_semaphore, #tpu.memory_space<semaphore_mem>>) src(%dma_wait3A_1220 : memref<128x64xf32, #tpu.memory_space<vmem>>) dst(%dma_wait3A_1226 : memref<114688x64xf32, #tpu.memory_space<hbm>>)
      %dma_wait3A_1227 = arith.constant 3 : i32
      %dma_wait3A_1228 = arith.constant 128 : i32
      %dma_wait3A_1229 = arith.constant 0 : i32
      %dma_wait3A_1230 = tpu.memref_slice %arg18[%dma_wait3A_1228, %dma_wait3A_1229] : memref<256x64xf32, #tpu.memory_space<vmem>> -> memref<128x64xf32, #tpu.memory_space<vmem>>
      %dma_wait3A_1231 = arith.constant 0 : i32
      %dma_wait3A_1232 = tpu.memref_slice %arg8[%dma_wait3A_1227, %dma_wait3A_1231] : memref<4x128xi32, #tpu.memory_space<vmem>> -> memref<1x128xi32, #tpu.memory_space<vmem>>
      %dma_wait3A_1233 = tpu.memref_squeeze %dma_wait3A_1232 : memref<1x128xi32, #tpu.memory_space<vmem>> -> memref<128xi32, #tpu.memory_space<vmem>>
      %dma_wait3A_1234 = arith.constant 0 : i32
      %dma_wait3A_1235 = arith.constant 0 : i32
      %dma_wait3A_1236 = tpu.memref_slice %arg5[%dma_wait3A_1234, %dma_wait3A_1235] : memref<114688x64xf32, #tpu.memory_space<hbm>> -> memref<114688x64xf32, #tpu.memory_space<hbm>>
      tpu.wait_indirect_dma semaphore(%arg30 : memref<!tpu.dma_semaphore, #tpu.memory_space<semaphore_mem>>) src(%dma_wait3A_1230 : memref<128x64xf32, #tpu.memory_space<vmem>>) dst(%dma_wait3A_1236 : memref<114688x64xf32, #tpu.memory_space<hbm>>)
      %dma_wait3A_1237 = arith.constant 2 : i32
      %dma_wait3A_1238 = arith.constant 0 : i32
      %dma_wait3A_1239 = arith.constant 0 : i32
      %dma_wait3A_1240 = tpu.memref_slice %arg19[%dma_wait3A_1238, %dma_wait3A_1239] : memref<256x64xf32, #tpu.memory_space<vmem>> -> memref<128x64xf32, #tpu.memory_space<vmem>>
      %dma_wait3A_1241 = arith.constant 0 : i32
      %dma_wait3A_1242 = tpu.memref_slice %arg8[%dma_wait3A_1237, %dma_wait3A_1241] : memref<4x128xi32, #tpu.memory_space<vmem>> -> memref<1x128xi32, #tpu.memory_space<vmem>>
      %dma_wait3A_1243 = tpu.memref_squeeze %dma_wait3A_1242 : memref<1x128xi32, #tpu.memory_space<vmem>> -> memref<128xi32, #tpu.memory_space<vmem>>
      %dma_wait3A_1244 = arith.constant 0 : i32
      %dma_wait3A_1245 = arith.constant 0 : i32
      %dma_wait3A_1246 = tpu.memref_slice %arg6[%dma_wait3A_1244, %dma_wait3A_1245] : memref<114688x64xf32, #tpu.memory_space<hbm>> -> memref<114688x64xf32, #tpu.memory_space<hbm>>
      tpu.wait_indirect_dma semaphore(%arg30 : memref<!tpu.dma_semaphore, #tpu.memory_space<semaphore_mem>>) src(%dma_wait3A_1240 : memref<128x64xf32, #tpu.memory_space<vmem>>) dst(%dma_wait3A_1246 : memref<114688x64xf32, #tpu.memory_space<hbm>>)
      %dma_wait3A_1247 = arith.constant 3 : i32
      %dma_wait3A_1248 = arith.constant 128 : i32
      %dma_wait3A_1249 = arith.constant 0 : i32
      %dma_wait3A_1250 = tpu.memref_slice %arg19[%dma_wait3A_1248, %dma_wait3A_1249] : memref<256x64xf32, #tpu.memory_space<vmem>> -> memref<128x64xf32, #tpu.memory_space<vmem>>
      %dma_wait3A_1251 = arith.constant 0 : i32
      %dma_wait3A_1252 = tpu.memref_slice %arg8[%dma_wait3A_1247, %dma_wait3A_1251] : memref<4x128xi32, #tpu.memory_space<vmem>> -> memref<1x128xi32, #tpu.memory_space<vmem>>
      %dma_wait3A_1253 = tpu.memref_squeeze %dma_wait3A_1252 : memref<1x128xi32, #tpu.memory_space<vmem>> -> memref<128xi32, #tpu.memory_space<vmem>>
      %dma_wait3A_1254 = arith.constant 0 : i32
      %dma_wait3A_1255 = arith.constant 0 : i32
      %dma_wait3A_1256 = tpu.memref_slice %arg6[%dma_wait3A_1254, %dma_wait3A_1255] : memref<114688x64xf32, #tpu.memory_space<hbm>> -> memref<114688x64xf32, #tpu.memory_space<hbm>>
      tpu.wait_indirect_dma semaphore(%arg30 : memref<!tpu.dma_semaphore, #tpu.memory_space<semaphore_mem>>) src(%dma_wait3A_1250 : memref<128x64xf32, #tpu.memory_space<vmem>>) dst(%dma_wait3A_1256 : memref<114688x64xf32, #tpu.memory_space<hbm>>)
      %dma_wait3A_1257 = arith.constant 2 : i32
      %dma_wait3A_1258 = arith.constant 0 : i32
      %dma_wait3A_1259 = arith.constant 0 : i32
      %dma_wait3A_1260 = tpu.memref_slice %arg20[%dma_wait3A_1258, %dma_wait3A_1259] : memref<256x64xf32, #tpu.memory_space<vmem>> -> memref<128x64xf32, #tpu.memory_space<vmem>>
      %dma_wait3A_1261 = arith.constant 0 : i32
      %dma_wait3A_1262 = tpu.memref_slice %arg8[%dma_wait3A_1257, %dma_wait3A_1261] : memref<4x128xi32, #tpu.memory_space<vmem>> -> memref<1x128xi32, #tpu.memory_space<vmem>>
      %dma_wait3A_1263 = tpu.memref_squeeze %dma_wait3A_1262 : memref<1x128xi32, #tpu.memory_space<vmem>> -> memref<128xi32, #tpu.memory_space<vmem>>
      %dma_wait3A_1264 = arith.constant 0 : i32
      %dma_wait3A_1265 = arith.constant 0 : i32
      %dma_wait3A_1266 = tpu.memref_slice %arg7[%dma_wait3A_1264, %dma_wait3A_1265] : memref<114688x64xf32, #tpu.memory_space<hbm>> -> memref<114688x64xf32, #tpu.memory_space<hbm>>
      tpu.wait_indirect_dma semaphore(%arg30 : memref<!tpu.dma_semaphore, #tpu.memory_space<semaphore_mem>>) src(%dma_wait3A_1260 : memref<128x64xf32, #tpu.memory_space<vmem>>) dst(%dma_wait3A_1266 : memref<114688x64xf32, #tpu.memory_space<hbm>>)
      %dma_wait3A_1267 = arith.constant 3 : i32
      %dma_wait3A_1268 = arith.constant 128 : i32
      %dma_wait3A_1269 = arith.constant 0 : i32
      %dma_wait3A_1270 = tpu.memref_slice %arg20[%dma_wait3A_1268, %dma_wait3A_1269] : memref<256x64xf32, #tpu.memory_space<vmem>> -> memref<128x64xf32, #tpu.memory_space<vmem>>
      %dma_wait3A_1271 = arith.constant 0 : i32
      %dma_wait3A_1272 = tpu.memref_slice %arg8[%dma_wait3A_1267, %dma_wait3A_1271] : memref<4x128xi32, #tpu.memory_space<vmem>> -> memref<1x128xi32, #tpu.memory_space<vmem>>
      %dma_wait3A_1273 = tpu.memref_squeeze %dma_wait3A_1272 : memref<1x128xi32, #tpu.memory_space<vmem>> -> memref<128xi32, #tpu.memory_space<vmem>>
      %dma_wait3A_1274 = arith.constant 0 : i32
      %dma_wait3A_1275 = arith.constant 0 : i32
      %dma_wait3A_1276 = tpu.memref_slice %arg7[%dma_wait3A_1274, %dma_wait3A_1275] : memref<114688x64xf32, #tpu.memory_space<hbm>> -> memref<114688x64xf32, #tpu.memory_space<hbm>>
      tpu.wait_indirect_dma semaphore(%arg30 : memref<!tpu.dma_semaphore, #tpu.memory_space<semaphore_mem>>) src(%dma_wait3A_1270 : memref<128x64xf32, #tpu.memory_space<vmem>>) dst(%dma_wait3A_1276 : memref<114688x64xf32, #tpu.memory_space<hbm>>)
      %dma_wait3A_1277 = arith.constant 0 : i32
      %dma_wait3A_1278 = arith.constant 0 : i32
      %dma_wait3A_1279 = arith.constant 0 : i32
      %dma_wait3A_1280 = tpu.memref_slice %arg21[%dma_wait3A_1278, %dma_wait3A_1279] : memref<256x64xf32, #tpu.memory_space<vmem>> -> memref<128x64xf32, #tpu.memory_space<vmem>>
      %dma_wait3A_1281 = arith.constant 0 : i32
      %dma_wait3A_1282 = tpu.memref_slice %arg15[%dma_wait3A_1277, %dma_wait3A_1281] : memref<2x128xi32, #tpu.memory_space<vmem>> -> memref<1x128xi32, #tpu.memory_space<vmem>>
      %dma_wait3A_1283 = tpu.memref_squeeze %dma_wait3A_1282 : memref<1x128xi32, #tpu.memory_space<vmem>> -> memref<128xi32, #tpu.memory_space<vmem>>
      %dma_wait3A_1284 = arith.constant 0 : i32
      %dma_wait3A_1285 = arith.constant 0 : i32
      %dma_wait3A_1286 = tpu.memref_slice %arg2[%dma_wait3A_1284, %dma_wait3A_1285] : memref<126720x64xf32, #tpu.memory_space<hbm>> -> memref<126720x64xf32, #tpu.memory_space<hbm>>
      tpu.wait_indirect_dma semaphore(%arg29 : memref<!tpu.dma_semaphore, #tpu.memory_space<semaphore_mem>>) src(%dma_wait3A_1286 : memref<126720x64xf32, #tpu.memory_space<hbm>>) dst(%dma_wait3A_1280 : memref<128x64xf32, #tpu.memory_space<vmem>>)
      %dma_wait3A_1287 = arith.constant 1 : i32
      %dma_wait3A_1288 = arith.constant 128 : i32
      %dma_wait3A_1289 = arith.constant 0 : i32
      %dma_wait3A_1290 = tpu.memref_slice %arg21[%dma_wait3A_1288, %dma_wait3A_1289] : memref<256x64xf32, #tpu.memory_space<vmem>> -> memref<128x64xf32, #tpu.memory_space<vmem>>
      %dma_wait3A_1291 = arith.constant 0 : i32
      %dma_wait3A_1292 = tpu.memref_slice %arg15[%dma_wait3A_1287, %dma_wait3A_1291] : memref<2x128xi32, #tpu.memory_space<vmem>> -> memref<1x128xi32, #tpu.memory_space<vmem>>
      %dma_wait3A_1293 = tpu.memref_squeeze %dma_wait3A_1292 : memref<1x128xi32, #tpu.memory_space<vmem>> -> memref<128xi32, #tpu.memory_space<vmem>>
      %dma_wait3A_1294 = arith.constant 0 : i32
      %dma_wait3A_1295 = arith.constant 0 : i32
      %dma_wait3A_1296 = tpu.memref_slice %arg2[%dma_wait3A_1294, %dma_wait3A_1295] : memref<126720x64xf32, #tpu.memory_space<hbm>> -> memref<126720x64xf32, #tpu.memory_space<hbm>>
      tpu.wait_indirect_dma semaphore(%arg29 : memref<!tpu.dma_semaphore, #tpu.memory_space<semaphore_mem>>) src(%dma_wait3A_1296 : memref<126720x64xf32, #tpu.memory_space<hbm>>) dst(%dma_wait3A_1290 : memref<128x64xf32, #tpu.memory_space<vmem>>)
      %dma_wait3A_1297 = arith.constant 0 : i32
      %dma_wait3A_1298 = arith.constant 0 : i32
      %dma_wait3A_1299 = arith.constant 0 : i32
      %dma_wait3A_1300 = tpu.memref_slice %arg22[%dma_wait3A_1298, %dma_wait3A_1299] : memref<256x64xf32, #tpu.memory_space<vmem>> -> memref<128x64xf32, #tpu.memory_space<vmem>>
      %dma_wait3A_1301 = arith.constant 0 : i32
      %dma_wait3A_1302 = tpu.memref_slice %arg16[%dma_wait3A_1297, %dma_wait3A_1301] : memref<2x128xi32, #tpu.memory_space<vmem>> -> memref<1x128xi32, #tpu.memory_space<vmem>>
      %dma_wait3A_1303 = tpu.memref_squeeze %dma_wait3A_1302 : memref<1x128xi32, #tpu.memory_space<vmem>> -> memref<128xi32, #tpu.memory_space<vmem>>
      %dma_wait3A_1304 = arith.constant 0 : i32
      %dma_wait3A_1305 = arith.constant 0 : i32
      %dma_wait3A_1306 = tpu.memref_slice %arg2[%dma_wait3A_1304, %dma_wait3A_1305] : memref<126720x64xf32, #tpu.memory_space<hbm>> -> memref<126720x64xf32, #tpu.memory_space<hbm>>
      tpu.wait_indirect_dma semaphore(%arg29 : memref<!tpu.dma_semaphore, #tpu.memory_space<semaphore_mem>>) src(%dma_wait3A_1306 : memref<126720x64xf32, #tpu.memory_space<hbm>>) dst(%dma_wait3A_1300 : memref<128x64xf32, #tpu.memory_space<vmem>>)
      %dma_wait3A_1307 = arith.constant 1 : i32
      %dma_wait3A_1308 = arith.constant 128 : i32
      %dma_wait3A_1309 = arith.constant 0 : i32
      %dma_wait3A_1310 = tpu.memref_slice %arg22[%dma_wait3A_1308, %dma_wait3A_1309] : memref<256x64xf32, #tpu.memory_space<vmem>> -> memref<128x64xf32, #tpu.memory_space<vmem>>
      %dma_wait3A_1311 = arith.constant 0 : i32
      %dma_wait3A_1312 = tpu.memref_slice %arg16[%dma_wait3A_1307, %dma_wait3A_1311] : memref<2x128xi32, #tpu.memory_space<vmem>> -> memref<1x128xi32, #tpu.memory_space<vmem>>
      %dma_wait3A_1313 = tpu.memref_squeeze %dma_wait3A_1312 : memref<1x128xi32, #tpu.memory_space<vmem>> -> memref<128xi32, #tpu.memory_space<vmem>>
      %dma_wait3A_1314 = arith.constant 0 : i32
      %dma_wait3A_1315 = arith.constant 0 : i32
      %dma_wait3A_1316 = tpu.memref_slice %arg2[%dma_wait3A_1314, %dma_wait3A_1315] : memref<126720x64xf32, #tpu.memory_space<hbm>> -> memref<126720x64xf32, #tpu.memory_space<hbm>>
      tpu.wait_indirect_dma semaphore(%arg29 : memref<!tpu.dma_semaphore, #tpu.memory_space<semaphore_mem>>) src(%dma_wait3A_1316 : memref<126720x64xf32, #tpu.memory_space<hbm>>) dst(%dma_wait3A_1310 : memref<128x64xf32, #tpu.memory_space<vmem>>)
      %dma_wait3A_1317 = arith.constant 0 : i32
      %dma_wait3A_1318 = arith.constant 0 : i32
      %dma_wait3A_1319 = arith.constant 0 : i32
      %dma_wait3A_1320 = tpu.memref_slice %arg23[%dma_wait3A_1318, %dma_wait3A_1319] : memref<256x64xf32, #tpu.memory_space<vmem>> -> memref<128x64xf32, #tpu.memory_space<vmem>>
      %dma_wait3A_1321 = arith.constant 0 : i32
      %dma_wait3A_1322 = tpu.memref_slice %arg17[%dma_wait3A_1317, %dma_wait3A_1321] : memref<2x128xi32, #tpu.memory_space<vmem>> -> memref<1x128xi32, #tpu.memory_space<vmem>>
      %dma_wait3A_1323 = tpu.memref_squeeze %dma_wait3A_1322 : memref<1x128xi32, #tpu.memory_space<vmem>> -> memref<128xi32, #tpu.memory_space<vmem>>
      %dma_wait3A_1324 = arith.constant 0 : i32
      %dma_wait3A_1325 = arith.constant 0 : i32
      %dma_wait3A_1326 = tpu.memref_slice %arg2[%dma_wait3A_1324, %dma_wait3A_1325] : memref<126720x64xf32, #tpu.memory_space<hbm>> -> memref<126720x64xf32, #tpu.memory_space<hbm>>
      tpu.wait_indirect_dma semaphore(%arg29 : memref<!tpu.dma_semaphore, #tpu.memory_space<semaphore_mem>>) src(%dma_wait3A_1326 : memref<126720x64xf32, #tpu.memory_space<hbm>>) dst(%dma_wait3A_1320 : memref<128x64xf32, #tpu.memory_space<vmem>>)
      %dma_wait3A_1327 = arith.constant 1 : i32
      %dma_wait3A_1328 = arith.constant 128 : i32
      %dma_wait3A_1329 = arith.constant 0 : i32
      %dma_wait3A_1330 = tpu.memref_slice %arg23[%dma_wait3A_1328, %dma_wait3A_1329] : memref<256x64xf32, #tpu.memory_space<vmem>> -> memref<128x64xf32, #tpu.memory_space<vmem>>
      %dma_wait3A_1331 = arith.constant 0 : i32
      %dma_wait3A_1332 = tpu.memref_slice %arg17[%dma_wait3A_1327, %dma_wait3A_1331] : memref<2x128xi32, #tpu.memory_space<vmem>> -> memref<1x128xi32, #tpu.memory_space<vmem>>
      %dma_wait3A_1333 = tpu.memref_squeeze %dma_wait3A_1332 : memref<1x128xi32, #tpu.memory_space<vmem>> -> memref<128xi32, #tpu.memory_space<vmem>>
      %dma_wait3A_1334 = arith.constant 0 : i32
      %dma_wait3A_1335 = arith.constant 0 : i32
      %dma_wait3A_1336 = tpu.memref_slice %arg2[%dma_wait3A_1334, %dma_wait3A_1335] : memref<126720x64xf32, #tpu.memory_space<hbm>> -> memref<126720x64xf32, #tpu.memory_space<hbm>>
      tpu.wait_indirect_dma semaphore(%arg29 : memref<!tpu.dma_semaphore, #tpu.memory_space<semaphore_mem>>) src(%dma_wait3A_1336 : memref<126720x64xf32, #tpu.memory_space<hbm>>) dst(%dma_wait3A_1330 : memref<128x64xf32, #tpu.memory_space<vmem>>)
      %dma_start3A_1337 = arith.constant 2 : i32
      %dma_start3A_1338 = arith.constant 0 : i32
      %dma_start3A_1339 = arith.constant 0 : i32
      %dma_start3A_1340 = tpu.memref_slice %arg21[%dma_start3A_1338, %dma_start3A_1339] : memref<256x64xf32, #tpu.memory_space<vmem>> -> memref<128x64xf32, #tpu.memory_space<vmem>>
      %dma_start3A_1341 = arith.constant 0 : i32
      %dma_start3A_1342 = tpu.memref_slice %arg9[%dma_start3A_1337, %dma_start3A_1341] : memref<4x128xi32, #tpu.memory_space<vmem>> -> memref<1x128xi32, #tpu.memory_space<vmem>>
      %dma_start3A_1343 = tpu.memref_squeeze %dma_start3A_1342 : memref<1x128xi32, #tpu.memory_space<vmem>> -> memref<128xi32, #tpu.memory_space<vmem>>
      %dma_start3A_1344 = arith.constant 0 : i32
      %dma_start3A_1345 = arith.constant 0 : i32
      %dma_start3A_1346 = tpu.memref_slice %arg5[%dma_start3A_1344, %dma_start3A_1345] : memref<114688x64xf32, #tpu.memory_space<hbm>> -> memref<114688x64xf32, #tpu.memory_space<hbm>>
      tpu.enqueue_indirect_dma source(%dma_start3A_1340 : memref<128x64xf32, #tpu.memory_space<vmem>>) target(%dma_start3A_1346 : memref<114688x64xf32, #tpu.memory_space<hbm>>) offsets(%dma_start3A_1343 : memref<128xi32, #tpu.memory_space<vmem>>) semaphore(%arg31 : memref<!tpu.dma_semaphore, #tpu.memory_space<semaphore_mem>>)
      %dma_start3A_1347 = arith.constant 3 : i32
      %dma_start3A_1348 = arith.constant 128 : i32
      %dma_start3A_1349 = arith.constant 0 : i32
      %dma_start3A_1350 = tpu.memref_slice %arg21[%dma_start3A_1348, %dma_start3A_1349] : memref<256x64xf32, #tpu.memory_space<vmem>> -> memref<128x64xf32, #tpu.memory_space<vmem>>
      %dma_start3A_1351 = arith.constant 0 : i32
      %dma_start3A_1352 = tpu.memref_slice %arg9[%dma_start3A_1347, %dma_start3A_1351] : memref<4x128xi32, #tpu.memory_space<vmem>> -> memref<1x128xi32, #tpu.memory_space<vmem>>
      %dma_start3A_1353 = tpu.memref_squeeze %dma_start3A_1352 : memref<1x128xi32, #tpu.memory_space<vmem>> -> memref<128xi32, #tpu.memory_space<vmem>>
      %dma_start3A_1354 = arith.constant 0 : i32
      %dma_start3A_1355 = arith.constant 0 : i32
      %dma_start3A_1356 = tpu.memref_slice %arg5[%dma_start3A_1354, %dma_start3A_1355] : memref<114688x64xf32, #tpu.memory_space<hbm>> -> memref<114688x64xf32, #tpu.memory_space<hbm>>
      tpu.enqueue_indirect_dma source(%dma_start3A_1350 : memref<128x64xf32, #tpu.memory_space<vmem>>) target(%dma_start3A_1356 : memref<114688x64xf32, #tpu.memory_space<hbm>>) offsets(%dma_start3A_1353 : memref<128xi32, #tpu.memory_space<vmem>>) semaphore(%arg31 : memref<!tpu.dma_semaphore, #tpu.memory_space<semaphore_mem>>)
      %dma_start3A_1357 = arith.constant 2 : i32
      %dma_start3A_1358 = arith.constant 0 : i32
      %dma_start3A_1359 = arith.constant 0 : i32
      %dma_start3A_1360 = tpu.memref_slice %arg22[%dma_start3A_1358, %dma_start3A_1359] : memref<256x64xf32, #tpu.memory_space<vmem>> -> memref<128x64xf32, #tpu.memory_space<vmem>>
      %dma_start3A_1361 = arith.constant 0 : i32
      %dma_start3A_1362 = tpu.memref_slice %arg9[%dma_start3A_1357, %dma_start3A_1361] : memref<4x128xi32, #tpu.memory_space<vmem>> -> memref<1x128xi32, #tpu.memory_space<vmem>>
      %dma_start3A_1363 = tpu.memref_squeeze %dma_start3A_1362 : memref<1x128xi32, #tpu.memory_space<vmem>> -> memref<128xi32, #tpu.memory_space<vmem>>
      %dma_start3A_1364 = arith.constant 0 : i32
      %dma_start3A_1365 = arith.constant 0 : i32
      %dma_start3A_1366 = tpu.memref_slice %arg6[%dma_start3A_1364, %dma_start3A_1365] : memref<114688x64xf32, #tpu.memory_space<hbm>> -> memref<114688x64xf32, #tpu.memory_space<hbm>>
      tpu.enqueue_indirect_dma source(%dma_start3A_1360 : memref<128x64xf32, #tpu.memory_space<vmem>>) target(%dma_start3A_1366 : memref<114688x64xf32, #tpu.memory_space<hbm>>) offsets(%dma_start3A_1363 : memref<128xi32, #tpu.memory_space<vmem>>) semaphore(%arg31 : memref<!tpu.dma_semaphore, #tpu.memory_space<semaphore_mem>>)
      %dma_start3A_1367 = arith.constant 3 : i32
      %dma_start3A_1368 = arith.constant 128 : i32
      %dma_start3A_1369 = arith.constant 0 : i32
      %dma_start3A_1370 = tpu.memref_slice %arg22[%dma_start3A_1368, %dma_start3A_1369] : memref<256x64xf32, #tpu.memory_space<vmem>> -> memref<128x64xf32, #tpu.memory_space<vmem>>
      %dma_start3A_1371 = arith.constant 0 : i32
      %dma_start3A_1372 = tpu.memref_slice %arg9[%dma_start3A_1367, %dma_start3A_1371] : memref<4x128xi32, #tpu.memory_space<vmem>> -> memref<1x128xi32, #tpu.memory_space<vmem>>
      %dma_start3A_1373 = tpu.memref_squeeze %dma_start3A_1372 : memref<1x128xi32, #tpu.memory_space<vmem>> -> memref<128xi32, #tpu.memory_space<vmem>>
      %dma_start3A_1374 = arith.constant 0 : i32
      %dma_start3A_1375 = arith.constant 0 : i32
      %dma_start3A_1376 = tpu.memref_slice %arg6[%dma_start3A_1374, %dma_start3A_1375] : memref<114688x64xf32, #tpu.memory_space<hbm>> -> memref<114688x64xf32, #tpu.memory_space<hbm>>
      tpu.enqueue_indirect_dma source(%dma_start3A_1370 : memref<128x64xf32, #tpu.memory_space<vmem>>) target(%dma_start3A_1376 : memref<114688x64xf32, #tpu.memory_space<hbm>>) offsets(%dma_start3A_1373 : memref<128xi32, #tpu.memory_space<vmem>>) semaphore(%arg31 : memref<!tpu.dma_semaphore, #tpu.memory_space<semaphore_mem>>)
      %dma_start3A_1377 = arith.constant 2 : i32
      %dma_start3A_1378 = arith.constant 0 : i32
      %dma_start3A_1379 = arith.constant 0 : i32
      %dma_start3A_1380 = tpu.memref_slice %arg23[%dma_start3A_1378, %dma_start3A_1379] : memref<256x64xf32, #tpu.memory_space<vmem>> -> memref<128x64xf32, #tpu.memory_space<vmem>>
      %dma_start3A_1381 = arith.constant 0 : i32
      %dma_start3A_1382 = tpu.memref_slice %arg9[%dma_start3A_1377, %dma_start3A_1381] : memref<4x128xi32, #tpu.memory_space<vmem>> -> memref<1x128xi32, #tpu.memory_space<vmem>>
      %dma_start3A_1383 = tpu.memref_squeeze %dma_start3A_1382 : memref<1x128xi32, #tpu.memory_space<vmem>> -> memref<128xi32, #tpu.memory_space<vmem>>
      %dma_start3A_1384 = arith.constant 0 : i32
      %dma_start3A_1385 = arith.constant 0 : i32
      %dma_start3A_1386 = tpu.memref_slice %arg7[%dma_start3A_1384, %dma_start3A_1385] : memref<114688x64xf32, #tpu.memory_space<hbm>> -> memref<114688x64xf32, #tpu.memory_space<hbm>>
      tpu.enqueue_indirect_dma source(%dma_start3A_1380 : memref<128x64xf32, #tpu.memory_space<vmem>>) target(%dma_start3A_1386 : memref<114688x64xf32, #tpu.memory_space<hbm>>) offsets(%dma_start3A_1383 : memref<128xi32, #tpu.memory_space<vmem>>) semaphore(%arg31 : memref<!tpu.dma_semaphore, #tpu.memory_space<semaphore_mem>>)
      %dma_start3A_1387 = arith.constant 3 : i32
      %dma_start3A_1388 = arith.constant 128 : i32
      %dma_start3A_1389 = arith.constant 0 : i32
      %dma_start3A_1390 = tpu.memref_slice %arg23[%dma_start3A_1388, %dma_start3A_1389] : memref<256x64xf32, #tpu.memory_space<vmem>> -> memref<128x64xf32, #tpu.memory_space<vmem>>
      %dma_start3A_1391 = arith.constant 0 : i32
      %dma_start3A_1392 = tpu.memref_slice %arg9[%dma_start3A_1387, %dma_start3A_1391] : memref<4x128xi32, #tpu.memory_space<vmem>> -> memref<1x128xi32, #tpu.memory_space<vmem>>
      %dma_start3A_1393 = tpu.memref_squeeze %dma_start3A_1392 : memref<1x128xi32, #tpu.memory_space<vmem>> -> memref<128xi32, #tpu.memory_space<vmem>>
      %dma_start3A_1394 = arith.constant 0 : i32
      %dma_start3A_1395 = arith.constant 0 : i32
      %dma_start3A_1396 = tpu.memref_slice %arg7[%dma_start3A_1394, %dma_start3A_1395] : memref<114688x64xf32, #tpu.memory_space<hbm>> -> memref<114688x64xf32, #tpu.memory_space<hbm>>
      tpu.enqueue_indirect_dma source(%dma_start3A_1390 : memref<128x64xf32, #tpu.memory_space<vmem>>) target(%dma_start3A_1396 : memref<114688x64xf32, #tpu.memory_space<hbm>>) offsets(%dma_start3A_1393 : memref<128xi32, #tpu.memory_space<vmem>>) semaphore(%arg31 : memref<!tpu.dma_semaphore, #tpu.memory_space<semaphore_mem>>)
      %add3A_1397 = arith.constant 1 : i32
      %add3A_1398 = arith.addi %add3A_1156, %add3A_1397 : i32
      %mul3A_1399 = arith.constant 32 : i32
      %mul3A_1400 = arith.muli %mul3A_1399, %add3A_1398 : i32
      %add3A_1401 = arith.addi %add3A, %mul3A_1400 : i32
      %mul3A_1402 = arith.constant 4 : i32
      %mul3A_1403 = arith.muli %add3A_1401, %mul3A_1402 : i32
      %dma_start3A_1404 = arith.constant 0 : i32
      %dma_start3A_1405 = tpu.memref_slice %arg4[%mul3A_1403, %dma_start3A_1404] : memref<1792x128xi32, #tpu.memory_space<hbm>> -> memref<4x128xi32, #tpu.memory_space<hbm>>
      %dma_start3A_1406 = arith.constant 0 : i32
      %dma_start3A_1407 = tpu.memref_slice %arg4[%mul3A_1403, %dma_start3A_1406] : memref<1792x128xi32, #tpu.memory_space<hbm>> -> memref<4x128xi32, #tpu.memory_space<hbm>>
      tpu.enqueue_dma source(%dma_start3A_1407 : memref<4x128xi32, #tpu.memory_space<hbm>>) target(%arg8 : memref<4x128xi32, #tpu.memory_space<vmem>>) target_semaphore(%arg24 : memref<!tpu.dma_semaphore, #tpu.memory_space<semaphore_mem>>)
      %mul3A_1408 = arith.constant 32 : i32
      %mul3A_1409 = arith.muli %mul3A_1408, %add3A_1398 : i32
      %add3A_1410 = arith.addi %add3A, %mul3A_1409 : i32
      %mul3A_1411 = arith.constant 4 : i32
      %mul3A_1412 = arith.muli %add3A_1410, %mul3A_1411 : i32
      %dma_wait3A_1413 = arith.constant 0 : i32
      %dma_wait3A_1414 = tpu.memref_slice %arg4[%mul3A_1412, %dma_wait3A_1413] : memref<1792x128xi32, #tpu.memory_space<hbm>> -> memref<4x128xi32, #tpu.memory_space<hbm>>
      %dma_wait3A_1415 = arith.constant 0 : i32
      %dma_wait3A_1416 = tpu.memref_slice %arg4[%mul3A_1412, %dma_wait3A_1415] : memref<1792x128xi32, #tpu.memory_space<hbm>> -> memref<4x128xi32, #tpu.memory_space<hbm>>
      tpu.wait_dma2 semaphore(%arg24 : memref<!tpu.dma_semaphore, #tpu.memory_space<semaphore_mem>>) src(%dma_wait3A_1416 : memref<4x128xi32, #tpu.memory_space<hbm>>) dst(%arg8 : memref<4x128xi32, #tpu.memory_space<vmem>>)
      %dma_start3A_1417 = arith.constant 0 : i32
      %dma_start3A_1418 = arith.constant 0 : i32
      %dma_start3A_1419 = arith.constant 0 : i32
      %dma_start3A_1420 = tpu.memref_slice %arg10[%dma_start3A_1418, %dma_start3A_1419] : memref<256x16xi32, #tpu.memory_space<vmem>> -> memref<128x16xi32, #tpu.memory_space<vmem>>
      %dma_start3A_1421 = arith.constant 0 : i32
      %dma_start3A_1422 = tpu.memref_slice %arg8[%dma_start3A_1417, %dma_start3A_1421] : memref<4x128xi32, #tpu.memory_space<vmem>> -> memref<1x128xi32, #tpu.memory_space<vmem>>
      %dma_start3A_1423 = tpu.memref_squeeze %dma_start3A_1422 : memref<1x128xi32, #tpu.memory_space<vmem>> -> memref<128xi32, #tpu.memory_space<vmem>>
      %dma_start3A_1424 = arith.constant 0 : i32
      %dma_start3A_1425 = arith.constant 0 : i32
      %dma_start3A_1426 = tpu.memref_slice %arg3[%dma_start3A_1424, %dma_start3A_1425] : memref<100000x16xi32, #tpu.memory_space<hbm>> -> memref<100000x16xi32, #tpu.memory_space<hbm>>
      tpu.enqueue_indirect_dma source(%dma_start3A_1426 : memref<100000x16xi32, #tpu.memory_space<hbm>>) target(%dma_start3A_1420 : memref<128x16xi32, #tpu.memory_space<vmem>>) offsets(%dma_start3A_1423 : memref<128xi32, #tpu.memory_space<vmem>>) semaphore(%arg26 : memref<!tpu.dma_semaphore, #tpu.memory_space<semaphore_mem>>)
      %dma_start3A_1427 = arith.constant 1 : i32
      %dma_start3A_1428 = arith.constant 128 : i32
      %dma_start3A_1429 = arith.constant 0 : i32
      %dma_start3A_1430 = tpu.memref_slice %arg10[%dma_start3A_1428, %dma_start3A_1429] : memref<256x16xi32, #tpu.memory_space<vmem>> -> memref<128x16xi32, #tpu.memory_space<vmem>>
      %dma_start3A_1431 = arith.constant 0 : i32
      %dma_start3A_1432 = tpu.memref_slice %arg8[%dma_start3A_1427, %dma_start3A_1431] : memref<4x128xi32, #tpu.memory_space<vmem>> -> memref<1x128xi32, #tpu.memory_space<vmem>>
      %dma_start3A_1433 = tpu.memref_squeeze %dma_start3A_1432 : memref<1x128xi32, #tpu.memory_space<vmem>> -> memref<128xi32, #tpu.memory_space<vmem>>
      %dma_start3A_1434 = arith.constant 0 : i32
      %dma_start3A_1435 = arith.constant 0 : i32
      %dma_start3A_1436 = tpu.memref_slice %arg3[%dma_start3A_1434, %dma_start3A_1435] : memref<100000x16xi32, #tpu.memory_space<hbm>> -> memref<100000x16xi32, #tpu.memory_space<hbm>>
      tpu.enqueue_indirect_dma source(%dma_start3A_1436 : memref<100000x16xi32, #tpu.memory_space<hbm>>) target(%dma_start3A_1430 : memref<128x16xi32, #tpu.memory_space<vmem>>) offsets(%dma_start3A_1433 : memref<128xi32, #tpu.memory_space<vmem>>) semaphore(%arg26 : memref<!tpu.dma_semaphore, #tpu.memory_space<semaphore_mem>>)
      %dma_wait3A_1437 = arith.constant 0 : i32
      %dma_wait3A_1438 = arith.constant 0 : i32
      %dma_wait3A_1439 = arith.constant 0 : i32
      %dma_wait3A_1440 = tpu.memref_slice %arg10[%dma_wait3A_1438, %dma_wait3A_1439] : memref<256x16xi32, #tpu.memory_space<vmem>> -> memref<128x16xi32, #tpu.memory_space<vmem>>
      %dma_wait3A_1441 = arith.constant 0 : i32
      %dma_wait3A_1442 = tpu.memref_slice %arg8[%dma_wait3A_1437, %dma_wait3A_1441] : memref<4x128xi32, #tpu.memory_space<vmem>> -> memref<1x128xi32, #tpu.memory_space<vmem>>
      %dma_wait3A_1443 = tpu.memref_squeeze %dma_wait3A_1442 : memref<1x128xi32, #tpu.memory_space<vmem>> -> memref<128xi32, #tpu.memory_space<vmem>>
      %dma_wait3A_1444 = arith.constant 0 : i32
      %dma_wait3A_1445 = arith.constant 0 : i32
      %dma_wait3A_1446 = tpu.memref_slice %arg3[%dma_wait3A_1444, %dma_wait3A_1445] : memref<100000x16xi32, #tpu.memory_space<hbm>> -> memref<100000x16xi32, #tpu.memory_space<hbm>>
      tpu.wait_indirect_dma semaphore(%arg26 : memref<!tpu.dma_semaphore, #tpu.memory_space<semaphore_mem>>) src(%dma_wait3A_1446 : memref<100000x16xi32, #tpu.memory_space<hbm>>) dst(%dma_wait3A_1440 : memref<128x16xi32, #tpu.memory_space<vmem>>)
      %dma_wait3A_1447 = arith.constant 1 : i32
      %dma_wait3A_1448 = arith.constant 128 : i32
      %dma_wait3A_1449 = arith.constant 0 : i32
      %dma_wait3A_1450 = tpu.memref_slice %arg10[%dma_wait3A_1448, %dma_wait3A_1449] : memref<256x16xi32, #tpu.memory_space<vmem>> -> memref<128x16xi32, #tpu.memory_space<vmem>>
      %dma_wait3A_1451 = arith.constant 0 : i32
      %dma_wait3A_1452 = tpu.memref_slice %arg8[%dma_wait3A_1447, %dma_wait3A_1451] : memref<4x128xi32, #tpu.memory_space<vmem>> -> memref<1x128xi32, #tpu.memory_space<vmem>>
      %dma_wait3A_1453 = tpu.memref_squeeze %dma_wait3A_1452 : memref<1x128xi32, #tpu.memory_space<vmem>> -> memref<128xi32, #tpu.memory_space<vmem>>
      %dma_wait3A_1454 = arith.constant 0 : i32
      %dma_wait3A_1455 = arith.constant 0 : i32
      %dma_wait3A_1456 = tpu.memref_slice %arg3[%dma_wait3A_1454, %dma_wait3A_1455] : memref<100000x16xi32, #tpu.memory_space<hbm>> -> memref<100000x16xi32, #tpu.memory_space<hbm>>
      tpu.wait_indirect_dma semaphore(%arg26 : memref<!tpu.dma_semaphore, #tpu.memory_space<semaphore_mem>>) src(%dma_wait3A_1456 : memref<100000x16xi32, #tpu.memory_space<hbm>>) dst(%dma_wait3A_1450 : memref<128x16xi32, #tpu.memory_space<vmem>>)
      %iota3A_1457 = tpu.iota {dimensions = array<i32: 0>} : vector<16xi32>
      %add3A_1458 = arith.constant 0 : i32
      %add3A_1459 = vector.broadcast %add3A_1458 : i32 to vector<16xi32>
      %add3A_1460 = arith.addi %iota3A_1457, %add3A_1459 : vector<16xi32>
      %broadcast_in_dim3A_1461 = arith.constant 0 : i32
      %broadcast_in_dim3A_1462 = vector.broadcast %broadcast_in_dim3A_1461 : i32 to vector<16xi32>
      %gather3A_1463 = tpu.vector_load_idx %arg10[%add3A_1460, %broadcast_in_dim3A_1462] : memref<256x16xi32, #tpu.memory_space<vmem>>[vector<16xi32>, vector<16xi32>], vector<16xi32>,
      %swap3A_1464 = arith.constant 0 : i32
      %swap3A_1465 = arith.index_cast %swap3A_1464 : i32 to index
      %swap3A_1466 = arith.constant 0 : index
      %swap3A_1467 = tpu.vector_load %arg12[%swap3A_1465, %swap3A_1466] {strides = array<i32>} : memref<2x128xi32, #tpu.memory_space<vmem>>, vector<16xi32>,
      tpu.vector_store %arg12[%swap3A_1465, %swap3A_1466], %gather3A_1463 {strides = array<i32>} : memref<2x128xi32, #tpu.memory_space<vmem>>, vector<16xi32>,
      %broadcast_in_dim3A_1468 = arith.constant 1 : i32
      %broadcast_in_dim3A_1469 = vector.broadcast %broadcast_in_dim3A_1468 : i32 to vector<16xi32>
      %gather3A_1470 = tpu.vector_load_idx %arg10[%add3A_1460, %broadcast_in_dim3A_1469] : memref<256x16xi32, #tpu.memory_space<vmem>>[vector<16xi32>, vector<16xi32>], vector<16xi32>,
      %swap3A_1471 = arith.constant 0 : i32
      %swap3A_1472 = arith.index_cast %swap3A_1471 : i32 to index
      %swap3A_1473 = arith.constant 0 : index
      %swap3A_1474 = tpu.vector_load %arg13[%swap3A_1472, %swap3A_1473] {strides = array<i32>} : memref<2x128xi32, #tpu.memory_space<vmem>>, vector<16xi32>,
      tpu.vector_store %arg13[%swap3A_1472, %swap3A_1473], %gather3A_1470 {strides = array<i32>} : memref<2x128xi32, #tpu.memory_space<vmem>>, vector<16xi32>,
      %broadcast_in_dim3A_1475 = arith.constant 2 : i32
      %broadcast_in_dim3A_1476 = vector.broadcast %broadcast_in_dim3A_1475 : i32 to vector<16xi32>
      %gather3A_1477 = tpu.vector_load_idx %arg10[%add3A_1460, %broadcast_in_dim3A_1476] : memref<256x16xi32, #tpu.memory_space<vmem>>[vector<16xi32>, vector<16xi32>], vector<16xi32>,
      %swap3A_1478 = arith.constant 0 : i32
      %swap3A_1479 = arith.index_cast %swap3A_1478 : i32 to index
      %swap3A_1480 = arith.constant 0 : index
      %swap3A_1481 = tpu.vector_load %arg14[%swap3A_1479, %swap3A_1480] {strides = array<i32>} : memref<2x128xi32, #tpu.memory_space<vmem>>, vector<16xi32>,
      tpu.vector_store %arg14[%swap3A_1479, %swap3A_1480], %gather3A_1477 {strides = array<i32>} : memref<2x128xi32, #tpu.memory_space<vmem>>, vector<16xi32>,
      %iota3A_1482 = tpu.iota {dimensions = array<i32: 0>} : vector<16xi32>
      %add3A_1483 = arith.constant 16 : i32
      %add3A_1484 = vector.broadcast %add3A_1483 : i32 to vector<16xi32>
      %add3A_1485 = arith.addi %iota3A_1482, %add3A_1484 : vector<16xi32>
      %broadcast_in_dim3A_1486 = arith.constant 0 : i32
      %broadcast_in_dim3A_1487 = vector.broadcast %broadcast_in_dim3A_1486 : i32 to vector<16xi32>
      %gather3A_1488 = tpu.vector_load_idx %arg10[%add3A_1485, %broadcast_in_dim3A_1487] : memref<256x16xi32, #tpu.memory_space<vmem>>[vector<16xi32>, vector<16xi32>], vector<16xi32>,
      %swap3A_1489 = arith.constant 0 : i32
      %swap3A_1490 = arith.index_cast %swap3A_1489 : i32 to index
      %swap3A_1491 = arith.constant 16 : index
      %swap3A_1492 = tpu.vector_load %arg12[%swap3A_1490, %swap3A_1491] {strides = array<i32>} : memref<2x128xi32, #tpu.memory_space<vmem>>, vector<16xi32>,
      tpu.vector_store %arg12[%swap3A_1490, %swap3A_1491], %gather3A_1488 {strides = array<i32>} : memref<2x128xi32, #tpu.memory_space<vmem>>, vector<16xi32>,
      %broadcast_in_dim3A_1493 = arith.constant 1 : i32
      %broadcast_in_dim3A_1494 = vector.broadcast %broadcast_in_dim3A_1493 : i32 to vector<16xi32>
      %gather3A_1495 = tpu.vector_load_idx %arg10[%add3A_1485, %broadcast_in_dim3A_1494] : memref<256x16xi32, #tpu.memory_space<vmem>>[vector<16xi32>, vector<16xi32>], vector<16xi32>,
      %swap3A_1496 = arith.constant 0 : i32
      %swap3A_1497 = arith.index_cast %swap3A_1496 : i32 to index
      %swap3A_1498 = arith.constant 16 : index
      %swap3A_1499 = tpu.vector_load %arg13[%swap3A_1497, %swap3A_1498] {strides = array<i32>} : memref<2x128xi32, #tpu.memory_space<vmem>>, vector<16xi32>,
      tpu.vector_store %arg13[%swap3A_1497, %swap3A_1498], %gather3A_1495 {strides = array<i32>} : memref<2x128xi32, #tpu.memory_space<vmem>>, vector<16xi32>,
      %broadcast_in_dim3A_1500 = arith.constant 2 : i32
      %broadcast_in_dim3A_1501 = vector.broadcast %broadcast_in_dim3A_1500 : i32 to vector<16xi32>
      %gather3A_1502 = tpu.vector_load_idx %arg10[%add3A_1485, %broadcast_in_dim3A_1501] : memref<256x16xi32, #tpu.memory_space<vmem>>[vector<16xi32>, vector<16xi32>], vector<16xi32>,
      %swap3A_1503 = arith.constant 0 : i32
      %swap3A_1504 = arith.index_cast %swap3A_1503 : i32 to index
      %swap3A_1505 = arith.constant 16 : index
      %swap3A_1506 = tpu.vector_load %arg14[%swap3A_1504, %swap3A_1505] {strides = array<i32>} : memref<2x128xi32, #tpu.memory_space<vmem>>, vector<16xi32>,
      tpu.vector_store %arg14[%swap3A_1504, %swap3A_1505], %gather3A_1502 {strides = array<i32>} : memref<2x128xi32, #tpu.memory_space<vmem>>, vector<16xi32>,
      %iota3A_1507 = tpu.iota {dimensions = array<i32: 0>} : vector<16xi32>
      %add3A_1508 = arith.constant 32 : i32
      %add3A_1509 = vector.broadcast %add3A_1508 : i32 to vector<16xi32>
      %add3A_1510 = arith.addi %iota3A_1507, %add3A_1509 : vector<16xi32>
      %broadcast_in_dim3A_1511 = arith.constant 0 : i32
      %broadcast_in_dim3A_1512 = vector.broadcast %broadcast_in_dim3A_1511 : i32 to vector<16xi32>
      %gather3A_1513 = tpu.vector_load_idx %arg10[%add3A_1510, %broadcast_in_dim3A_1512] : memref<256x16xi32, #tpu.memory_space<vmem>>[vector<16xi32>, vector<16xi32>], vector<16xi32>,
      %swap3A_1514 = arith.constant 0 : i32
      %swap3A_1515 = arith.index_cast %swap3A_1514 : i32 to index
      %swap3A_1516 = arith.constant 32 : index
      %swap3A_1517 = tpu.vector_load %arg12[%swap3A_1515, %swap3A_1516] {strides = array<i32>} : memref<2x128xi32, #tpu.memory_space<vmem>>, vector<16xi32>,
      tpu.vector_store %arg12[%swap3A_1515, %swap3A_1516], %gather3A_1513 {strides = array<i32>} : memref<2x128xi32, #tpu.memory_space<vmem>>, vector<16xi32>,
      %broadcast_in_dim3A_1518 = arith.constant 1 : i32
      %broadcast_in_dim3A_1519 = vector.broadcast %broadcast_in_dim3A_1518 : i32 to vector<16xi32>
      %gather3A_1520 = tpu.vector_load_idx %arg10[%add3A_1510, %broadcast_in_dim3A_1519] : memref<256x16xi32, #tpu.memory_space<vmem>>[vector<16xi32>, vector<16xi32>], vector<16xi32>,
      %swap3A_1521 = arith.constant 0 : i32
      %swap3A_1522 = arith.index_cast %swap3A_1521 : i32 to index
      %swap3A_1523 = arith.constant 32 : index
      %swap3A_1524 = tpu.vector_load %arg13[%swap3A_1522, %swap3A_1523] {strides = array<i32>} : memref<2x128xi32, #tpu.memory_space<vmem>>, vector<16xi32>,
      tpu.vector_store %arg13[%swap3A_1522, %swap3A_1523], %gather3A_1520 {strides = array<i32>} : memref<2x128xi32, #tpu.memory_space<vmem>>, vector<16xi32>,
      %broadcast_in_dim3A_1525 = arith.constant 2 : i32
      %broadcast_in_dim3A_1526 = vector.broadcast %broadcast_in_dim3A_1525 : i32 to vector<16xi32>
      %gather3A_1527 = tpu.vector_load_idx %arg10[%add3A_1510, %broadcast_in_dim3A_1526] : memref<256x16xi32, #tpu.memory_space<vmem>>[vector<16xi32>, vector<16xi32>], vector<16xi32>,
      %swap3A_1528 = arith.constant 0 : i32
      %swap3A_1529 = arith.index_cast %swap3A_1528 : i32 to index
      %swap3A_1530 = arith.constant 32 : index
      %swap3A_1531 = tpu.vector_load %arg14[%swap3A_1529, %swap3A_1530] {strides = array<i32>} : memref<2x128xi32, #tpu.memory_space<vmem>>, vector<16xi32>,
      tpu.vector_store %arg14[%swap3A_1529, %swap3A_1530], %gather3A_1527 {strides = array<i32>} : memref<2x128xi32, #tpu.memory_space<vmem>>, vector<16xi32>,
      %iota3A_1532 = tpu.iota {dimensions = array<i32: 0>} : vector<16xi32>
      %add3A_1533 = arith.constant 48 : i32
      %add3A_1534 = vector.broadcast %add3A_1533 : i32 to vector<16xi32>
      %add3A_1535 = arith.addi %iota3A_1532, %add3A_1534 : vector<16xi32>
      %broadcast_in_dim3A_1536 = arith.constant 0 : i32
      %broadcast_in_dim3A_1537 = vector.broadcast %broadcast_in_dim3A_1536 : i32 to vector<16xi32>
      %gather3A_1538 = tpu.vector_load_idx %arg10[%add3A_1535, %broadcast_in_dim3A_1537] : memref<256x16xi32, #tpu.memory_space<vmem>>[vector<16xi32>, vector<16xi32>], vector<16xi32>,
      %swap3A_1539 = arith.constant 0 : i32
      %swap3A_1540 = arith.index_cast %swap3A_1539 : i32 to index
      %swap3A_1541 = arith.constant 48 : index
      %swap3A_1542 = tpu.vector_load %arg12[%swap3A_1540, %swap3A_1541] {strides = array<i32>} : memref<2x128xi32, #tpu.memory_space<vmem>>, vector<16xi32>,
      tpu.vector_store %arg12[%swap3A_1540, %swap3A_1541], %gather3A_1538 {strides = array<i32>} : memref<2x128xi32, #tpu.memory_space<vmem>>, vector<16xi32>,
      %broadcast_in_dim3A_1543 = arith.constant 1 : i32
      %broadcast_in_dim3A_1544 = vector.broadcast %broadcast_in_dim3A_1543 : i32 to vector<16xi32>
      %gather3A_1545 = tpu.vector_load_idx %arg10[%add3A_1535, %broadcast_in_dim3A_1544] : memref<256x16xi32, #tpu.memory_space<vmem>>[vector<16xi32>, vector<16xi32>], vector<16xi32>,
      %swap3A_1546 = arith.constant 0 : i32
      %swap3A_1547 = arith.index_cast %swap3A_1546 : i32 to index
      %swap3A_1548 = arith.constant 48 : index
      %swap3A_1549 = tpu.vector_load %arg13[%swap3A_1547, %swap3A_1548] {strides = array<i32>} : memref<2x128xi32, #tpu.memory_space<vmem>>, vector<16xi32>,
      tpu.vector_store %arg13[%swap3A_1547, %swap3A_1548], %gather3A_1545 {strides = array<i32>} : memref<2x128xi32, #tpu.memory_space<vmem>>, vector<16xi32>,
      %broadcast_in_dim3A_1550 = arith.constant 2 : i32
      %broadcast_in_dim3A_1551 = vector.broadcast %broadcast_in_dim3A_1550 : i32 to vector<16xi32>
      %gather3A_1552 = tpu.vector_load_idx %arg10[%add3A_1535, %broadcast_in_dim3A_1551] : memref<256x16xi32, #tpu.memory_space<vmem>>[vector<16xi32>, vector<16xi32>], vector<16xi32>,
      %swap3A_1553 = arith.constant 0 : i32
      %swap3A_1554 = arith.index_cast %swap3A_1553 : i32 to index
      %swap3A_1555 = arith.constant 48 : index
      %swap3A_1556 = tpu.vector_load %arg14[%swap3A_1554, %swap3A_1555] {strides = array<i32>} : memref<2x128xi32, #tpu.memory_space<vmem>>, vector<16xi32>,
      tpu.vector_store %arg14[%swap3A_1554, %swap3A_1555], %gather3A_1552 {strides = array<i32>} : memref<2x128xi32, #tpu.memory_space<vmem>>, vector<16xi32>,
      %iota3A_1557 = tpu.iota {dimensions = array<i32: 0>} : vector<16xi32>
      %add3A_1558 = arith.constant 64 : i32
      %add3A_1559 = vector.broadcast %add3A_1558 : i32 to vector<16xi32>
      %add3A_1560 = arith.addi %iota3A_1557, %add3A_1559 : vector<16xi32>
      %broadcast_in_dim3A_1561 = arith.constant 0 : i32
      %broadcast_in_dim3A_1562 = vector.broadcast %broadcast_in_dim3A_1561 : i32 to vector<16xi32>
      %gather3A_1563 = tpu.vector_load_idx %arg10[%add3A_1560, %broadcast_in_dim3A_1562] : memref<256x16xi32, #tpu.memory_space<vmem>>[vector<16xi32>, vector<16xi32>], vector<16xi32>,
      %swap3A_1564 = arith.constant 0 : i32
      %swap3A_1565 = arith.index_cast %swap3A_1564 : i32 to index
      %swap3A_1566 = arith.constant 64 : index
      %swap3A_1567 = tpu.vector_load %arg12[%swap3A_1565, %swap3A_1566] {strides = array<i32>} : memref<2x128xi32, #tpu.memory_space<vmem>>, vector<16xi32>,
      tpu.vector_store %arg12[%swap3A_1565, %swap3A_1566], %gather3A_1563 {strides = array<i32>} : memref<2x128xi32, #tpu.memory_space<vmem>>, vector<16xi32>,
      %broadcast_in_dim3A_1568 = arith.constant 1 : i32
      %broadcast_in_dim3A_1569 = vector.broadcast %broadcast_in_dim3A_1568 : i32 to vector<16xi32>
      %gather3A_1570 = tpu.vector_load_idx %arg10[%add3A_1560, %broadcast_in_dim3A_1569] : memref<256x16xi32, #tpu.memory_space<vmem>>[vector<16xi32>, vector<16xi32>], vector<16xi32>,
      %swap3A_1571 = arith.constant 0 : i32
      %swap3A_1572 = arith.index_cast %swap3A_1571 : i32 to index
      %swap3A_1573 = arith.constant 64 : index
      %swap3A_1574 = tpu.vector_load %arg13[%swap3A_1572, %swap3A_1573] {strides = array<i32>} : memref<2x128xi32, #tpu.memory_space<vmem>>, vector<16xi32>,
      tpu.vector_store %arg13[%swap3A_1572, %swap3A_1573], %gather3A_1570 {strides = array<i32>} : memref<2x128xi32, #tpu.memory_space<vmem>>, vector<16xi32>,
      %broadcast_in_dim3A_1575 = arith.constant 2 : i32
      %broadcast_in_dim3A_1576 = vector.broadcast %broadcast_in_dim3A_1575 : i32 to vector<16xi32>
      %gather3A_1577 = tpu.vector_load_idx %arg10[%add3A_1560, %broadcast_in_dim3A_1576] : memref<256x16xi32, #tpu.memory_space<vmem>>[vector<16xi32>, vector<16xi32>], vector<16xi32>,
      %swap3A_1578 = arith.constant 0 : i32
      %swap3A_1579 = arith.index_cast %swap3A_1578 : i32 to index
      %swap3A_1580 = arith.constant 64 : index
      %swap3A_1581 = tpu.vector_load %arg14[%swap3A_1579, %swap3A_1580] {strides = array<i32>} : memref<2x128xi32, #tpu.memory_space<vmem>>, vector<16xi32>,
      tpu.vector_store %arg14[%swap3A_1579, %swap3A_1580], %gather3A_1577 {strides = array<i32>} : memref<2x128xi32, #tpu.memory_space<vmem>>, vector<16xi32>,
      %iota3A_1582 = tpu.iota {dimensions = array<i32: 0>} : vector<16xi32>
      %add3A_1583 = arith.constant 80 : i32
      %add3A_1584 = vector.broadcast %add3A_1583 : i32 to vector<16xi32>
      %add3A_1585 = arith.addi %iota3A_1582, %add3A_1584 : vector<16xi32>
      %broadcast_in_dim3A_1586 = arith.constant 0 : i32
      %broadcast_in_dim3A_1587 = vector.broadcast %broadcast_in_dim3A_1586 : i32 to vector<16xi32>
      %gather3A_1588 = tpu.vector_load_idx %arg10[%add3A_1585, %broadcast_in_dim3A_1587] : memref<256x16xi32, #tpu.memory_space<vmem>>[vector<16xi32>, vector<16xi32>], vector<16xi32>,
      %swap3A_1589 = arith.constant 0 : i32
      %swap3A_1590 = arith.index_cast %swap3A_1589 : i32 to index
      %swap3A_1591 = arith.constant 80 : index
      %swap3A_1592 = tpu.vector_load %arg12[%swap3A_1590, %swap3A_1591] {strides = array<i32>} : memref<2x128xi32, #tpu.memory_space<vmem>>, vector<16xi32>,
      tpu.vector_store %arg12[%swap3A_1590, %swap3A_1591], %gather3A_1588 {strides = array<i32>} : memref<2x128xi32, #tpu.memory_space<vmem>>, vector<16xi32>,
      %broadcast_in_dim3A_1593 = arith.constant 1 : i32
      %broadcast_in_dim3A_1594 = vector.broadcast %broadcast_in_dim3A_1593 : i32 to vector<16xi32>
      %gather3A_1595 = tpu.vector_load_idx %arg10[%add3A_1585, %broadcast_in_dim3A_1594] : memref<256x16xi32, #tpu.memory_space<vmem>>[vector<16xi32>, vector<16xi32>], vector<16xi32>,
      %swap3A_1596 = arith.constant 0 : i32
      %swap3A_1597 = arith.index_cast %swap3A_1596 : i32 to index
      %swap3A_1598 = arith.constant 80 : index
      %swap3A_1599 = tpu.vector_load %arg13[%swap3A_1597, %swap3A_1598] {strides = array<i32>} : memref<2x128xi32, #tpu.memory_space<vmem>>, vector<16xi32>,
      tpu.vector_store %arg13[%swap3A_1597, %swap3A_1598], %gather3A_1595 {strides = array<i32>} : memref<2x128xi32, #tpu.memory_space<vmem>>, vector<16xi32>,
      %broadcast_in_dim3A_1600 = arith.constant 2 : i32
      %broadcast_in_dim3A_1601 = vector.broadcast %broadcast_in_dim3A_1600 : i32 to vector<16xi32>
      %gather3A_1602 = tpu.vector_load_idx %arg10[%add3A_1585, %broadcast_in_dim3A_1601] : memref<256x16xi32, #tpu.memory_space<vmem>>[vector<16xi32>, vector<16xi32>], vector<16xi32>,
      %swap3A_1603 = arith.constant 0 : i32
      %swap3A_1604 = arith.index_cast %swap3A_1603 : i32 to index
      %swap3A_1605 = arith.constant 80 : index
      %swap3A_1606 = tpu.vector_load %arg14[%swap3A_1604, %swap3A_1605] {strides = array<i32>} : memref<2x128xi32, #tpu.memory_space<vmem>>, vector<16xi32>,
      tpu.vector_store %arg14[%swap3A_1604, %swap3A_1605], %gather3A_1602 {strides = array<i32>} : memref<2x128xi32, #tpu.memory_space<vmem>>, vector<16xi32>,
      %iota3A_1607 = tpu.iota {dimensions = array<i32: 0>} : vector<16xi32>
      %add3A_1608 = arith.constant 96 : i32
      %add3A_1609 = vector.broadcast %add3A_1608 : i32 to vector<16xi32>
      %add3A_1610 = arith.addi %iota3A_1607, %add3A_1609 : vector<16xi32>
      %broadcast_in_dim3A_1611 = arith.constant 0 : i32
      %broadcast_in_dim3A_1612 = vector.broadcast %broadcast_in_dim3A_1611 : i32 to vector<16xi32>
      %gather3A_1613 = tpu.vector_load_idx %arg10[%add3A_1610, %broadcast_in_dim3A_1612] : memref<256x16xi32, #tpu.memory_space<vmem>>[vector<16xi32>, vector<16xi32>], vector<16xi32>,
      %swap3A_1614 = arith.constant 0 : i32
      %swap3A_1615 = arith.index_cast %swap3A_1614 : i32 to index
      %swap3A_1616 = arith.constant 96 : index
      %swap3A_1617 = tpu.vector_load %arg12[%swap3A_1615, %swap3A_1616] {strides = array<i32>} : memref<2x128xi32, #tpu.memory_space<vmem>>, vector<16xi32>,
      tpu.vector_store %arg12[%swap3A_1615, %swap3A_1616], %gather3A_1613 {strides = array<i32>} : memref<2x128xi32, #tpu.memory_space<vmem>>, vector<16xi32>,
      %broadcast_in_dim3A_1618 = arith.constant 1 : i32
      %broadcast_in_dim3A_1619 = vector.broadcast %broadcast_in_dim3A_1618 : i32 to vector<16xi32>
      %gather3A_1620 = tpu.vector_load_idx %arg10[%add3A_1610, %broadcast_in_dim3A_1619] : memref<256x16xi32, #tpu.memory_space<vmem>>[vector<16xi32>, vector<16xi32>], vector<16xi32>,
      %swap3A_1621 = arith.constant 0 : i32
      %swap3A_1622 = arith.index_cast %swap3A_1621 : i32 to index
      %swap3A_1623 = arith.constant 96 : index
      %swap3A_1624 = tpu.vector_load %arg13[%swap3A_1622, %swap3A_1623] {strides = array<i32>} : memref<2x128xi32, #tpu.memory_space<vmem>>, vector<16xi32>,
      tpu.vector_store %arg13[%swap3A_1622, %swap3A_1623], %gather3A_1620 {strides = array<i32>} : memref<2x128xi32, #tpu.memory_space<vmem>>, vector<16xi32>,
      %broadcast_in_dim3A_1625 = arith.constant 2 : i32
      %broadcast_in_dim3A_1626 = vector.broadcast %broadcast_in_dim3A_1625 : i32 to vector<16xi32>
      %gather3A_1627 = tpu.vector_load_idx %arg10[%add3A_1610, %broadcast_in_dim3A_1626] : memref<256x16xi32, #tpu.memory_space<vmem>>[vector<16xi32>, vector<16xi32>], vector<16xi32>,
      %swap3A_1628 = arith.constant 0 : i32
      %swap3A_1629 = arith.index_cast %swap3A_1628 : i32 to index
      %swap3A_1630 = arith.constant 96 : index
      %swap3A_1631 = tpu.vector_load %arg14[%swap3A_1629, %swap3A_1630] {strides = array<i32>} : memref<2x128xi32, #tpu.memory_space<vmem>>, vector<16xi32>,
      tpu.vector_store %arg14[%swap3A_1629, %swap3A_1630], %gather3A_1627 {strides = array<i32>} : memref<2x128xi32, #tpu.memory_space<vmem>>, vector<16xi32>,
      %iota3A_1632 = tpu.iota {dimensions = array<i32: 0>} : vector<16xi32>
      %add3A_1633 = arith.constant 112 : i32
      %add3A_1634 = vector.broadcast %add3A_1633 : i32 to vector<16xi32>
      %add3A_1635 = arith.addi %iota3A_1632, %add3A_1634 : vector<16xi32>
      %broadcast_in_dim3A_1636 = arith.constant 0 : i32
      %broadcast_in_dim3A_1637 = vector.broadcast %broadcast_in_dim3A_1636 : i32 to vector<16xi32>
      %gather3A_1638 = tpu.vector_load_idx %arg10[%add3A_1635, %broadcast_in_dim3A_1637] : memref<256x16xi32, #tpu.memory_space<vmem>>[vector<16xi32>, vector<16xi32>], vector<16xi32>,
      %swap3A_1639 = arith.constant 0 : i32
      %swap3A_1640 = arith.index_cast %swap3A_1639 : i32 to index
      %swap3A_1641 = arith.constant 112 : index
      %swap3A_1642 = tpu.vector_load %arg12[%swap3A_1640, %swap3A_1641] {strides = array<i32>} : memref<2x128xi32, #tpu.memory_space<vmem>>, vector<16xi32>,
      tpu.vector_store %arg12[%swap3A_1640, %swap3A_1641], %gather3A_1638 {strides = array<i32>} : memref<2x128xi32, #tpu.memory_space<vmem>>, vector<16xi32>,
      %broadcast_in_dim3A_1643 = arith.constant 1 : i32
      %broadcast_in_dim3A_1644 = vector.broadcast %broadcast_in_dim3A_1643 : i32 to vector<16xi32>
      %gather3A_1645 = tpu.vector_load_idx %arg10[%add3A_1635, %broadcast_in_dim3A_1644] : memref<256x16xi32, #tpu.memory_space<vmem>>[vector<16xi32>, vector<16xi32>], vector<16xi32>,
      %swap3A_1646 = arith.constant 0 : i32
      %swap3A_1647 = arith.index_cast %swap3A_1646 : i32 to index
      %swap3A_1648 = arith.constant 112 : index
      %swap3A_1649 = tpu.vector_load %arg13[%swap3A_1647, %swap3A_1648] {strides = array<i32>} : memref<2x128xi32, #tpu.memory_space<vmem>>, vector<16xi32>,
      tpu.vector_store %arg13[%swap3A_1647, %swap3A_1648], %gather3A_1645 {strides = array<i32>} : memref<2x128xi32, #tpu.memory_space<vmem>>, vector<16xi32>,
      %broadcast_in_dim3A_1650 = arith.constant 2 : i32
      %broadcast_in_dim3A_1651 = vector.broadcast %broadcast_in_dim3A_1650 : i32 to vector<16xi32>
      %gather3A_1652 = tpu.vector_load_idx %arg10[%add3A_1635, %broadcast_in_dim3A_1651] : memref<256x16xi32, #tpu.memory_space<vmem>>[vector<16xi32>, vector<16xi32>], vector<16xi32>,
      %swap3A_1653 = arith.constant 0 : i32
      %swap3A_1654 = arith.index_cast %swap3A_1653 : i32 to index
      %swap3A_1655 = arith.constant 112 : index
      %swap3A_1656 = tpu.vector_load %arg14[%swap3A_1654, %swap3A_1655] {strides = array<i32>} : memref<2x128xi32, #tpu.memory_space<vmem>>, vector<16xi32>,
      tpu.vector_store %arg14[%swap3A_1654, %swap3A_1655], %gather3A_1652 {strides = array<i32>} : memref<2x128xi32, #tpu.memory_space<vmem>>, vector<16xi32>,
      %iota3A_1657 = tpu.iota {dimensions = array<i32: 0>} : vector<16xi32>
      %add3A_1658 = arith.constant 128 : i32
      %add3A_1659 = vector.broadcast %add3A_1658 : i32 to vector<16xi32>
      %add3A_1660 = arith.addi %iota3A_1657, %add3A_1659 : vector<16xi32>
      %broadcast_in_dim3A_1661 = arith.constant 0 : i32
      %broadcast_in_dim3A_1662 = vector.broadcast %broadcast_in_dim3A_1661 : i32 to vector<16xi32>
      %gather3A_1663 = tpu.vector_load_idx %arg10[%add3A_1660, %broadcast_in_dim3A_1662] : memref<256x16xi32, #tpu.memory_space<vmem>>[vector<16xi32>, vector<16xi32>], vector<16xi32>,
      %swap3A_1664 = arith.constant 1 : i32
      %swap3A_1665 = arith.index_cast %swap3A_1664 : i32 to index
      %swap3A_1666 = arith.constant 0 : index
      %swap3A_1667 = tpu.vector_load %arg12[%swap3A_1665, %swap3A_1666] {strides = array<i32>} : memref<2x128xi32, #tpu.memory_space<vmem>>, vector<16xi32>,
      tpu.vector_store %arg12[%swap3A_1665, %swap3A_1666], %gather3A_1663 {strides = array<i32>} : memref<2x128xi32, #tpu.memory_space<vmem>>, vector<16xi32>,
      %broadcast_in_dim3A_1668 = arith.constant 1 : i32
      %broadcast_in_dim3A_1669 = vector.broadcast %broadcast_in_dim3A_1668 : i32 to vector<16xi32>
      %gather3A_1670 = tpu.vector_load_idx %arg10[%add3A_1660, %broadcast_in_dim3A_1669] : memref<256x16xi32, #tpu.memory_space<vmem>>[vector<16xi32>, vector<16xi32>], vector<16xi32>,
      %swap3A_1671 = arith.constant 1 : i32
      %swap3A_1672 = arith.index_cast %swap3A_1671 : i32 to index
      %swap3A_1673 = arith.constant 0 : index
      %swap3A_1674 = tpu.vector_load %arg13[%swap3A_1672, %swap3A_1673] {strides = array<i32>} : memref<2x128xi32, #tpu.memory_space<vmem>>, vector<16xi32>,
      tpu.vector_store %arg13[%swap3A_1672, %swap3A_1673], %gather3A_1670 {strides = array<i32>} : memref<2x128xi32, #tpu.memory_space<vmem>>, vector<16xi32>,
      %broadcast_in_dim3A_1675 = arith.constant 2 : i32
      %broadcast_in_dim3A_1676 = vector.broadcast %broadcast_in_dim3A_1675 : i32 to vector<16xi32>
      %gather3A_1677 = tpu.vector_load_idx %arg10[%add3A_1660, %broadcast_in_dim3A_1676] : memref<256x16xi32, #tpu.memory_space<vmem>>[vector<16xi32>, vector<16xi32>], vector<16xi32>,
      %swap3A_1678 = arith.constant 1 : i32
      %swap3A_1679 = arith.index_cast %swap3A_1678 : i32 to index
      %swap3A_1680 = arith.constant 0 : index
      %swap3A_1681 = tpu.vector_load %arg14[%swap3A_1679, %swap3A_1680] {strides = array<i32>} : memref<2x128xi32, #tpu.memory_space<vmem>>, vector<16xi32>,
      tpu.vector_store %arg14[%swap3A_1679, %swap3A_1680], %gather3A_1677 {strides = array<i32>} : memref<2x128xi32, #tpu.memory_space<vmem>>, vector<16xi32>,
      %iota3A_1682 = tpu.iota {dimensions = array<i32: 0>} : vector<16xi32>
      %add3A_1683 = arith.constant 144 : i32
      %add3A_1684 = vector.broadcast %add3A_1683 : i32 to vector<16xi32>
      %add3A_1685 = arith.addi %iota3A_1682, %add3A_1684 : vector<16xi32>
      %broadcast_in_dim3A_1686 = arith.constant 0 : i32
      %broadcast_in_dim3A_1687 = vector.broadcast %broadcast_in_dim3A_1686 : i32 to vector<16xi32>
      %gather3A_1688 = tpu.vector_load_idx %arg10[%add3A_1685, %broadcast_in_dim3A_1687] : memref<256x16xi32, #tpu.memory_space<vmem>>[vector<16xi32>, vector<16xi32>], vector<16xi32>,
      %swap3A_1689 = arith.constant 1 : i32
      %swap3A_1690 = arith.index_cast %swap3A_1689 : i32 to index
      %swap3A_1691 = arith.constant 16 : index
      %swap3A_1692 = tpu.vector_load %arg12[%swap3A_1690, %swap3A_1691] {strides = array<i32>} : memref<2x128xi32, #tpu.memory_space<vmem>>, vector<16xi32>,
      tpu.vector_store %arg12[%swap3A_1690, %swap3A_1691], %gather3A_1688 {strides = array<i32>} : memref<2x128xi32, #tpu.memory_space<vmem>>, vector<16xi32>,
      %broadcast_in_dim3A_1693 = arith.constant 1 : i32
      %broadcast_in_dim3A_1694 = vector.broadcast %broadcast_in_dim3A_1693 : i32 to vector<16xi32>
      %gather3A_1695 = tpu.vector_load_idx %arg10[%add3A_1685, %broadcast_in_dim3A_1694] : memref<256x16xi32, #tpu.memory_space<vmem>>[vector<16xi32>, vector<16xi32>], vector<16xi32>,
      %swap3A_1696 = arith.constant 1 : i32
      %swap3A_1697 = arith.index_cast %swap3A_1696 : i32 to index
      %swap3A_1698 = arith.constant 16 : index
      %swap3A_1699 = tpu.vector_load %arg13[%swap3A_1697, %swap3A_1698] {strides = array<i32>} : memref<2x128xi32, #tpu.memory_space<vmem>>, vector<16xi32>,
      tpu.vector_store %arg13[%swap3A_1697, %swap3A_1698], %gather3A_1695 {strides = array<i32>} : memref<2x128xi32, #tpu.memory_space<vmem>>, vector<16xi32>,
      %broadcast_in_dim3A_1700 = arith.constant 2 : i32
      %broadcast_in_dim3A_1701 = vector.broadcast %broadcast_in_dim3A_1700 : i32 to vector<16xi32>
      %gather3A_1702 = tpu.vector_load_idx %arg10[%add3A_1685, %broadcast_in_dim3A_1701] : memref<256x16xi32, #tpu.memory_space<vmem>>[vector<16xi32>, vector<16xi32>], vector<16xi32>,
      %swap3A_1703 = arith.constant 1 : i32
      %swap3A_1704 = arith.index_cast %swap3A_1703 : i32 to index
      %swap3A_1705 = arith.constant 16 : index
      %swap3A_1706 = tpu.vector_load %arg14[%swap3A_1704, %swap3A_1705] {strides = array<i32>} : memref<2x128xi32, #tpu.memory_space<vmem>>, vector<16xi32>,
      tpu.vector_store %arg14[%swap3A_1704, %swap3A_1705], %gather3A_1702 {strides = array<i32>} : memref<2x128xi32, #tpu.memory_space<vmem>>, vector<16xi32>,
      %iota3A_1707 = tpu.iota {dimensions = array<i32: 0>} : vector<16xi32>
      %add3A_1708 = arith.constant 160 : i32
      %add3A_1709 = vector.broadcast %add3A_1708 : i32 to vector<16xi32>
      %add3A_1710 = arith.addi %iota3A_1707, %add3A_1709 : vector<16xi32>
      %broadcast_in_dim3A_1711 = arith.constant 0 : i32
      %broadcast_in_dim3A_1712 = vector.broadcast %broadcast_in_dim3A_1711 : i32 to vector<16xi32>
      %gather3A_1713 = tpu.vector_load_idx %arg10[%add3A_1710, %broadcast_in_dim3A_1712] : memref<256x16xi32, #tpu.memory_space<vmem>>[vector<16xi32>, vector<16xi32>], vector<16xi32>,
      %swap3A_1714 = arith.constant 1 : i32
      %swap3A_1715 = arith.index_cast %swap3A_1714 : i32 to index
      %swap3A_1716 = arith.constant 32 : index
      %swap3A_1717 = tpu.vector_load %arg12[%swap3A_1715, %swap3A_1716] {strides = array<i32>} : memref<2x128xi32, #tpu.memory_space<vmem>>, vector<16xi32>,
      tpu.vector_store %arg12[%swap3A_1715, %swap3A_1716], %gather3A_1713 {strides = array<i32>} : memref<2x128xi32, #tpu.memory_space<vmem>>, vector<16xi32>,
      %broadcast_in_dim3A_1718 = arith.constant 1 : i32
      %broadcast_in_dim3A_1719 = vector.broadcast %broadcast_in_dim3A_1718 : i32 to vector<16xi32>
      %gather3A_1720 = tpu.vector_load_idx %arg10[%add3A_1710, %broadcast_in_dim3A_1719] : memref<256x16xi32, #tpu.memory_space<vmem>>[vector<16xi32>, vector<16xi32>], vector<16xi32>,
      %swap3A_1721 = arith.constant 1 : i32
      %swap3A_1722 = arith.index_cast %swap3A_1721 : i32 to index
      %swap3A_1723 = arith.constant 32 : index
      %swap3A_1724 = tpu.vector_load %arg13[%swap3A_1722, %swap3A_1723] {strides = array<i32>} : memref<2x128xi32, #tpu.memory_space<vmem>>, vector<16xi32>,
      tpu.vector_store %arg13[%swap3A_1722, %swap3A_1723], %gather3A_1720 {strides = array<i32>} : memref<2x128xi32, #tpu.memory_space<vmem>>, vector<16xi32>,
      %broadcast_in_dim3A_1725 = arith.constant 2 : i32
      %broadcast_in_dim3A_1726 = vector.broadcast %broadcast_in_dim3A_1725 : i32 to vector<16xi32>
      %gather3A_1727 = tpu.vector_load_idx %arg10[%add3A_1710, %broadcast_in_dim3A_1726] : memref<256x16xi32, #tpu.memory_space<vmem>>[vector<16xi32>, vector<16xi32>], vector<16xi32>,
      %swap3A_1728 = arith.constant 1 : i32
      %swap3A_1729 = arith.index_cast %swap3A_1728 : i32 to index
      %swap3A_1730 = arith.constant 32 : index
      %swap3A_1731 = tpu.vector_load %arg14[%swap3A_1729, %swap3A_1730] {strides = array<i32>} : memref<2x128xi32, #tpu.memory_space<vmem>>, vector<16xi32>,
      tpu.vector_store %arg14[%swap3A_1729, %swap3A_1730], %gather3A_1727 {strides = array<i32>} : memref<2x128xi32, #tpu.memory_space<vmem>>, vector<16xi32>,
      %iota3A_1732 = tpu.iota {dimensions = array<i32: 0>} : vector<16xi32>
      %add3A_1733 = arith.constant 176 : i32
      %add3A_1734 = vector.broadcast %add3A_1733 : i32 to vector<16xi32>
      %add3A_1735 = arith.addi %iota3A_1732, %add3A_1734 : vector<16xi32>
      %broadcast_in_dim3A_1736 = arith.constant 0 : i32
      %broadcast_in_dim3A_1737 = vector.broadcast %broadcast_in_dim3A_1736 : i32 to vector<16xi32>
      %gather3A_1738 = tpu.vector_load_idx %arg10[%add3A_1735, %broadcast_in_dim3A_1737] : memref<256x16xi32, #tpu.memory_space<vmem>>[vector<16xi32>, vector<16xi32>], vector<16xi32>,
      %swap3A_1739 = arith.constant 1 : i32
      %swap3A_1740 = arith.index_cast %swap3A_1739 : i32 to index
      %swap3A_1741 = arith.constant 48 : index
      %swap3A_1742 = tpu.vector_load %arg12[%swap3A_1740, %swap3A_1741] {strides = array<i32>} : memref<2x128xi32, #tpu.memory_space<vmem>>, vector<16xi32>,
      tpu.vector_store %arg12[%swap3A_1740, %swap3A_1741], %gather3A_1738 {strides = array<i32>} : memref<2x128xi32, #tpu.memory_space<vmem>>, vector<16xi32>,
      %broadcast_in_dim3A_1743 = arith.constant 1 : i32
      %broadcast_in_dim3A_1744 = vector.broadcast %broadcast_in_dim3A_1743 : i32 to vector<16xi32>
      %gather3A_1745 = tpu.vector_load_idx %arg10[%add3A_1735, %broadcast_in_dim3A_1744] : memref<256x16xi32, #tpu.memory_space<vmem>>[vector<16xi32>, vector<16xi32>], vector<16xi32>,
      %swap3A_1746 = arith.constant 1 : i32
      %swap3A_1747 = arith.index_cast %swap3A_1746 : i32 to index
      %swap3A_1748 = arith.constant 48 : index
      %swap3A_1749 = tpu.vector_load %arg13[%swap3A_1747, %swap3A_1748] {strides = array<i32>} : memref<2x128xi32, #tpu.memory_space<vmem>>, vector<16xi32>,
      tpu.vector_store %arg13[%swap3A_1747, %swap3A_1748], %gather3A_1745 {strides = array<i32>} : memref<2x128xi32, #tpu.memory_space<vmem>>, vector<16xi32>,
      %broadcast_in_dim3A_1750 = arith.constant 2 : i32
      %broadcast_in_dim3A_1751 = vector.broadcast %broadcast_in_dim3A_1750 : i32 to vector<16xi32>
      %gather3A_1752 = tpu.vector_load_idx %arg10[%add3A_1735, %broadcast_in_dim3A_1751] : memref<256x16xi32, #tpu.memory_space<vmem>>[vector<16xi32>, vector<16xi32>], vector<16xi32>,
      %swap3A_1753 = arith.constant 1 : i32
      %swap3A_1754 = arith.index_cast %swap3A_1753 : i32 to index
      %swap3A_1755 = arith.constant 48 : index
      %swap3A_1756 = tpu.vector_load %arg14[%swap3A_1754, %swap3A_1755] {strides = array<i32>} : memref<2x128xi32, #tpu.memory_space<vmem>>, vector<16xi32>,
      tpu.vector_store %arg14[%swap3A_1754, %swap3A_1755], %gather3A_1752 {strides = array<i32>} : memref<2x128xi32, #tpu.memory_space<vmem>>, vector<16xi32>,
      %iota3A_1757 = tpu.iota {dimensions = array<i32: 0>} : vector<16xi32>
      %add3A_1758 = arith.constant 192 : i32
      %add3A_1759 = vector.broadcast %add3A_1758 : i32 to vector<16xi32>
      %add3A_1760 = arith.addi %iota3A_1757, %add3A_1759 : vector<16xi32>
      %broadcast_in_dim3A_1761 = arith.constant 0 : i32
      %broadcast_in_dim3A_1762 = vector.broadcast %broadcast_in_dim3A_1761 : i32 to vector<16xi32>
      %gather3A_1763 = tpu.vector_load_idx %arg10[%add3A_1760, %broadcast_in_dim3A_1762] : memref<256x16xi32, #tpu.memory_space<vmem>>[vector<16xi32>, vector<16xi32>], vector<16xi32>,
      %swap3A_1764 = arith.constant 1 : i32
      %swap3A_1765 = arith.index_cast %swap3A_1764 : i32 to index
      %swap3A_1766 = arith.constant 64 : index
      %swap3A_1767 = tpu.vector_load %arg12[%swap3A_1765, %swap3A_1766] {strides = array<i32>} : memref<2x128xi32, #tpu.memory_space<vmem>>, vector<16xi32>,
      tpu.vector_store %arg12[%swap3A_1765, %swap3A_1766], %gather3A_1763 {strides = array<i32>} : memref<2x128xi32, #tpu.memory_space<vmem>>, vector<16xi32>,
      %broadcast_in_dim3A_1768 = arith.constant 1 : i32
      %broadcast_in_dim3A_1769 = vector.broadcast %broadcast_in_dim3A_1768 : i32 to vector<16xi32>
      %gather3A_1770 = tpu.vector_load_idx %arg10[%add3A_1760, %broadcast_in_dim3A_1769] : memref<256x16xi32, #tpu.memory_space<vmem>>[vector<16xi32>, vector<16xi32>], vector<16xi32>,
      %swap3A_1771 = arith.constant 1 : i32
      %swap3A_1772 = arith.index_cast %swap3A_1771 : i32 to index
      %swap3A_1773 = arith.constant 64 : index
      %swap3A_1774 = tpu.vector_load %arg13[%swap3A_1772, %swap3A_1773] {strides = array<i32>} : memref<2x128xi32, #tpu.memory_space<vmem>>, vector<16xi32>,
      tpu.vector_store %arg13[%swap3A_1772, %swap3A_1773], %gather3A_1770 {strides = array<i32>} : memref<2x128xi32, #tpu.memory_space<vmem>>, vector<16xi32>,
      %broadcast_in_dim3A_1775 = arith.constant 2 : i32
      %broadcast_in_dim3A_1776 = vector.broadcast %broadcast_in_dim3A_1775 : i32 to vector<16xi32>
      %gather3A_1777 = tpu.vector_load_idx %arg10[%add3A_1760, %broadcast_in_dim3A_1776] : memref<256x16xi32, #tpu.memory_space<vmem>>[vector<16xi32>, vector<16xi32>], vector<16xi32>,
      %swap3A_1778 = arith.constant 1 : i32
      %swap3A_1779 = arith.index_cast %swap3A_1778 : i32 to index
      %swap3A_1780 = arith.constant 64 : index
      %swap3A_1781 = tpu.vector_load %arg14[%swap3A_1779, %swap3A_1780] {strides = array<i32>} : memref<2x128xi32, #tpu.memory_space<vmem>>, vector<16xi32>,
      tpu.vector_store %arg14[%swap3A_1779, %swap3A_1780], %gather3A_1777 {strides = array<i32>} : memref<2x128xi32, #tpu.memory_space<vmem>>, vector<16xi32>,
      %iota3A_1782 = tpu.iota {dimensions = array<i32: 0>} : vector<16xi32>
      %add3A_1783 = arith.constant 208 : i32
      %add3A_1784 = vector.broadcast %add3A_1783 : i32 to vector<16xi32>
      %add3A_1785 = arith.addi %iota3A_1782, %add3A_1784 : vector<16xi32>
      %broadcast_in_dim3A_1786 = arith.constant 0 : i32
      %broadcast_in_dim3A_1787 = vector.broadcast %broadcast_in_dim3A_1786 : i32 to vector<16xi32>
      %gather3A_1788 = tpu.vector_load_idx %arg10[%add3A_1785, %broadcast_in_dim3A_1787] : memref<256x16xi32, #tpu.memory_space<vmem>>[vector<16xi32>, vector<16xi32>], vector<16xi32>,
      %swap3A_1789 = arith.constant 1 : i32
      %swap3A_1790 = arith.index_cast %swap3A_1789 : i32 to index
      %swap3A_1791 = arith.constant 80 : index
      %swap3A_1792 = tpu.vector_load %arg12[%swap3A_1790, %swap3A_1791] {strides = array<i32>} : memref<2x128xi32, #tpu.memory_space<vmem>>, vector<16xi32>,
      tpu.vector_store %arg12[%swap3A_1790, %swap3A_1791], %gather3A_1788 {strides = array<i32>} : memref<2x128xi32, #tpu.memory_space<vmem>>, vector<16xi32>,
      %broadcast_in_dim3A_1793 = arith.constant 1 : i32
      %broadcast_in_dim3A_1794 = vector.broadcast %broadcast_in_dim3A_1793 : i32 to vector<16xi32>
      %gather3A_1795 = tpu.vector_load_idx %arg10[%add3A_1785, %broadcast_in_dim3A_1794] : memref<256x16xi32, #tpu.memory_space<vmem>>[vector<16xi32>, vector<16xi32>], vector<16xi32>,
      %swap3A_1796 = arith.constant 1 : i32
      %swap3A_1797 = arith.index_cast %swap3A_1796 : i32 to index
      %swap3A_1798 = arith.constant 80 : index
      %swap3A_1799 = tpu.vector_load %arg13[%swap3A_1797, %swap3A_1798] {strides = array<i32>} : memref<2x128xi32, #tpu.memory_space<vmem>>, vector<16xi32>,
      tpu.vector_store %arg13[%swap3A_1797, %swap3A_1798], %gather3A_1795 {strides = array<i32>} : memref<2x128xi32, #tpu.memory_space<vmem>>, vector<16xi32>,
      %broadcast_in_dim3A_1800 = arith.constant 2 : i32
      %broadcast_in_dim3A_1801 = vector.broadcast %broadcast_in_dim3A_1800 : i32 to vector<16xi32>
      %gather3A_1802 = tpu.vector_load_idx %arg10[%add3A_1785, %broadcast_in_dim3A_1801] : memref<256x16xi32, #tpu.memory_space<vmem>>[vector<16xi32>, vector<16xi32>], vector<16xi32>,
      %swap3A_1803 = arith.constant 1 : i32
      %swap3A_1804 = arith.index_cast %swap3A_1803 : i32 to index
      %swap3A_1805 = arith.constant 80 : index
      %swap3A_1806 = tpu.vector_load %arg14[%swap3A_1804, %swap3A_1805] {strides = array<i32>} : memref<2x128xi32, #tpu.memory_space<vmem>>, vector<16xi32>,
      tpu.vector_store %arg14[%swap3A_1804, %swap3A_1805], %gather3A_1802 {strides = array<i32>} : memref<2x128xi32, #tpu.memory_space<vmem>>, vector<16xi32>,
      %iota3A_1807 = tpu.iota {dimensions = array<i32: 0>} : vector<16xi32>
      %add3A_1808 = arith.constant 224 : i32
      %add3A_1809 = vector.broadcast %add3A_1808 : i32 to vector<16xi32>
      %add3A_1810 = arith.addi %iota3A_1807, %add3A_1809 : vector<16xi32>
      %broadcast_in_dim3A_1811 = arith.constant 0 : i32
      %broadcast_in_dim3A_1812 = vector.broadcast %broadcast_in_dim3A_1811 : i32 to vector<16xi32>
      %gather3A_1813 = tpu.vector_load_idx %arg10[%add3A_1810, %broadcast_in_dim3A_1812] : memref<256x16xi32, #tpu.memory_space<vmem>>[vector<16xi32>, vector<16xi32>], vector<16xi32>,
      %swap3A_1814 = arith.constant 1 : i32
      %swap3A_1815 = arith.index_cast %swap3A_1814 : i32 to index
      %swap3A_1816 = arith.constant 96 : index
      %swap3A_1817 = tpu.vector_load %arg12[%swap3A_1815, %swap3A_1816] {strides = array<i32>} : memref<2x128xi32, #tpu.memory_space<vmem>>, vector<16xi32>,
      tpu.vector_store %arg12[%swap3A_1815, %swap3A_1816], %gather3A_1813 {strides = array<i32>} : memref<2x128xi32, #tpu.memory_space<vmem>>, vector<16xi32>,
      %broadcast_in_dim3A_1818 = arith.constant 1 : i32
      %broadcast_in_dim3A_1819 = vector.broadcast %broadcast_in_dim3A_1818 : i32 to vector<16xi32>
      %gather3A_1820 = tpu.vector_load_idx %arg10[%add3A_1810, %broadcast_in_dim3A_1819] : memref<256x16xi32, #tpu.memory_space<vmem>>[vector<16xi32>, vector<16xi32>], vector<16xi32>,
      %swap3A_1821 = arith.constant 1 : i32
      %swap3A_1822 = arith.index_cast %swap3A_1821 : i32 to index
      %swap3A_1823 = arith.constant 96 : index
      %swap3A_1824 = tpu.vector_load %arg13[%swap3A_1822, %swap3A_1823] {strides = array<i32>} : memref<2x128xi32, #tpu.memory_space<vmem>>, vector<16xi32>,
      tpu.vector_store %arg13[%swap3A_1822, %swap3A_1823], %gather3A_1820 {strides = array<i32>} : memref<2x128xi32, #tpu.memory_space<vmem>>, vector<16xi32>,
      %broadcast_in_dim3A_1825 = arith.constant 2 : i32
      %broadcast_in_dim3A_1826 = vector.broadcast %broadcast_in_dim3A_1825 : i32 to vector<16xi32>
      %gather3A_1827 = tpu.vector_load_idx %arg10[%add3A_1810, %broadcast_in_dim3A_1826] : memref<256x16xi32, #tpu.memory_space<vmem>>[vector<16xi32>, vector<16xi32>], vector<16xi32>,
      %swap3A_1828 = arith.constant 1 : i32
      %swap3A_1829 = arith.index_cast %swap3A_1828 : i32 to index
      %swap3A_1830 = arith.constant 96 : index
      %swap3A_1831 = tpu.vector_load %arg14[%swap3A_1829, %swap3A_1830] {strides = array<i32>} : memref<2x128xi32, #tpu.memory_space<vmem>>, vector<16xi32>,
      tpu.vector_store %arg14[%swap3A_1829, %swap3A_1830], %gather3A_1827 {strides = array<i32>} : memref<2x128xi32, #tpu.memory_space<vmem>>, vector<16xi32>,
      %iota3A_1832 = tpu.iota {dimensions = array<i32: 0>} : vector<16xi32>
      %add3A_1833 = arith.constant 240 : i32
      %add3A_1834 = vector.broadcast %add3A_1833 : i32 to vector<16xi32>
      %add3A_1835 = arith.addi %iota3A_1832, %add3A_1834 : vector<16xi32>
      %broadcast_in_dim3A_1836 = arith.constant 0 : i32
      %broadcast_in_dim3A_1837 = vector.broadcast %broadcast_in_dim3A_1836 : i32 to vector<16xi32>
      %gather3A_1838 = tpu.vector_load_idx %arg10[%add3A_1835, %broadcast_in_dim3A_1837] : memref<256x16xi32, #tpu.memory_space<vmem>>[vector<16xi32>, vector<16xi32>], vector<16xi32>,
      %swap3A_1839 = arith.constant 1 : i32
      %swap3A_1840 = arith.index_cast %swap3A_1839 : i32 to index
      %swap3A_1841 = arith.constant 112 : index
      %swap3A_1842 = tpu.vector_load %arg12[%swap3A_1840, %swap3A_1841] {strides = array<i32>} : memref<2x128xi32, #tpu.memory_space<vmem>>, vector<16xi32>,
      tpu.vector_store %arg12[%swap3A_1840, %swap3A_1841], %gather3A_1838 {strides = array<i32>} : memref<2x128xi32, #tpu.memory_space<vmem>>, vector<16xi32>,
      %broadcast_in_dim3A_1843 = arith.constant 1 : i32
      %broadcast_in_dim3A_1844 = vector.broadcast %broadcast_in_dim3A_1843 : i32 to vector<16xi32>
      %gather3A_1845 = tpu.vector_load_idx %arg10[%add3A_1835, %broadcast_in_dim3A_1844] : memref<256x16xi32, #tpu.memory_space<vmem>>[vector<16xi32>, vector<16xi32>], vector<16xi32>,
      %swap3A_1846 = arith.constant 1 : i32
      %swap3A_1847 = arith.index_cast %swap3A_1846 : i32 to index
      %swap3A_1848 = arith.constant 112 : index
      %swap3A_1849 = tpu.vector_load %arg13[%swap3A_1847, %swap3A_1848] {strides = array<i32>} : memref<2x128xi32, #tpu.memory_space<vmem>>, vector<16xi32>,
      tpu.vector_store %arg13[%swap3A_1847, %swap3A_1848], %gather3A_1845 {strides = array<i32>} : memref<2x128xi32, #tpu.memory_space<vmem>>, vector<16xi32>,
      %broadcast_in_dim3A_1850 = arith.constant 2 : i32
      %broadcast_in_dim3A_1851 = vector.broadcast %broadcast_in_dim3A_1850 : i32 to vector<16xi32>
      %gather3A_1852 = tpu.vector_load_idx %arg10[%add3A_1835, %broadcast_in_dim3A_1851] : memref<256x16xi32, #tpu.memory_space<vmem>>[vector<16xi32>, vector<16xi32>], vector<16xi32>,
      %swap3A_1853 = arith.constant 1 : i32
      %swap3A_1854 = arith.index_cast %swap3A_1853 : i32 to index
      %swap3A_1855 = arith.constant 112 : index
      %swap3A_1856 = tpu.vector_load %arg14[%swap3A_1854, %swap3A_1855] {strides = array<i32>} : memref<2x128xi32, #tpu.memory_space<vmem>>, vector<16xi32>,
      tpu.vector_store %arg14[%swap3A_1854, %swap3A_1855], %gather3A_1852 {strides = array<i32>} : memref<2x128xi32, #tpu.memory_space<vmem>>, vector<16xi32>,
      %add3A_1857 = arith.constant 1 : i32
      %add3A_1858 = arith.addi %add3A_1156, %add3A_1857 : i32
      %dma_start3A_1859 = arith.constant 0 : i32
      %dma_start3A_1860 = arith.constant 0 : i32
      %dma_start3A_1861 = arith.constant 0 : i32
      %dma_start3A_1862 = tpu.memref_slice %arg18[%dma_start3A_1860, %dma_start3A_1861] : memref<256x64xf32, #tpu.memory_space<vmem>> -> memref<128x64xf32, #tpu.memory_space<vmem>>
      %dma_start3A_1863 = arith.constant 0 : i32
      %dma_start3A_1864 = tpu.memref_slice %arg12[%dma_start3A_1859, %dma_start3A_1863] : memref<2x128xi32, #tpu.memory_space<vmem>> -> memref<1x128xi32, #tpu.memory_space<vmem>>
      %dma_start3A_1865 = tpu.memref_squeeze %dma_start3A_1864 : memref<1x128xi32, #tpu.memory_space<vmem>> -> memref<128xi32, #tpu.memory_space<vmem>>
      %dma_start3A_1866 = arith.constant 0 : i32
      %dma_start3A_1867 = arith.constant 0 : i32
      %dma_start3A_1868 = tpu.memref_slice %arg2[%dma_start3A_1866, %dma_start3A_1867] : memref<126720x64xf32, #tpu.memory_space<hbm>> -> memref<126720x64xf32, #tpu.memory_space<hbm>>
      tpu.enqueue_indirect_dma source(%dma_start3A_1868 : memref<126720x64xf32, #tpu.memory_space<hbm>>) target(%dma_start3A_1862 : memref<128x64xf32, #tpu.memory_space<vmem>>) offsets(%dma_start3A_1865 : memref<128xi32, #tpu.memory_space<vmem>>) semaphore(%arg28 : memref<!tpu.dma_semaphore, #tpu.memory_space<semaphore_mem>>)
      %dma_start3A_1869 = arith.constant 1 : i32
      %dma_start3A_1870 = arith.constant 128 : i32
      %dma_start3A_1871 = arith.constant 0 : i32
      %dma_start3A_1872 = tpu.memref_slice %arg18[%dma_start3A_1870, %dma_start3A_1871] : memref<256x64xf32, #tpu.memory_space<vmem>> -> memref<128x64xf32, #tpu.memory_space<vmem>>
      %dma_start3A_1873 = arith.constant 0 : i32
      %dma_start3A_1874 = tpu.memref_slice %arg12[%dma_start3A_1869, %dma_start3A_1873] : memref<2x128xi32, #tpu.memory_space<vmem>> -> memref<1x128xi32, #tpu.memory_space<vmem>>
      %dma_start3A_1875 = tpu.memref_squeeze %dma_start3A_1874 : memref<1x128xi32, #tpu.memory_space<vmem>> -> memref<128xi32, #tpu.memory_space<vmem>>
      %dma_start3A_1876 = arith.constant 0 : i32
      %dma_start3A_1877 = arith.constant 0 : i32
      %dma_start3A_1878 = tpu.memref_slice %arg2[%dma_start3A_1876, %dma_start3A_1877] : memref<126720x64xf32, #tpu.memory_space<hbm>> -> memref<126720x64xf32, #tpu.memory_space<hbm>>
      tpu.enqueue_indirect_dma source(%dma_start3A_1878 : memref<126720x64xf32, #tpu.memory_space<hbm>>) target(%dma_start3A_1872 : memref<128x64xf32, #tpu.memory_space<vmem>>) offsets(%dma_start3A_1875 : memref<128xi32, #tpu.memory_space<vmem>>) semaphore(%arg28 : memref<!tpu.dma_semaphore, #tpu.memory_space<semaphore_mem>>)
      %dma_start3A_1879 = arith.constant 0 : i32
      %dma_start3A_1880 = arith.constant 0 : i32
      %dma_start3A_1881 = arith.constant 0 : i32
      %dma_start3A_1882 = tpu.memref_slice %arg19[%dma_start3A_1880, %dma_start3A_1881] : memref<256x64xf32, #tpu.memory_space<vmem>> -> memref<128x64xf32, #tpu.memory_space<vmem>>
      %dma_start3A_1883 = arith.constant 0 : i32
      %dma_start3A_1884 = tpu.memref_slice %arg13[%dma_start3A_1879, %dma_start3A_1883] : memref<2x128xi32, #tpu.memory_space<vmem>> -> memref<1x128xi32, #tpu.memory_space<vmem>>
      %dma_start3A_1885 = tpu.memref_squeeze %dma_start3A_1884 : memref<1x128xi32, #tpu.memory_space<vmem>> -> memref<128xi32, #tpu.memory_space<vmem>>
      %dma_start3A_1886 = arith.constant 0 : i32
      %dma_start3A_1887 = arith.constant 0 : i32
      %dma_start3A_1888 = tpu.memref_slice %arg2[%dma_start3A_1886, %dma_start3A_1887] : memref<126720x64xf32, #tpu.memory_space<hbm>> -> memref<126720x64xf32, #tpu.memory_space<hbm>>
      tpu.enqueue_indirect_dma source(%dma_start3A_1888 : memref<126720x64xf32, #tpu.memory_space<hbm>>) target(%dma_start3A_1882 : memref<128x64xf32, #tpu.memory_space<vmem>>) offsets(%dma_start3A_1885 : memref<128xi32, #tpu.memory_space<vmem>>) semaphore(%arg28 : memref<!tpu.dma_semaphore, #tpu.memory_space<semaphore_mem>>)
      %dma_start3A_1889 = arith.constant 1 : i32
      %dma_start3A_1890 = arith.constant 128 : i32
      %dma_start3A_1891 = arith.constant 0 : i32
      %dma_start3A_1892 = tpu.memref_slice %arg19[%dma_start3A_1890, %dma_start3A_1891] : memref<256x64xf32, #tpu.memory_space<vmem>> -> memref<128x64xf32, #tpu.memory_space<vmem>>
      %dma_start3A_1893 = arith.constant 0 : i32
      %dma_start3A_1894 = tpu.memref_slice %arg13[%dma_start3A_1889, %dma_start3A_1893] : memref<2x128xi32, #tpu.memory_space<vmem>> -> memref<1x128xi32, #tpu.memory_space<vmem>>
      %dma_start3A_1895 = tpu.memref_squeeze %dma_start3A_1894 : memref<1x128xi32, #tpu.memory_space<vmem>> -> memref<128xi32, #tpu.memory_space<vmem>>
      %dma_start3A_1896 = arith.constant 0 : i32
      %dma_start3A_1897 = arith.constant 0 : i32
      %dma_start3A_1898 = tpu.memref_slice %arg2[%dma_start3A_1896, %dma_start3A_1897] : memref<126720x64xf32, #tpu.memory_space<hbm>> -> memref<126720x64xf32, #tpu.memory_space<hbm>>
      tpu.enqueue_indirect_dma source(%dma_start3A_1898 : memref<126720x64xf32, #tpu.memory_space<hbm>>) target(%dma_start3A_1892 : memref<128x64xf32, #tpu.memory_space<vmem>>) offsets(%dma_start3A_1895 : memref<128xi32, #tpu.memory_space<vmem>>) semaphore(%arg28 : memref<!tpu.dma_semaphore, #tpu.memory_space<semaphore_mem>>)
      %dma_start3A_1899 = arith.constant 0 : i32
      %dma_start3A_1900 = arith.constant 0 : i32
      %dma_start3A_1901 = arith.constant 0 : i32
      %dma_start3A_1902 = tpu.memref_slice %arg20[%dma_start3A_1900, %dma_start3A_1901] : memref<256x64xf32, #tpu.memory_space<vmem>> -> memref<128x64xf32, #tpu.memory_space<vmem>>
      %dma_start3A_1903 = arith.constant 0 : i32
      %dma_start3A_1904 = tpu.memref_slice %arg14[%dma_start3A_1899, %dma_start3A_1903] : memref<2x128xi32, #tpu.memory_space<vmem>> -> memref<1x128xi32, #tpu.memory_space<vmem>>
      %dma_start3A_1905 = tpu.memref_squeeze %dma_start3A_1904 : memref<1x128xi32, #tpu.memory_space<vmem>> -> memref<128xi32, #tpu.memory_space<vmem>>
      %dma_start3A_1906 = arith.constant 0 : i32
      %dma_start3A_1907 = arith.constant 0 : i32
      %dma_start3A_1908 = tpu.memref_slice %arg2[%dma_start3A_1906, %dma_start3A_1907] : memref<126720x64xf32, #tpu.memory_space<hbm>> -> memref<126720x64xf32, #tpu.memory_space<hbm>>
      tpu.enqueue_indirect_dma source(%dma_start3A_1908 : memref<126720x64xf32, #tpu.memory_space<hbm>>) target(%dma_start3A_1902 : memref<128x64xf32, #tpu.memory_space<vmem>>) offsets(%dma_start3A_1905 : memref<128xi32, #tpu.memory_space<vmem>>) semaphore(%arg28 : memref<!tpu.dma_semaphore, #tpu.memory_space<semaphore_mem>>)
      %dma_start3A_1909 = arith.constant 1 : i32
      %dma_start3A_1910 = arith.constant 128 : i32
      %dma_start3A_1911 = arith.constant 0 : i32
      %dma_start3A_1912 = tpu.memref_slice %arg20[%dma_start3A_1910, %dma_start3A_1911] : memref<256x64xf32, #tpu.memory_space<vmem>> -> memref<128x64xf32, #tpu.memory_space<vmem>>
      %dma_start3A_1913 = arith.constant 0 : i32
      %dma_start3A_1914 = tpu.memref_slice %arg14[%dma_start3A_1909, %dma_start3A_1913] : memref<2x128xi32, #tpu.memory_space<vmem>> -> memref<1x128xi32, #tpu.memory_space<vmem>>
      %dma_start3A_1915 = tpu.memref_squeeze %dma_start3A_1914 : memref<1x128xi32, #tpu.memory_space<vmem>> -> memref<128xi32, #tpu.memory_space<vmem>>
      %dma_start3A_1916 = arith.constant 0 : i32
      %dma_start3A_1917 = arith.constant 0 : i32
      %dma_start3A_1918 = tpu.memref_slice %arg2[%dma_start3A_1916, %dma_start3A_1917] : memref<126720x64xf32, #tpu.memory_space<hbm>> -> memref<126720x64xf32, #tpu.memory_space<hbm>>
      tpu.enqueue_indirect_dma source(%dma_start3A_1918 : memref<126720x64xf32, #tpu.memory_space<hbm>>) target(%dma_start3A_1912 : memref<128x64xf32, #tpu.memory_space<vmem>>) offsets(%dma_start3A_1915 : memref<128xi32, #tpu.memory_space<vmem>>) semaphore(%arg28 : memref<!tpu.dma_semaphore, #tpu.memory_space<semaphore_mem>>)
      %dma_wait3A_1919 = arith.constant 2 : i32
      %dma_wait3A_1920 = arith.constant 0 : i32
      %dma_wait3A_1921 = arith.constant 0 : i32
      %dma_wait3A_1922 = tpu.memref_slice %arg21[%dma_wait3A_1920, %dma_wait3A_1921] : memref<256x64xf32, #tpu.memory_space<vmem>> -> memref<128x64xf32, #tpu.memory_space<vmem>>
      %dma_wait3A_1923 = arith.constant 0 : i32
      %dma_wait3A_1924 = tpu.memref_slice %arg9[%dma_wait3A_1919, %dma_wait3A_1923] : memref<4x128xi32, #tpu.memory_space<vmem>> -> memref<1x128xi32, #tpu.memory_space<vmem>>
      %dma_wait3A_1925 = tpu.memref_squeeze %dma_wait3A_1924 : memref<1x128xi32, #tpu.memory_space<vmem>> -> memref<128xi32, #tpu.memory_space<vmem>>
      %dma_wait3A_1926 = arith.constant 0 : i32
      %dma_wait3A_1927 = arith.constant 0 : i32
      %dma_wait3A_1928 = tpu.memref_slice %arg5[%dma_wait3A_1926, %dma_wait3A_1927] : memref<114688x64xf32, #tpu.memory_space<hbm>> -> memref<114688x64xf32, #tpu.memory_space<hbm>>
      tpu.wait_indirect_dma semaphore(%arg31 : memref<!tpu.dma_semaphore, #tpu.memory_space<semaphore_mem>>) src(%dma_wait3A_1922 : memref<128x64xf32, #tpu.memory_space<vmem>>) dst(%dma_wait3A_1928 : memref<114688x64xf32, #tpu.memory_space<hbm>>)
      %dma_wait3A_1929 = arith.constant 3 : i32
      %dma_wait3A_1930 = arith.constant 128 : i32
      %dma_wait3A_1931 = arith.constant 0 : i32
      %dma_wait3A_1932 = tpu.memref_slice %arg21[%dma_wait3A_1930, %dma_wait3A_1931] : memref<256x64xf32, #tpu.memory_space<vmem>> -> memref<128x64xf32, #tpu.memory_space<vmem>>
      %dma_wait3A_1933 = arith.constant 0 : i32
      %dma_wait3A_1934 = tpu.memref_slice %arg9[%dma_wait3A_1929, %dma_wait3A_1933] : memref<4x128xi32, #tpu.memory_space<vmem>> -> memref<1x128xi32, #tpu.memory_space<vmem>>
      %dma_wait3A_1935 = tpu.memref_squeeze %dma_wait3A_1934 : memref<1x128xi32, #tpu.memory_space<vmem>> -> memref<128xi32, #tpu.memory_space<vmem>>
      %dma_wait3A_1936 = arith.constant 0 : i32
      %dma_wait3A_1937 = arith.constant 0 : i32
      %dma_wait3A_1938 = tpu.memref_slice %arg5[%dma_wait3A_1936, %dma_wait3A_1937] : memref<114688x64xf32, #tpu.memory_space<hbm>> -> memref<114688x64xf32, #tpu.memory_space<hbm>>
      tpu.wait_indirect_dma semaphore(%arg31 : memref<!tpu.dma_semaphore, #tpu.memory_space<semaphore_mem>>) src(%dma_wait3A_1932 : memref<128x64xf32, #tpu.memory_space<vmem>>) dst(%dma_wait3A_1938 : memref<114688x64xf32, #tpu.memory_space<hbm>>)
      %dma_wait3A_1939 = arith.constant 2 : i32
      %dma_wait3A_1940 = arith.constant 0 : i32
      %dma_wait3A_1941 = arith.constant 0 : i32
      %dma_wait3A_1942 = tpu.memref_slice %arg22[%dma_wait3A_1940, %dma_wait3A_1941] : memref<256x64xf32, #tpu.memory_space<vmem>> -> memref<128x64xf32, #tpu.memory_space<vmem>>
      %dma_wait3A_1943 = arith.constant 0 : i32
      %dma_wait3A_1944 = tpu.memref_slice %arg9[%dma_wait3A_1939, %dma_wait3A_1943] : memref<4x128xi32, #tpu.memory_space<vmem>> -> memref<1x128xi32, #tpu.memory_space<vmem>>
      %dma_wait3A_1945 = tpu.memref_squeeze %dma_wait3A_1944 : memref<1x128xi32, #tpu.memory_space<vmem>> -> memref<128xi32, #tpu.memory_space<vmem>>
      %dma_wait3A_1946 = arith.constant 0 : i32
      %dma_wait3A_1947 = arith.constant 0 : i32
      %dma_wait3A_1948 = tpu.memref_slice %arg6[%dma_wait3A_1946, %dma_wait3A_1947] : memref<114688x64xf32, #tpu.memory_space<hbm>> -> memref<114688x64xf32, #tpu.memory_space<hbm>>
      tpu.wait_indirect_dma semaphore(%arg31 : memref<!tpu.dma_semaphore, #tpu.memory_space<semaphore_mem>>) src(%dma_wait3A_1942 : memref<128x64xf32, #tpu.memory_space<vmem>>) dst(%dma_wait3A_1948 : memref<114688x64xf32, #tpu.memory_space<hbm>>)
      %dma_wait3A_1949 = arith.constant 3 : i32
      %dma_wait3A_1950 = arith.constant 128 : i32
      %dma_wait3A_1951 = arith.constant 0 : i32
      %dma_wait3A_1952 = tpu.memref_slice %arg22[%dma_wait3A_1950, %dma_wait3A_1951] : memref<256x64xf32, #tpu.memory_space<vmem>> -> memref<128x64xf32, #tpu.memory_space<vmem>>
      %dma_wait3A_1953 = arith.constant 0 : i32
      %dma_wait3A_1954 = tpu.memref_slice %arg9[%dma_wait3A_1949, %dma_wait3A_1953] : memref<4x128xi32, #tpu.memory_space<vmem>> -> memref<1x128xi32, #tpu.memory_space<vmem>>
      %dma_wait3A_1955 = tpu.memref_squeeze %dma_wait3A_1954 : memref<1x128xi32, #tpu.memory_space<vmem>> -> memref<128xi32, #tpu.memory_space<vmem>>
      %dma_wait3A_1956 = arith.constant 0 : i32
      %dma_wait3A_1957 = arith.constant 0 : i32
      %dma_wait3A_1958 = tpu.memref_slice %arg6[%dma_wait3A_1956, %dma_wait3A_1957] : memref<114688x64xf32, #tpu.memory_space<hbm>> -> memref<114688x64xf32, #tpu.memory_space<hbm>>
      tpu.wait_indirect_dma semaphore(%arg31 : memref<!tpu.dma_semaphore, #tpu.memory_space<semaphore_mem>>) src(%dma_wait3A_1952 : memref<128x64xf32, #tpu.memory_space<vmem>>) dst(%dma_wait3A_1958 : memref<114688x64xf32, #tpu.memory_space<hbm>>)
      %dma_wait3A_1959 = arith.constant 2 : i32
      %dma_wait3A_1960 = arith.constant 0 : i32
      %dma_wait3A_1961 = arith.constant 0 : i32
      %dma_wait3A_1962 = tpu.memref_slice %arg23[%dma_wait3A_1960, %dma_wait3A_1961] : memref<256x64xf32, #tpu.memory_space<vmem>> -> memref<128x64xf32, #tpu.memory_space<vmem>>
      %dma_wait3A_1963 = arith.constant 0 : i32
      %dma_wait3A_1964 = tpu.memref_slice %arg9[%dma_wait3A_1959, %dma_wait3A_1963] : memref<4x128xi32, #tpu.memory_space<vmem>> -> memref<1x128xi32, #tpu.memory_space<vmem>>
      %dma_wait3A_1965 = tpu.memref_squeeze %dma_wait3A_1964 : memref<1x128xi32, #tpu.memory_space<vmem>> -> memref<128xi32, #tpu.memory_space<vmem>>
      %dma_wait3A_1966 = arith.constant 0 : i32
      %dma_wait3A_1967 = arith.constant 0 : i32
      %dma_wait3A_1968 = tpu.memref_slice %arg7[%dma_wait3A_1966, %dma_wait3A_1967] : memref<114688x64xf32, #tpu.memory_space<hbm>> -> memref<114688x64xf32, #tpu.memory_space<hbm>>
      tpu.wait_indirect_dma semaphore(%arg31 : memref<!tpu.dma_semaphore, #tpu.memory_space<semaphore_mem>>) src(%dma_wait3A_1962 : memref<128x64xf32, #tpu.memory_space<vmem>>) dst(%dma_wait3A_1968 : memref<114688x64xf32, #tpu.memory_space<hbm>>)
      %dma_wait3A_1969 = arith.constant 3 : i32
      %dma_wait3A_1970 = arith.constant 128 : i32
      %dma_wait3A_1971 = arith.constant 0 : i32
      %dma_wait3A_1972 = tpu.memref_slice %arg23[%dma_wait3A_1970, %dma_wait3A_1971] : memref<256x64xf32, #tpu.memory_space<vmem>> -> memref<128x64xf32, #tpu.memory_space<vmem>>
      %dma_wait3A_1973 = arith.constant 0 : i32
      %dma_wait3A_1974 = tpu.memref_slice %arg9[%dma_wait3A_1969, %dma_wait3A_1973] : memref<4x128xi32, #tpu.memory_space<vmem>> -> memref<1x128xi32, #tpu.memory_space<vmem>>
      %dma_wait3A_1975 = tpu.memref_squeeze %dma_wait3A_1974 : memref<1x128xi32, #tpu.memory_space<vmem>> -> memref<128xi32, #tpu.memory_space<vmem>>
      %dma_wait3A_1976 = arith.constant 0 : i32
      %dma_wait3A_1977 = arith.constant 0 : i32
      %dma_wait3A_1978 = tpu.memref_slice %arg7[%dma_wait3A_1976, %dma_wait3A_1977] : memref<114688x64xf32, #tpu.memory_space<hbm>> -> memref<114688x64xf32, #tpu.memory_space<hbm>>
      tpu.wait_indirect_dma semaphore(%arg31 : memref<!tpu.dma_semaphore, #tpu.memory_space<semaphore_mem>>) src(%dma_wait3A_1972 : memref<128x64xf32, #tpu.memory_space<vmem>>) dst(%dma_wait3A_1978 : memref<114688x64xf32, #tpu.memory_space<hbm>>)
      %dma_wait3A_1979 = arith.constant 0 : i32
      %dma_wait3A_1980 = arith.constant 0 : i32
      %dma_wait3A_1981 = arith.constant 0 : i32
      %dma_wait3A_1982 = tpu.memref_slice %arg18[%dma_wait3A_1980, %dma_wait3A_1981] : memref<256x64xf32, #tpu.memory_space<vmem>> -> memref<128x64xf32, #tpu.memory_space<vmem>>
      %dma_wait3A_1983 = arith.constant 0 : i32
      %dma_wait3A_1984 = tpu.memref_slice %arg12[%dma_wait3A_1979, %dma_wait3A_1983] : memref<2x128xi32, #tpu.memory_space<vmem>> -> memref<1x128xi32, #tpu.memory_space<vmem>>
      %dma_wait3A_1985 = tpu.memref_squeeze %dma_wait3A_1984 : memref<1x128xi32, #tpu.memory_space<vmem>> -> memref<128xi32, #tpu.memory_space<vmem>>
      %dma_wait3A_1986 = arith.constant 0 : i32
      %dma_wait3A_1987 = arith.constant 0 : i32
      %dma_wait3A_1988 = tpu.memref_slice %arg2[%dma_wait3A_1986, %dma_wait3A_1987] : memref<126720x64xf32, #tpu.memory_space<hbm>> -> memref<126720x64xf32, #tpu.memory_space<hbm>>
      tpu.wait_indirect_dma semaphore(%arg28 : memref<!tpu.dma_semaphore, #tpu.memory_space<semaphore_mem>>) src(%dma_wait3A_1988 : memref<126720x64xf32, #tpu.memory_space<hbm>>) dst(%dma_wait3A_1982 : memref<128x64xf32, #tpu.memory_space<vmem>>)
      %dma_wait3A_1989 = arith.constant 1 : i32
      %dma_wait3A_1990 = arith.constant 128 : i32
      %dma_wait3A_1991 = arith.constant 0 : i32
      %dma_wait3A_1992 = tpu.memref_slice %arg18[%dma_wait3A_1990, %dma_wait3A_1991] : memref<256x64xf32, #tpu.memory_space<vmem>> -> memref<128x64xf32, #tpu.memory_space<vmem>>
      %dma_wait3A_1993 = arith.constant 0 : i32
      %dma_wait3A_1994 = tpu.memref_slice %arg12[%dma_wait3A_1989, %dma_wait3A_1993] : memref<2x128xi32, #tpu.memory_space<vmem>> -> memref<1x128xi32, #tpu.memory_space<vmem>>
      %dma_wait3A_1995 = tpu.memref_squeeze %dma_wait3A_1994 : memref<1x128xi32, #tpu.memory_space<vmem>> -> memref<128xi32, #tpu.memory_space<vmem>>
      %dma_wait3A_1996 = arith.constant 0 : i32
      %dma_wait3A_1997 = arith.constant 0 : i32
      %dma_wait3A_1998 = tpu.memref_slice %arg2[%dma_wait3A_1996, %dma_wait3A_1997] : memref<126720x64xf32, #tpu.memory_space<hbm>> -> memref<126720x64xf32, #tpu.memory_space<hbm>>
      tpu.wait_indirect_dma semaphore(%arg28 : memref<!tpu.dma_semaphore, #tpu.memory_space<semaphore_mem>>) src(%dma_wait3A_1998 : memref<126720x64xf32, #tpu.memory_space<hbm>>) dst(%dma_wait3A_1992 : memref<128x64xf32, #tpu.memory_space<vmem>>)
      %dma_wait3A_1999 = arith.constant 0 : i32
      %dma_wait3A_2000 = arith.constant 0 : i32
      %dma_wait3A_2001 = arith.constant 0 : i32
      %dma_wait3A_2002 = tpu.memref_slice %arg19[%dma_wait3A_2000, %dma_wait3A_2001] : memref<256x64xf32, #tpu.memory_space<vmem>> -> memref<128x64xf32, #tpu.memory_space<vmem>>
      %dma_wait3A_2003 = arith.constant 0 : i32
      %dma_wait3A_2004 = tpu.memref_slice %arg13[%dma_wait3A_1999, %dma_wait3A_2003] : memref<2x128xi32, #tpu.memory_space<vmem>> -> memref<1x128xi32, #tpu.memory_space<vmem>>
      %dma_wait3A_2005 = tpu.memref_squeeze %dma_wait3A_2004 : memref<1x128xi32, #tpu.memory_space<vmem>> -> memref<128xi32, #tpu.memory_space<vmem>>
      %dma_wait3A_2006 = arith.constant 0 : i32
      %dma_wait3A_2007 = arith.constant 0 : i32
      %dma_wait3A_2008 = tpu.memref_slice %arg2[%dma_wait3A_2006, %dma_wait3A_2007] : memref<126720x64xf32, #tpu.memory_space<hbm>> -> memref<126720x64xf32, #tpu.memory_space<hbm>>
      tpu.wait_indirect_dma semaphore(%arg28 : memref<!tpu.dma_semaphore, #tpu.memory_space<semaphore_mem>>) src(%dma_wait3A_2008 : memref<126720x64xf32, #tpu.memory_space<hbm>>) dst(%dma_wait3A_2002 : memref<128x64xf32, #tpu.memory_space<vmem>>)
      %dma_wait3A_2009 = arith.constant 1 : i32
      %dma_wait3A_2010 = arith.constant 128 : i32
      %dma_wait3A_2011 = arith.constant 0 : i32
      %dma_wait3A_2012 = tpu.memref_slice %arg19[%dma_wait3A_2010, %dma_wait3A_2011] : memref<256x64xf32, #tpu.memory_space<vmem>> -> memref<128x64xf32, #tpu.memory_space<vmem>>
      %dma_wait3A_2013 = arith.constant 0 : i32
      %dma_wait3A_2014 = tpu.memref_slice %arg13[%dma_wait3A_2009, %dma_wait3A_2013] : memref<2x128xi32, #tpu.memory_space<vmem>> -> memref<1x128xi32, #tpu.memory_space<vmem>>
      %dma_wait3A_2015 = tpu.memref_squeeze %dma_wait3A_2014 : memref<1x128xi32, #tpu.memory_space<vmem>> -> memref<128xi32, #tpu.memory_space<vmem>>
      %dma_wait3A_2016 = arith.constant 0 : i32
      %dma_wait3A_2017 = arith.constant 0 : i32
      %dma_wait3A_2018 = tpu.memref_slice %arg2[%dma_wait3A_2016, %dma_wait3A_2017] : memref<126720x64xf32, #tpu.memory_space<hbm>> -> memref<126720x64xf32, #tpu.memory_space<hbm>>
      tpu.wait_indirect_dma semaphore(%arg28 : memref<!tpu.dma_semaphore, #tpu.memory_space<semaphore_mem>>) src(%dma_wait3A_2018 : memref<126720x64xf32, #tpu.memory_space<hbm>>) dst(%dma_wait3A_2012 : memref<128x64xf32, #tpu.memory_space<vmem>>)
      %dma_wait3A_2019 = arith.constant 0 : i32
      %dma_wait3A_2020 = arith.constant 0 : i32
      %dma_wait3A_2021 = arith.constant 0 : i32
      %dma_wait3A_2022 = tpu.memref_slice %arg20[%dma_wait3A_2020, %dma_wait3A_2021] : memref<256x64xf32, #tpu.memory_space<vmem>> -> memref<128x64xf32, #tpu.memory_space<vmem>>
      %dma_wait3A_2023 = arith.constant 0 : i32
      %dma_wait3A_2024 = tpu.memref_slice %arg14[%dma_wait3A_2019, %dma_wait3A_2023] : memref<2x128xi32, #tpu.memory_space<vmem>> -> memref<1x128xi32, #tpu.memory_space<vmem>>
      %dma_wait3A_2025 = tpu.memref_squeeze %dma_wait3A_2024 : memref<1x128xi32, #tpu.memory_space<vmem>> -> memref<128xi32, #tpu.memory_space<vmem>>
      %dma_wait3A_2026 = arith.constant 0 : i32
      %dma_wait3A_2027 = arith.constant 0 : i32
      %dma_wait3A_2028 = tpu.memref_slice %arg2[%dma_wait3A_2026, %dma_wait3A_2027] : memref<126720x64xf32, #tpu.memory_space<hbm>> -> memref<126720x64xf32, #tpu.memory_space<hbm>>
      tpu.wait_indirect_dma semaphore(%arg28 : memref<!tpu.dma_semaphore, #tpu.memory_space<semaphore_mem>>) src(%dma_wait3A_2028 : memref<126720x64xf32, #tpu.memory_space<hbm>>) dst(%dma_wait3A_2022 : memref<128x64xf32, #tpu.memory_space<vmem>>)
      %dma_wait3A_2029 = arith.constant 1 : i32
      %dma_wait3A_2030 = arith.constant 128 : i32
      %dma_wait3A_2031 = arith.constant 0 : i32
      %dma_wait3A_2032 = tpu.memref_slice %arg20[%dma_wait3A_2030, %dma_wait3A_2031] : memref<256x64xf32, #tpu.memory_space<vmem>> -> memref<128x64xf32, #tpu.memory_space<vmem>>
      %dma_wait3A_2033 = arith.constant 0 : i32
      %dma_wait3A_2034 = tpu.memref_slice %arg14[%dma_wait3A_2029, %dma_wait3A_2033] : memref<2x128xi32, #tpu.memory_space<vmem>> -> memref<1x128xi32, #tpu.memory_space<vmem>>
      %dma_wait3A_2035 = tpu.memref_squeeze %dma_wait3A_2034 : memref<1x128xi32, #tpu.memory_space<vmem>> -> memref<128xi32, #tpu.memory_space<vmem>>
      %dma_wait3A_2036 = arith.constant 0 : i32
      %dma_wait3A_2037 = arith.constant 0 : i32
      %dma_wait3A_2038 = tpu.memref_slice %arg2[%dma_wait3A_2036, %dma_wait3A_2037] : memref<126720x64xf32, #tpu.memory_space<hbm>> -> memref<126720x64xf32, #tpu.memory_space<hbm>>
      tpu.wait_indirect_dma semaphore(%arg28 : memref<!tpu.dma_semaphore, #tpu.memory_space<semaphore_mem>>) src(%dma_wait3A_2038 : memref<126720x64xf32, #tpu.memory_space<hbm>>) dst(%dma_wait3A_2032 : memref<128x64xf32, #tpu.memory_space<vmem>>)
      %dma_start3A_2039 = arith.constant 2 : i32
      %dma_start3A_2040 = arith.constant 0 : i32
      %dma_start3A_2041 = arith.constant 0 : i32
      %dma_start3A_2042 = tpu.memref_slice %arg18[%dma_start3A_2040, %dma_start3A_2041] : memref<256x64xf32, #tpu.memory_space<vmem>> -> memref<128x64xf32, #tpu.memory_space<vmem>>
      %dma_start3A_2043 = arith.constant 0 : i32
      %dma_start3A_2044 = tpu.memref_slice %arg8[%dma_start3A_2039, %dma_start3A_2043] : memref<4x128xi32, #tpu.memory_space<vmem>> -> memref<1x128xi32, #tpu.memory_space<vmem>>
      %dma_start3A_2045 = tpu.memref_squeeze %dma_start3A_2044 : memref<1x128xi32, #tpu.memory_space<vmem>> -> memref<128xi32, #tpu.memory_space<vmem>>
      %dma_start3A_2046 = arith.constant 0 : i32
      %dma_start3A_2047 = arith.constant 0 : i32
      %dma_start3A_2048 = tpu.memref_slice %arg5[%dma_start3A_2046, %dma_start3A_2047] : memref<114688x64xf32, #tpu.memory_space<hbm>> -> memref<114688x64xf32, #tpu.memory_space<hbm>>
      tpu.enqueue_indirect_dma source(%dma_start3A_2042 : memref<128x64xf32, #tpu.memory_space<vmem>>) target(%dma_start3A_2048 : memref<114688x64xf32, #tpu.memory_space<hbm>>) offsets(%dma_start3A_2045 : memref<128xi32, #tpu.memory_space<vmem>>) semaphore(%arg30 : memref<!tpu.dma_semaphore, #tpu.memory_space<semaphore_mem>>)
      %dma_start3A_2049 = arith.constant 3 : i32
      %dma_start3A_2050 = arith.constant 128 : i32
      %dma_start3A_2051 = arith.constant 0 : i32
      %dma_start3A_2052 = tpu.memref_slice %arg18[%dma_start3A_2050, %dma_start3A_2051] : memref<256x64xf32, #tpu.memory_space<vmem>> -> memref<128x64xf32, #tpu.memory_space<vmem>>
      %dma_start3A_2053 = arith.constant 0 : i32
      %dma_start3A_2054 = tpu.memref_slice %arg8[%dma_start3A_2049, %dma_start3A_2053] : memref<4x128xi32, #tpu.memory_space<vmem>> -> memref<1x128xi32, #tpu.memory_space<vmem>>
      %dma_start3A_2055 = tpu.memref_squeeze %dma_start3A_2054 : memref<1x128xi32, #tpu.memory_space<vmem>> -> memref<128xi32, #tpu.memory_space<vmem>>
      %dma_start3A_2056 = arith.constant 0 : i32
      %dma_start3A_2057 = arith.constant 0 : i32
      %dma_start3A_2058 = tpu.memref_slice %arg5[%dma_start3A_2056, %dma_start3A_2057] : memref<114688x64xf32, #tpu.memory_space<hbm>> -> memref<114688x64xf32, #tpu.memory_space<hbm>>
      tpu.enqueue_indirect_dma source(%dma_start3A_2052 : memref<128x64xf32, #tpu.memory_space<vmem>>) target(%dma_start3A_2058 : memref<114688x64xf32, #tpu.memory_space<hbm>>) offsets(%dma_start3A_2055 : memref<128xi32, #tpu.memory_space<vmem>>) semaphore(%arg30 : memref<!tpu.dma_semaphore, #tpu.memory_space<semaphore_mem>>)
      %dma_start3A_2059 = arith.constant 2 : i32
      %dma_start3A_2060 = arith.constant 0 : i32
      %dma_start3A_2061 = arith.constant 0 : i32
      %dma_start3A_2062 = tpu.memref_slice %arg19[%dma_start3A_2060, %dma_start3A_2061] : memref<256x64xf32, #tpu.memory_space<vmem>> -> memref<128x64xf32, #tpu.memory_space<vmem>>
      %dma_start3A_2063 = arith.constant 0 : i32
      %dma_start3A_2064 = tpu.memref_slice %arg8[%dma_start3A_2059, %dma_start3A_2063] : memref<4x128xi32, #tpu.memory_space<vmem>> -> memref<1x128xi32, #tpu.memory_space<vmem>>
      %dma_start3A_2065 = tpu.memref_squeeze %dma_start3A_2064 : memref<1x128xi32, #tpu.memory_space<vmem>> -> memref<128xi32, #tpu.memory_space<vmem>>
      %dma_start3A_2066 = arith.constant 0 : i32
      %dma_start3A_2067 = arith.constant 0 : i32
      %dma_start3A_2068 = tpu.memref_slice %arg6[%dma_start3A_2066, %dma_start3A_2067] : memref<114688x64xf32, #tpu.memory_space<hbm>> -> memref<114688x64xf32, #tpu.memory_space<hbm>>
      tpu.enqueue_indirect_dma source(%dma_start3A_2062 : memref<128x64xf32, #tpu.memory_space<vmem>>) target(%dma_start3A_2068 : memref<114688x64xf32, #tpu.memory_space<hbm>>) offsets(%dma_start3A_2065 : memref<128xi32, #tpu.memory_space<vmem>>) semaphore(%arg30 : memref<!tpu.dma_semaphore, #tpu.memory_space<semaphore_mem>>)
      %dma_start3A_2069 = arith.constant 3 : i32
      %dma_start3A_2070 = arith.constant 128 : i32
      %dma_start3A_2071 = arith.constant 0 : i32
      %dma_start3A_2072 = tpu.memref_slice %arg19[%dma_start3A_2070, %dma_start3A_2071] : memref<256x64xf32, #tpu.memory_space<vmem>> -> memref<128x64xf32, #tpu.memory_space<vmem>>
      %dma_start3A_2073 = arith.constant 0 : i32
      %dma_start3A_2074 = tpu.memref_slice %arg8[%dma_start3A_2069, %dma_start3A_2073] : memref<4x128xi32, #tpu.memory_space<vmem>> -> memref<1x128xi32, #tpu.memory_space<vmem>>
      %dma_start3A_2075 = tpu.memref_squeeze %dma_start3A_2074 : memref<1x128xi32, #tpu.memory_space<vmem>> -> memref<128xi32, #tpu.memory_space<vmem>>
      %dma_start3A_2076 = arith.constant 0 : i32
      %dma_start3A_2077 = arith.constant 0 : i32
      %dma_start3A_2078 = tpu.memref_slice %arg6[%dma_start3A_2076, %dma_start3A_2077] : memref<114688x64xf32, #tpu.memory_space<hbm>> -> memref<114688x64xf32, #tpu.memory_space<hbm>>
      tpu.enqueue_indirect_dma source(%dma_start3A_2072 : memref<128x64xf32, #tpu.memory_space<vmem>>) target(%dma_start3A_2078 : memref<114688x64xf32, #tpu.memory_space<hbm>>) offsets(%dma_start3A_2075 : memref<128xi32, #tpu.memory_space<vmem>>) semaphore(%arg30 : memref<!tpu.dma_semaphore, #tpu.memory_space<semaphore_mem>>)
      %dma_start3A_2079 = arith.constant 2 : i32
      %dma_start3A_2080 = arith.constant 0 : i32
      %dma_start3A_2081 = arith.constant 0 : i32
      %dma_start3A_2082 = tpu.memref_slice %arg20[%dma_start3A_2080, %dma_start3A_2081] : memref<256x64xf32, #tpu.memory_space<vmem>> -> memref<128x64xf32, #tpu.memory_space<vmem>>
      %dma_start3A_2083 = arith.constant 0 : i32
      %dma_start3A_2084 = tpu.memref_slice %arg8[%dma_start3A_2079, %dma_start3A_2083] : memref<4x128xi32, #tpu.memory_space<vmem>> -> memref<1x128xi32, #tpu.memory_space<vmem>>
      %dma_start3A_2085 = tpu.memref_squeeze %dma_start3A_2084 : memref<1x128xi32, #tpu.memory_space<vmem>> -> memref<128xi32, #tpu.memory_space<vmem>>
      %dma_start3A_2086 = arith.constant 0 : i32
      %dma_start3A_2087 = arith.constant 0 : i32
      %dma_start3A_2088 = tpu.memref_slice %arg7[%dma_start3A_2086, %dma_start3A_2087] : memref<114688x64xf32, #tpu.memory_space<hbm>> -> memref<114688x64xf32, #tpu.memory_space<hbm>>
      tpu.enqueue_indirect_dma source(%dma_start3A_2082 : memref<128x64xf32, #tpu.memory_space<vmem>>) target(%dma_start3A_2088 : memref<114688x64xf32, #tpu.memory_space<hbm>>) offsets(%dma_start3A_2085 : memref<128xi32, #tpu.memory_space<vmem>>) semaphore(%arg30 : memref<!tpu.dma_semaphore, #tpu.memory_space<semaphore_mem>>)
      %dma_start3A_2089 = arith.constant 3 : i32
      %dma_start3A_2090 = arith.constant 128 : i32
      %dma_start3A_2091 = arith.constant 0 : i32
      %dma_start3A_2092 = tpu.memref_slice %arg20[%dma_start3A_2090, %dma_start3A_2091] : memref<256x64xf32, #tpu.memory_space<vmem>> -> memref<128x64xf32, #tpu.memory_space<vmem>>
      %dma_start3A_2093 = arith.constant 0 : i32
      %dma_start3A_2094 = tpu.memref_slice %arg8[%dma_start3A_2089, %dma_start3A_2093] : memref<4x128xi32, #tpu.memory_space<vmem>> -> memref<1x128xi32, #tpu.memory_space<vmem>>
      %dma_start3A_2095 = tpu.memref_squeeze %dma_start3A_2094 : memref<1x128xi32, #tpu.memory_space<vmem>> -> memref<128xi32, #tpu.memory_space<vmem>>
      %dma_start3A_2096 = arith.constant 0 : i32
      %dma_start3A_2097 = arith.constant 0 : i32
      %dma_start3A_2098 = tpu.memref_slice %arg7[%dma_start3A_2096, %dma_start3A_2097] : memref<114688x64xf32, #tpu.memory_space<hbm>> -> memref<114688x64xf32, #tpu.memory_space<hbm>>
      tpu.enqueue_indirect_dma source(%dma_start3A_2092 : memref<128x64xf32, #tpu.memory_space<vmem>>) target(%dma_start3A_2098 : memref<114688x64xf32, #tpu.memory_space<hbm>>) offsets(%dma_start3A_2095 : memref<128xi32, #tpu.memory_space<vmem>>) semaphore(%arg30 : memref<!tpu.dma_semaphore, #tpu.memory_space<semaphore_mem>>)
      %add3A_2099 = arith.constant 1 : i32
      %add3A_2100 = arith.addi %add3A_1858, %add3A_2099 : i32
      %mul3A_2101 = arith.constant 32 : i32
      %mul3A_2102 = arith.muli %mul3A_2101, %add3A_2100 : i32
      %add3A_2103 = arith.addi %add3A, %mul3A_2102 : i32
      %mul3A_2104 = arith.constant 4 : i32
      %mul3A_2105 = arith.muli %add3A_2103, %mul3A_2104 : i32
      %dma_start3A_2106 = arith.constant 0 : i32
      %dma_start3A_2107 = tpu.memref_slice %arg4[%mul3A_2105, %dma_start3A_2106] : memref<1792x128xi32, #tpu.memory_space<hbm>> -> memref<4x128xi32, #tpu.memory_space<hbm>>
      %dma_start3A_2108 = arith.constant 0 : i32
      %dma_start3A_2109 = tpu.memref_slice %arg4[%mul3A_2105, %dma_start3A_2108] : memref<1792x128xi32, #tpu.memory_space<hbm>> -> memref<4x128xi32, #tpu.memory_space<hbm>>
      tpu.enqueue_dma source(%dma_start3A_2109 : memref<4x128xi32, #tpu.memory_space<hbm>>) target(%arg9 : memref<4x128xi32, #tpu.memory_space<vmem>>) target_semaphore(%arg25 : memref<!tpu.dma_semaphore, #tpu.memory_space<semaphore_mem>>)
      %mul3A_2110 = arith.constant 32 : i32
      %mul3A_2111 = arith.muli %mul3A_2110, %add3A_2100 : i32
      %add3A_2112 = arith.addi %add3A, %mul3A_2111 : i32
      %mul3A_2113 = arith.constant 4 : i32
      %mul3A_2114 = arith.muli %add3A_2112, %mul3A_2113 : i32
      %dma_wait3A_2115 = arith.constant 0 : i32
      %dma_wait3A_2116 = tpu.memref_slice %arg4[%mul3A_2114, %dma_wait3A_2115] : memref<1792x128xi32, #tpu.memory_space<hbm>> -> memref<4x128xi32, #tpu.memory_space<hbm>>
      %dma_wait3A_2117 = arith.constant 0 : i32
      %dma_wait3A_2118 = tpu.memref_slice %arg4[%mul3A_2114, %dma_wait3A_2117] : memref<1792x128xi32, #tpu.memory_space<hbm>> -> memref<4x128xi32, #tpu.memory_space<hbm>>
      tpu.wait_dma2 semaphore(%arg25 : memref<!tpu.dma_semaphore, #tpu.memory_space<semaphore_mem>>) src(%dma_wait3A_2118 : memref<4x128xi32, #tpu.memory_space<hbm>>) dst(%arg9 : memref<4x128xi32, #tpu.memory_space<vmem>>)
      %dma_start3A_2119 = arith.constant 0 : i32
      %dma_start3A_2120 = arith.constant 0 : i32
      %dma_start3A_2121 = arith.constant 0 : i32
      %dma_start3A_2122 = tpu.memref_slice %arg11[%dma_start3A_2120, %dma_start3A_2121] : memref<256x16xi32, #tpu.memory_space<vmem>> -> memref<128x16xi32, #tpu.memory_space<vmem>>
      %dma_start3A_2123 = arith.constant 0 : i32
      %dma_start3A_2124 = tpu.memref_slice %arg9[%dma_start3A_2119, %dma_start3A_2123] : memref<4x128xi32, #tpu.memory_space<vmem>> -> memref<1x128xi32, #tpu.memory_space<vmem>>
      %dma_start3A_2125 = tpu.memref_squeeze %dma_start3A_2124 : memref<1x128xi32, #tpu.memory_space<vmem>> -> memref<128xi32, #tpu.memory_space<vmem>>
      %dma_start3A_2126 = arith.constant 0 : i32
      %dma_start3A_2127 = arith.constant 0 : i32
      %dma_start3A_2128 = tpu.memref_slice %arg3[%dma_start3A_2126, %dma_start3A_2127] : memref<100000x16xi32, #tpu.memory_space<hbm>> -> memref<100000x16xi32, #tpu.memory_space<hbm>>
      tpu.enqueue_indirect_dma source(%dma_start3A_2128 : memref<100000x16xi32, #tpu.memory_space<hbm>>) target(%dma_start3A_2122 : memref<128x16xi32, #tpu.memory_space<vmem>>) offsets(%dma_start3A_2125 : memref<128xi32, #tpu.memory_space<vmem>>) semaphore(%arg27 : memref<!tpu.dma_semaphore, #tpu.memory_space<semaphore_mem>>)
      %dma_start3A_2129 = arith.constant 1 : i32
      %dma_start3A_2130 = arith.constant 128 : i32
      %dma_start3A_2131 = arith.constant 0 : i32
      %dma_start3A_2132 = tpu.memref_slice %arg11[%dma_start3A_2130, %dma_start3A_2131] : memref<256x16xi32, #tpu.memory_space<vmem>> -> memref<128x16xi32, #tpu.memory_space<vmem>>
      %dma_start3A_2133 = arith.constant 0 : i32
      %dma_start3A_2134 = tpu.memref_slice %arg9[%dma_start3A_2129, %dma_start3A_2133] : memref<4x128xi32, #tpu.memory_space<vmem>> -> memref<1x128xi32, #tpu.memory_space<vmem>>
      %dma_start3A_2135 = tpu.memref_squeeze %dma_start3A_2134 : memref<1x128xi32, #tpu.memory_space<vmem>> -> memref<128xi32, #tpu.memory_space<vmem>>
      %dma_start3A_2136 = arith.constant 0 : i32
      %dma_start3A_2137 = arith.constant 0 : i32
      %dma_start3A_2138 = tpu.memref_slice %arg3[%dma_start3A_2136, %dma_start3A_2137] : memref<100000x16xi32, #tpu.memory_space<hbm>> -> memref<100000x16xi32, #tpu.memory_space<hbm>>
      tpu.enqueue_indirect_dma source(%dma_start3A_2138 : memref<100000x16xi32, #tpu.memory_space<hbm>>) target(%dma_start3A_2132 : memref<128x16xi32, #tpu.memory_space<vmem>>) offsets(%dma_start3A_2135 : memref<128xi32, #tpu.memory_space<vmem>>) semaphore(%arg27 : memref<!tpu.dma_semaphore, #tpu.memory_space<semaphore_mem>>)
      %dma_wait3A_2139 = arith.constant 0 : i32
      %dma_wait3A_2140 = arith.constant 0 : i32
      %dma_wait3A_2141 = arith.constant 0 : i32
      %dma_wait3A_2142 = tpu.memref_slice %arg11[%dma_wait3A_2140, %dma_wait3A_2141] : memref<256x16xi32, #tpu.memory_space<vmem>> -> memref<128x16xi32, #tpu.memory_space<vmem>>
      %dma_wait3A_2143 = arith.constant 0 : i32
      %dma_wait3A_2144 = tpu.memref_slice %arg9[%dma_wait3A_2139, %dma_wait3A_2143] : memref<4x128xi32, #tpu.memory_space<vmem>> -> memref<1x128xi32, #tpu.memory_space<vmem>>
      %dma_wait3A_2145 = tpu.memref_squeeze %dma_wait3A_2144 : memref<1x128xi32, #tpu.memory_space<vmem>> -> memref<128xi32, #tpu.memory_space<vmem>>
      %dma_wait3A_2146 = arith.constant 0 : i32
      %dma_wait3A_2147 = arith.constant 0 : i32
      %dma_wait3A_2148 = tpu.memref_slice %arg3[%dma_wait3A_2146, %dma_wait3A_2147] : memref<100000x16xi32, #tpu.memory_space<hbm>> -> memref<100000x16xi32, #tpu.memory_space<hbm>>
      tpu.wait_indirect_dma semaphore(%arg27 : memref<!tpu.dma_semaphore, #tpu.memory_space<semaphore_mem>>) src(%dma_wait3A_2148 : memref<100000x16xi32, #tpu.memory_space<hbm>>) dst(%dma_wait3A_2142 : memref<128x16xi32, #tpu.memory_space<vmem>>)
      %dma_wait3A_2149 = arith.constant 1 : i32
      %dma_wait3A_2150 = arith.constant 128 : i32
      %dma_wait3A_2151 = arith.constant 0 : i32
      %dma_wait3A_2152 = tpu.memref_slice %arg11[%dma_wait3A_2150, %dma_wait3A_2151] : memref<256x16xi32, #tpu.memory_space<vmem>> -> memref<128x16xi32, #tpu.memory_space<vmem>>
      %dma_wait3A_2153 = arith.constant 0 : i32
      %dma_wait3A_2154 = tpu.memref_slice %arg9[%dma_wait3A_2149, %dma_wait3A_2153] : memref<4x128xi32, #tpu.memory_space<vmem>> -> memref<1x128xi32, #tpu.memory_space<vmem>>
      %dma_wait3A_2155 = tpu.memref_squeeze %dma_wait3A_2154 : memref<1x128xi32, #tpu.memory_space<vmem>> -> memref<128xi32, #tpu.memory_space<vmem>>
      %dma_wait3A_2156 = arith.constant 0 : i32
      %dma_wait3A_2157 = arith.constant 0 : i32
      %dma_wait3A_2158 = tpu.memref_slice %arg3[%dma_wait3A_2156, %dma_wait3A_2157] : memref<100000x16xi32, #tpu.memory_space<hbm>> -> memref<100000x16xi32, #tpu.memory_space<hbm>>
      tpu.wait_indirect_dma semaphore(%arg27 : memref<!tpu.dma_semaphore, #tpu.memory_space<semaphore_mem>>) src(%dma_wait3A_2158 : memref<100000x16xi32, #tpu.memory_space<hbm>>) dst(%dma_wait3A_2152 : memref<128x16xi32, #tpu.memory_space<vmem>>)
      %iota3A_2159 = tpu.iota {dimensions = array<i32: 0>} : vector<16xi32>
      %add3A_2160 = arith.constant 0 : i32
      %add3A_2161 = vector.broadcast %add3A_2160 : i32 to vector<16xi32>
      %add3A_2162 = arith.addi %iota3A_2159, %add3A_2161 : vector<16xi32>
      %broadcast_in_dim3A_2163 = arith.constant 0 : i32
      %broadcast_in_dim3A_2164 = vector.broadcast %broadcast_in_dim3A_2163 : i32 to vector<16xi32>
      %gather3A_2165 = tpu.vector_load_idx %arg11[%add3A_2162, %broadcast_in_dim3A_2164] : memref<256x16xi32, #tpu.memory_space<vmem>>[vector<16xi32>, vector<16xi32>], vector<16xi32>,
      %swap3A_2166 = arith.constant 0 : i32
      %swap3A_2167 = arith.index_cast %swap3A_2166 : i32 to index
      %swap3A_2168 = arith.constant 0 : index
      %swap3A_2169 = tpu.vector_load %arg15[%swap3A_2167, %swap3A_2168] {strides = array<i32>} : memref<2x128xi32, #tpu.memory_space<vmem>>, vector<16xi32>,
      tpu.vector_store %arg15[%swap3A_2167, %swap3A_2168], %gather3A_2165 {strides = array<i32>} : memref<2x128xi32, #tpu.memory_space<vmem>>, vector<16xi32>,
      %broadcast_in_dim3A_2170 = arith.constant 1 : i32
      %broadcast_in_dim3A_2171 = vector.broadcast %broadcast_in_dim3A_2170 : i32 to vector<16xi32>
      %gather3A_2172 = tpu.vector_load_idx %arg11[%add3A_2162, %broadcast_in_dim3A_2171] : memref<256x16xi32, #tpu.memory_space<vmem>>[vector<16xi32>, vector<16xi32>], vector<16xi32>,
      %swap3A_2173 = arith.constant 0 : i32
      %swap3A_2174 = arith.index_cast %swap3A_2173 : i32 to index
      %swap3A_2175 = arith.constant 0 : index
      %swap3A_2176 = tpu.vector_load %arg16[%swap3A_2174, %swap3A_2175] {strides = array<i32>} : memref<2x128xi32, #tpu.memory_space<vmem>>, vector<16xi32>,
      tpu.vector_store %arg16[%swap3A_2174, %swap3A_2175], %gather3A_2172 {strides = array<i32>} : memref<2x128xi32, #tpu.memory_space<vmem>>, vector<16xi32>,
      %broadcast_in_dim3A_2177 = arith.constant 2 : i32
      %broadcast_in_dim3A_2178 = vector.broadcast %broadcast_in_dim3A_2177 : i32 to vector<16xi32>
      %gather3A_2179 = tpu.vector_load_idx %arg11[%add3A_2162, %broadcast_in_dim3A_2178] : memref<256x16xi32, #tpu.memory_space<vmem>>[vector<16xi32>, vector<16xi32>], vector<16xi32>,
      %swap3A_2180 = arith.constant 0 : i32
      %swap3A_2181 = arith.index_cast %swap3A_2180 : i32 to index
      %swap3A_2182 = arith.constant 0 : index
      %swap3A_2183 = tpu.vector_load %arg17[%swap3A_2181, %swap3A_2182] {strides = array<i32>} : memref<2x128xi32, #tpu.memory_space<vmem>>, vector<16xi32>,
      tpu.vector_store %arg17[%swap3A_2181, %swap3A_2182], %gather3A_2179 {strides = array<i32>} : memref<2x128xi32, #tpu.memory_space<vmem>>, vector<16xi32>,
      %iota3A_2184 = tpu.iota {dimensions = array<i32: 0>} : vector<16xi32>
      %add3A_2185 = arith.constant 16 : i32
      %add3A_2186 = vector.broadcast %add3A_2185 : i32 to vector<16xi32>
      %add3A_2187 = arith.addi %iota3A_2184, %add3A_2186 : vector<16xi32>
      %broadcast_in_dim3A_2188 = arith.constant 0 : i32
      %broadcast_in_dim3A_2189 = vector.broadcast %broadcast_in_dim3A_2188 : i32 to vector<16xi32>
      %gather3A_2190 = tpu.vector_load_idx %arg11[%add3A_2187, %broadcast_in_dim3A_2189] : memref<256x16xi32, #tpu.memory_space<vmem>>[vector<16xi32>, vector<16xi32>], vector<16xi32>,
      %swap3A_2191 = arith.constant 0 : i32
      %swap3A_2192 = arith.index_cast %swap3A_2191 : i32 to index
      %swap3A_2193 = arith.constant 16 : index
      %swap3A_2194 = tpu.vector_load %arg15[%swap3A_2192, %swap3A_2193] {strides = array<i32>} : memref<2x128xi32, #tpu.memory_space<vmem>>, vector<16xi32>,
      tpu.vector_store %arg15[%swap3A_2192, %swap3A_2193], %gather3A_2190 {strides = array<i32>} : memref<2x128xi32, #tpu.memory_space<vmem>>, vector<16xi32>,
      %broadcast_in_dim3A_2195 = arith.constant 1 : i32
      %broadcast_in_dim3A_2196 = vector.broadcast %broadcast_in_dim3A_2195 : i32 to vector<16xi32>
      %gather3A_2197 = tpu.vector_load_idx %arg11[%add3A_2187, %broadcast_in_dim3A_2196] : memref<256x16xi32, #tpu.memory_space<vmem>>[vector<16xi32>, vector<16xi32>], vector<16xi32>,
      %swap3A_2198 = arith.constant 0 : i32
      %swap3A_2199 = arith.index_cast %swap3A_2198 : i32 to index
      %swap3A_2200 = arith.constant 16 : index
      %swap3A_2201 = tpu.vector_load %arg16[%swap3A_2199, %swap3A_2200] {strides = array<i32>} : memref<2x128xi32, #tpu.memory_space<vmem>>, vector<16xi32>,
      tpu.vector_store %arg16[%swap3A_2199, %swap3A_2200], %gather3A_2197 {strides = array<i32>} : memref<2x128xi32, #tpu.memory_space<vmem>>, vector<16xi32>,
      %broadcast_in_dim3A_2202 = arith.constant 2 : i32
      %broadcast_in_dim3A_2203 = vector.broadcast %broadcast_in_dim3A_2202 : i32 to vector<16xi32>
      %gather3A_2204 = tpu.vector_load_idx %arg11[%add3A_2187, %broadcast_in_dim3A_2203] : memref<256x16xi32, #tpu.memory_space<vmem>>[vector<16xi32>, vector<16xi32>], vector<16xi32>,
      %swap3A_2205 = arith.constant 0 : i32
      %swap3A_2206 = arith.index_cast %swap3A_2205 : i32 to index
      %swap3A_2207 = arith.constant 16 : index
      %swap3A_2208 = tpu.vector_load %arg17[%swap3A_2206, %swap3A_2207] {strides = array<i32>} : memref<2x128xi32, #tpu.memory_space<vmem>>, vector<16xi32>,
      tpu.vector_store %arg17[%swap3A_2206, %swap3A_2207], %gather3A_2204 {strides = array<i32>} : memref<2x128xi32, #tpu.memory_space<vmem>>, vector<16xi32>,
      %iota3A_2209 = tpu.iota {dimensions = array<i32: 0>} : vector<16xi32>
      %add3A_2210 = arith.constant 32 : i32
      %add3A_2211 = vector.broadcast %add3A_2210 : i32 to vector<16xi32>
      %add3A_2212 = arith.addi %iota3A_2209, %add3A_2211 : vector<16xi32>
      %broadcast_in_dim3A_2213 = arith.constant 0 : i32
      %broadcast_in_dim3A_2214 = vector.broadcast %broadcast_in_dim3A_2213 : i32 to vector<16xi32>
      %gather3A_2215 = tpu.vector_load_idx %arg11[%add3A_2212, %broadcast_in_dim3A_2214] : memref<256x16xi32, #tpu.memory_space<vmem>>[vector<16xi32>, vector<16xi32>], vector<16xi32>,
      %swap3A_2216 = arith.constant 0 : i32
      %swap3A_2217 = arith.index_cast %swap3A_2216 : i32 to index
      %swap3A_2218 = arith.constant 32 : index
      %swap3A_2219 = tpu.vector_load %arg15[%swap3A_2217, %swap3A_2218] {strides = array<i32>} : memref<2x128xi32, #tpu.memory_space<vmem>>, vector<16xi32>,
      tpu.vector_store %arg15[%swap3A_2217, %swap3A_2218], %gather3A_2215 {strides = array<i32>} : memref<2x128xi32, #tpu.memory_space<vmem>>, vector<16xi32>,
      %broadcast_in_dim3A_2220 = arith.constant 1 : i32
      %broadcast_in_dim3A_2221 = vector.broadcast %broadcast_in_dim3A_2220 : i32 to vector<16xi32>
      %gather3A_2222 = tpu.vector_load_idx %arg11[%add3A_2212, %broadcast_in_dim3A_2221] : memref<256x16xi32, #tpu.memory_space<vmem>>[vector<16xi32>, vector<16xi32>], vector<16xi32>,
      %swap3A_2223 = arith.constant 0 : i32
      %swap3A_2224 = arith.index_cast %swap3A_2223 : i32 to index
      %swap3A_2225 = arith.constant 32 : index
      %swap3A_2226 = tpu.vector_load %arg16[%swap3A_2224, %swap3A_2225] {strides = array<i32>} : memref<2x128xi32, #tpu.memory_space<vmem>>, vector<16xi32>,
      tpu.vector_store %arg16[%swap3A_2224, %swap3A_2225], %gather3A_2222 {strides = array<i32>} : memref<2x128xi32, #tpu.memory_space<vmem>>, vector<16xi32>,
      %broadcast_in_dim3A_2227 = arith.constant 2 : i32
      %broadcast_in_dim3A_2228 = vector.broadcast %broadcast_in_dim3A_2227 : i32 to vector<16xi32>
      %gather3A_2229 = tpu.vector_load_idx %arg11[%add3A_2212, %broadcast_in_dim3A_2228] : memref<256x16xi32, #tpu.memory_space<vmem>>[vector<16xi32>, vector<16xi32>], vector<16xi32>,
      %swap3A_2230 = arith.constant 0 : i32
      %swap3A_2231 = arith.index_cast %swap3A_2230 : i32 to index
      %swap3A_2232 = arith.constant 32 : index
      %swap3A_2233 = tpu.vector_load %arg17[%swap3A_2231, %swap3A_2232] {strides = array<i32>} : memref<2x128xi32, #tpu.memory_space<vmem>>, vector<16xi32>,
      tpu.vector_store %arg17[%swap3A_2231, %swap3A_2232], %gather3A_2229 {strides = array<i32>} : memref<2x128xi32, #tpu.memory_space<vmem>>, vector<16xi32>,
      %iota3A_2234 = tpu.iota {dimensions = array<i32: 0>} : vector<16xi32>
      %add3A_2235 = arith.constant 48 : i32
      %add3A_2236 = vector.broadcast %add3A_2235 : i32 to vector<16xi32>
      %add3A_2237 = arith.addi %iota3A_2234, %add3A_2236 : vector<16xi32>
      %broadcast_in_dim3A_2238 = arith.constant 0 : i32
      %broadcast_in_dim3A_2239 = vector.broadcast %broadcast_in_dim3A_2238 : i32 to vector<16xi32>
      %gather3A_2240 = tpu.vector_load_idx %arg11[%add3A_2237, %broadcast_in_dim3A_2239] : memref<256x16xi32, #tpu.memory_space<vmem>>[vector<16xi32>, vector<16xi32>], vector<16xi32>,
      %swap3A_2241 = arith.constant 0 : i32
      %swap3A_2242 = arith.index_cast %swap3A_2241 : i32 to index
      %swap3A_2243 = arith.constant 48 : index
      %swap3A_2244 = tpu.vector_load %arg15[%swap3A_2242, %swap3A_2243] {strides = array<i32>} : memref<2x128xi32, #tpu.memory_space<vmem>>, vector<16xi32>,
      tpu.vector_store %arg15[%swap3A_2242, %swap3A_2243], %gather3A_2240 {strides = array<i32>} : memref<2x128xi32, #tpu.memory_space<vmem>>, vector<16xi32>,
      %broadcast_in_dim3A_2245 = arith.constant 1 : i32
      %broadcast_in_dim3A_2246 = vector.broadcast %broadcast_in_dim3A_2245 : i32 to vector<16xi32>
      %gather3A_2247 = tpu.vector_load_idx %arg11[%add3A_2237, %broadcast_in_dim3A_2246] : memref<256x16xi32, #tpu.memory_space<vmem>>[vector<16xi32>, vector<16xi32>], vector<16xi32>,
      %swap3A_2248 = arith.constant 0 : i32
      %swap3A_2249 = arith.index_cast %swap3A_2248 : i32 to index
      %swap3A_2250 = arith.constant 48 : index
      %swap3A_2251 = tpu.vector_load %arg16[%swap3A_2249, %swap3A_2250] {strides = array<i32>} : memref<2x128xi32, #tpu.memory_space<vmem>>, vector<16xi32>,
      tpu.vector_store %arg16[%swap3A_2249, %swap3A_2250], %gather3A_2247 {strides = array<i32>} : memref<2x128xi32, #tpu.memory_space<vmem>>, vector<16xi32>,
      %broadcast_in_dim3A_2252 = arith.constant 2 : i32
      %broadcast_in_dim3A_2253 = vector.broadcast %broadcast_in_dim3A_2252 : i32 to vector<16xi32>
      %gather3A_2254 = tpu.vector_load_idx %arg11[%add3A_2237, %broadcast_in_dim3A_2253] : memref<256x16xi32, #tpu.memory_space<vmem>>[vector<16xi32>, vector<16xi32>], vector<16xi32>,
      %swap3A_2255 = arith.constant 0 : i32
      %swap3A_2256 = arith.index_cast %swap3A_2255 : i32 to index
      %swap3A_2257 = arith.constant 48 : index
      %swap3A_2258 = tpu.vector_load %arg17[%swap3A_2256, %swap3A_2257] {strides = array<i32>} : memref<2x128xi32, #tpu.memory_space<vmem>>, vector<16xi32>,
      tpu.vector_store %arg17[%swap3A_2256, %swap3A_2257], %gather3A_2254 {strides = array<i32>} : memref<2x128xi32, #tpu.memory_space<vmem>>, vector<16xi32>,
      %iota3A_2259 = tpu.iota {dimensions = array<i32: 0>} : vector<16xi32>
      %add3A_2260 = arith.constant 64 : i32
      %add3A_2261 = vector.broadcast %add3A_2260 : i32 to vector<16xi32>
      %add3A_2262 = arith.addi %iota3A_2259, %add3A_2261 : vector<16xi32>
      %broadcast_in_dim3A_2263 = arith.constant 0 : i32
      %broadcast_in_dim3A_2264 = vector.broadcast %broadcast_in_dim3A_2263 : i32 to vector<16xi32>
      %gather3A_2265 = tpu.vector_load_idx %arg11[%add3A_2262, %broadcast_in_dim3A_2264] : memref<256x16xi32, #tpu.memory_space<vmem>>[vector<16xi32>, vector<16xi32>], vector<16xi32>,
      %swap3A_2266 = arith.constant 0 : i32
      %swap3A_2267 = arith.index_cast %swap3A_2266 : i32 to index
      %swap3A_2268 = arith.constant 64 : index
      %swap3A_2269 = tpu.vector_load %arg15[%swap3A_2267, %swap3A_2268] {strides = array<i32>} : memref<2x128xi32, #tpu.memory_space<vmem>>, vector<16xi32>,
      tpu.vector_store %arg15[%swap3A_2267, %swap3A_2268], %gather3A_2265 {strides = array<i32>} : memref<2x128xi32, #tpu.memory_space<vmem>>, vector<16xi32>,
      %broadcast_in_dim3A_2270 = arith.constant 1 : i32
      %broadcast_in_dim3A_2271 = vector.broadcast %broadcast_in_dim3A_2270 : i32 to vector<16xi32>
      %gather3A_2272 = tpu.vector_load_idx %arg11[%add3A_2262, %broadcast_in_dim3A_2271] : memref<256x16xi32, #tpu.memory_space<vmem>>[vector<16xi32>, vector<16xi32>], vector<16xi32>,
      %swap3A_2273 = arith.constant 0 : i32
      %swap3A_2274 = arith.index_cast %swap3A_2273 : i32 to index
      %swap3A_2275 = arith.constant 64 : index
      %swap3A_2276 = tpu.vector_load %arg16[%swap3A_2274, %swap3A_2275] {strides = array<i32>} : memref<2x128xi32, #tpu.memory_space<vmem>>, vector<16xi32>,
      tpu.vector_store %arg16[%swap3A_2274, %swap3A_2275], %gather3A_2272 {strides = array<i32>} : memref<2x128xi32, #tpu.memory_space<vmem>>, vector<16xi32>,
      %broadcast_in_dim3A_2277 = arith.constant 2 : i32
      %broadcast_in_dim3A_2278 = vector.broadcast %broadcast_in_dim3A_2277 : i32 to vector<16xi32>
      %gather3A_2279 = tpu.vector_load_idx %arg11[%add3A_2262, %broadcast_in_dim3A_2278] : memref<256x16xi32, #tpu.memory_space<vmem>>[vector<16xi32>, vector<16xi32>], vector<16xi32>,
      %swap3A_2280 = arith.constant 0 : i32
      %swap3A_2281 = arith.index_cast %swap3A_2280 : i32 to index
      %swap3A_2282 = arith.constant 64 : index
      %swap3A_2283 = tpu.vector_load %arg17[%swap3A_2281, %swap3A_2282] {strides = array<i32>} : memref<2x128xi32, #tpu.memory_space<vmem>>, vector<16xi32>,
      tpu.vector_store %arg17[%swap3A_2281, %swap3A_2282], %gather3A_2279 {strides = array<i32>} : memref<2x128xi32, #tpu.memory_space<vmem>>, vector<16xi32>,
      %iota3A_2284 = tpu.iota {dimensions = array<i32: 0>} : vector<16xi32>
      %add3A_2285 = arith.constant 80 : i32
      %add3A_2286 = vector.broadcast %add3A_2285 : i32 to vector<16xi32>
      %add3A_2287 = arith.addi %iota3A_2284, %add3A_2286 : vector<16xi32>
      %broadcast_in_dim3A_2288 = arith.constant 0 : i32
      %broadcast_in_dim3A_2289 = vector.broadcast %broadcast_in_dim3A_2288 : i32 to vector<16xi32>
      %gather3A_2290 = tpu.vector_load_idx %arg11[%add3A_2287, %broadcast_in_dim3A_2289] : memref<256x16xi32, #tpu.memory_space<vmem>>[vector<16xi32>, vector<16xi32>], vector<16xi32>,
      %swap3A_2291 = arith.constant 0 : i32
      %swap3A_2292 = arith.index_cast %swap3A_2291 : i32 to index
      %swap3A_2293 = arith.constant 80 : index
      %swap3A_2294 = tpu.vector_load %arg15[%swap3A_2292, %swap3A_2293] {strides = array<i32>} : memref<2x128xi32, #tpu.memory_space<vmem>>, vector<16xi32>,
      tpu.vector_store %arg15[%swap3A_2292, %swap3A_2293], %gather3A_2290 {strides = array<i32>} : memref<2x128xi32, #tpu.memory_space<vmem>>, vector<16xi32>,
      %broadcast_in_dim3A_2295 = arith.constant 1 : i32
      %broadcast_in_dim3A_2296 = vector.broadcast %broadcast_in_dim3A_2295 : i32 to vector<16xi32>
      %gather3A_2297 = tpu.vector_load_idx %arg11[%add3A_2287, %broadcast_in_dim3A_2296] : memref<256x16xi32, #tpu.memory_space<vmem>>[vector<16xi32>, vector<16xi32>], vector<16xi32>,
      %swap3A_2298 = arith.constant 0 : i32
      %swap3A_2299 = arith.index_cast %swap3A_2298 : i32 to index
      %swap3A_2300 = arith.constant 80 : index
      %swap3A_2301 = tpu.vector_load %arg16[%swap3A_2299, %swap3A_2300] {strides = array<i32>} : memref<2x128xi32, #tpu.memory_space<vmem>>, vector<16xi32>,
      tpu.vector_store %arg16[%swap3A_2299, %swap3A_2300], %gather3A_2297 {strides = array<i32>} : memref<2x128xi32, #tpu.memory_space<vmem>>, vector<16xi32>,
      %broadcast_in_dim3A_2302 = arith.constant 2 : i32
      %broadcast_in_dim3A_2303 = vector.broadcast %broadcast_in_dim3A_2302 : i32 to vector<16xi32>
      %gather3A_2304 = tpu.vector_load_idx %arg11[%add3A_2287, %broadcast_in_dim3A_2303] : memref<256x16xi32, #tpu.memory_space<vmem>>[vector<16xi32>, vector<16xi32>], vector<16xi32>,
      %swap3A_2305 = arith.constant 0 : i32
      %swap3A_2306 = arith.index_cast %swap3A_2305 : i32 to index
      %swap3A_2307 = arith.constant 80 : index
      %swap3A_2308 = tpu.vector_load %arg17[%swap3A_2306, %swap3A_2307] {strides = array<i32>} : memref<2x128xi32, #tpu.memory_space<vmem>>, vector<16xi32>,
      tpu.vector_store %arg17[%swap3A_2306, %swap3A_2307], %gather3A_2304 {strides = array<i32>} : memref<2x128xi32, #tpu.memory_space<vmem>>, vector<16xi32>,
      %iota3A_2309 = tpu.iota {dimensions = array<i32: 0>} : vector<16xi32>
      %add3A_2310 = arith.constant 96 : i32
      %add3A_2311 = vector.broadcast %add3A_2310 : i32 to vector<16xi32>
      %add3A_2312 = arith.addi %iota3A_2309, %add3A_2311 : vector<16xi32>
      %broadcast_in_dim3A_2313 = arith.constant 0 : i32
      %broadcast_in_dim3A_2314 = vector.broadcast %broadcast_in_dim3A_2313 : i32 to vector<16xi32>
      %gather3A_2315 = tpu.vector_load_idx %arg11[%add3A_2312, %broadcast_in_dim3A_2314] : memref<256x16xi32, #tpu.memory_space<vmem>>[vector<16xi32>, vector<16xi32>], vector<16xi32>,
      %swap3A_2316 = arith.constant 0 : i32
      %swap3A_2317 = arith.index_cast %swap3A_2316 : i32 to index
      %swap3A_2318 = arith.constant 96 : index
      %swap3A_2319 = tpu.vector_load %arg15[%swap3A_2317, %swap3A_2318] {strides = array<i32>} : memref<2x128xi32, #tpu.memory_space<vmem>>, vector<16xi32>,
      tpu.vector_store %arg15[%swap3A_2317, %swap3A_2318], %gather3A_2315 {strides = array<i32>} : memref<2x128xi32, #tpu.memory_space<vmem>>, vector<16xi32>,
      %broadcast_in_dim3A_2320 = arith.constant 1 : i32
      %broadcast_in_dim3A_2321 = vector.broadcast %broadcast_in_dim3A_2320 : i32 to vector<16xi32>
      %gather3A_2322 = tpu.vector_load_idx %arg11[%add3A_2312, %broadcast_in_dim3A_2321] : memref<256x16xi32, #tpu.memory_space<vmem>>[vector<16xi32>, vector<16xi32>], vector<16xi32>,
      %swap3A_2323 = arith.constant 0 : i32
      %swap3A_2324 = arith.index_cast %swap3A_2323 : i32 to index
      %swap3A_2325 = arith.constant 96 : index
      %swap3A_2326 = tpu.vector_load %arg16[%swap3A_2324, %swap3A_2325] {strides = array<i32>} : memref<2x128xi32, #tpu.memory_space<vmem>>, vector<16xi32>,
      tpu.vector_store %arg16[%swap3A_2324, %swap3A_2325], %gather3A_2322 {strides = array<i32>} : memref<2x128xi32, #tpu.memory_space<vmem>>, vector<16xi32>,
      %broadcast_in_dim3A_2327 = arith.constant 2 : i32
      %broadcast_in_dim3A_2328 = vector.broadcast %broadcast_in_dim3A_2327 : i32 to vector<16xi32>
      %gather3A_2329 = tpu.vector_load_idx %arg11[%add3A_2312, %broadcast_in_dim3A_2328] : memref<256x16xi32, #tpu.memory_space<vmem>>[vector<16xi32>, vector<16xi32>], vector<16xi32>,
      %swap3A_2330 = arith.constant 0 : i32
      %swap3A_2331 = arith.index_cast %swap3A_2330 : i32 to index
      %swap3A_2332 = arith.constant 96 : index
      %swap3A_2333 = tpu.vector_load %arg17[%swap3A_2331, %swap3A_2332] {strides = array<i32>} : memref<2x128xi32, #tpu.memory_space<vmem>>, vector<16xi32>,
      tpu.vector_store %arg17[%swap3A_2331, %swap3A_2332], %gather3A_2329 {strides = array<i32>} : memref<2x128xi32, #tpu.memory_space<vmem>>, vector<16xi32>,
      %iota3A_2334 = tpu.iota {dimensions = array<i32: 0>} : vector<16xi32>
      %add3A_2335 = arith.constant 112 : i32
      %add3A_2336 = vector.broadcast %add3A_2335 : i32 to vector<16xi32>
      %add3A_2337 = arith.addi %iota3A_2334, %add3A_2336 : vector<16xi32>
      %broadcast_in_dim3A_2338 = arith.constant 0 : i32
      %broadcast_in_dim3A_2339 = vector.broadcast %broadcast_in_dim3A_2338 : i32 to vector<16xi32>
      %gather3A_2340 = tpu.vector_load_idx %arg11[%add3A_2337, %broadcast_in_dim3A_2339] : memref<256x16xi32, #tpu.memory_space<vmem>>[vector<16xi32>, vector<16xi32>], vector<16xi32>,
      %swap3A_2341 = arith.constant 0 : i32
      %swap3A_2342 = arith.index_cast %swap3A_2341 : i32 to index
      %swap3A_2343 = arith.constant 112 : index
      %swap3A_2344 = tpu.vector_load %arg15[%swap3A_2342, %swap3A_2343] {strides = array<i32>} : memref<2x128xi32, #tpu.memory_space<vmem>>, vector<16xi32>,
      tpu.vector_store %arg15[%swap3A_2342, %swap3A_2343], %gather3A_2340 {strides = array<i32>} : memref<2x128xi32, #tpu.memory_space<vmem>>, vector<16xi32>,
      %broadcast_in_dim3A_2345 = arith.constant 1 : i32
      %broadcast_in_dim3A_2346 = vector.broadcast %broadcast_in_dim3A_2345 : i32 to vector<16xi32>
      %gather3A_2347 = tpu.vector_load_idx %arg11[%add3A_2337, %broadcast_in_dim3A_2346] : memref<256x16xi32, #tpu.memory_space<vmem>>[vector<16xi32>, vector<16xi32>], vector<16xi32>,
      %swap3A_2348 = arith.constant 0 : i32
      %swap3A_2349 = arith.index_cast %swap3A_2348 : i32 to index
      %swap3A_2350 = arith.constant 112 : index
      %swap3A_2351 = tpu.vector_load %arg16[%swap3A_2349, %swap3A_2350] {strides = array<i32>} : memref<2x128xi32, #tpu.memory_space<vmem>>, vector<16xi32>,
      tpu.vector_store %arg16[%swap3A_2349, %swap3A_2350], %gather3A_2347 {strides = array<i32>} : memref<2x128xi32, #tpu.memory_space<vmem>>, vector<16xi32>,
      %broadcast_in_dim3A_2352 = arith.constant 2 : i32
      %broadcast_in_dim3A_2353 = vector.broadcast %broadcast_in_dim3A_2352 : i32 to vector<16xi32>
      %gather3A_2354 = tpu.vector_load_idx %arg11[%add3A_2337, %broadcast_in_dim3A_2353] : memref<256x16xi32, #tpu.memory_space<vmem>>[vector<16xi32>, vector<16xi32>], vector<16xi32>,
      %swap3A_2355 = arith.constant 0 : i32
      %swap3A_2356 = arith.index_cast %swap3A_2355 : i32 to index
      %swap3A_2357 = arith.constant 112 : index
      %swap3A_2358 = tpu.vector_load %arg17[%swap3A_2356, %swap3A_2357] {strides = array<i32>} : memref<2x128xi32, #tpu.memory_space<vmem>>, vector<16xi32>,
      tpu.vector_store %arg17[%swap3A_2356, %swap3A_2357], %gather3A_2354 {strides = array<i32>} : memref<2x128xi32, #tpu.memory_space<vmem>>, vector<16xi32>,
      %iota3A_2359 = tpu.iota {dimensions = array<i32: 0>} : vector<16xi32>
      %add3A_2360 = arith.constant 128 : i32
      %add3A_2361 = vector.broadcast %add3A_2360 : i32 to vector<16xi32>
      %add3A_2362 = arith.addi %iota3A_2359, %add3A_2361 : vector<16xi32>
      %broadcast_in_dim3A_2363 = arith.constant 0 : i32
      %broadcast_in_dim3A_2364 = vector.broadcast %broadcast_in_dim3A_2363 : i32 to vector<16xi32>
      %gather3A_2365 = tpu.vector_load_idx %arg11[%add3A_2362, %broadcast_in_dim3A_2364] : memref<256x16xi32, #tpu.memory_space<vmem>>[vector<16xi32>, vector<16xi32>], vector<16xi32>,
      %swap3A_2366 = arith.constant 1 : i32
      %swap3A_2367 = arith.index_cast %swap3A_2366 : i32 to index
      %swap3A_2368 = arith.constant 0 : index
      %swap3A_2369 = tpu.vector_load %arg15[%swap3A_2367, %swap3A_2368] {strides = array<i32>} : memref<2x128xi32, #tpu.memory_space<vmem>>, vector<16xi32>,
      tpu.vector_store %arg15[%swap3A_2367, %swap3A_2368], %gather3A_2365 {strides = array<i32>} : memref<2x128xi32, #tpu.memory_space<vmem>>, vector<16xi32>,
      %broadcast_in_dim3A_2370 = arith.constant 1 : i32
      %broadcast_in_dim3A_2371 = vector.broadcast %broadcast_in_dim3A_2370 : i32 to vector<16xi32>
      %gather3A_2372 = tpu.vector_load_idx %arg11[%add3A_2362, %broadcast_in_dim3A_2371] : memref<256x16xi32, #tpu.memory_space<vmem>>[vector<16xi32>, vector<16xi32>], vector<16xi32>,
      %swap3A_2373 = arith.constant 1 : i32
      %swap3A_2374 = arith.index_cast %swap3A_2373 : i32 to index
      %swap3A_2375 = arith.constant 0 : index
      %swap3A_2376 = tpu.vector_load %arg16[%swap3A_2374, %swap3A_2375] {strides = array<i32>} : memref<2x128xi32, #tpu.memory_space<vmem>>, vector<16xi32>,
      tpu.vector_store %arg16[%swap3A_2374, %swap3A_2375], %gather3A_2372 {strides = array<i32>} : memref<2x128xi32, #tpu.memory_space<vmem>>, vector<16xi32>,
      %broadcast_in_dim3A_2377 = arith.constant 2 : i32
      %broadcast_in_dim3A_2378 = vector.broadcast %broadcast_in_dim3A_2377 : i32 to vector<16xi32>
      %gather3A_2379 = tpu.vector_load_idx %arg11[%add3A_2362, %broadcast_in_dim3A_2378] : memref<256x16xi32, #tpu.memory_space<vmem>>[vector<16xi32>, vector<16xi32>], vector<16xi32>,
      %swap3A_2380 = arith.constant 1 : i32
      %swap3A_2381 = arith.index_cast %swap3A_2380 : i32 to index
      %swap3A_2382 = arith.constant 0 : index
      %swap3A_2383 = tpu.vector_load %arg17[%swap3A_2381, %swap3A_2382] {strides = array<i32>} : memref<2x128xi32, #tpu.memory_space<vmem>>, vector<16xi32>,
      tpu.vector_store %arg17[%swap3A_2381, %swap3A_2382], %gather3A_2379 {strides = array<i32>} : memref<2x128xi32, #tpu.memory_space<vmem>>, vector<16xi32>,
      %iota3A_2384 = tpu.iota {dimensions = array<i32: 0>} : vector<16xi32>
      %add3A_2385 = arith.constant 144 : i32
      %add3A_2386 = vector.broadcast %add3A_2385 : i32 to vector<16xi32>
      %add3A_2387 = arith.addi %iota3A_2384, %add3A_2386 : vector<16xi32>
      %broadcast_in_dim3A_2388 = arith.constant 0 : i32
      %broadcast_in_dim3A_2389 = vector.broadcast %broadcast_in_dim3A_2388 : i32 to vector<16xi32>
      %gather3A_2390 = tpu.vector_load_idx %arg11[%add3A_2387, %broadcast_in_dim3A_2389] : memref<256x16xi32, #tpu.memory_space<vmem>>[vector<16xi32>, vector<16xi32>], vector<16xi32>,
      %swap3A_2391 = arith.constant 1 : i32
      %swap3A_2392 = arith.index_cast %swap3A_2391 : i32 to index
      %swap3A_2393 = arith.constant 16 : index
      %swap3A_2394 = tpu.vector_load %arg15[%swap3A_2392, %swap3A_2393] {strides = array<i32>} : memref<2x128xi32, #tpu.memory_space<vmem>>, vector<16xi32>,
      tpu.vector_store %arg15[%swap3A_2392, %swap3A_2393], %gather3A_2390 {strides = array<i32>} : memref<2x128xi32, #tpu.memory_space<vmem>>, vector<16xi32>,
      %broadcast_in_dim3A_2395 = arith.constant 1 : i32
      %broadcast_in_dim3A_2396 = vector.broadcast %broadcast_in_dim3A_2395 : i32 to vector<16xi32>
      %gather3A_2397 = tpu.vector_load_idx %arg11[%add3A_2387, %broadcast_in_dim3A_2396] : memref<256x16xi32, #tpu.memory_space<vmem>>[vector<16xi32>, vector<16xi32>], vector<16xi32>,
      %swap3A_2398 = arith.constant 1 : i32
      %swap3A_2399 = arith.index_cast %swap3A_2398 : i32 to index
      %swap3A_2400 = arith.constant 16 : index
      %swap3A_2401 = tpu.vector_load %arg16[%swap3A_2399, %swap3A_2400] {strides = array<i32>} : memref<2x128xi32, #tpu.memory_space<vmem>>, vector<16xi32>,
      tpu.vector_store %arg16[%swap3A_2399, %swap3A_2400], %gather3A_2397 {strides = array<i32>} : memref<2x128xi32, #tpu.memory_space<vmem>>, vector<16xi32>,
      %broadcast_in_dim3A_2402 = arith.constant 2 : i32
      %broadcast_in_dim3A_2403 = vector.broadcast %broadcast_in_dim3A_2402 : i32 to vector<16xi32>
      %gather3A_2404 = tpu.vector_load_idx %arg11[%add3A_2387, %broadcast_in_dim3A_2403] : memref<256x16xi32, #tpu.memory_space<vmem>>[vector<16xi32>, vector<16xi32>], vector<16xi32>,
      %swap3A_2405 = arith.constant 1 : i32
      %swap3A_2406 = arith.index_cast %swap3A_2405 : i32 to index
      %swap3A_2407 = arith.constant 16 : index
      %swap3A_2408 = tpu.vector_load %arg17[%swap3A_2406, %swap3A_2407] {strides = array<i32>} : memref<2x128xi32, #tpu.memory_space<vmem>>, vector<16xi32>,
      tpu.vector_store %arg17[%swap3A_2406, %swap3A_2407], %gather3A_2404 {strides = array<i32>} : memref<2x128xi32, #tpu.memory_space<vmem>>, vector<16xi32>,
      %iota3A_2409 = tpu.iota {dimensions = array<i32: 0>} : vector<16xi32>
      %add3A_2410 = arith.constant 160 : i32
      %add3A_2411 = vector.broadcast %add3A_2410 : i32 to vector<16xi32>
      %add3A_2412 = arith.addi %iota3A_2409, %add3A_2411 : vector<16xi32>
      %broadcast_in_dim3A_2413 = arith.constant 0 : i32
      %broadcast_in_dim3A_2414 = vector.broadcast %broadcast_in_dim3A_2413 : i32 to vector<16xi32>
      %gather3A_2415 = tpu.vector_load_idx %arg11[%add3A_2412, %broadcast_in_dim3A_2414] : memref<256x16xi32, #tpu.memory_space<vmem>>[vector<16xi32>, vector<16xi32>], vector<16xi32>,
      %swap3A_2416 = arith.constant 1 : i32
      %swap3A_2417 = arith.index_cast %swap3A_2416 : i32 to index
      %swap3A_2418 = arith.constant 32 : index
      %swap3A_2419 = tpu.vector_load %arg15[%swap3A_2417, %swap3A_2418] {strides = array<i32>} : memref<2x128xi32, #tpu.memory_space<vmem>>, vector<16xi32>,
      tpu.vector_store %arg15[%swap3A_2417, %swap3A_2418], %gather3A_2415 {strides = array<i32>} : memref<2x128xi32, #tpu.memory_space<vmem>>, vector<16xi32>,
      %broadcast_in_dim3A_2420 = arith.constant 1 : i32
      %broadcast_in_dim3A_2421 = vector.broadcast %broadcast_in_dim3A_2420 : i32 to vector<16xi32>
      %gather3A_2422 = tpu.vector_load_idx %arg11[%add3A_2412, %broadcast_in_dim3A_2421] : memref<256x16xi32, #tpu.memory_space<vmem>>[vector<16xi32>, vector<16xi32>], vector<16xi32>,
      %swap3A_2423 = arith.constant 1 : i32
      %swap3A_2424 = arith.index_cast %swap3A_2423 : i32 to index
      %swap3A_2425 = arith.constant 32 : index
      %swap3A_2426 = tpu.vector_load %arg16[%swap3A_2424, %swap3A_2425] {strides = array<i32>} : memref<2x128xi32, #tpu.memory_space<vmem>>, vector<16xi32>,
      tpu.vector_store %arg16[%swap3A_2424, %swap3A_2425], %gather3A_2422 {strides = array<i32>} : memref<2x128xi32, #tpu.memory_space<vmem>>, vector<16xi32>,
      %broadcast_in_dim3A_2427 = arith.constant 2 : i32
      %broadcast_in_dim3A_2428 = vector.broadcast %broadcast_in_dim3A_2427 : i32 to vector<16xi32>
      %gather3A_2429 = tpu.vector_load_idx %arg11[%add3A_2412, %broadcast_in_dim3A_2428] : memref<256x16xi32, #tpu.memory_space<vmem>>[vector<16xi32>, vector<16xi32>], vector<16xi32>,
      %swap3A_2430 = arith.constant 1 : i32
      %swap3A_2431 = arith.index_cast %swap3A_2430 : i32 to index
      %swap3A_2432 = arith.constant 32 : index
      %swap3A_2433 = tpu.vector_load %arg17[%swap3A_2431, %swap3A_2432] {strides = array<i32>} : memref<2x128xi32, #tpu.memory_space<vmem>>, vector<16xi32>,
      tpu.vector_store %arg17[%swap3A_2431, %swap3A_2432], %gather3A_2429 {strides = array<i32>} : memref<2x128xi32, #tpu.memory_space<vmem>>, vector<16xi32>,
      %iota3A_2434 = tpu.iota {dimensions = array<i32: 0>} : vector<16xi32>
      %add3A_2435 = arith.constant 176 : i32
      %add3A_2436 = vector.broadcast %add3A_2435 : i32 to vector<16xi32>
      %add3A_2437 = arith.addi %iota3A_2434, %add3A_2436 : vector<16xi32>
      %broadcast_in_dim3A_2438 = arith.constant 0 : i32
      %broadcast_in_dim3A_2439 = vector.broadcast %broadcast_in_dim3A_2438 : i32 to vector<16xi32>
      %gather3A_2440 = tpu.vector_load_idx %arg11[%add3A_2437, %broadcast_in_dim3A_2439] : memref<256x16xi32, #tpu.memory_space<vmem>>[vector<16xi32>, vector<16xi32>], vector<16xi32>,
      %swap3A_2441 = arith.constant 1 : i32
      %swap3A_2442 = arith.index_cast %swap3A_2441 : i32 to index
      %swap3A_2443 = arith.constant 48 : index
      %swap3A_2444 = tpu.vector_load %arg15[%swap3A_2442, %swap3A_2443] {strides = array<i32>} : memref<2x128xi32, #tpu.memory_space<vmem>>, vector<16xi32>,
      tpu.vector_store %arg15[%swap3A_2442, %swap3A_2443], %gather3A_2440 {strides = array<i32>} : memref<2x128xi32, #tpu.memory_space<vmem>>, vector<16xi32>,
      %broadcast_in_dim3A_2445 = arith.constant 1 : i32
      %broadcast_in_dim3A_2446 = vector.broadcast %broadcast_in_dim3A_2445 : i32 to vector<16xi32>
      %gather3A_2447 = tpu.vector_load_idx %arg11[%add3A_2437, %broadcast_in_dim3A_2446] : memref<256x16xi32, #tpu.memory_space<vmem>>[vector<16xi32>, vector<16xi32>], vector<16xi32>,
      %swap3A_2448 = arith.constant 1 : i32
      %swap3A_2449 = arith.index_cast %swap3A_2448 : i32 to index
      %swap3A_2450 = arith.constant 48 : index
      %swap3A_2451 = tpu.vector_load %arg16[%swap3A_2449, %swap3A_2450] {strides = array<i32>} : memref<2x128xi32, #tpu.memory_space<vmem>>, vector<16xi32>,
      tpu.vector_store %arg16[%swap3A_2449, %swap3A_2450], %gather3A_2447 {strides = array<i32>} : memref<2x128xi32, #tpu.memory_space<vmem>>, vector<16xi32>,
      %broadcast_in_dim3A_2452 = arith.constant 2 : i32
      %broadcast_in_dim3A_2453 = vector.broadcast %broadcast_in_dim3A_2452 : i32 to vector<16xi32>
      %gather3A_2454 = tpu.vector_load_idx %arg11[%add3A_2437, %broadcast_in_dim3A_2453] : memref<256x16xi32, #tpu.memory_space<vmem>>[vector<16xi32>, vector<16xi32>], vector<16xi32>,
      %swap3A_2455 = arith.constant 1 : i32
      %swap3A_2456 = arith.index_cast %swap3A_2455 : i32 to index
      %swap3A_2457 = arith.constant 48 : index
      %swap3A_2458 = tpu.vector_load %arg17[%swap3A_2456, %swap3A_2457] {strides = array<i32>} : memref<2x128xi32, #tpu.memory_space<vmem>>, vector<16xi32>,
      tpu.vector_store %arg17[%swap3A_2456, %swap3A_2457], %gather3A_2454 {strides = array<i32>} : memref<2x128xi32, #tpu.memory_space<vmem>>, vector<16xi32>,
      %iota3A_2459 = tpu.iota {dimensions = array<i32: 0>} : vector<16xi32>
      %add3A_2460 = arith.constant 192 : i32
      %add3A_2461 = vector.broadcast %add3A_2460 : i32 to vector<16xi32>
      %add3A_2462 = arith.addi %iota3A_2459, %add3A_2461 : vector<16xi32>
      %broadcast_in_dim3A_2463 = arith.constant 0 : i32
      %broadcast_in_dim3A_2464 = vector.broadcast %broadcast_in_dim3A_2463 : i32 to vector<16xi32>
      %gather3A_2465 = tpu.vector_load_idx %arg11[%add3A_2462, %broadcast_in_dim3A_2464] : memref<256x16xi32, #tpu.memory_space<vmem>>[vector<16xi32>, vector<16xi32>], vector<16xi32>,
      %swap3A_2466 = arith.constant 1 : i32
      %swap3A_2467 = arith.index_cast %swap3A_2466 : i32 to index
      %swap3A_2468 = arith.constant 64 : index
      %swap3A_2469 = tpu.vector_load %arg15[%swap3A_2467, %swap3A_2468] {strides = array<i32>} : memref<2x128xi32, #tpu.memory_space<vmem>>, vector<16xi32>,
      tpu.vector_store %arg15[%swap3A_2467, %swap3A_2468], %gather3A_2465 {strides = array<i32>} : memref<2x128xi32, #tpu.memory_space<vmem>>, vector<16xi32>,
      %broadcast_in_dim3A_2470 = arith.constant 1 : i32
      %broadcast_in_dim3A_2471 = vector.broadcast %broadcast_in_dim3A_2470 : i32 to vector<16xi32>
      %gather3A_2472 = tpu.vector_load_idx %arg11[%add3A_2462, %broadcast_in_dim3A_2471] : memref<256x16xi32, #tpu.memory_space<vmem>>[vector<16xi32>, vector<16xi32>], vector<16xi32>,
      %swap3A_2473 = arith.constant 1 : i32
      %swap3A_2474 = arith.index_cast %swap3A_2473 : i32 to index
      %swap3A_2475 = arith.constant 64 : index
      %swap3A_2476 = tpu.vector_load %arg16[%swap3A_2474, %swap3A_2475] {strides = array<i32>} : memref<2x128xi32, #tpu.memory_space<vmem>>, vector<16xi32>,
      tpu.vector_store %arg16[%swap3A_2474, %swap3A_2475], %gather3A_2472 {strides = array<i32>} : memref<2x128xi32, #tpu.memory_space<vmem>>, vector<16xi32>,
      %broadcast_in_dim3A_2477 = arith.constant 2 : i32
      %broadcast_in_dim3A_2478 = vector.broadcast %broadcast_in_dim3A_2477 : i32 to vector<16xi32>
      %gather3A_2479 = tpu.vector_load_idx %arg11[%add3A_2462, %broadcast_in_dim3A_2478] : memref<256x16xi32, #tpu.memory_space<vmem>>[vector<16xi32>, vector<16xi32>], vector<16xi32>,
      %swap3A_2480 = arith.constant 1 : i32
      %swap3A_2481 = arith.index_cast %swap3A_2480 : i32 to index
      %swap3A_2482 = arith.constant 64 : index
      %swap3A_2483 = tpu.vector_load %arg17[%swap3A_2481, %swap3A_2482] {strides = array<i32>} : memref<2x128xi32, #tpu.memory_space<vmem>>, vector<16xi32>,
      tpu.vector_store %arg17[%swap3A_2481, %swap3A_2482], %gather3A_2479 {strides = array<i32>} : memref<2x128xi32, #tpu.memory_space<vmem>>, vector<16xi32>,
      %iota3A_2484 = tpu.iota {dimensions = array<i32: 0>} : vector<16xi32>
      %add3A_2485 = arith.constant 208 : i32
      %add3A_2486 = vector.broadcast %add3A_2485 : i32 to vector<16xi32>
      %add3A_2487 = arith.addi %iota3A_2484, %add3A_2486 : vector<16xi32>
      %broadcast_in_dim3A_2488 = arith.constant 0 : i32
      %broadcast_in_dim3A_2489 = vector.broadcast %broadcast_in_dim3A_2488 : i32 to vector<16xi32>
      %gather3A_2490 = tpu.vector_load_idx %arg11[%add3A_2487, %broadcast_in_dim3A_2489] : memref<256x16xi32, #tpu.memory_space<vmem>>[vector<16xi32>, vector<16xi32>], vector<16xi32>,
      %swap3A_2491 = arith.constant 1 : i32
      %swap3A_2492 = arith.index_cast %swap3A_2491 : i32 to index
      %swap3A_2493 = arith.constant 80 : index
      %swap3A_2494 = tpu.vector_load %arg15[%swap3A_2492, %swap3A_2493] {strides = array<i32>} : memref<2x128xi32, #tpu.memory_space<vmem>>, vector<16xi32>,
      tpu.vector_store %arg15[%swap3A_2492, %swap3A_2493], %gather3A_2490 {strides = array<i32>} : memref<2x128xi32, #tpu.memory_space<vmem>>, vector<16xi32>,
      %broadcast_in_dim3A_2495 = arith.constant 1 : i32
      %broadcast_in_dim3A_2496 = vector.broadcast %broadcast_in_dim3A_2495 : i32 to vector<16xi32>
      %gather3A_2497 = tpu.vector_load_idx %arg11[%add3A_2487, %broadcast_in_dim3A_2496] : memref<256x16xi32, #tpu.memory_space<vmem>>[vector<16xi32>, vector<16xi32>], vector<16xi32>,
      %swap3A_2498 = arith.constant 1 : i32
      %swap3A_2499 = arith.index_cast %swap3A_2498 : i32 to index
      %swap3A_2500 = arith.constant 80 : index
      %swap3A_2501 = tpu.vector_load %arg16[%swap3A_2499, %swap3A_2500] {strides = array<i32>} : memref<2x128xi32, #tpu.memory_space<vmem>>, vector<16xi32>,
      tpu.vector_store %arg16[%swap3A_2499, %swap3A_2500], %gather3A_2497 {strides = array<i32>} : memref<2x128xi32, #tpu.memory_space<vmem>>, vector<16xi32>,
      %broadcast_in_dim3A_2502 = arith.constant 2 : i32
      %broadcast_in_dim3A_2503 = vector.broadcast %broadcast_in_dim3A_2502 : i32 to vector<16xi32>
      %gather3A_2504 = tpu.vector_load_idx %arg11[%add3A_2487, %broadcast_in_dim3A_2503] : memref<256x16xi32, #tpu.memory_space<vmem>>[vector<16xi32>, vector<16xi32>], vector<16xi32>,
      %swap3A_2505 = arith.constant 1 : i32
      %swap3A_2506 = arith.index_cast %swap3A_2505 : i32 to index
      %swap3A_2507 = arith.constant 80 : index
      %swap3A_2508 = tpu.vector_load %arg17[%swap3A_2506, %swap3A_2507] {strides = array<i32>} : memref<2x128xi32, #tpu.memory_space<vmem>>, vector<16xi32>,
      tpu.vector_store %arg17[%swap3A_2506, %swap3A_2507], %gather3A_2504 {strides = array<i32>} : memref<2x128xi32, #tpu.memory_space<vmem>>, vector<16xi32>,
      %iota3A_2509 = tpu.iota {dimensions = array<i32: 0>} : vector<16xi32>
      %add3A_2510 = arith.constant 224 : i32
      %add3A_2511 = vector.broadcast %add3A_2510 : i32 to vector<16xi32>
      %add3A_2512 = arith.addi %iota3A_2509, %add3A_2511 : vector<16xi32>
      %broadcast_in_dim3A_2513 = arith.constant 0 : i32
      %broadcast_in_dim3A_2514 = vector.broadcast %broadcast_in_dim3A_2513 : i32 to vector<16xi32>
      %gather3A_2515 = tpu.vector_load_idx %arg11[%add3A_2512, %broadcast_in_dim3A_2514] : memref<256x16xi32, #tpu.memory_space<vmem>>[vector<16xi32>, vector<16xi32>], vector<16xi32>,
      %swap3A_2516 = arith.constant 1 : i32
      %swap3A_2517 = arith.index_cast %swap3A_2516 : i32 to index
      %swap3A_2518 = arith.constant 96 : index
      %swap3A_2519 = tpu.vector_load %arg15[%swap3A_2517, %swap3A_2518] {strides = array<i32>} : memref<2x128xi32, #tpu.memory_space<vmem>>, vector<16xi32>,
      tpu.vector_store %arg15[%swap3A_2517, %swap3A_2518], %gather3A_2515 {strides = array<i32>} : memref<2x128xi32, #tpu.memory_space<vmem>>, vector<16xi32>,
      %broadcast_in_dim3A_2520 = arith.constant 1 : i32
      %broadcast_in_dim3A_2521 = vector.broadcast %broadcast_in_dim3A_2520 : i32 to vector<16xi32>
      %gather3A_2522 = tpu.vector_load_idx %arg11[%add3A_2512, %broadcast_in_dim3A_2521] : memref<256x16xi32, #tpu.memory_space<vmem>>[vector<16xi32>, vector<16xi32>], vector<16xi32>,
      %swap3A_2523 = arith.constant 1 : i32
      %swap3A_2524 = arith.index_cast %swap3A_2523 : i32 to index
      %swap3A_2525 = arith.constant 96 : index
      %swap3A_2526 = tpu.vector_load %arg16[%swap3A_2524, %swap3A_2525] {strides = array<i32>} : memref<2x128xi32, #tpu.memory_space<vmem>>, vector<16xi32>,
      tpu.vector_store %arg16[%swap3A_2524, %swap3A_2525], %gather3A_2522 {strides = array<i32>} : memref<2x128xi32, #tpu.memory_space<vmem>>, vector<16xi32>,
      %broadcast_in_dim3A_2527 = arith.constant 2 : i32
      %broadcast_in_dim3A_2528 = vector.broadcast %broadcast_in_dim3A_2527 : i32 to vector<16xi32>
      %gather3A_2529 = tpu.vector_load_idx %arg11[%add3A_2512, %broadcast_in_dim3A_2528] : memref<256x16xi32, #tpu.memory_space<vmem>>[vector<16xi32>, vector<16xi32>], vector<16xi32>,
      %swap3A_2530 = arith.constant 1 : i32
      %swap3A_2531 = arith.index_cast %swap3A_2530 : i32 to index
      %swap3A_2532 = arith.constant 96 : index
      %swap3A_2533 = tpu.vector_load %arg17[%swap3A_2531, %swap3A_2532] {strides = array<i32>} : memref<2x128xi32, #tpu.memory_space<vmem>>, vector<16xi32>,
      tpu.vector_store %arg17[%swap3A_2531, %swap3A_2532], %gather3A_2529 {strides = array<i32>} : memref<2x128xi32, #tpu.memory_space<vmem>>, vector<16xi32>,
      %iota3A_2534 = tpu.iota {dimensions = array<i32: 0>} : vector<16xi32>
      %add3A_2535 = arith.constant 240 : i32
      %add3A_2536 = vector.broadcast %add3A_2535 : i32 to vector<16xi32>
      %add3A_2537 = arith.addi %iota3A_2534, %add3A_2536 : vector<16xi32>
      %broadcast_in_dim3A_2538 = arith.constant 0 : i32
      %broadcast_in_dim3A_2539 = vector.broadcast %broadcast_in_dim3A_2538 : i32 to vector<16xi32>
      %gather3A_2540 = tpu.vector_load_idx %arg11[%add3A_2537, %broadcast_in_dim3A_2539] : memref<256x16xi32, #tpu.memory_space<vmem>>[vector<16xi32>, vector<16xi32>], vector<16xi32>,
      %swap3A_2541 = arith.constant 1 : i32
      %swap3A_2542 = arith.index_cast %swap3A_2541 : i32 to index
      %swap3A_2543 = arith.constant 112 : index
      %swap3A_2544 = tpu.vector_load %arg15[%swap3A_2542, %swap3A_2543] {strides = array<i32>} : memref<2x128xi32, #tpu.memory_space<vmem>>, vector<16xi32>,
      tpu.vector_store %arg15[%swap3A_2542, %swap3A_2543], %gather3A_2540 {strides = array<i32>} : memref<2x128xi32, #tpu.memory_space<vmem>>, vector<16xi32>,
      %broadcast_in_dim3A_2545 = arith.constant 1 : i32
      %broadcast_in_dim3A_2546 = vector.broadcast %broadcast_in_dim3A_2545 : i32 to vector<16xi32>
      %gather3A_2547 = tpu.vector_load_idx %arg11[%add3A_2537, %broadcast_in_dim3A_2546] : memref<256x16xi32, #tpu.memory_space<vmem>>[vector<16xi32>, vector<16xi32>], vector<16xi32>,
      %swap3A_2548 = arith.constant 1 : i32
      %swap3A_2549 = arith.index_cast %swap3A_2548 : i32 to index
      %swap3A_2550 = arith.constant 112 : index
      %swap3A_2551 = tpu.vector_load %arg16[%swap3A_2549, %swap3A_2550] {strides = array<i32>} : memref<2x128xi32, #tpu.memory_space<vmem>>, vector<16xi32>,
      tpu.vector_store %arg16[%swap3A_2549, %swap3A_2550], %gather3A_2547 {strides = array<i32>} : memref<2x128xi32, #tpu.memory_space<vmem>>, vector<16xi32>,
      %broadcast_in_dim3A_2552 = arith.constant 2 : i32
      %broadcast_in_dim3A_2553 = vector.broadcast %broadcast_in_dim3A_2552 : i32 to vector<16xi32>
      %gather3A_2554 = tpu.vector_load_idx %arg11[%add3A_2537, %broadcast_in_dim3A_2553] : memref<256x16xi32, #tpu.memory_space<vmem>>[vector<16xi32>, vector<16xi32>], vector<16xi32>,
      %swap3A_2555 = arith.constant 1 : i32
      %swap3A_2556 = arith.index_cast %swap3A_2555 : i32 to index
      %swap3A_2557 = arith.constant 112 : index
      %swap3A_2558 = tpu.vector_load %arg17[%swap3A_2556, %swap3A_2557] {strides = array<i32>} : memref<2x128xi32, #tpu.memory_space<vmem>>, vector<16xi32>,
      tpu.vector_store %arg17[%swap3A_2556, %swap3A_2557], %gather3A_2554 {strides = array<i32>} : memref<2x128xi32, #tpu.memory_space<vmem>>, vector<16xi32>,
    }
    %scan3A_1091 = arith.constant 6 : i32
    %dma_wait3A_1092 = arith.constant 2 : i32
    %dma_wait3A_1093 = arith.constant 0 : i32
    %dma_wait3A_1094 = arith.constant 0 : i32
    %dma_wait3A_1095 = tpu.memref_slice %arg18[%dma_wait3A_1093, %dma_wait3A_1094] : memref<256x64xf32, #tpu.memory_space<vmem>> -> memref<128x64xf32, #tpu.memory_space<vmem>>
    %dma_wait3A_1096 = arith.constant 0 : i32
    %dma_wait3A_1097 = tpu.memref_slice %arg8[%dma_wait3A_1092, %dma_wait3A_1096] : memref<4x128xi32, #tpu.memory_space<vmem>> -> memref<1x128xi32, #tpu.memory_space<vmem>>
    %dma_wait3A_1098 = tpu.memref_squeeze %dma_wait3A_1097 : memref<1x128xi32, #tpu.memory_space<vmem>> -> memref<128xi32, #tpu.memory_space<vmem>>
    %dma_wait3A_1099 = arith.constant 0 : i32
    %dma_wait3A_1100 = arith.constant 0 : i32
    %dma_wait3A_1101 = tpu.memref_slice %arg5[%dma_wait3A_1099, %dma_wait3A_1100] : memref<114688x64xf32, #tpu.memory_space<hbm>> -> memref<114688x64xf32, #tpu.memory_space<hbm>>
    tpu.wait_indirect_dma semaphore(%arg30 : memref<!tpu.dma_semaphore, #tpu.memory_space<semaphore_mem>>) src(%dma_wait3A_1095 : memref<128x64xf32, #tpu.memory_space<vmem>>) dst(%dma_wait3A_1101 : memref<114688x64xf32, #tpu.memory_space<hbm>>)
    %dma_wait3A_1102 = arith.constant 3 : i32
    %dma_wait3A_1103 = arith.constant 128 : i32
    %dma_wait3A_1104 = arith.constant 0 : i32
    %dma_wait3A_1105 = tpu.memref_slice %arg18[%dma_wait3A_1103, %dma_wait3A_1104] : memref<256x64xf32, #tpu.memory_space<vmem>> -> memref<128x64xf32, #tpu.memory_space<vmem>>
    %dma_wait3A_1106 = arith.constant 0 : i32
    %dma_wait3A_1107 = tpu.memref_slice %arg8[%dma_wait3A_1102, %dma_wait3A_1106] : memref<4x128xi32, #tpu.memory_space<vmem>> -> memref<1x128xi32, #tpu.memory_space<vmem>>
    %dma_wait3A_1108 = tpu.memref_squeeze %dma_wait3A_1107 : memref<1x128xi32, #tpu.memory_space<vmem>> -> memref<128xi32, #tpu.memory_space<vmem>>
    %dma_wait3A_1109 = arith.constant 0 : i32
    %dma_wait3A_1110 = arith.constant 0 : i32
    %dma_wait3A_1111 = tpu.memref_slice %arg5[%dma_wait3A_1109, %dma_wait3A_1110] : memref<114688x64xf32, #tpu.memory_space<hbm>> -> memref<114688x64xf32, #tpu.memory_space<hbm>>
    tpu.wait_indirect_dma semaphore(%arg30 : memref<!tpu.dma_semaphore, #tpu.memory_space<semaphore_mem>>) src(%dma_wait3A_1105 : memref<128x64xf32, #tpu.memory_space<vmem>>) dst(%dma_wait3A_1111 : memref<114688x64xf32, #tpu.memory_space<hbm>>)
    %dma_wait3A_1112 = arith.constant 2 : i32
    %dma_wait3A_1113 = arith.constant 0 : i32
    %dma_wait3A_1114 = arith.constant 0 : i32
    %dma_wait3A_1115 = tpu.memref_slice %arg19[%dma_wait3A_1113, %dma_wait3A_1114] : memref<256x64xf32, #tpu.memory_space<vmem>> -> memref<128x64xf32, #tpu.memory_space<vmem>>
    %dma_wait3A_1116 = arith.constant 0 : i32
    %dma_wait3A_1117 = tpu.memref_slice %arg8[%dma_wait3A_1112, %dma_wait3A_1116] : memref<4x128xi32, #tpu.memory_space<vmem>> -> memref<1x128xi32, #tpu.memory_space<vmem>>
    %dma_wait3A_1118 = tpu.memref_squeeze %dma_wait3A_1117 : memref<1x128xi32, #tpu.memory_space<vmem>> -> memref<128xi32, #tpu.memory_space<vmem>>
    %dma_wait3A_1119 = arith.constant 0 : i32
    %dma_wait3A_1120 = arith.constant 0 : i32
    %dma_wait3A_1121 = tpu.memref_slice %arg6[%dma_wait3A_1119, %dma_wait3A_1120] : memref<114688x64xf32, #tpu.memory_space<hbm>> -> memref<114688x64xf32, #tpu.memory_space<hbm>>
    tpu.wait_indirect_dma semaphore(%arg30 : memref<!tpu.dma_semaphore, #tpu.memory_space<semaphore_mem>>) src(%dma_wait3A_1115 : memref<128x64xf32, #tpu.memory_space<vmem>>) dst(%dma_wait3A_1121 : memref<114688x64xf32, #tpu.memory_space<hbm>>)
    %dma_wait3A_1122 = arith.constant 3 : i32
    %dma_wait3A_1123 = arith.constant 128 : i32
    %dma_wait3A_1124 = arith.constant 0 : i32
    %dma_wait3A_1125 = tpu.memref_slice %arg19[%dma_wait3A_1123, %dma_wait3A_1124] : memref<256x64xf32, #tpu.memory_space<vmem>> -> memref<128x64xf32, #tpu.memory_space<vmem>>
    %dma_wait3A_1126 = arith.constant 0 : i32
    %dma_wait3A_1127 = tpu.memref_slice %arg8[%dma_wait3A_1122, %dma_wait3A_1126] : memref<4x128xi32, #tpu.memory_space<vmem>> -> memref<1x128xi32, #tpu.memory_space<vmem>>
    %dma_wait3A_1128 = tpu.memref_squeeze %dma_wait3A_1127 : memref<1x128xi32, #tpu.memory_space<vmem>> -> memref<128xi32, #tpu.memory_space<vmem>>
    %dma_wait3A_1129 = arith.constant 0 : i32
    %dma_wait3A_1130 = arith.constant 0 : i32
    %dma_wait3A_1131 = tpu.memref_slice %arg6[%dma_wait3A_1129, %dma_wait3A_1130] : memref<114688x64xf32, #tpu.memory_space<hbm>> -> memref<114688x64xf32, #tpu.memory_space<hbm>>
    tpu.wait_indirect_dma semaphore(%arg30 : memref<!tpu.dma_semaphore, #tpu.memory_space<semaphore_mem>>) src(%dma_wait3A_1125 : memref<128x64xf32, #tpu.memory_space<vmem>>) dst(%dma_wait3A_1131 : memref<114688x64xf32, #tpu.memory_space<hbm>>)
    %dma_wait3A_1132 = arith.constant 2 : i32
    %dma_wait3A_1133 = arith.constant 0 : i32
    %dma_wait3A_1134 = arith.constant 0 : i32
    %dma_wait3A_1135 = tpu.memref_slice %arg20[%dma_wait3A_1133, %dma_wait3A_1134] : memref<256x64xf32, #tpu.memory_space<vmem>> -> memref<128x64xf32, #tpu.memory_space<vmem>>
    %dma_wait3A_1136 = arith.constant 0 : i32
    %dma_wait3A_1137 = tpu.memref_slice %arg8[%dma_wait3A_1132, %dma_wait3A_1136] : memref<4x128xi32, #tpu.memory_space<vmem>> -> memref<1x128xi32, #tpu.memory_space<vmem>>
    %dma_wait3A_1138 = tpu.memref_squeeze %dma_wait3A_1137 : memref<1x128xi32, #tpu.memory_space<vmem>> -> memref<128xi32, #tpu.memory_space<vmem>>
    %dma_wait3A_1139 = arith.constant 0 : i32
    %dma_wait3A_1140 = arith.constant 0 : i32
    %dma_wait3A_1141 = tpu.memref_slice %arg7[%dma_wait3A_1139, %dma_wait3A_1140] : memref<114688x64xf32, #tpu.memory_space<hbm>> -> memref<114688x64xf32, #tpu.memory_space<hbm>>
    tpu.wait_indirect_dma semaphore(%arg30 : memref<!tpu.dma_semaphore, #tpu.memory_space<semaphore_mem>>) src(%dma_wait3A_1135 : memref<128x64xf32, #tpu.memory_space<vmem>>) dst(%dma_wait3A_1141 : memref<114688x64xf32, #tpu.memory_space<hbm>>)
    %dma_wait3A_1142 = arith.constant 3 : i32
    %dma_wait3A_1143 = arith.constant 128 : i32
    %dma_wait3A_1144 = arith.constant 0 : i32
    %dma_wait3A_1145 = tpu.memref_slice %arg20[%dma_wait3A_1143, %dma_wait3A_1144] : memref<256x64xf32, #tpu.memory_space<vmem>> -> memref<128x64xf32, #tpu.memory_space<vmem>>
    %dma_wait3A_1146 = arith.constant 0 : i32
    %dma_wait3A_1147 = tpu.memref_slice %arg8[%dma_wait3A_1142, %dma_wait3A_1146] : memref<4x128xi32, #tpu.memory_space<vmem>> -> memref<1x128xi32, #tpu.memory_space<vmem>>
    %dma_wait3A_1148 = tpu.memref_squeeze %dma_wait3A_1147 : memref<1x128xi32, #tpu.memory_space<vmem>> -> memref<128xi32, #tpu.memory_space<vmem>>
    %dma_wait3A_1149 = arith.constant 0 : i32
    %dma_wait3A_1150 = arith.constant 0 : i32
    %dma_wait3A_1151 = tpu.memref_slice %arg7[%dma_wait3A_1149, %dma_wait3A_1150] : memref<114688x64xf32, #tpu.memory_space<hbm>> -> memref<114688x64xf32, #tpu.memory_space<hbm>>
    tpu.wait_indirect_dma semaphore(%arg30 : memref<!tpu.dma_semaphore, #tpu.memory_space<semaphore_mem>>) src(%dma_wait3A_1145 : memref<128x64xf32, #tpu.memory_space<vmem>>) dst(%dma_wait3A_1151 : memref<114688x64xf32, #tpu.memory_space<hbm>>)
    return
  }
}

module attributes {stable_mosaic.version = 14 : i64} {
  func.func @_rowid_body(%arg0: i32, %arg1: memref<4096x12xi32, #tpu.memory_space<vmem>>, %arg2: memref<4096x16xi32, #tpu.memory_space<vmem>>) attributes {dimension_semantics = [#tpu.dimension_semantics<arbitrary>], iteration_bounds = array<i64: 25>, scalar_prefetch = 0 : i64, scratch_operands = 0 : i64, tpu.core_type = #tpu.core_type<tc>, window_params = [{transform_indices = @transform_0, window_bounds = array<i64: 4096, 12>}, {transform_indices = @transform_1, window_bounds = array<i64: 4096, 16>}]} {
    %get3A = arith.constant 0 : index
    %get3A_0 = arith.constant 0 : index
    %get3A_1 = vector.load %arg1[%get3A, %get3A_0] : memref<4096x12xi32, #tpu.memory_space<vmem>>, vector<4096x12xi32>
    %slice3A = vector.extract_strided_slice %get3A_1 {offsets = [0, 0], sizes = [4096, 1], strides = [1, 1]} : vector<4096x12xi32> to vector<4096x1xi32>
    %slice3A_2 = vector.extract_strided_slice %get3A_1 {offsets = [0, 3], sizes = [4096, 1], strides = [1, 1]} : vector<4096x12xi32> to vector<4096x1xi32>
    %slice3A_3 = vector.extract_strided_slice %get3A_1 {offsets = [0, 6], sizes = [4096, 1], strides = [1, 1]} : vector<4096x12xi32> to vector<4096x1xi32>
    %slice3A_4 = vector.extract_strided_slice %get3A_1 {offsets = [0, 9], sizes = [4096, 1], strides = [1, 1]} : vector<4096x12xi32> to vector<4096x1xi32>
    %gt3A = arith.constant 0 : i32
    %gt3A_5 = vector.broadcast %gt3A : i32 to vector<4096x1xi32>
    %gt3A_6 = arith.cmpi sgt, %slice3A_4, %gt3A_5 : vector<4096x1xi32>
    %mul3A = arith.constant 160 : i32
    %mul3A_7 = vector.broadcast %mul3A : i32 to vector<4096x1xi32>
    %mul3A_8 = arith.muli %slice3A_2, %mul3A_7 : vector<4096x1xi32>
    %add3A = arith.addi %mul3A_8, %slice3A_3 : vector<4096x1xi32>
    %jit3A = arith.constant 19200 : i32
    %broadcast_in_dim3A = vector.broadcast %jit3A : i32 to vector<4096x1xi32>
    %select_n3A = arith.select %gt3A_6, %add3A, %broadcast_in_dim3A : vector<4096x1xi1>, vector<4096x1xi32>
    %jit3A_9 = arith.constant 1920 : i32
    %div3A = vector.broadcast %jit3A_9 : i32 to vector<4096x1xi32>
    %div3A_10 = arith.divsi %select_n3A, %div3A : vector<4096x1xi32>
    %sign3A = arith.constant 0 : i32
    %sign3A_11 = vector.broadcast %sign3A : i32 to vector<4096x1xi32>
    %sign3A_12 = arith.cmpi sgt, %select_n3A, %sign3A_11 : vector<4096x1xi32>
    %sign3A_13 = arith.extui %sign3A_12 : vector<4096x1xi1> to vector<4096x1xi32>
    %sign3A_14 = arith.constant 0 : i32
    %sign3A_15 = vector.broadcast %sign3A_14 : i32 to vector<4096x1xi32>
    %sign3A_16 = arith.cmpi slt, %select_n3A, %sign3A_15 : vector<4096x1xi32>
    %sign3A_17 = arith.extui %sign3A_16 : vector<4096x1xi1> to vector<4096x1xi32>
    %sign3A_18 = arith.subi %sign3A_13, %sign3A_17 : vector<4096x1xi32>
    %sign3A_19 = arith.constant 0 : i32
    %sign3A_20 = arith.cmpi sgt, %jit3A_9, %sign3A_19 : i32
    %sign3A_21 = arith.extui %sign3A_20 : i1 to i32
    %sign3A_22 = arith.constant 0 : i32
    %sign3A_23 = arith.cmpi slt, %jit3A_9, %sign3A_22 : i32
    %sign3A_24 = arith.extui %sign3A_23 : i1 to i32
    %sign3A_25 = arith.subi %sign3A_21, %sign3A_24 : i32
    %ne3A = vector.broadcast %sign3A_25 : i32 to vector<4096x1xi32>
    %ne3A_26 = arith.cmpi ne, %sign3A_18, %ne3A : vector<4096x1xi32>
    %rem3A = vector.broadcast %jit3A_9 : i32 to vector<4096x1xi32>
    %rem3A_27 = arith.remsi %select_n3A, %rem3A : vector<4096x1xi32>
    %ne3A_28 = arith.constant 0 : i32
    %ne3A_29 = vector.broadcast %ne3A_28 : i32 to vector<4096x1xi32>
    %ne3A_30 = arith.cmpi ne, %rem3A_27, %ne3A_29 : vector<4096x1xi32>
    %and3A = arith.andi %ne3A_26, %ne3A_30 : vector<4096x1xi1>
    %sub3A = arith.constant 1 : i32
    %sub3A_31 = vector.broadcast %sub3A : i32 to vector<4096x1xi32>
    %sub3A_32 = arith.subi %div3A_10, %sub3A_31 : vector<4096x1xi32>
    %select_n3A_33 = arith.select %and3A, %sub3A_32, %div3A_10 : vector<4096x1xi1>, vector<4096x1xi32>
    %mul3A_34 = arith.constant 1920 : i32
    %mul3A_35 = vector.broadcast %mul3A_34 : i32 to vector<4096x1xi32>
    %mul3A_36 = arith.muli %select_n3A_33, %mul3A_35 : vector<4096x1xi32>
    %sub3A_37 = arith.subi %select_n3A, %mul3A_36 : vector<4096x1xi32>
    %ge3A = arith.constant 960 : i32
    %ge3A_38 = vector.broadcast %ge3A : i32 to vector<4096x1xi32>
    %ge3A_39 = arith.cmpi sge, %sub3A_37, %ge3A_38 : vector<4096x1xi32>
    %convert_element_type3A = arith.extui %ge3A_39 : vector<4096x1xi1> to vector<4096x1xi32>
    %mul3A_40 = arith.constant 960 : i32
    %mul3A_41 = vector.broadcast %mul3A_40 : i32 to vector<4096x1xi32>
    %mul3A_42 = arith.muli %mul3A_41, %select_n3A_33 : vector<4096x1xi32>
    %add3A_43 = arith.addi %mul3A_42, %sub3A_37 : vector<4096x1xi32>
    %mul3A_44 = arith.constant 960 : i32
    %mul3A_45 = vector.broadcast %mul3A_44 : i32 to vector<4096x1xi32>
    %mul3A_46 = arith.muli %convert_element_type3A, %mul3A_45 : vector<4096x1xi32>
    %sub3A_47 = arith.subi %add3A_43, %mul3A_46 : vector<4096x1xi32>
    %mul3A_48 = arith.constant 2 : i32
    %mul3A_49 = vector.broadcast %mul3A_48 : i32 to vector<4096x1xi32>
    %mul3A_50 = arith.muli %mul3A_49, %sub3A_47 : vector<4096x1xi32>
    %add3A_51 = arith.addi %mul3A_50, %convert_element_type3A : vector<4096x1xi32>
    %add3A_52 = arith.constant 0 : i32
    %add3A_53 = vector.broadcast %add3A_52 : i32 to vector<4096x1xi32>
    %add3A_54 = arith.addi %add3A_53, %slice3A : vector<4096x1xi32>
    %mul3A_55 = arith.constant 21120 : i32
    %mul3A_56 = vector.broadcast %mul3A_55 : i32 to vector<4096x1xi32>
    %mul3A_57 = arith.muli %add3A_54, %mul3A_56 : vector<4096x1xi32>
    %add3A_58 = arith.addi %mul3A_57, %add3A_51 : vector<4096x1xi32>
    %slice3A_59 = vector.extract_strided_slice %get3A_1 {offsets = [0, 1], sizes = [4096, 1], strides = [1, 1]} : vector<4096x12xi32> to vector<4096x1xi32>
    %slice3A_60 = vector.extract_strided_slice %get3A_1 {offsets = [0, 4], sizes = [4096, 1], strides = [1, 1]} : vector<4096x12xi32> to vector<4096x1xi32>
    %slice3A_61 = vector.extract_strided_slice %get3A_1 {offsets = [0, 7], sizes = [4096, 1], strides = [1, 1]} : vector<4096x12xi32> to vector<4096x1xi32>
    %slice3A_62 = vector.extract_strided_slice %get3A_1 {offsets = [0, 10], sizes = [4096, 1], strides = [1, 1]} : vector<4096x12xi32> to vector<4096x1xi32>
    %gt3A_63 = arith.constant 0 : i32
    %gt3A_64 = vector.broadcast %gt3A_63 : i32 to vector<4096x1xi32>
    %gt3A_65 = arith.cmpi sgt, %slice3A_62, %gt3A_64 : vector<4096x1xi32>
    %mul3A_66 = arith.constant 160 : i32
    %mul3A_67 = vector.broadcast %mul3A_66 : i32 to vector<4096x1xi32>
    %mul3A_68 = arith.muli %slice3A_60, %mul3A_67 : vector<4096x1xi32>
    %add3A_69 = arith.addi %mul3A_68, %slice3A_61 : vector<4096x1xi32>
    %jit3A_70 = arith.constant 19200 : i32
    %broadcast_in_dim3A_71 = vector.broadcast %jit3A_70 : i32 to vector<4096x1xi32>
    %select_n3A_72 = arith.select %gt3A_65, %add3A_69, %broadcast_in_dim3A_71 : vector<4096x1xi1>, vector<4096x1xi32>
    %jit3A_73 = arith.constant 1920 : i32
    %div3A_74 = vector.broadcast %jit3A_73 : i32 to vector<4096x1xi32>
    %div3A_75 = arith.divsi %select_n3A_72, %div3A_74 : vector<4096x1xi32>
    %sign3A_76 = arith.constant 0 : i32
    %sign3A_77 = vector.broadcast %sign3A_76 : i32 to vector<4096x1xi32>
    %sign3A_78 = arith.cmpi sgt, %select_n3A_72, %sign3A_77 : vector<4096x1xi32>
    %sign3A_79 = arith.extui %sign3A_78 : vector<4096x1xi1> to vector<4096x1xi32>
    %sign3A_80 = arith.constant 0 : i32
    %sign3A_81 = vector.broadcast %sign3A_80 : i32 to vector<4096x1xi32>
    %sign3A_82 = arith.cmpi slt, %select_n3A_72, %sign3A_81 : vector<4096x1xi32>
    %sign3A_83 = arith.extui %sign3A_82 : vector<4096x1xi1> to vector<4096x1xi32>
    %sign3A_84 = arith.subi %sign3A_79, %sign3A_83 : vector<4096x1xi32>
    %sign3A_85 = arith.constant 0 : i32
    %sign3A_86 = arith.cmpi sgt, %jit3A_73, %sign3A_85 : i32
    %sign3A_87 = arith.extui %sign3A_86 : i1 to i32
    %sign3A_88 = arith.constant 0 : i32
    %sign3A_89 = arith.cmpi slt, %jit3A_73, %sign3A_88 : i32
    %sign3A_90 = arith.extui %sign3A_89 : i1 to i32
    %sign3A_91 = arith.subi %sign3A_87, %sign3A_90 : i32
    %ne3A_92 = vector.broadcast %sign3A_91 : i32 to vector<4096x1xi32>
    %ne3A_93 = arith.cmpi ne, %sign3A_84, %ne3A_92 : vector<4096x1xi32>
    %rem3A_94 = vector.broadcast %jit3A_73 : i32 to vector<4096x1xi32>
    %rem3A_95 = arith.remsi %select_n3A_72, %rem3A_94 : vector<4096x1xi32>
    %ne3A_96 = arith.constant 0 : i32
    %ne3A_97 = vector.broadcast %ne3A_96 : i32 to vector<4096x1xi32>
    %ne3A_98 = arith.cmpi ne, %rem3A_95, %ne3A_97 : vector<4096x1xi32>
    %and3A_99 = arith.andi %ne3A_93, %ne3A_98 : vector<4096x1xi1>
    %sub3A_100 = arith.constant 1 : i32
    %sub3A_101 = vector.broadcast %sub3A_100 : i32 to vector<4096x1xi32>
    %sub3A_102 = arith.subi %div3A_75, %sub3A_101 : vector<4096x1xi32>
    %select_n3A_103 = arith.select %and3A_99, %sub3A_102, %div3A_75 : vector<4096x1xi1>, vector<4096x1xi32>
    %mul3A_104 = arith.constant 1920 : i32
    %mul3A_105 = vector.broadcast %mul3A_104 : i32 to vector<4096x1xi32>
    %mul3A_106 = arith.muli %select_n3A_103, %mul3A_105 : vector<4096x1xi32>
    %sub3A_107 = arith.subi %select_n3A_72, %mul3A_106 : vector<4096x1xi32>
    %ge3A_108 = arith.constant 960 : i32
    %ge3A_109 = vector.broadcast %ge3A_108 : i32 to vector<4096x1xi32>
    %ge3A_110 = arith.cmpi sge, %sub3A_107, %ge3A_109 : vector<4096x1xi32>
    %convert_element_type3A_111 = arith.extui %ge3A_110 : vector<4096x1xi1> to vector<4096x1xi32>
    %mul3A_112 = arith.constant 960 : i32
    %mul3A_113 = vector.broadcast %mul3A_112 : i32 to vector<4096x1xi32>
    %mul3A_114 = arith.muli %mul3A_113, %select_n3A_103 : vector<4096x1xi32>
    %add3A_115 = arith.addi %mul3A_114, %sub3A_107 : vector<4096x1xi32>
    %mul3A_116 = arith.constant 960 : i32
    %mul3A_117 = vector.broadcast %mul3A_116 : i32 to vector<4096x1xi32>
    %mul3A_118 = arith.muli %convert_element_type3A_111, %mul3A_117 : vector<4096x1xi32>
    %sub3A_119 = arith.subi %add3A_115, %mul3A_118 : vector<4096x1xi32>
    %mul3A_120 = arith.constant 2 : i32
    %mul3A_121 = vector.broadcast %mul3A_120 : i32 to vector<4096x1xi32>
    %mul3A_122 = arith.muli %mul3A_121, %sub3A_119 : vector<4096x1xi32>
    %add3A_123 = arith.addi %mul3A_122, %convert_element_type3A_111 : vector<4096x1xi32>
    %add3A_124 = arith.constant 2 : i32
    %add3A_125 = vector.broadcast %add3A_124 : i32 to vector<4096x1xi32>
    %add3A_126 = arith.addi %add3A_125, %slice3A_59 : vector<4096x1xi32>
    %mul3A_127 = arith.constant 21120 : i32
    %mul3A_128 = vector.broadcast %mul3A_127 : i32 to vector<4096x1xi32>
    %mul3A_129 = arith.muli %add3A_126, %mul3A_128 : vector<4096x1xi32>
    %add3A_130 = arith.addi %mul3A_129, %add3A_123 : vector<4096x1xi32>
    %slice3A_131 = vector.extract_strided_slice %get3A_1 {offsets = [0, 2], sizes = [4096, 1], strides = [1, 1]} : vector<4096x12xi32> to vector<4096x1xi32>
    %slice3A_132 = vector.extract_strided_slice %get3A_1 {offsets = [0, 5], sizes = [4096, 1], strides = [1, 1]} : vector<4096x12xi32> to vector<4096x1xi32>
    %slice3A_133 = vector.extract_strided_slice %get3A_1 {offsets = [0, 8], sizes = [4096, 1], strides = [1, 1]} : vector<4096x12xi32> to vector<4096x1xi32>
    %slice3A_134 = vector.extract_strided_slice %get3A_1 {offsets = [0, 11], sizes = [4096, 1], strides = [1, 1]} : vector<4096x12xi32> to vector<4096x1xi32>
    %gt3A_135 = arith.constant 0 : i32
    %gt3A_136 = vector.broadcast %gt3A_135 : i32 to vector<4096x1xi32>
    %gt3A_137 = arith.cmpi sgt, %slice3A_134, %gt3A_136 : vector<4096x1xi32>
    %mul3A_138 = arith.constant 160 : i32
    %mul3A_139 = vector.broadcast %mul3A_138 : i32 to vector<4096x1xi32>
    %mul3A_140 = arith.muli %slice3A_132, %mul3A_139 : vector<4096x1xi32>
    %add3A_141 = arith.addi %mul3A_140, %slice3A_133 : vector<4096x1xi32>
    %jit3A_142 = arith.constant 19200 : i32
    %broadcast_in_dim3A_143 = vector.broadcast %jit3A_142 : i32 to vector<4096x1xi32>
    %select_n3A_144 = arith.select %gt3A_137, %add3A_141, %broadcast_in_dim3A_143 : vector<4096x1xi1>, vector<4096x1xi32>
    %jit3A_145 = arith.constant 1920 : i32
    %div3A_146 = vector.broadcast %jit3A_145 : i32 to vector<4096x1xi32>
    %div3A_147 = arith.divsi %select_n3A_144, %div3A_146 : vector<4096x1xi32>
    %sign3A_148 = arith.constant 0 : i32
    %sign3A_149 = vector.broadcast %sign3A_148 : i32 to vector<4096x1xi32>
    %sign3A_150 = arith.cmpi sgt, %select_n3A_144, %sign3A_149 : vector<4096x1xi32>
    %sign3A_151 = arith.extui %sign3A_150 : vector<4096x1xi1> to vector<4096x1xi32>
    %sign3A_152 = arith.constant 0 : i32
    %sign3A_153 = vector.broadcast %sign3A_152 : i32 to vector<4096x1xi32>
    %sign3A_154 = arith.cmpi slt, %select_n3A_144, %sign3A_153 : vector<4096x1xi32>
    %sign3A_155 = arith.extui %sign3A_154 : vector<4096x1xi1> to vector<4096x1xi32>
    %sign3A_156 = arith.subi %sign3A_151, %sign3A_155 : vector<4096x1xi32>
    %sign3A_157 = arith.constant 0 : i32
    %sign3A_158 = arith.cmpi sgt, %jit3A_145, %sign3A_157 : i32
    %sign3A_159 = arith.extui %sign3A_158 : i1 to i32
    %sign3A_160 = arith.constant 0 : i32
    %sign3A_161 = arith.cmpi slt, %jit3A_145, %sign3A_160 : i32
    %sign3A_162 = arith.extui %sign3A_161 : i1 to i32
    %sign3A_163 = arith.subi %sign3A_159, %sign3A_162 : i32
    %ne3A_164 = vector.broadcast %sign3A_163 : i32 to vector<4096x1xi32>
    %ne3A_165 = arith.cmpi ne, %sign3A_156, %ne3A_164 : vector<4096x1xi32>
    %rem3A_166 = vector.broadcast %jit3A_145 : i32 to vector<4096x1xi32>
    %rem3A_167 = arith.remsi %select_n3A_144, %rem3A_166 : vector<4096x1xi32>
    %ne3A_168 = arith.constant 0 : i32
    %ne3A_169 = vector.broadcast %ne3A_168 : i32 to vector<4096x1xi32>
    %ne3A_170 = arith.cmpi ne, %rem3A_167, %ne3A_169 : vector<4096x1xi32>
    %and3A_171 = arith.andi %ne3A_165, %ne3A_170 : vector<4096x1xi1>
    %sub3A_172 = arith.constant 1 : i32
    %sub3A_173 = vector.broadcast %sub3A_172 : i32 to vector<4096x1xi32>
    %sub3A_174 = arith.subi %div3A_147, %sub3A_173 : vector<4096x1xi32>
    %select_n3A_175 = arith.select %and3A_171, %sub3A_174, %div3A_147 : vector<4096x1xi1>, vector<4096x1xi32>
    %mul3A_176 = arith.constant 1920 : i32
    %mul3A_177 = vector.broadcast %mul3A_176 : i32 to vector<4096x1xi32>
    %mul3A_178 = arith.muli %select_n3A_175, %mul3A_177 : vector<4096x1xi32>
    %sub3A_179 = arith.subi %select_n3A_144, %mul3A_178 : vector<4096x1xi32>
    %ge3A_180 = arith.constant 960 : i32
    %ge3A_181 = vector.broadcast %ge3A_180 : i32 to vector<4096x1xi32>
    %ge3A_182 = arith.cmpi sge, %sub3A_179, %ge3A_181 : vector<4096x1xi32>
    %convert_element_type3A_183 = arith.extui %ge3A_182 : vector<4096x1xi1> to vector<4096x1xi32>
    %mul3A_184 = arith.constant 960 : i32
    %mul3A_185 = vector.broadcast %mul3A_184 : i32 to vector<4096x1xi32>
    %mul3A_186 = arith.muli %mul3A_185, %select_n3A_175 : vector<4096x1xi32>
    %add3A_187 = arith.addi %mul3A_186, %sub3A_179 : vector<4096x1xi32>
    %mul3A_188 = arith.constant 960 : i32
    %mul3A_189 = vector.broadcast %mul3A_188 : i32 to vector<4096x1xi32>
    %mul3A_190 = arith.muli %convert_element_type3A_183, %mul3A_189 : vector<4096x1xi32>
    %sub3A_191 = arith.subi %add3A_187, %mul3A_190 : vector<4096x1xi32>
    %mul3A_192 = arith.constant 2 : i32
    %mul3A_193 = vector.broadcast %mul3A_192 : i32 to vector<4096x1xi32>
    %mul3A_194 = arith.muli %mul3A_193, %sub3A_191 : vector<4096x1xi32>
    %add3A_195 = arith.addi %mul3A_194, %convert_element_type3A_183 : vector<4096x1xi32>
    %add3A_196 = arith.constant 4 : i32
    %add3A_197 = vector.broadcast %add3A_196 : i32 to vector<4096x1xi32>
    %add3A_198 = arith.addi %add3A_197, %slice3A_131 : vector<4096x1xi32>
    %mul3A_199 = arith.constant 21120 : i32
    %mul3A_200 = vector.broadcast %mul3A_199 : i32 to vector<4096x1xi32>
    %mul3A_201 = arith.muli %add3A_198, %mul3A_200 : vector<4096x1xi32>
    %add3A_202 = arith.addi %mul3A_201, %add3A_195 : vector<4096x1xi32>
    %broadcast_in_dim3A_203 = arith.constant 0 : i32
    %broadcast_in_dim3A_204 = vector.broadcast %broadcast_in_dim3A_203 : i32 to vector<4096x13xi32>
    %concatenate3A = tpu.concatenate %add3A_58, %add3A_130, %add3A_202, %broadcast_in_dim3A_204 in 1 : vector<4096x1xi32>, vector<4096x1xi32>, vector<4096x1xi32>, vector<4096x13xi32> -> vector<4096x16xi32>
    %swap3A = arith.constant 0 : index
    %swap3A_205 = arith.constant 0 : index
    %swap3A_206 = vector.load %arg2[%swap3A, %swap3A_205] : memref<4096x16xi32, #tpu.memory_space<vmem>>, vector<4096x16xi32>
    tpu.vector_store %arg2[%swap3A, %swap3A_205], %concatenate3A {strides = array<i32>} : memref<4096x16xi32, #tpu.memory_space<vmem>>, vector<4096x16xi32>,
    return
  }
  func.func @transform_0(%arg0: i32) -> (i32, i32) {
    %c0_i32 = arith.constant 0 : i32
    %c0_i32_0 = arith.constant 0 : i32
    return %arg0, %c0_i32 : i32, i32
  }
  func.func @transform_1(%arg0: i32) -> (i32, i32) {
    %c0_i32 = arith.constant 0 : i32
    %c0_i32_0 = arith.constant 0 : i32
    return %arg0, %c0_i32 : i32, i32
  }
}

module attributes {stable_mosaic.version = 14 : i64} {
  func.func @_transpose_body(%arg0: i32, %arg1: i32, %arg2: memref<1x64x1920xf32, #tpu.memory_space<vmem>>, %arg3: memref<1x960x128xf32, #tpu.memory_space<vmem>>) attributes {dimension_semantics = [#tpu.dimension_semantics<arbitrary>, #tpu.dimension_semantics<arbitrary>], iteration_bounds = array<i64: 6, 11>, scalar_prefetch = 0 : i64, scratch_operands = 0 : i64, tpu.core_type = #tpu.core_type<tc>, window_params = [{transform_indices = @transform_0, window_bounds = array<i64: 1, 64, 1920>}, {transform_indices = @transform_1, window_bounds = array<i64: 1, 960, 128>}]} {
    %lt3A = arith.constant 10 : i32
    %lt3A_0 = arith.cmpi slt, %arg1, %lt3A : i32
    %convert_element_type3A = arith.extui %lt3A_0 : i1 to i32
    %cond3A = arith.constant 0 : i32
    %cond3A_1 = arith.cmpi ne, %convert_element_type3A, %cond3A : i32
    scf.if %cond3A_1 {
      %get3A = arith.constant 0 : index
      %get3A_6 = arith.constant 0 : index
      %get3A_7 = arith.constant 0 : index
      %get3A_8 = vector.load %arg2[%get3A, %get3A_6, %get3A_7] : memref<1x64x1920xf32, #tpu.memory_space<vmem>>, vector<1x64x1920xf32>
      %get3A_9 = vector.shape_cast %get3A_8 : vector<1x64x1920xf32> to vector<64x1920xf32>
      %transpose3A = tpu.transpose %get3A_9, [1, 0] : vector<64x1920xf32> -> vector<1920x64xf32>
      %slice3A = vector.extract_strided_slice %transpose3A {offsets = [0, 0], sizes = [960, 64], strides = [1, 1]} : vector<1920x64xf32> to vector<960x64xf32>
      %slice3A_10 = vector.extract_strided_slice %transpose3A {offsets = [960, 0], sizes = [960, 64], strides = [1, 1]} : vector<1920x64xf32> to vector<960x64xf32>
      %concatenate3A = tpu.concatenate %slice3A, %slice3A_10 in 1 : vector<960x64xf32>, vector<960x64xf32> -> vector<960x128xf32>
      %swap3A = arith.constant 0 : index
      %swap3A_11 = arith.constant 0 : index
      %swap3A_12 = arith.constant 0 : index
      %swap3A_13 = vector.load %arg3[%swap3A, %swap3A_11, %swap3A_12] : memref<1x960x128xf32, #tpu.memory_space<vmem>>, vector<1x960x128xf32>
      %swap3A_14 = vector.shape_cast %swap3A_13 : vector<1x960x128xf32> to vector<960x128xf32>
      %swap3A_15 = vector.shape_cast %concatenate3A : vector<960x128xf32> to vector<1x960x128xf32>
      tpu.vector_store %arg3[%swap3A, %swap3A_11, %swap3A_12], %swap3A_15 {strides = array<i32>} : memref<1x960x128xf32, #tpu.memory_space<vmem>>, vector<1x960x128xf32>,
    } else {
    }
    %eq3A = arith.constant 10 : i32
    %eq3A_2 = arith.cmpi eq, %arg1, %eq3A : i32
    %convert_element_type3A_3 = arith.extui %eq3A_2 : i1 to i32
    %cond3A_4 = arith.constant 0 : i32
    %cond3A_5 = arith.cmpi ne, %convert_element_type3A_3, %cond3A_4 : i32
    scf.if %cond3A_5 {
      %broadcast_in_dim3A = arith.constant 0.000000e+00 : f32
      %broadcast_in_dim3A_6 = vector.broadcast %broadcast_in_dim3A : f32 to vector<960x128xf32>
      %swap3A = arith.constant 0 : index
      %swap3A_7 = arith.constant 0 : index
      %swap3A_8 = arith.constant 0 : index
      %swap3A_9 = vector.load %arg3[%swap3A, %swap3A_7, %swap3A_8] : memref<1x960x128xf32, #tpu.memory_space<vmem>>, vector<1x960x128xf32>
      %swap3A_10 = vector.shape_cast %swap3A_9 : vector<1x960x128xf32> to vector<960x128xf32>
      %swap3A_11 = vector.shape_cast %broadcast_in_dim3A_6 : vector<960x128xf32> to vector<1x960x128xf32>
      tpu.vector_store %arg3[%swap3A, %swap3A_7, %swap3A_8], %swap3A_11 {strides = array<i32>} : memref<1x960x128xf32, #tpu.memory_space<vmem>>, vector<1x960x128xf32>,
    } else {
    }
    return
  }
  func.func @transform_0(%arg0: i32, %arg1: i32) -> (i32, i32, i32) {
    %min3A = arith.constant 9 : i32
    %min3A_0 = arith.minsi %arg1, %min3A : i32
    %c0_i32 = arith.constant 0 : i32
    %c0_i32_1 = arith.constant 0 : i32
    return %arg0, %c0_i32, %min3A_0 : i32, i32, i32
  }
  func.func @transform_1(%arg0: i32, %arg1: i32) -> (i32, i32, i32) {
    %c0_i32 = arith.constant 0 : i32
    %c0_i32_0 = arith.constant 0 : i32
    return %arg0, %arg1, %c0_i32 : i32, i32, i32
  }
}

module attributes {stable_mosaic.version = 14 : i64} {
  func.func @_p1_body(%arg0: i32, %arg1: memref<2000x128xf32, #tpu.memory_space<vmem>>, %arg2: memref<2000x128xf32, #tpu.memory_space<vmem>>, %arg3: memref<2000x128xf32, #tpu.memory_space<vmem>>, %arg4: memref<192x64xf32, #tpu.memory_space<vmem>>, %arg5: memref<1x64xf32, #tpu.memory_space<vmem>>, %arg6: memref<2000x128xf32, #tpu.memory_space<vmem>>, %arg7: memref<2x64xf32, #tpu.memory_space<vmem>>, %arg8: memref<2x64xf32, #tpu.memory_space<vmem>>) attributes {dimension_semantics = [#tpu.dimension_semantics<arbitrary>], iteration_bounds = array<i64: 25>, scalar_prefetch = 0 : i64, scratch_operands = 1 : i64, tpu.core_type = #tpu.core_type<tc>, window_params = [{transform_indices = @transform_0, window_bounds = array<i64: 2000, 128>}, {transform_indices = @transform_1, window_bounds = array<i64: 2000, 128>}, {transform_indices = @transform_2, window_bounds = array<i64: 2000, 128>}, {pipeline_mode = #tpu.pipeline_mode<synchronous>, transform_indices = @transform_3, window_bounds = array<i64: 192, 64>}, {pipeline_mode = #tpu.pipeline_mode<synchronous>, transform_indices = @transform_4, window_bounds = array<i64: 1, 64>}, {transform_indices = @transform_5, window_bounds = array<i64: 2000, 128>}, {pipeline_mode = #tpu.pipeline_mode<synchronous>, transform_indices = @transform_6, window_bounds = array<i64: 2, 64>}]} {
    %get3A = arith.constant 0 : index
    %get3A_0 = arith.constant 0 : index
    %get3A_1 = vector.load %arg1[%get3A, %get3A_0] : memref<2000x128xf32, #tpu.memory_space<vmem>>, vector<2000x64xf32>
    %get3A_2 = arith.constant 0 : index
    %get3A_3 = arith.constant 0 : index
    %get3A_4 = vector.load %arg4[%get3A_2, %get3A_3] : memref<192x64xf32, #tpu.memory_space<vmem>>, vector<64x64xf32>
    %dot_general3A = arith.constant dense<0.000000e+00> : vector<2000x64xf32>
    %dot_general3A_5 = tpu.matmul %get3A_1, %get3A_4, %dot_general3A {dimension_numbers = #tpu.dot_dimension_numbers<[1], [0], [0], [1], [0, 0, 1, 1], [], []>, transpose_lhs_hint = false} : vector<2000x64xf32>, vector<64x64xf32>, vector<2000x64xf32> -> vector<2000x64xf32>
    %get3A_6 = arith.constant 0 : index
    %get3A_7 = arith.constant 0 : index
    %get3A_8 = vector.load %arg2[%get3A_6, %get3A_7] : memref<2000x128xf32, #tpu.memory_space<vmem>>, vector<2000x64xf32>
    %get3A_9 = arith.constant 64 : index
    %get3A_10 = arith.constant 0 : index
    %get3A_11 = vector.load %arg4[%get3A_9, %get3A_10] : memref<192x64xf32, #tpu.memory_space<vmem>>, vector<64x64xf32>
    %dot_general3A_12 = arith.constant dense<0.000000e+00> : vector<2000x64xf32>
    %dot_general3A_13 = tpu.matmul %get3A_8, %get3A_11, %dot_general3A_12 {dimension_numbers = #tpu.dot_dimension_numbers<[1], [0], [0], [1], [0, 0, 1, 1], [], []>, transpose_lhs_hint = false} : vector<2000x64xf32>, vector<64x64xf32>, vector<2000x64xf32> -> vector<2000x64xf32>
    %add3A = arith.addf %dot_general3A_5, %dot_general3A_13 : vector<2000x64xf32>
    %get3A_14 = arith.constant 0 : index
    %get3A_15 = arith.constant 0 : index
    %get3A_16 = vector.load %arg3[%get3A_14, %get3A_15] : memref<2000x128xf32, #tpu.memory_space<vmem>>, vector<2000x64xf32>
    %get3A_17 = arith.constant 128 : index
    %get3A_18 = arith.constant 0 : index
    %get3A_19 = vector.load %arg4[%get3A_17, %get3A_18] : memref<192x64xf32, #tpu.memory_space<vmem>>, vector<64x64xf32>
    %dot_general3A_20 = arith.constant dense<0.000000e+00> : vector<2000x64xf32>
    %dot_general3A_21 = tpu.matmul %get3A_16, %get3A_19, %dot_general3A_20 {dimension_numbers = #tpu.dot_dimension_numbers<[1], [0], [0], [1], [0, 0, 1, 1], [], []>, transpose_lhs_hint = false} : vector<2000x64xf32>, vector<64x64xf32>, vector<2000x64xf32> -> vector<2000x64xf32>
    %add3A_22 = arith.addf %add3A, %dot_general3A_21 : vector<2000x64xf32>
    %get3A_23 = arith.constant 0 : index
    %get3A_24 = arith.constant 0 : index
    %get3A_25 = vector.load %arg5[%get3A_23, %get3A_24] : memref<1x64xf32, #tpu.memory_space<vmem>>, vector<1x64xf32>
    %add3A_26 = vector.broadcast %get3A_25 : vector<1x64xf32> to vector<2000x64xf32>
    %add3A_27 = arith.addf %add3A_22, %add3A_26 : vector<2000x64xf32>
    %get3A_28 = arith.constant 0 : index
    %get3A_29 = arith.constant 64 : index
    %get3A_30 = vector.load %arg1[%get3A_28, %get3A_29] : memref<2000x128xf32, #tpu.memory_space<vmem>>, vector<2000x64xf32>
    %get3A_31 = arith.constant 0 : index
    %get3A_32 = arith.constant 0 : index
    %get3A_33 = vector.load %arg4[%get3A_31, %get3A_32] : memref<192x64xf32, #tpu.memory_space<vmem>>, vector<64x64xf32>
    %dot_general3A_34 = arith.constant dense<0.000000e+00> : vector<2000x64xf32>
    %dot_general3A_35 = tpu.matmul %get3A_30, %get3A_33, %dot_general3A_34 {dimension_numbers = #tpu.dot_dimension_numbers<[1], [0], [0], [1], [0, 0, 1, 1], [], []>, transpose_lhs_hint = false} : vector<2000x64xf32>, vector<64x64xf32>, vector<2000x64xf32> -> vector<2000x64xf32>
    %get3A_36 = arith.constant 0 : index
    %get3A_37 = arith.constant 64 : index
    %get3A_38 = vector.load %arg2[%get3A_36, %get3A_37] : memref<2000x128xf32, #tpu.memory_space<vmem>>, vector<2000x64xf32>
    %get3A_39 = arith.constant 64 : index
    %get3A_40 = arith.constant 0 : index
    %get3A_41 = vector.load %arg4[%get3A_39, %get3A_40] : memref<192x64xf32, #tpu.memory_space<vmem>>, vector<64x64xf32>
    %dot_general3A_42 = arith.constant dense<0.000000e+00> : vector<2000x64xf32>
    %dot_general3A_43 = tpu.matmul %get3A_38, %get3A_41, %dot_general3A_42 {dimension_numbers = #tpu.dot_dimension_numbers<[1], [0], [0], [1], [0, 0, 1, 1], [], []>, transpose_lhs_hint = false} : vector<2000x64xf32>, vector<64x64xf32>, vector<2000x64xf32> -> vector<2000x64xf32>
    %add3A_44 = arith.addf %dot_general3A_35, %dot_general3A_43 : vector<2000x64xf32>
    %get3A_45 = arith.constant 0 : index
    %get3A_46 = arith.constant 64 : index
    %get3A_47 = vector.load %arg3[%get3A_45, %get3A_46] : memref<2000x128xf32, #tpu.memory_space<vmem>>, vector<2000x64xf32>
    %get3A_48 = arith.constant 128 : index
    %get3A_49 = arith.constant 0 : index
    %get3A_50 = vector.load %arg4[%get3A_48, %get3A_49] : memref<192x64xf32, #tpu.memory_space<vmem>>, vector<64x64xf32>
    %dot_general3A_51 = arith.constant dense<0.000000e+00> : vector<2000x64xf32>
    %dot_general3A_52 = tpu.matmul %get3A_47, %get3A_50, %dot_general3A_51 {dimension_numbers = #tpu.dot_dimension_numbers<[1], [0], [0], [1], [0, 0, 1, 1], [], []>, transpose_lhs_hint = false} : vector<2000x64xf32>, vector<64x64xf32>, vector<2000x64xf32> -> vector<2000x64xf32>
    %add3A_53 = arith.addf %add3A_44, %dot_general3A_52 : vector<2000x64xf32>
    %get3A_54 = arith.constant 0 : index
    %get3A_55 = arith.constant 0 : index
    %get3A_56 = vector.load %arg5[%get3A_54, %get3A_55] : memref<1x64xf32, #tpu.memory_space<vmem>>, vector<1x64xf32>
    %add3A_57 = vector.broadcast %get3A_56 : vector<1x64xf32> to vector<2000x64xf32>
    %add3A_58 = arith.addf %add3A_53, %add3A_57 : vector<2000x64xf32>
    %concatenate3A = tpu.concatenate %add3A_27, %add3A_58 in 1 : vector<2000x64xf32>, vector<2000x64xf32> -> vector<2000x128xf32>
    %swap3A = arith.constant 0 : index
    %swap3A_59 = arith.constant 0 : index
    %swap3A_60 = vector.load %arg6[%swap3A, %swap3A_59] : memref<2000x128xf32, #tpu.memory_space<vmem>>, vector<2000x128xf32>
    tpu.vector_store %arg6[%swap3A, %swap3A_59], %concatenate3A {strides = array<i32>} : memref<2000x128xf32, #tpu.memory_space<vmem>>, vector<2000x128xf32>,
    %eq3A = arith.constant 0 : i32
    %eq3A_61 = arith.cmpi eq, %arg0, %eq3A : i32
    %convert_element_type3A = arith.extui %eq3A_61 : i1 to i32
    %cond3A = arith.constant 0 : i32
    %cond3A_62 = arith.cmpi ne, %convert_element_type3A, %cond3A : i32
    scf.if %cond3A_62 {
      %broadcast_in_dim3A_95 = arith.constant 0.000000e+00 : f32
      %broadcast_in_dim3A_96 = vector.broadcast %broadcast_in_dim3A_95 : f32 to vector<2x64xf32>
      %swap3A_97 = arith.constant 0 : index
      %swap3A_98 = arith.constant 0 : index
      %swap3A_99 = vector.load %arg8[%swap3A_97, %swap3A_98] : memref<2x64xf32, #tpu.memory_space<vmem>>, vector<2x64xf32>
      tpu.vector_store %arg8[%swap3A_97, %swap3A_98], %broadcast_in_dim3A_96 {strides = array<i32>} : memref<2x64xf32, #tpu.memory_space<vmem>>, vector<2x64xf32>,
    } else {
    }
    %get3A_63 = arith.constant 0 : index
    %get3A_64 = arith.constant 0 : index
    %get3A_65 = vector.load %arg8[%get3A_63, %get3A_64] : memref<2x64xf32, #tpu.memory_space<vmem>>, vector<1x64xf32>
    %reduce_sum3A = arith.constant dense<0.000000e+00> : vector<64xf32>
    %reduce_sum3A_66 = vector.multi_reduction <add>, %add3A_27, %reduce_sum3A [0] : vector<2000x64xf32> to vector<64xf32>
    %broadcast_in_dim3A = vector.shape_cast %reduce_sum3A_66 : vector<64xf32> to vector<1x64xf32>
    %reduce_sum3A_67 = arith.constant dense<0.000000e+00> : vector<64xf32>
    %reduce_sum3A_68 = vector.multi_reduction <add>, %add3A_58, %reduce_sum3A_67 [0] : vector<2000x64xf32> to vector<64xf32>
    %broadcast_in_dim3A_69 = vector.shape_cast %reduce_sum3A_68 : vector<64xf32> to vector<1x64xf32>
    %add3A_70 = arith.addf %broadcast_in_dim3A, %broadcast_in_dim3A_69 : vector<1x64xf32>
    %add3A_71 = arith.addf %get3A_65, %add3A_70 : vector<1x64xf32>
    %swap3A_72 = arith.constant 0 : index
    %swap3A_73 = arith.constant 0 : index
    %swap3A_74 = vector.load %arg8[%swap3A_72, %swap3A_73] : memref<2x64xf32, #tpu.memory_space<vmem>>, vector<1x64xf32>
    tpu.vector_store %arg8[%swap3A_72, %swap3A_73], %add3A_71 {strides = array<i32>} : memref<2x64xf32, #tpu.memory_space<vmem>>, vector<1x64xf32>,
    %get3A_75 = arith.constant 1 : index
    %get3A_76 = arith.constant 0 : index
    %get3A_77 = vector.load %arg8[%get3A_75, %get3A_76] : memref<2x64xf32, #tpu.memory_space<vmem>>, vector<1x64xf32>
    %mul3A = arith.mulf %add3A_27, %add3A_27 : vector<2000x64xf32>
    %reduce_sum3A_78 = arith.constant dense<0.000000e+00> : vector<64xf32>
    %reduce_sum3A_79 = vector.multi_reduction <add>, %mul3A, %reduce_sum3A_78 [0] : vector<2000x64xf32> to vector<64xf32>
    %broadcast_in_dim3A_80 = vector.shape_cast %reduce_sum3A_79 : vector<64xf32> to vector<1x64xf32>
    %mul3A_81 = arith.mulf %add3A_58, %add3A_58 : vector<2000x64xf32>
    %reduce_sum3A_82 = arith.constant dense<0.000000e+00> : vector<64xf32>
    %reduce_sum3A_83 = vector.multi_reduction <add>, %mul3A_81, %reduce_sum3A_82 [0] : vector<2000x64xf32> to vector<64xf32>
    %broadcast_in_dim3A_84 = vector.shape_cast %reduce_sum3A_83 : vector<64xf32> to vector<1x64xf32>
    %add3A_85 = arith.addf %broadcast_in_dim3A_80, %broadcast_in_dim3A_84 : vector<1x64xf32>
    %add3A_86 = arith.addf %get3A_77, %add3A_85 : vector<1x64xf32>
    %swap3A_87 = arith.constant 1 : index
    %swap3A_88 = arith.constant 0 : index
    %swap3A_89 = vector.load %arg8[%swap3A_87, %swap3A_88] : memref<2x64xf32, #tpu.memory_space<vmem>>, vector<1x64xf32>
    tpu.vector_store %arg8[%swap3A_87, %swap3A_88], %add3A_86 {strides = array<i32>} : memref<2x64xf32, #tpu.memory_space<vmem>>, vector<1x64xf32>,
    %eq3A_90 = arith.constant 24 : i32
    %eq3A_91 = arith.cmpi eq, %arg0, %eq3A_90 : i32
    %convert_element_type3A_92 = arith.extui %eq3A_91 : i1 to i32
    %cond3A_93 = arith.constant 0 : i32
    %cond3A_94 = arith.cmpi ne, %convert_element_type3A_92, %cond3A_93 : i32
    scf.if %cond3A_94 {
      %get3A_95 = arith.constant 0 : index
      %get3A_96 = arith.constant 0 : index
      %get3A_97 = vector.load %arg8[%get3A_95, %get3A_96] : memref<2x64xf32, #tpu.memory_space<vmem>>, vector<2x64xf32>
      %swap3A_98 = arith.constant 0 : index
      %swap3A_99 = arith.constant 0 : index
      %swap3A_100 = vector.load %arg7[%swap3A_98, %swap3A_99] : memref<2x64xf32, #tpu.memory_space<vmem>>, vector<2x64xf32>
      tpu.vector_store %arg7[%swap3A_98, %swap3A_99], %get3A_97 {strides = array<i32>} : memref<2x64xf32, #tpu.memory_space<vmem>>, vector<2x64xf32>,
    } else {
    }
    return
  }
  func.func @transform_0(%arg0: i32) -> (i32, i32) {
    %c0_i32 = arith.constant 0 : i32
    %c0_i32_0 = arith.constant 0 : i32
    return %arg0, %c0_i32 : i32, i32
  }
  func.func @transform_1(%arg0: i32) -> (i32, i32) {
    %c0_i32 = arith.constant 0 : i32
    %c0_i32_0 = arith.constant 0 : i32
    return %arg0, %c0_i32 : i32, i32
  }
  func.func @transform_2(%arg0: i32) -> (i32, i32) {
    %c0_i32 = arith.constant 0 : i32
    %c0_i32_0 = arith.constant 0 : i32
    return %arg0, %c0_i32 : i32, i32
  }
  func.func @transform_3(%arg0: i32) -> (i32, i32) {
    %c0_i32 = arith.constant 0 : i32
    %c0_i32_0 = arith.constant 0 : i32
    %c0_i32_1 = arith.constant 0 : i32
    return %c0_i32, %c0_i32_0 : i32, i32
  }
  func.func @transform_4(%arg0: i32) -> (i32, i32) {
    %c0_i32 = arith.constant 0 : i32
    %c0_i32_0 = arith.constant 0 : i32
    %c0_i32_1 = arith.constant 0 : i32
    return %c0_i32, %c0_i32_0 : i32, i32
  }
  func.func @transform_5(%arg0: i32) -> (i32, i32) {
    %c0_i32 = arith.constant 0 : i32
    %c0_i32_0 = arith.constant 0 : i32
    return %arg0, %c0_i32 : i32, i32
  }
  func.func @transform_6(%arg0: i32) -> (i32, i32) {
    %c0_i32 = arith.constant 0 : i32
    %c0_i32_0 = arith.constant 0 : i32
    %c0_i32_1 = arith.constant 0 : i32
    return %c0_i32, %c0_i32_0 : i32, i32
  }
}

module attributes {stable_mosaic.version = 14 : i64} {
  func.func @_p2_body(%arg0: i32, %arg1: memref<2000x128xf32, #tpu.memory_space<vmem>>, %arg2: memref<2x64xf32, #tpu.memory_space<vmem>>, %arg3: memref<1x64xf32, #tpu.memory_space<vmem>>, %arg4: memref<1x64xf32, #tpu.memory_space<vmem>>, %arg5: memref<64x96xf32, #tpu.memory_space<vmem>>, %arg6: memref<1x96xf32, #tpu.memory_space<vmem>>, %arg7: memref<2x96xf32, #tpu.memory_space<vmem>>, %arg8: memref<2x96xf32, #tpu.memory_space<vmem>>) attributes {dimension_semantics = [#tpu.dimension_semantics<arbitrary>], iteration_bounds = array<i64: 25>, scalar_prefetch = 0 : i64, scratch_operands = 1 : i64, tpu.core_type = #tpu.core_type<tc>, window_params = [{transform_indices = @transform_0, window_bounds = array<i64: 2000, 128>}, {pipeline_mode = #tpu.pipeline_mode<synchronous>, transform_indices = @transform_1, window_bounds = array<i64: 2, 64>}, {pipeline_mode = #tpu.pipeline_mode<synchronous>, transform_indices = @transform_2, window_bounds = array<i64: 1, 64>}, {pipeline_mode = #tpu.pipeline_mode<synchronous>, transform_indices = @transform_3, window_bounds = array<i64: 1, 64>}, {pipeline_mode = #tpu.pipeline_mode<synchronous>, transform_indices = @transform_4, window_bounds = array<i64: 64, 96>}, {pipeline_mode = #tpu.pipeline_mode<synchronous>, transform_indices = @transform_5, window_bounds = array<i64: 1, 96>}, {pipeline_mode = #tpu.pipeline_mode<synchronous>, transform_indices = @transform_6, window_bounds = array<i64: 2, 96>}]} {
    %get3A = arith.constant 0 : index
    %get3A_0 = arith.constant 0 : index
    %get3A_1 = vector.load %arg2[%get3A, %get3A_0] : memref<2x64xf32, #tpu.memory_space<vmem>>, vector<1x64xf32>
    %mul3A = arith.constant 9.99999974E-6 : f32
    %mul3A_2 = vector.broadcast %mul3A : f32 to vector<1x64xf32>
    %mul3A_3 = arith.mulf %get3A_1, %mul3A_2 : vector<1x64xf32>
    %get3A_4 = arith.constant 1 : index
    %get3A_5 = arith.constant 0 : index
    %get3A_6 = vector.load %arg2[%get3A_4, %get3A_5] : memref<2x64xf32, #tpu.memory_space<vmem>>, vector<1x64xf32>
    %mul3A_7 = arith.constant 9.99999974E-6 : f32
    %mul3A_8 = vector.broadcast %mul3A_7 : f32 to vector<1x64xf32>
    %mul3A_9 = arith.mulf %get3A_6, %mul3A_8 : vector<1x64xf32>
    %mul3A_10 = arith.mulf %mul3A_3, %mul3A_3 : vector<1x64xf32>
    %sub3A = arith.subf %mul3A_9, %mul3A_10 : vector<1x64xf32>
    %get3A_11 = arith.constant 0 : index
    %get3A_12 = arith.constant 0 : index
    %get3A_13 = vector.load %arg3[%get3A_11, %get3A_12] : memref<1x64xf32, #tpu.memory_space<vmem>>, vector<1x64xf32>
    %add3A = arith.constant 9.99999974E-6 : f32
    %add3A_14 = vector.broadcast %add3A : f32 to vector<1x64xf32>
    %add3A_15 = arith.addf %sub3A, %add3A_14 : vector<1x64xf32>
    %rsqrt3A = math.rsqrt %add3A_15 : vector<1x64xf32>
    %mul3A_16 = arith.mulf %get3A_13, %rsqrt3A : vector<1x64xf32>
    %get3A_17 = arith.constant 0 : index
    %get3A_18 = arith.constant 0 : index
    %get3A_19 = vector.load %arg4[%get3A_17, %get3A_18] : memref<1x64xf32, #tpu.memory_space<vmem>>, vector<1x64xf32>
    %mul3A_20 = arith.mulf %mul3A_3, %mul3A_16 : vector<1x64xf32>
    %sub3A_21 = arith.subf %get3A_19, %mul3A_20 : vector<1x64xf32>
    %get3A_22 = arith.constant 0 : index
    %get3A_23 = arith.constant 0 : index
    %get3A_24 = vector.load %arg1[%get3A_22, %get3A_23] : memref<2000x128xf32, #tpu.memory_space<vmem>>, vector<2000x64xf32>
    %mul3A_25 = vector.broadcast %mul3A_16 : vector<1x64xf32> to vector<2000x64xf32>
    %mul3A_26 = arith.mulf %get3A_24, %mul3A_25 : vector<2000x64xf32>
    %add3A_27 = vector.broadcast %sub3A_21 : vector<1x64xf32> to vector<2000x64xf32>
    %add3A_28 = arith.addf %mul3A_26, %add3A_27 : vector<2000x64xf32>
    %max3A = arith.constant 0.000000e+00 : f32
    %max3A_29 = vector.broadcast %max3A : f32 to vector<2000x64xf32>
    %max3A_30 = arith.maximumf %add3A_28, %max3A_29 : vector<2000x64xf32>
    %get3A_31 = arith.constant 0 : index
    %get3A_32 = arith.constant 0 : index
    %get3A_33 = vector.load %arg5[%get3A_31, %get3A_32] : memref<64x96xf32, #tpu.memory_space<vmem>>, vector<64x96xf32>
    %dot_general3A = arith.constant dense<0.000000e+00> : vector<2000x96xf32>
    %dot_general3A_34 = tpu.matmul %max3A_30, %get3A_33, %dot_general3A {dimension_numbers = #tpu.dot_dimension_numbers<[1], [0], [0], [1], [0, 0, 1, 1], [], []>, transpose_lhs_hint = false} : vector<2000x64xf32>, vector<64x96xf32>, vector<2000x96xf32> -> vector<2000x96xf32>
    %get3A_35 = arith.constant 0 : index
    %get3A_36 = arith.constant 0 : index
    %get3A_37 = vector.load %arg6[%get3A_35, %get3A_36] : memref<1x96xf32, #tpu.memory_space<vmem>>, vector<1x96xf32>
    %add3A_38 = vector.broadcast %get3A_37 : vector<1x96xf32> to vector<2000x96xf32>
    %add3A_39 = arith.addf %dot_general3A_34, %add3A_38 : vector<2000x96xf32>
    %get3A_40 = arith.constant 0 : index
    %get3A_41 = arith.constant 64 : index
    %get3A_42 = vector.load %arg1[%get3A_40, %get3A_41] : memref<2000x128xf32, #tpu.memory_space<vmem>>, vector<2000x64xf32>
    %mul3A_43 = vector.broadcast %mul3A_16 : vector<1x64xf32> to vector<2000x64xf32>
    %mul3A_44 = arith.mulf %get3A_42, %mul3A_43 : vector<2000x64xf32>
    %add3A_45 = vector.broadcast %sub3A_21 : vector<1x64xf32> to vector<2000x64xf32>
    %add3A_46 = arith.addf %mul3A_44, %add3A_45 : vector<2000x64xf32>
    %max3A_47 = arith.constant 0.000000e+00 : f32
    %max3A_48 = vector.broadcast %max3A_47 : f32 to vector<2000x64xf32>
    %max3A_49 = arith.maximumf %add3A_46, %max3A_48 : vector<2000x64xf32>
    %get3A_50 = arith.constant 0 : index
    %get3A_51 = arith.constant 0 : index
    %get3A_52 = vector.load %arg5[%get3A_50, %get3A_51] : memref<64x96xf32, #tpu.memory_space<vmem>>, vector<64x96xf32>
    %dot_general3A_53 = arith.constant dense<0.000000e+00> : vector<2000x96xf32>
    %dot_general3A_54 = tpu.matmul %max3A_49, %get3A_52, %dot_general3A_53 {dimension_numbers = #tpu.dot_dimension_numbers<[1], [0], [0], [1], [0, 0, 1, 1], [], []>, transpose_lhs_hint = false} : vector<2000x64xf32>, vector<64x96xf32>, vector<2000x96xf32> -> vector<2000x96xf32>
    %get3A_55 = arith.constant 0 : index
    %get3A_56 = arith.constant 0 : index
    %get3A_57 = vector.load %arg6[%get3A_55, %get3A_56] : memref<1x96xf32, #tpu.memory_space<vmem>>, vector<1x96xf32>
    %add3A_58 = vector.broadcast %get3A_57 : vector<1x96xf32> to vector<2000x96xf32>
    %add3A_59 = arith.addf %dot_general3A_54, %add3A_58 : vector<2000x96xf32>
    %eq3A = arith.constant 0 : i32
    %eq3A_60 = arith.cmpi eq, %arg0, %eq3A : i32
    %convert_element_type3A = arith.extui %eq3A_60 : i1 to i32
    %cond3A = arith.constant 0 : i32
    %cond3A_61 = arith.cmpi ne, %convert_element_type3A, %cond3A : i32
    scf.if %cond3A_61 {
      %broadcast_in_dim3A_94 = arith.constant 0.000000e+00 : f32
      %broadcast_in_dim3A_95 = vector.broadcast %broadcast_in_dim3A_94 : f32 to vector<2x96xf32>
      %swap3A_96 = arith.constant 0 : index
      %swap3A_97 = arith.constant 0 : index
      %swap3A_98 = vector.load %arg8[%swap3A_96, %swap3A_97] : memref<2x96xf32, #tpu.memory_space<vmem>>, vector<2x96xf32>
      tpu.vector_store %arg8[%swap3A_96, %swap3A_97], %broadcast_in_dim3A_95 {strides = array<i32>} : memref<2x96xf32, #tpu.memory_space<vmem>>, vector<2x96xf32>,
    } else {
    }
    %get3A_62 = arith.constant 0 : index
    %get3A_63 = arith.constant 0 : index
    %get3A_64 = vector.load %arg8[%get3A_62, %get3A_63] : memref<2x96xf32, #tpu.memory_space<vmem>>, vector<1x96xf32>
    %reduce_sum3A = arith.constant dense<0.000000e+00> : vector<96xf32>
    %reduce_sum3A_65 = vector.multi_reduction <add>, %add3A_39, %reduce_sum3A [0] : vector<2000x96xf32> to vector<96xf32>
    %broadcast_in_dim3A = vector.shape_cast %reduce_sum3A_65 : vector<96xf32> to vector<1x96xf32>
    %reduce_sum3A_66 = arith.constant dense<0.000000e+00> : vector<96xf32>
    %reduce_sum3A_67 = vector.multi_reduction <add>, %add3A_59, %reduce_sum3A_66 [0] : vector<2000x96xf32> to vector<96xf32>
    %broadcast_in_dim3A_68 = vector.shape_cast %reduce_sum3A_67 : vector<96xf32> to vector<1x96xf32>
    %add3A_69 = arith.addf %broadcast_in_dim3A, %broadcast_in_dim3A_68 : vector<1x96xf32>
    %add3A_70 = arith.addf %get3A_64, %add3A_69 : vector<1x96xf32>
    %swap3A = arith.constant 0 : index
    %swap3A_71 = arith.constant 0 : index
    %swap3A_72 = vector.load %arg8[%swap3A, %swap3A_71] : memref<2x96xf32, #tpu.memory_space<vmem>>, vector<1x96xf32>
    tpu.vector_store %arg8[%swap3A, %swap3A_71], %add3A_70 {strides = array<i32>} : memref<2x96xf32, #tpu.memory_space<vmem>>, vector<1x96xf32>,
    %get3A_73 = arith.constant 1 : index
    %get3A_74 = arith.constant 0 : index
    %get3A_75 = vector.load %arg8[%get3A_73, %get3A_74] : memref<2x96xf32, #tpu.memory_space<vmem>>, vector<1x96xf32>
    %mul3A_76 = arith.mulf %add3A_39, %add3A_39 : vector<2000x96xf32>
    %reduce_sum3A_77 = arith.constant dense<0.000000e+00> : vector<96xf32>
    %reduce_sum3A_78 = vector.multi_reduction <add>, %mul3A_76, %reduce_sum3A_77 [0] : vector<2000x96xf32> to vector<96xf32>
    %broadcast_in_dim3A_79 = vector.shape_cast %reduce_sum3A_78 : vector<96xf32> to vector<1x96xf32>
    %mul3A_80 = arith.mulf %add3A_59, %add3A_59 : vector<2000x96xf32>
    %reduce_sum3A_81 = arith.constant dense<0.000000e+00> : vector<96xf32>
    %reduce_sum3A_82 = vector.multi_reduction <add>, %mul3A_80, %reduce_sum3A_81 [0] : vector<2000x96xf32> to vector<96xf32>
    %broadcast_in_dim3A_83 = vector.shape_cast %reduce_sum3A_82 : vector<96xf32> to vector<1x96xf32>
    %add3A_84 = arith.addf %broadcast_in_dim3A_79, %broadcast_in_dim3A_83 : vector<1x96xf32>
    %add3A_85 = arith.addf %get3A_75, %add3A_84 : vector<1x96xf32>
    %swap3A_86 = arith.constant 1 : index
    %swap3A_87 = arith.constant 0 : index
    %swap3A_88 = vector.load %arg8[%swap3A_86, %swap3A_87] : memref<2x96xf32, #tpu.memory_space<vmem>>, vector<1x96xf32>
    tpu.vector_store %arg8[%swap3A_86, %swap3A_87], %add3A_85 {strides = array<i32>} : memref<2x96xf32, #tpu.memory_space<vmem>>, vector<1x96xf32>,
    %eq3A_89 = arith.constant 24 : i32
    %eq3A_90 = arith.cmpi eq, %arg0, %eq3A_89 : i32
    %convert_element_type3A_91 = arith.extui %eq3A_90 : i1 to i32
    %cond3A_92 = arith.constant 0 : i32
    %cond3A_93 = arith.cmpi ne, %convert_element_type3A_91, %cond3A_92 : i32
    scf.if %cond3A_93 {
      %get3A_94 = arith.constant 0 : index
      %get3A_95 = arith.constant 0 : index
      %get3A_96 = vector.load %arg8[%get3A_94, %get3A_95] : memref<2x96xf32, #tpu.memory_space<vmem>>, vector<2x96xf32>
      %swap3A_97 = arith.constant 0 : index
      %swap3A_98 = arith.constant 0 : index
      %swap3A_99 = vector.load %arg7[%swap3A_97, %swap3A_98] : memref<2x96xf32, #tpu.memory_space<vmem>>, vector<2x96xf32>
      tpu.vector_store %arg7[%swap3A_97, %swap3A_98], %get3A_96 {strides = array<i32>} : memref<2x96xf32, #tpu.memory_space<vmem>>, vector<2x96xf32>,
    } else {
    }
    return
  }
  func.func @transform_0(%arg0: i32) -> (i32, i32) {
    %c0_i32 = arith.constant 0 : i32
    %c0_i32_0 = arith.constant 0 : i32
    return %arg0, %c0_i32 : i32, i32
  }
  func.func @transform_1(%arg0: i32) -> (i32, i32) {
    %c0_i32 = arith.constant 0 : i32
    %c0_i32_0 = arith.constant 0 : i32
    %c0_i32_1 = arith.constant 0 : i32
    return %c0_i32, %c0_i32_0 : i32, i32
  }
  func.func @transform_2(%arg0: i32) -> (i32, i32) {
    %c0_i32 = arith.constant 0 : i32
    %c0_i32_0 = arith.constant 0 : i32
    %c0_i32_1 = arith.constant 0 : i32
    return %c0_i32, %c0_i32_0 : i32, i32
  }
  func.func @transform_3(%arg0: i32) -> (i32, i32) {
    %c0_i32 = arith.constant 0 : i32
    %c0_i32_0 = arith.constant 0 : i32
    %c0_i32_1 = arith.constant 0 : i32
    return %c0_i32, %c0_i32_0 : i32, i32
  }
  func.func @transform_4(%arg0: i32) -> (i32, i32) {
    %c0_i32 = arith.constant 0 : i32
    %c0_i32_0 = arith.constant 0 : i32
    %c0_i32_1 = arith.constant 0 : i32
    return %c0_i32, %c0_i32_0 : i32, i32
  }
  func.func @transform_5(%arg0: i32) -> (i32, i32) {
    %c0_i32 = arith.constant 0 : i32
    %c0_i32_0 = arith.constant 0 : i32
    %c0_i32_1 = arith.constant 0 : i32
    return %c0_i32, %c0_i32_0 : i32, i32
  }
  func.func @transform_6(%arg0: i32) -> (i32, i32) {
    %c0_i32 = arith.constant 0 : i32
    %c0_i32_0 = arith.constant 0 : i32
    %c0_i32_1 = arith.constant 0 : i32
    return %c0_i32, %c0_i32_0 : i32, i32
  }
}

module attributes {stable_mosaic.version = 14 : i64} {
  func.func @_p3_body(%arg0: i32, %arg1: memref<2000x128xf32, #tpu.memory_space<vmem>>, %arg2: memref<4000x96xf32, #tpu.memory_space<vmem>>, %arg3: memref<2x64xf32, #tpu.memory_space<vmem>>, %arg4: memref<1x64xf32, #tpu.memory_space<vmem>>, %arg5: memref<1x64xf32, #tpu.memory_space<vmem>>, %arg6: memref<64x96xf32, #tpu.memory_space<vmem>>, %arg7: memref<1x96xf32, #tpu.memory_space<vmem>>, %arg8: memref<2x96xf32, #tpu.memory_space<vmem>>, %arg9: memref<1x96xf32, #tpu.memory_space<vmem>>, %arg10: memref<1x96xf32, #tpu.memory_space<vmem>>, %arg11: memref<192x96xf32, #tpu.memory_space<vmem>>, %arg12: memref<1x96xf32, #tpu.memory_space<vmem>>, %arg13: memref<2x96xf32, #tpu.memory_space<vmem>>, %arg14: memref<2x96xf32, #tpu.memory_space<vmem>>) attributes {dimension_semantics = [#tpu.dimension_semantics<arbitrary>], iteration_bounds = array<i64: 25>, scalar_prefetch = 0 : i64, scratch_operands = 1 : i64, tpu.core_type = #tpu.core_type<tc>, window_params = [{transform_indices = @transform_0, window_bounds = array<i64: 2000, 128>}, {transform_indices = @transform_1, window_bounds = array<i64: 4000, 96>}, {pipeline_mode = #tpu.pipeline_mode<synchronous>, transform_indices = @transform_2, window_bounds = array<i64: 2, 64>}, {pipeline_mode = #tpu.pipeline_mode<synchronous>, transform_indices = @transform_3, window_bounds = array<i64: 1, 64>}, {pipeline_mode = #tpu.pipeline_mode<synchronous>, transform_indices = @transform_4, window_bounds = array<i64: 1, 64>}, {pipeline_mode = #tpu.pipeline_mode<synchronous>, transform_indices = @transform_5, window_bounds = array<i64: 64, 96>}, {pipeline_mode = #tpu.pipeline_mode<synchronous>, transform_indices = @transform_6, window_bounds = array<i64: 1, 96>}, {pipeline_mode = #tpu.pipeline_mode<synchronous>, transform_indices = @transform_7, window_bounds = array<i64: 2, 96>}, {pipeline_mode = #tpu.pipeline_mode<synchronous>, transform_indices = @transform_8, window_bounds = array<i64: 1, 96>}, {pipeline_mode = #tpu.pipeline_mode<synchronous>, transform_indices = @transform_9, window_bounds = array<i64: 1, 96>}, {pipeline_mode = #tpu.pipeline_mode<synchronous>, transform_indices = @transform_10, window_bounds = array<i64: 192, 96>}, {pipeline_mode = #tpu.pipeline_mode<synchronous>, transform_indices = @transform_11, window_bounds = array<i64: 1, 96>}, {pipeline_mode = #tpu.pipeline_mode<synchronous>, transform_indices = @transform_12, window_bounds = array<i64: 2, 96>}]} {
    %get3A = arith.constant 0 : index
    %get3A_0 = arith.constant 0 : index
    %get3A_1 = vector.load %arg3[%get3A, %get3A_0] : memref<2x64xf32, #tpu.memory_space<vmem>>, vector<1x64xf32>
    %mul3A = arith.constant 9.99999974E-6 : f32
    %mul3A_2 = vector.broadcast %mul3A : f32 to vector<1x64xf32>
    %mul3A_3 = arith.mulf %get3A_1, %mul3A_2 : vector<1x64xf32>
    %get3A_4 = arith.constant 1 : index
    %get3A_5 = arith.constant 0 : index
    %get3A_6 = vector.load %arg3[%get3A_4, %get3A_5] : memref<2x64xf32, #tpu.memory_space<vmem>>, vector<1x64xf32>
    %mul3A_7 = arith.constant 9.99999974E-6 : f32
    %mul3A_8 = vector.broadcast %mul3A_7 : f32 to vector<1x64xf32>
    %mul3A_9 = arith.mulf %get3A_6, %mul3A_8 : vector<1x64xf32>
    %mul3A_10 = arith.mulf %mul3A_3, %mul3A_3 : vector<1x64xf32>
    %sub3A = arith.subf %mul3A_9, %mul3A_10 : vector<1x64xf32>
    %get3A_11 = arith.constant 0 : index
    %get3A_12 = arith.constant 0 : index
    %get3A_13 = vector.load %arg4[%get3A_11, %get3A_12] : memref<1x64xf32, #tpu.memory_space<vmem>>, vector<1x64xf32>
    %add3A = arith.constant 9.99999974E-6 : f32
    %add3A_14 = vector.broadcast %add3A : f32 to vector<1x64xf32>
    %add3A_15 = arith.addf %sub3A, %add3A_14 : vector<1x64xf32>
    %rsqrt3A = math.rsqrt %add3A_15 : vector<1x64xf32>
    %mul3A_16 = arith.mulf %get3A_13, %rsqrt3A : vector<1x64xf32>
    %get3A_17 = arith.constant 0 : index
    %get3A_18 = arith.constant 0 : index
    %get3A_19 = vector.load %arg5[%get3A_17, %get3A_18] : memref<1x64xf32, #tpu.memory_space<vmem>>, vector<1x64xf32>
    %mul3A_20 = arith.mulf %mul3A_3, %mul3A_16 : vector<1x64xf32>
    %sub3A_21 = arith.subf %get3A_19, %mul3A_20 : vector<1x64xf32>
    %get3A_22 = arith.constant 0 : index
    %get3A_23 = arith.constant 0 : index
    %get3A_24 = vector.load %arg8[%get3A_22, %get3A_23] : memref<2x96xf32, #tpu.memory_space<vmem>>, vector<1x96xf32>
    %mul3A_25 = arith.constant 9.99999974E-6 : f32
    %mul3A_26 = vector.broadcast %mul3A_25 : f32 to vector<1x96xf32>
    %mul3A_27 = arith.mulf %get3A_24, %mul3A_26 : vector<1x96xf32>
    %get3A_28 = arith.constant 1 : index
    %get3A_29 = arith.constant 0 : index
    %get3A_30 = vector.load %arg8[%get3A_28, %get3A_29] : memref<2x96xf32, #tpu.memory_space<vmem>>, vector<1x96xf32>
    %mul3A_31 = arith.constant 9.99999974E-6 : f32
    %mul3A_32 = vector.broadcast %mul3A_31 : f32 to vector<1x96xf32>
    %mul3A_33 = arith.mulf %get3A_30, %mul3A_32 : vector<1x96xf32>
    %mul3A_34 = arith.mulf %mul3A_27, %mul3A_27 : vector<1x96xf32>
    %sub3A_35 = arith.subf %mul3A_33, %mul3A_34 : vector<1x96xf32>
    %get3A_36 = arith.constant 0 : index
    %get3A_37 = arith.constant 0 : index
    %get3A_38 = vector.load %arg9[%get3A_36, %get3A_37] : memref<1x96xf32, #tpu.memory_space<vmem>>, vector<1x96xf32>
    %add3A_39 = arith.constant 9.99999974E-6 : f32
    %add3A_40 = vector.broadcast %add3A_39 : f32 to vector<1x96xf32>
    %add3A_41 = arith.addf %sub3A_35, %add3A_40 : vector<1x96xf32>
    %rsqrt3A_42 = math.rsqrt %add3A_41 : vector<1x96xf32>
    %mul3A_43 = arith.mulf %get3A_38, %rsqrt3A_42 : vector<1x96xf32>
    %get3A_44 = arith.constant 0 : index
    %get3A_45 = arith.constant 0 : index
    %get3A_46 = vector.load %arg10[%get3A_44, %get3A_45] : memref<1x96xf32, #tpu.memory_space<vmem>>, vector<1x96xf32>
    %mul3A_47 = arith.mulf %mul3A_27, %mul3A_43 : vector<1x96xf32>
    %sub3A_48 = arith.subf %get3A_46, %mul3A_47 : vector<1x96xf32>
    %get3A_49 = arith.constant 0 : index
    %get3A_50 = arith.constant 0 : index
    %get3A_51 = vector.load %arg1[%get3A_49, %get3A_50] : memref<2000x128xf32, #tpu.memory_space<vmem>>, vector<2000x64xf32>
    %mul3A_52 = vector.broadcast %mul3A_16 : vector<1x64xf32> to vector<2000x64xf32>
    %mul3A_53 = arith.mulf %get3A_51, %mul3A_52 : vector<2000x64xf32>
    %add3A_54 = vector.broadcast %sub3A_21 : vector<1x64xf32> to vector<2000x64xf32>
    %add3A_55 = arith.addf %mul3A_53, %add3A_54 : vector<2000x64xf32>
    %max3A = arith.constant 0.000000e+00 : f32
    %max3A_56 = vector.broadcast %max3A : f32 to vector<2000x64xf32>
    %max3A_57 = arith.maximumf %add3A_55, %max3A_56 : vector<2000x64xf32>
    %get3A_58 = arith.constant 0 : index
    %get3A_59 = arith.constant 0 : index
    %get3A_60 = vector.load %arg6[%get3A_58, %get3A_59] : memref<64x96xf32, #tpu.memory_space<vmem>>, vector<64x96xf32>
    %dot_general3A = arith.constant dense<0.000000e+00> : vector<2000x96xf32>
    %dot_general3A_61 = tpu.matmul %max3A_57, %get3A_60, %dot_general3A {dimension_numbers = #tpu.dot_dimension_numbers<[1], [0], [0], [1], [0, 0, 1, 1], [], []>, transpose_lhs_hint = false} : vector<2000x64xf32>, vector<64x96xf32>, vector<2000x96xf32> -> vector<2000x96xf32>
    %get3A_62 = arith.constant 0 : index
    %get3A_63 = arith.constant 0 : index
    %get3A_64 = vector.load %arg7[%get3A_62, %get3A_63] : memref<1x96xf32, #tpu.memory_space<vmem>>, vector<1x96xf32>
    %add3A_65 = vector.broadcast %get3A_64 : vector<1x96xf32> to vector<2000x96xf32>
    %add3A_66 = arith.addf %dot_general3A_61, %add3A_65 : vector<2000x96xf32>
    %mul3A_67 = vector.broadcast %mul3A_43 : vector<1x96xf32> to vector<2000x96xf32>
    %mul3A_68 = arith.mulf %add3A_66, %mul3A_67 : vector<2000x96xf32>
    %add3A_69 = vector.broadcast %sub3A_48 : vector<1x96xf32> to vector<2000x96xf32>
    %add3A_70 = arith.addf %mul3A_68, %add3A_69 : vector<2000x96xf32>
    %max3A_71 = arith.constant 0.000000e+00 : f32
    %max3A_72 = vector.broadcast %max3A_71 : f32 to vector<2000x96xf32>
    %max3A_73 = arith.maximumf %add3A_70, %max3A_72 : vector<2000x96xf32>
    %get3A_74 = arith.constant 0 : index
    %get3A_75 = arith.constant 64 : index
    %get3A_76 = vector.load %arg1[%get3A_74, %get3A_75] : memref<2000x128xf32, #tpu.memory_space<vmem>>, vector<2000x64xf32>
    %mul3A_77 = vector.broadcast %mul3A_16 : vector<1x64xf32> to vector<2000x64xf32>
    %mul3A_78 = arith.mulf %get3A_76, %mul3A_77 : vector<2000x64xf32>
    %add3A_79 = vector.broadcast %sub3A_21 : vector<1x64xf32> to vector<2000x64xf32>
    %add3A_80 = arith.addf %mul3A_78, %add3A_79 : vector<2000x64xf32>
    %max3A_81 = arith.constant 0.000000e+00 : f32
    %max3A_82 = vector.broadcast %max3A_81 : f32 to vector<2000x64xf32>
    %max3A_83 = arith.maximumf %add3A_80, %max3A_82 : vector<2000x64xf32>
    %get3A_84 = arith.constant 0 : index
    %get3A_85 = arith.constant 0 : index
    %get3A_86 = vector.load %arg6[%get3A_84, %get3A_85] : memref<64x96xf32, #tpu.memory_space<vmem>>, vector<64x96xf32>
    %dot_general3A_87 = arith.constant dense<0.000000e+00> : vector<2000x96xf32>
    %dot_general3A_88 = tpu.matmul %max3A_83, %get3A_86, %dot_general3A_87 {dimension_numbers = #tpu.dot_dimension_numbers<[1], [0], [0], [1], [0, 0, 1, 1], [], []>, transpose_lhs_hint = false} : vector<2000x64xf32>, vector<64x96xf32>, vector<2000x96xf32> -> vector<2000x96xf32>
    %get3A_89 = arith.constant 0 : index
    %get3A_90 = arith.constant 0 : index
    %get3A_91 = vector.load %arg7[%get3A_89, %get3A_90] : memref<1x96xf32, #tpu.memory_space<vmem>>, vector<1x96xf32>
    %add3A_92 = vector.broadcast %get3A_91 : vector<1x96xf32> to vector<2000x96xf32>
    %add3A_93 = arith.addf %dot_general3A_88, %add3A_92 : vector<2000x96xf32>
    %mul3A_94 = vector.broadcast %mul3A_43 : vector<1x96xf32> to vector<2000x96xf32>
    %mul3A_95 = arith.mulf %add3A_93, %mul3A_94 : vector<2000x96xf32>
    %add3A_96 = vector.broadcast %sub3A_48 : vector<1x96xf32> to vector<2000x96xf32>
    %add3A_97 = arith.addf %mul3A_95, %add3A_96 : vector<2000x96xf32>
    %max3A_98 = arith.constant 0.000000e+00 : f32
    %max3A_99 = vector.broadcast %max3A_98 : f32 to vector<2000x96xf32>
    %max3A_100 = arith.maximumf %add3A_97, %max3A_99 : vector<2000x96xf32>
    %stack3A = vector.shape_cast %max3A_73 : vector<2000x96xf32> to vector<2000x1x96xf32>
    %stack3A_101 = vector.shape_cast %max3A_100 : vector<2000x96xf32> to vector<2000x1x96xf32>
    %stack3A_102 = tpu.concatenate %stack3A, %stack3A_101 in 1 : vector<2000x1x96xf32>, vector<2000x1x96xf32> -> vector<2000x2x96xf32>
    %reshape3A = vector.shape_cast %stack3A_102 : vector<2000x2x96xf32> to vector<4000x96xf32>
    %get3A_103 = arith.constant 0 : index
    %get3A_104 = arith.constant 0 : index
    %get3A_105 = vector.load %arg2[%get3A_103, %get3A_104] : memref<4000x96xf32, #tpu.memory_space<vmem>>, vector<4000x96xf32>
    %get3A_106 = arith.constant 0 : index
    %get3A_107 = arith.constant 0 : index
    %get3A_108 = vector.load %arg11[%get3A_106, %get3A_107] : memref<192x96xf32, #tpu.memory_space<vmem>>, vector<96x96xf32>
    %dot_general3A_109 = arith.constant dense<0.000000e+00> : vector<4000x96xf32>
    %dot_general3A_110 = tpu.matmul %get3A_105, %get3A_108, %dot_general3A_109 {dimension_numbers = #tpu.dot_dimension_numbers<[1], [0], [0], [1], [0, 0, 1, 1], [], []>, transpose_lhs_hint = false} : vector<4000x96xf32>, vector<96x96xf32>, vector<4000x96xf32> -> vector<4000x96xf32>
    %get3A_111 = arith.constant 96 : index
    %get3A_112 = arith.constant 0 : index
    %get3A_113 = vector.load %arg11[%get3A_111, %get3A_112] : memref<192x96xf32, #tpu.memory_space<vmem>>, vector<96x96xf32>
    %dot_general3A_114 = arith.constant dense<0.000000e+00> : vector<4000x96xf32>
    %dot_general3A_115 = tpu.matmul %reshape3A, %get3A_113, %dot_general3A_114 {dimension_numbers = #tpu.dot_dimension_numbers<[1], [0], [0], [1], [0, 0, 1, 1], [], []>, transpose_lhs_hint = false} : vector<4000x96xf32>, vector<96x96xf32>, vector<4000x96xf32> -> vector<4000x96xf32>
    %add3A_116 = arith.addf %dot_general3A_110, %dot_general3A_115 : vector<4000x96xf32>
    %get3A_117 = arith.constant 0 : index
    %get3A_118 = arith.constant 0 : index
    %get3A_119 = vector.load %arg12[%get3A_117, %get3A_118] : memref<1x96xf32, #tpu.memory_space<vmem>>, vector<1x96xf32>
    %add3A_120 = vector.broadcast %get3A_119 : vector<1x96xf32> to vector<4000x96xf32>
    %add3A_121 = arith.addf %add3A_116, %add3A_120 : vector<4000x96xf32>
    %eq3A = arith.constant 0 : i32
    %eq3A_122 = arith.cmpi eq, %arg0, %eq3A : i32
    %convert_element_type3A = arith.extui %eq3A_122 : i1 to i32
    %cond3A = arith.constant 0 : i32
    %cond3A_123 = arith.cmpi ne, %convert_element_type3A, %cond3A : i32
    scf.if %cond3A_123 {
      %broadcast_in_dim3A_147 = arith.constant 0.000000e+00 : f32
      %broadcast_in_dim3A_148 = vector.broadcast %broadcast_in_dim3A_147 : f32 to vector<2x96xf32>
      %swap3A_149 = arith.constant 0 : index
      %swap3A_150 = arith.constant 0 : index
      %swap3A_151 = vector.load %arg14[%swap3A_149, %swap3A_150] : memref<2x96xf32, #tpu.memory_space<vmem>>, vector<2x96xf32>
      tpu.vector_store %arg14[%swap3A_149, %swap3A_150], %broadcast_in_dim3A_148 {strides = array<i32>} : memref<2x96xf32, #tpu.memory_space<vmem>>, vector<2x96xf32>,
    } else {
    }
    %get3A_124 = arith.constant 0 : index
    %get3A_125 = arith.constant 0 : index
    %get3A_126 = vector.load %arg14[%get3A_124, %get3A_125] : memref<2x96xf32, #tpu.memory_space<vmem>>, vector<1x96xf32>
    %reduce_sum3A = arith.constant dense<0.000000e+00> : vector<96xf32>
    %reduce_sum3A_127 = vector.multi_reduction <add>, %add3A_121, %reduce_sum3A [0] : vector<4000x96xf32> to vector<96xf32>
    %broadcast_in_dim3A = vector.shape_cast %reduce_sum3A_127 : vector<96xf32> to vector<1x96xf32>
    %add3A_128 = arith.addf %get3A_126, %broadcast_in_dim3A : vector<1x96xf32>
    %swap3A = arith.constant 0 : index
    %swap3A_129 = arith.constant 0 : index
    %swap3A_130 = vector.load %arg14[%swap3A, %swap3A_129] : memref<2x96xf32, #tpu.memory_space<vmem>>, vector<1x96xf32>
    tpu.vector_store %arg14[%swap3A, %swap3A_129], %add3A_128 {strides = array<i32>} : memref<2x96xf32, #tpu.memory_space<vmem>>, vector<1x96xf32>,
    %get3A_131 = arith.constant 1 : index
    %get3A_132 = arith.constant 0 : index
    %get3A_133 = vector.load %arg14[%get3A_131, %get3A_132] : memref<2x96xf32, #tpu.memory_space<vmem>>, vector<1x96xf32>
    %mul3A_134 = arith.mulf %add3A_121, %add3A_121 : vector<4000x96xf32>
    %reduce_sum3A_135 = arith.constant dense<0.000000e+00> : vector<96xf32>
    %reduce_sum3A_136 = vector.multi_reduction <add>, %mul3A_134, %reduce_sum3A_135 [0] : vector<4000x96xf32> to vector<96xf32>
    %broadcast_in_dim3A_137 = vector.shape_cast %reduce_sum3A_136 : vector<96xf32> to vector<1x96xf32>
    %add3A_138 = arith.addf %get3A_133, %broadcast_in_dim3A_137 : vector<1x96xf32>
    %swap3A_139 = arith.constant 1 : index
    %swap3A_140 = arith.constant 0 : index
    %swap3A_141 = vector.load %arg14[%swap3A_139, %swap3A_140] : memref<2x96xf32, #tpu.memory_space<vmem>>, vector<1x96xf32>
    tpu.vector_store %arg14[%swap3A_139, %swap3A_140], %add3A_138 {strides = array<i32>} : memref<2x96xf32, #tpu.memory_space<vmem>>, vector<1x96xf32>,
    %eq3A_142 = arith.constant 24 : i32
    %eq3A_143 = arith.cmpi eq, %arg0, %eq3A_142 : i32
    %convert_element_type3A_144 = arith.extui %eq3A_143 : i1 to i32
    %cond3A_145 = arith.constant 0 : i32
    %cond3A_146 = arith.cmpi ne, %convert_element_type3A_144, %cond3A_145 : i32
    scf.if %cond3A_146 {
      %get3A_147 = arith.constant 0 : index
      %get3A_148 = arith.constant 0 : index
      %get3A_149 = vector.load %arg14[%get3A_147, %get3A_148] : memref<2x96xf32, #tpu.memory_space<vmem>>, vector<2x96xf32>
      %swap3A_150 = arith.constant 0 : index
      %swap3A_151 = arith.constant 0 : index
      %swap3A_152 = vector.load %arg13[%swap3A_150, %swap3A_151] : memref<2x96xf32, #tpu.memory_space<vmem>>, vector<2x96xf32>
      tpu.vector_store %arg13[%swap3A_150, %swap3A_151], %get3A_149 {strides = array<i32>} : memref<2x96xf32, #tpu.memory_space<vmem>>, vector<2x96xf32>,
    } else {
    }
    return
  }
  func.func @transform_0(%arg0: i32) -> (i32, i32) {
    %c0_i32 = arith.constant 0 : i32
    %c0_i32_0 = arith.constant 0 : i32
    return %arg0, %c0_i32 : i32, i32
  }
  func.func @transform_1(%arg0: i32) -> (i32, i32) {
    %c0_i32 = arith.constant 0 : i32
    %c0_i32_0 = arith.constant 0 : i32
    return %arg0, %c0_i32 : i32, i32
  }
  func.func @transform_2(%arg0: i32) -> (i32, i32) {
    %c0_i32 = arith.constant 0 : i32
    %c0_i32_0 = arith.constant 0 : i32
    %c0_i32_1 = arith.constant 0 : i32
    return %c0_i32, %c0_i32_0 : i32, i32
  }
  func.func @transform_3(%arg0: i32) -> (i32, i32) {
    %c0_i32 = arith.constant 0 : i32
    %c0_i32_0 = arith.constant 0 : i32
    %c0_i32_1 = arith.constant 0 : i32
    return %c0_i32, %c0_i32_0 : i32, i32
  }
  func.func @transform_4(%arg0: i32) -> (i32, i32) {
    %c0_i32 = arith.constant 0 : i32
    %c0_i32_0 = arith.constant 0 : i32
    %c0_i32_1 = arith.constant 0 : i32
    return %c0_i32, %c0_i32_0 : i32, i32
  }
  func.func @transform_5(%arg0: i32) -> (i32, i32) {
    %c0_i32 = arith.constant 0 : i32
    %c0_i32_0 = arith.constant 0 : i32
    %c0_i32_1 = arith.constant 0 : i32
    return %c0_i32, %c0_i32_0 : i32, i32
  }
  func.func @transform_6(%arg0: i32) -> (i32, i32) {
    %c0_i32 = arith.constant 0 : i32
    %c0_i32_0 = arith.constant 0 : i32
    %c0_i32_1 = arith.constant 0 : i32
    return %c0_i32, %c0_i32_0 : i32, i32
  }
  func.func @transform_7(%arg0: i32) -> (i32, i32) {
    %c0_i32 = arith.constant 0 : i32
    %c0_i32_0 = arith.constant 0 : i32
    %c0_i32_1 = arith.constant 0 : i32
    return %c0_i32, %c0_i32_0 : i32, i32
  }
  func.func @transform_8(%arg0: i32) -> (i32, i32) {
    %c0_i32 = arith.constant 0 : i32
    %c0_i32_0 = arith.constant 0 : i32
    %c0_i32_1 = arith.constant 0 : i32
    return %c0_i32, %c0_i32_0 : i32, i32
  }
  func.func @transform_9(%arg0: i32) -> (i32, i32) {
    %c0_i32 = arith.constant 0 : i32
    %c0_i32_0 = arith.constant 0 : i32
    %c0_i32_1 = arith.constant 0 : i32
    return %c0_i32, %c0_i32_0 : i32, i32
  }
  func.func @transform_10(%arg0: i32) -> (i32, i32) {
    %c0_i32 = arith.constant 0 : i32
    %c0_i32_0 = arith.constant 0 : i32
    %c0_i32_1 = arith.constant 0 : i32
    return %c0_i32, %c0_i32_0 : i32, i32
  }
  func.func @transform_11(%arg0: i32) -> (i32, i32) {
    %c0_i32 = arith.constant 0 : i32
    %c0_i32_0 = arith.constant 0 : i32
    %c0_i32_1 = arith.constant 0 : i32
    return %c0_i32, %c0_i32_0 : i32, i32
  }
  func.func @transform_12(%arg0: i32) -> (i32, i32) {
    %c0_i32 = arith.constant 0 : i32
    %c0_i32_0 = arith.constant 0 : i32
    %c0_i32_1 = arith.constant 0 : i32
    return %c0_i32, %c0_i32_0 : i32, i32
  }
}

module attributes {stable_mosaic.version = 14 : i64} {
  func.func @_p4_body(%arg0: i32, %arg1: memref<2000x128xf32, #tpu.memory_space<vmem>>, %arg2: memref<4000x96xf32, #tpu.memory_space<vmem>>, %arg3: memref<2x64xf32, #tpu.memory_space<vmem>>, %arg4: memref<1x64xf32, #tpu.memory_space<vmem>>, %arg5: memref<1x64xf32, #tpu.memory_space<vmem>>, %arg6: memref<64x96xf32, #tpu.memory_space<vmem>>, %arg7: memref<1x96xf32, #tpu.memory_space<vmem>>, %arg8: memref<2x96xf32, #tpu.memory_space<vmem>>, %arg9: memref<1x96xf32, #tpu.memory_space<vmem>>, %arg10: memref<1x96xf32, #tpu.memory_space<vmem>>, %arg11: memref<192x96xf32, #tpu.memory_space<vmem>>, %arg12: memref<1x96xf32, #tpu.memory_space<vmem>>, %arg13: memref<2x96xf32, #tpu.memory_space<vmem>>, %arg14: memref<1x96xf32, #tpu.memory_space<vmem>>, %arg15: memref<1x96xf32, #tpu.memory_space<vmem>>, %arg16: memref<4000x96xf32, #tpu.memory_space<vmem>>) attributes {dimension_semantics = [#tpu.dimension_semantics<arbitrary>], iteration_bounds = array<i64: 25>, scalar_prefetch = 0 : i64, scratch_operands = 0 : i64, tpu.core_type = #tpu.core_type<tc>, window_params = [{transform_indices = @transform_0, window_bounds = array<i64: 2000, 128>}, {transform_indices = @transform_1, window_bounds = array<i64: 4000, 96>}, {pipeline_mode = #tpu.pipeline_mode<synchronous>, transform_indices = @transform_2, window_bounds = array<i64: 2, 64>}, {pipeline_mode = #tpu.pipeline_mode<synchronous>, transform_indices = @transform_3, window_bounds = array<i64: 1, 64>}, {pipeline_mode = #tpu.pipeline_mode<synchronous>, transform_indices = @transform_4, window_bounds = array<i64: 1, 64>}, {pipeline_mode = #tpu.pipeline_mode<synchronous>, transform_indices = @transform_5, window_bounds = array<i64: 64, 96>}, {pipeline_mode = #tpu.pipeline_mode<synchronous>, transform_indices = @transform_6, window_bounds = array<i64: 1, 96>}, {pipeline_mode = #tpu.pipeline_mode<synchronous>, transform_indices = @transform_7, window_bounds = array<i64: 2, 96>}, {pipeline_mode = #tpu.pipeline_mode<synchronous>, transform_indices = @transform_8, window_bounds = array<i64: 1, 96>}, {pipeline_mode = #tpu.pipeline_mode<synchronous>, transform_indices = @transform_9, window_bounds = array<i64: 1, 96>}, {pipeline_mode = #tpu.pipeline_mode<synchronous>, transform_indices = @transform_10, window_bounds = array<i64: 192, 96>}, {pipeline_mode = #tpu.pipeline_mode<synchronous>, transform_indices = @transform_11, window_bounds = array<i64: 1, 96>}, {pipeline_mode = #tpu.pipeline_mode<synchronous>, transform_indices = @transform_12, window_bounds = array<i64: 2, 96>}, {pipeline_mode = #tpu.pipeline_mode<synchronous>, transform_indices = @transform_13, window_bounds = array<i64: 1, 96>}, {pipeline_mode = #tpu.pipeline_mode<synchronous>, transform_indices = @transform_14, window_bounds = array<i64: 1, 96>}, {transform_indices = @transform_15, window_bounds = array<i64: 4000, 96>}]} {
    %get3A = arith.constant 0 : index
    %get3A_0 = arith.constant 0 : index
    %get3A_1 = vector.load %arg3[%get3A, %get3A_0] : memref<2x64xf32, #tpu.memory_space<vmem>>, vector<1x64xf32>
    %mul3A = arith.constant 9.99999974E-6 : f32
    %mul3A_2 = vector.broadcast %mul3A : f32 to vector<1x64xf32>
    %mul3A_3 = arith.mulf %get3A_1, %mul3A_2 : vector<1x64xf32>
    %get3A_4 = arith.constant 1 : index
    %get3A_5 = arith.constant 0 : index
    %get3A_6 = vector.load %arg3[%get3A_4, %get3A_5] : memref<2x64xf32, #tpu.memory_space<vmem>>, vector<1x64xf32>
    %mul3A_7 = arith.constant 9.99999974E-6 : f32
    %mul3A_8 = vector.broadcast %mul3A_7 : f32 to vector<1x64xf32>
    %mul3A_9 = arith.mulf %get3A_6, %mul3A_8 : vector<1x64xf32>
    %mul3A_10 = arith.mulf %mul3A_3, %mul3A_3 : vector<1x64xf32>
    %sub3A = arith.subf %mul3A_9, %mul3A_10 : vector<1x64xf32>
    %get3A_11 = arith.constant 0 : index
    %get3A_12 = arith.constant 0 : index
    %get3A_13 = vector.load %arg4[%get3A_11, %get3A_12] : memref<1x64xf32, #tpu.memory_space<vmem>>, vector<1x64xf32>
    %add3A = arith.constant 9.99999974E-6 : f32
    %add3A_14 = vector.broadcast %add3A : f32 to vector<1x64xf32>
    %add3A_15 = arith.addf %sub3A, %add3A_14 : vector<1x64xf32>
    %rsqrt3A = math.rsqrt %add3A_15 : vector<1x64xf32>
    %mul3A_16 = arith.mulf %get3A_13, %rsqrt3A : vector<1x64xf32>
    %get3A_17 = arith.constant 0 : index
    %get3A_18 = arith.constant 0 : index
    %get3A_19 = vector.load %arg5[%get3A_17, %get3A_18] : memref<1x64xf32, #tpu.memory_space<vmem>>, vector<1x64xf32>
    %mul3A_20 = arith.mulf %mul3A_3, %mul3A_16 : vector<1x64xf32>
    %sub3A_21 = arith.subf %get3A_19, %mul3A_20 : vector<1x64xf32>
    %get3A_22 = arith.constant 0 : index
    %get3A_23 = arith.constant 0 : index
    %get3A_24 = vector.load %arg8[%get3A_22, %get3A_23] : memref<2x96xf32, #tpu.memory_space<vmem>>, vector<1x96xf32>
    %mul3A_25 = arith.constant 9.99999974E-6 : f32
    %mul3A_26 = vector.broadcast %mul3A_25 : f32 to vector<1x96xf32>
    %mul3A_27 = arith.mulf %get3A_24, %mul3A_26 : vector<1x96xf32>
    %get3A_28 = arith.constant 1 : index
    %get3A_29 = arith.constant 0 : index
    %get3A_30 = vector.load %arg8[%get3A_28, %get3A_29] : memref<2x96xf32, #tpu.memory_space<vmem>>, vector<1x96xf32>
    %mul3A_31 = arith.constant 9.99999974E-6 : f32
    %mul3A_32 = vector.broadcast %mul3A_31 : f32 to vector<1x96xf32>
    %mul3A_33 = arith.mulf %get3A_30, %mul3A_32 : vector<1x96xf32>
    %mul3A_34 = arith.mulf %mul3A_27, %mul3A_27 : vector<1x96xf32>
    %sub3A_35 = arith.subf %mul3A_33, %mul3A_34 : vector<1x96xf32>
    %get3A_36 = arith.constant 0 : index
    %get3A_37 = arith.constant 0 : index
    %get3A_38 = vector.load %arg9[%get3A_36, %get3A_37] : memref<1x96xf32, #tpu.memory_space<vmem>>, vector<1x96xf32>
    %add3A_39 = arith.constant 9.99999974E-6 : f32
    %add3A_40 = vector.broadcast %add3A_39 : f32 to vector<1x96xf32>
    %add3A_41 = arith.addf %sub3A_35, %add3A_40 : vector<1x96xf32>
    %rsqrt3A_42 = math.rsqrt %add3A_41 : vector<1x96xf32>
    %mul3A_43 = arith.mulf %get3A_38, %rsqrt3A_42 : vector<1x96xf32>
    %get3A_44 = arith.constant 0 : index
    %get3A_45 = arith.constant 0 : index
    %get3A_46 = vector.load %arg10[%get3A_44, %get3A_45] : memref<1x96xf32, #tpu.memory_space<vmem>>, vector<1x96xf32>
    %mul3A_47 = arith.mulf %mul3A_27, %mul3A_43 : vector<1x96xf32>
    %sub3A_48 = arith.subf %get3A_46, %mul3A_47 : vector<1x96xf32>
    %get3A_49 = arith.constant 0 : index
    %get3A_50 = arith.constant 0 : index
    %get3A_51 = vector.load %arg1[%get3A_49, %get3A_50] : memref<2000x128xf32, #tpu.memory_space<vmem>>, vector<2000x64xf32>
    %mul3A_52 = vector.broadcast %mul3A_16 : vector<1x64xf32> to vector<2000x64xf32>
    %mul3A_53 = arith.mulf %get3A_51, %mul3A_52 : vector<2000x64xf32>
    %add3A_54 = vector.broadcast %sub3A_21 : vector<1x64xf32> to vector<2000x64xf32>
    %add3A_55 = arith.addf %mul3A_53, %add3A_54 : vector<2000x64xf32>
    %max3A = arith.constant 0.000000e+00 : f32
    %max3A_56 = vector.broadcast %max3A : f32 to vector<2000x64xf32>
    %max3A_57 = arith.maximumf %add3A_55, %max3A_56 : vector<2000x64xf32>
    %get3A_58 = arith.constant 0 : index
    %get3A_59 = arith.constant 0 : index
    %get3A_60 = vector.load %arg6[%get3A_58, %get3A_59] : memref<64x96xf32, #tpu.memory_space<vmem>>, vector<64x96xf32>
    %dot_general3A = arith.constant dense<0.000000e+00> : vector<2000x96xf32>
    %dot_general3A_61 = tpu.matmul %max3A_57, %get3A_60, %dot_general3A {dimension_numbers = #tpu.dot_dimension_numbers<[1], [0], [0], [1], [0, 0, 1, 1], [], []>, transpose_lhs_hint = false} : vector<2000x64xf32>, vector<64x96xf32>, vector<2000x96xf32> -> vector<2000x96xf32>
    %get3A_62 = arith.constant 0 : index
    %get3A_63 = arith.constant 0 : index
    %get3A_64 = vector.load %arg7[%get3A_62, %get3A_63] : memref<1x96xf32, #tpu.memory_space<vmem>>, vector<1x96xf32>
    %add3A_65 = vector.broadcast %get3A_64 : vector<1x96xf32> to vector<2000x96xf32>
    %add3A_66 = arith.addf %dot_general3A_61, %add3A_65 : vector<2000x96xf32>
    %mul3A_67 = vector.broadcast %mul3A_43 : vector<1x96xf32> to vector<2000x96xf32>
    %mul3A_68 = arith.mulf %add3A_66, %mul3A_67 : vector<2000x96xf32>
    %add3A_69 = vector.broadcast %sub3A_48 : vector<1x96xf32> to vector<2000x96xf32>
    %add3A_70 = arith.addf %mul3A_68, %add3A_69 : vector<2000x96xf32>
    %max3A_71 = arith.constant 0.000000e+00 : f32
    %max3A_72 = vector.broadcast %max3A_71 : f32 to vector<2000x96xf32>
    %max3A_73 = arith.maximumf %add3A_70, %max3A_72 : vector<2000x96xf32>
    %get3A_74 = arith.constant 0 : index
    %get3A_75 = arith.constant 64 : index
    %get3A_76 = vector.load %arg1[%get3A_74, %get3A_75] : memref<2000x128xf32, #tpu.memory_space<vmem>>, vector<2000x64xf32>
    %mul3A_77 = vector.broadcast %mul3A_16 : vector<1x64xf32> to vector<2000x64xf32>
    %mul3A_78 = arith.mulf %get3A_76, %mul3A_77 : vector<2000x64xf32>
    %add3A_79 = vector.broadcast %sub3A_21 : vector<1x64xf32> to vector<2000x64xf32>
    %add3A_80 = arith.addf %mul3A_78, %add3A_79 : vector<2000x64xf32>
    %max3A_81 = arith.constant 0.000000e+00 : f32
    %max3A_82 = vector.broadcast %max3A_81 : f32 to vector<2000x64xf32>
    %max3A_83 = arith.maximumf %add3A_80, %max3A_82 : vector<2000x64xf32>
    %get3A_84 = arith.constant 0 : index
    %get3A_85 = arith.constant 0 : index
    %get3A_86 = vector.load %arg6[%get3A_84, %get3A_85] : memref<64x96xf32, #tpu.memory_space<vmem>>, vector<64x96xf32>
    %dot_general3A_87 = arith.constant dense<0.000000e+00> : vector<2000x96xf32>
    %dot_general3A_88 = tpu.matmul %max3A_83, %get3A_86, %dot_general3A_87 {dimension_numbers = #tpu.dot_dimension_numbers<[1], [0], [0], [1], [0, 0, 1, 1], [], []>, transpose_lhs_hint = false} : vector<2000x64xf32>, vector<64x96xf32>, vector<2000x96xf32> -> vector<2000x96xf32>
    %get3A_89 = arith.constant 0 : index
    %get3A_90 = arith.constant 0 : index
    %get3A_91 = vector.load %arg7[%get3A_89, %get3A_90] : memref<1x96xf32, #tpu.memory_space<vmem>>, vector<1x96xf32>
    %add3A_92 = vector.broadcast %get3A_91 : vector<1x96xf32> to vector<2000x96xf32>
    %add3A_93 = arith.addf %dot_general3A_88, %add3A_92 : vector<2000x96xf32>
    %mul3A_94 = vector.broadcast %mul3A_43 : vector<1x96xf32> to vector<2000x96xf32>
    %mul3A_95 = arith.mulf %add3A_93, %mul3A_94 : vector<2000x96xf32>
    %add3A_96 = vector.broadcast %sub3A_48 : vector<1x96xf32> to vector<2000x96xf32>
    %add3A_97 = arith.addf %mul3A_95, %add3A_96 : vector<2000x96xf32>
    %max3A_98 = arith.constant 0.000000e+00 : f32
    %max3A_99 = vector.broadcast %max3A_98 : f32 to vector<2000x96xf32>
    %max3A_100 = arith.maximumf %add3A_97, %max3A_99 : vector<2000x96xf32>
    %stack3A = vector.shape_cast %max3A_73 : vector<2000x96xf32> to vector<2000x1x96xf32>
    %stack3A_101 = vector.shape_cast %max3A_100 : vector<2000x96xf32> to vector<2000x1x96xf32>
    %stack3A_102 = tpu.concatenate %stack3A, %stack3A_101 in 1 : vector<2000x1x96xf32>, vector<2000x1x96xf32> -> vector<2000x2x96xf32>
    %reshape3A = vector.shape_cast %stack3A_102 : vector<2000x2x96xf32> to vector<4000x96xf32>
    %get3A_103 = arith.constant 0 : index
    %get3A_104 = arith.constant 0 : index
    %get3A_105 = vector.load %arg2[%get3A_103, %get3A_104] : memref<4000x96xf32, #tpu.memory_space<vmem>>, vector<4000x96xf32>
    %get3A_106 = arith.constant 0 : index
    %get3A_107 = arith.constant 0 : index
    %get3A_108 = vector.load %arg11[%get3A_106, %get3A_107] : memref<192x96xf32, #tpu.memory_space<vmem>>, vector<96x96xf32>
    %dot_general3A_109 = arith.constant dense<0.000000e+00> : vector<4000x96xf32>
    %dot_general3A_110 = tpu.matmul %get3A_105, %get3A_108, %dot_general3A_109 {dimension_numbers = #tpu.dot_dimension_numbers<[1], [0], [0], [1], [0, 0, 1, 1], [], []>, transpose_lhs_hint = false} : vector<4000x96xf32>, vector<96x96xf32>, vector<4000x96xf32> -> vector<4000x96xf32>
    %get3A_111 = arith.constant 96 : index
    %get3A_112 = arith.constant 0 : index
    %get3A_113 = vector.load %arg11[%get3A_111, %get3A_112] : memref<192x96xf32, #tpu.memory_space<vmem>>, vector<96x96xf32>
    %dot_general3A_114 = arith.constant dense<0.000000e+00> : vector<4000x96xf32>
    %dot_general3A_115 = tpu.matmul %reshape3A, %get3A_113, %dot_general3A_114 {dimension_numbers = #tpu.dot_dimension_numbers<[1], [0], [0], [1], [0, 0, 1, 1], [], []>, transpose_lhs_hint = false} : vector<4000x96xf32>, vector<96x96xf32>, vector<4000x96xf32> -> vector<4000x96xf32>
    %add3A_116 = arith.addf %dot_general3A_110, %dot_general3A_115 : vector<4000x96xf32>
    %get3A_117 = arith.constant 0 : index
    %get3A_118 = arith.constant 0 : index
    %get3A_119 = vector.load %arg12[%get3A_117, %get3A_118] : memref<1x96xf32, #tpu.memory_space<vmem>>, vector<1x96xf32>
    %add3A_120 = vector.broadcast %get3A_119 : vector<1x96xf32> to vector<4000x96xf32>
    %add3A_121 = arith.addf %add3A_116, %add3A_120 : vector<4000x96xf32>
    %get3A_122 = arith.constant 0 : index
    %get3A_123 = arith.constant 0 : index
    %get3A_124 = vector.load %arg13[%get3A_122, %get3A_123] : memref<2x96xf32, #tpu.memory_space<vmem>>, vector<1x96xf32>
    %mul3A_125 = arith.constant 9.99999974E-6 : f32
    %mul3A_126 = vector.broadcast %mul3A_125 : f32 to vector<1x96xf32>
    %mul3A_127 = arith.mulf %get3A_124, %mul3A_126 : vector<1x96xf32>
    %get3A_128 = arith.constant 1 : index
    %get3A_129 = arith.constant 0 : index
    %get3A_130 = vector.load %arg13[%get3A_128, %get3A_129] : memref<2x96xf32, #tpu.memory_space<vmem>>, vector<1x96xf32>
    %mul3A_131 = arith.constant 9.99999974E-6 : f32
    %mul3A_132 = vector.broadcast %mul3A_131 : f32 to vector<1x96xf32>
    %mul3A_133 = arith.mulf %get3A_130, %mul3A_132 : vector<1x96xf32>
    %mul3A_134 = arith.mulf %mul3A_127, %mul3A_127 : vector<1x96xf32>
    %sub3A_135 = arith.subf %mul3A_133, %mul3A_134 : vector<1x96xf32>
    %get3A_136 = arith.constant 0 : index
    %get3A_137 = arith.constant 0 : index
    %get3A_138 = vector.load %arg14[%get3A_136, %get3A_137] : memref<1x96xf32, #tpu.memory_space<vmem>>, vector<1x96xf32>
    %add3A_139 = arith.constant 9.99999974E-6 : f32
    %add3A_140 = vector.broadcast %add3A_139 : f32 to vector<1x96xf32>
    %add3A_141 = arith.addf %sub3A_135, %add3A_140 : vector<1x96xf32>
    %rsqrt3A_142 = math.rsqrt %add3A_141 : vector<1x96xf32>
    %mul3A_143 = arith.mulf %get3A_138, %rsqrt3A_142 : vector<1x96xf32>
    %get3A_144 = arith.constant 0 : index
    %get3A_145 = arith.constant 0 : index
    %get3A_146 = vector.load %arg15[%get3A_144, %get3A_145] : memref<1x96xf32, #tpu.memory_space<vmem>>, vector<1x96xf32>
    %mul3A_147 = arith.mulf %mul3A_127, %mul3A_143 : vector<1x96xf32>
    %sub3A_148 = arith.subf %get3A_146, %mul3A_147 : vector<1x96xf32>
    %mul3A_149 = vector.broadcast %mul3A_143 : vector<1x96xf32> to vector<4000x96xf32>
    %mul3A_150 = arith.mulf %add3A_121, %mul3A_149 : vector<4000x96xf32>
    %add3A_151 = vector.broadcast %sub3A_148 : vector<1x96xf32> to vector<4000x96xf32>
    %add3A_152 = arith.addf %mul3A_150, %add3A_151 : vector<4000x96xf32>
    %max3A_153 = arith.constant 0.000000e+00 : f32
    %max3A_154 = vector.broadcast %max3A_153 : f32 to vector<4000x96xf32>
    %max3A_155 = arith.maximumf %add3A_152, %max3A_154 : vector<4000x96xf32>
    %swap3A = arith.constant 0 : index
    %swap3A_156 = arith.constant 0 : index
    %swap3A_157 = vector.load %arg16[%swap3A, %swap3A_156] : memref<4000x96xf32, #tpu.memory_space<vmem>>, vector<4000x96xf32>
    tpu.vector_store %arg16[%swap3A, %swap3A_156], %max3A_155 {strides = array<i32>} : memref<4000x96xf32, #tpu.memory_space<vmem>>, vector<4000x96xf32>,
    return
  }
  func.func @transform_0(%arg0: i32) -> (i32, i32) {
    %c0_i32 = arith.constant 0 : i32
    %c0_i32_0 = arith.constant 0 : i32
    return %arg0, %c0_i32 : i32, i32
  }
  func.func @transform_1(%arg0: i32) -> (i32, i32) {
    %c0_i32 = arith.constant 0 : i32
    %c0_i32_0 = arith.constant 0 : i32
    return %arg0, %c0_i32 : i32, i32
  }
  func.func @transform_2(%arg0: i32) -> (i32, i32) {
    %c0_i32 = arith.constant 0 : i32
    %c0_i32_0 = arith.constant 0 : i32
    %c0_i32_1 = arith.constant 0 : i32
    return %c0_i32, %c0_i32_0 : i32, i32
  }
  func.func @transform_3(%arg0: i32) -> (i32, i32) {
    %c0_i32 = arith.constant 0 : i32
    %c0_i32_0 = arith.constant 0 : i32
    %c0_i32_1 = arith.constant 0 : i32
    return %c0_i32, %c0_i32_0 : i32, i32
  }
  func.func @transform_4(%arg0: i32) -> (i32, i32) {
    %c0_i32 = arith.constant 0 : i32
    %c0_i32_0 = arith.constant 0 : i32
    %c0_i32_1 = arith.constant 0 : i32
    return %c0_i32, %c0_i32_0 : i32, i32
  }
  func.func @transform_5(%arg0: i32) -> (i32, i32) {
    %c0_i32 = arith.constant 0 : i32
    %c0_i32_0 = arith.constant 0 : i32
    %c0_i32_1 = arith.constant 0 : i32
    return %c0_i32, %c0_i32_0 : i32, i32
  }
  func.func @transform_6(%arg0: i32) -> (i32, i32) {
    %c0_i32 = arith.constant 0 : i32
    %c0_i32_0 = arith.constant 0 : i32
    %c0_i32_1 = arith.constant 0 : i32
    return %c0_i32, %c0_i32_0 : i32, i32
  }
  func.func @transform_7(%arg0: i32) -> (i32, i32) {
    %c0_i32 = arith.constant 0 : i32
    %c0_i32_0 = arith.constant 0 : i32
    %c0_i32_1 = arith.constant 0 : i32
    return %c0_i32, %c0_i32_0 : i32, i32
  }
  func.func @transform_8(%arg0: i32) -> (i32, i32) {
    %c0_i32 = arith.constant 0 : i32
    %c0_i32_0 = arith.constant 0 : i32
    %c0_i32_1 = arith.constant 0 : i32
    return %c0_i32, %c0_i32_0 : i32, i32
  }
  func.func @transform_9(%arg0: i32) -> (i32, i32) {
    %c0_i32 = arith.constant 0 : i32
    %c0_i32_0 = arith.constant 0 : i32
    %c0_i32_1 = arith.constant 0 : i32
    return %c0_i32, %c0_i32_0 : i32, i32
  }
  func.func @transform_10(%arg0: i32) -> (i32, i32) {
    %c0_i32 = arith.constant 0 : i32
    %c0_i32_0 = arith.constant 0 : i32
    %c0_i32_1 = arith.constant 0 : i32
    return %c0_i32, %c0_i32_0 : i32, i32
  }
  func.func @transform_11(%arg0: i32) -> (i32, i32) {
    %c0_i32 = arith.constant 0 : i32
    %c0_i32_0 = arith.constant 0 : i32
    %c0_i32_1 = arith.constant 0 : i32
    return %c0_i32, %c0_i32_0 : i32, i32
  }
  func.func @transform_12(%arg0: i32) -> (i32, i32) {
    %c0_i32 = arith.constant 0 : i32
    %c0_i32_0 = arith.constant 0 : i32
    %c0_i32_1 = arith.constant 0 : i32
    return %c0_i32, %c0_i32_0 : i32, i32
  }
  func.func @transform_13(%arg0: i32) -> (i32, i32) {
    %c0_i32 = arith.constant 0 : i32
    %c0_i32_0 = arith.constant 0 : i32
    %c0_i32_1 = arith.constant 0 : i32
    return %c0_i32, %c0_i32_0 : i32, i32
  }
  func.func @transform_14(%arg0: i32) -> (i32, i32) {
    %c0_i32 = arith.constant 0 : i32
    %c0_i32_0 = arith.constant 0 : i32
    %c0_i32_1 = arith.constant 0 : i32
    return %c0_i32, %c0_i32_0 : i32, i32
  }
  func.func @transform_15(%arg0: i32) -> (i32, i32) {
    %c0_i32 = arith.constant 0 : i32
    %c0_i32_0 = arith.constant 0 : i32
    return %arg0, %c0_i32 : i32, i32
  }
}

</mosaic_0001>

<sc_bundles>
// kernel: kernel.9.cloned.1.call-start
scs
__scs_entry_jumppad:
0x0: {  	(pc) =	sbr.rel $0x88, $3  }
0x1: {  	(tag) =	ssettag $0x0;
	lr =	simm.s32 $0x1  }
0x2: {  	[smem:$0x3F90] =	sst lr;
	_ =	strace $0xD0000000  }
0x3: {  	_ = 	snop  }
0x4: {  	_ = 	snop  }
0x5: {  	_ = 	snop  }
0x6: {  	_ = 	snop  }
0x7: {  	_ = 	snop  }
__scs_overlays_trampoline_lowered:
0x8: {  	[smem:$0x3F9F] =	sst s0  }
0x9: {  	[smem:$0x3FA0] =	sst s1  }
0xa: {  	[smem:$0x3FA1] =	sst s2  }
0xb: {  	[smem:$0x3FA2] =	sst s3  }
0xc: {  	[smem:$0x3FA3] =	sst s4  }
0xd: {  	[smem:$0x3FA4] =	sst s5  }
0xe: {  	[smem:$0x3FA5] =	sst s6  }
0xf: {  	[smem:$0x3FA6] =	sst s7  }
0x10: {  	[smem:$0x3FA7] =	sst s8  }
0x11: {  	[smem:$0x3FA8] =	sst s9;
	s0 =	simm.s32 @!p0 $0x0  }
0x12: {  	s1 =	sld [smem:$0x3F8E];
	s0 =	simm.s32 @p0 $0x1  }
0x13: {  	[smem:$0x3FA9] =	sst s0;
	s0 =	simm.s32 @!p1 $0x0  }
0x14: {  	s2 =	sld [smem:$0x3F8D];
	s0 =	simm.s32 @p1 $0x1  }
0x15: {  	[smem:$0x3FAA] =	sst s0;
	s0 =	simm.s32 @!p2 $0x0  }
0x16: {  	s3 =	sld [smem:$0x3FDB];
	s0 =	simm.s32 @p2 $0x1  }
0x17: {  	s4 =	simm.s32 $0x1BF5;
	[smem:$0x3FAC] =	sst s0  }
0x18: {  	s0 =	sld [smem:$0x3F8F];
	_ =	swait.ge [sflag:s4], $0x0  }
0x19: {  	s7 =	sld [smem:$0x3F90]  }
0x1a: {  	s8 =	sadd.s32 $0xFFFFE003, lr  }
0x1b: {  	s9 =	sadd.s32 $0xFFFFFEF7, lr;
	s5 =	simm.s32 $0xFFFFFFFF;
	p2 =	slt.u32 s8, $0xFFFFF086  }
0x1c: {  	p1 =	slt.u32 s9, $0xF7A;
	s5 =	simm.s32 @!p2 $0x0  }
0x1d: {  	s5 =	simm.s32 @p1 $0x1;
	p0 =	seq.s32 s7, s2  }
0x1e: {  	s7 =	smul.u32 @!p0 $0xF7A, s2;
	p2 =	seq.s32 @!p0 s5, $0x0  }
0x1f: {  	s9 =	smul.u32 $0xF7A, s1;
	s8 =	simm.s32 @!p0 $0x1BF5;
	p2 =	por !p2, p0  }
0x20: {  	[sflag:s8] =	ssyncset.s32 @!p0 $0xFFFFF086;
	s6 =	sadd.s32 @!p0 s3, s7;
	s7 =	simm.s32 @!p0 $0x108  }
0x21: {  	s3 =	sadd.s32 s3, s9;
	s6 =	sadd.s32 @!p0 $0x88, s6;
	s7 =	simm.s32 @p2 $0x1082  }
0x22: {  	[simem:s7], [sflag:s8] =	dma.local @!p0 [hbm:s6], $0xF7A  }
0x23: {  	s9 =	sor.u32 $0xD0000000, s2;
	s6 =	simm.s32 $0x108;
	_ =	swait.ge @!p0 [sflag:s8], $0x0  }
0x24: {  	s3 =	sadd.s32 $0x88, s3;
	s6 =	simm.s32 @!p1 $0x1082;
	[sflag:s4] =	ssyncset.s32 $0xFFFFF086  }
0x25: {  	[simem:s6], [sflag:s4] =	dma.local [hbm:s3], $0xF7A  }
0x26: {  	[smem:$0x3F90] =	sst s1;
	(tag) =	ssettag s2;
	_ =	strace s9  }
0x27: {  	s1 =	sld [smem:$0x3FA0]  }
0x28: {  	s2 =	sld [smem:$0x3FA1]  }
0x29: {  	s4 =	sld [smem:$0x3FA3]  }
0x2a: {  	p0 =	seq.s32 s5, $0x0;
	s5 =	sld [smem:$0x3FA4]  }
0x2b: {  	s6 =	sld [smem:$0x3FA5]  }
0x2c: {  	s7 =	sld [smem:$0x3FA6]  }
0x2d: {  	s3 =	simm.s32 $0x108;
	s8 =	sld [smem:$0x3FA7]  }
0x2e: {  	s3 =	simm.s32 @!p0 $0x1082;
	s9 =	sld [smem:$0x3FA8]  }
0x2f: {  	lr =	sadd.s32 s0, s3;
	s0 =	sld [smem:$0x3F9F]  }
0x30: {  	s3 =	sld [smem:$0x3FA2]  }
0x31: {  	[smem:$0x3FAB] =	sst s10  }
0x32: {  	s10 =	sld [smem:$0x3FA9];
	_ =	sdelay $0x3  }
0x33: {  	p0 =	seq.s32 s10, $0x1;
	s10 =	sld [smem:$0x3FAB];
	_ =	sdelay $0x3  }
0x34: {  	[smem:$0x3FAB] =	sst s10  }
0x35: {  	s10 =	sld [smem:$0x3FAA];
	_ =	sdelay $0x3  }
0x36: {  	p1 =	seq.s32 s10, $0x1;
	s10 =	sld [smem:$0x3FAB];
	_ =	sdelay $0x3  }
0x37: {  	[smem:$0x3FAB] =	sst s10  }
0x38: {  	s10 =	sld [smem:$0x3FAC]  }
0x39: {  	_ = 	snop;
	(pc) =	sbr.ind lr, $3  }
0x3a: {  	_ = 	snop  }
0x3b: {  	_ = 	snop  }
0x3c: {  	p2 =	seq.s32 s10, $0x1;
	s10 =	sld [smem:$0x3FAB]  }
0x3d: {  	_ =	shalt  }
0x3e: {  	_ =	shalt  }
0x3f: {  	_ =	shalt  }
0x40: {  	_ =	shalt  }
0x41: {  	_ =	shalt  }
0x42: {  	_ =	shalt  }
0x43: {  	_ =	shalt  }
0x44: {  	_ =	shalt  }
0x45: {  	_ =	shalt  }
0x46: {  	_ =	shalt  }
0x47: {  	_ =	shalt  }
0x48: {  	_ =	shalt  }
0x49: {  	_ =	shalt  }
0x4a: {  	_ =	shalt  }
0x4b: {  	_ =	shalt  }
0x4c: {  	_ =	shalt  }
0x4d: {  	_ =	shalt  }
0x4e: {  	_ =	shalt  }
0x4f: {  	_ =	shalt  }
0x50: {  	_ =	shalt  }
0x51: {  	_ =	shalt  }
0x52: {  	_ =	shalt  }
0x53: {  	_ =	shalt  }
0x54: {  	_ =	shalt  }
0x55: {  	_ =	shalt  }
0x56: {  	_ =	shalt  }
0x57: {  	_ =	shalt  }
0x58: {  	_ =	shalt  }
0x59: {  	_ =	shalt  }
0x5a: {  	_ =	shalt  }
0x5b: {  	_ =	shalt  }
0x5c: {  	_ =	shalt  }
0x5d: {  	_ =	shalt  }
0x5e: {  	_ =	shalt  }
0x5f: {  	_ =	shalt  }
0x60: {  	_ =	shalt  }
0x61: {  	_ =	shalt  }
0x62: {  	_ =	shalt  }
0x63: {  	_ =	shalt  }
0x64: {  	_ =	shalt  }
0x65: {  	_ =	shalt  }
0x66: {  	_ =	shalt  }
0x67: {  	_ =	shalt  }
0x68: {  	_ =	shalt  }
0x69: {  	_ =	shalt  }
0x6a: {  	_ =	shalt  }
0x6b: {  	_ =	shalt  }
0x6c: {  	_ =	shalt  }
0x6d: {  	_ =	shalt  }
0x6e: {  	_ =	shalt  }
0x6f: {  	_ =	shalt  }
0x70: {  	_ =	shalt  }
0x71: {  	_ =	shalt  }
0x72: {  	_ =	shalt  }
0x73: {  	_ =	shalt  }
0x74: {  	_ =	shalt  }
0x75: {  	_ =	shalt  }
0x76: {  	_ =	shalt  }
0x77: {  	_ =	shalt  }
0x78: {  	_ =	shalt  }
0x79: {  	_ =	shalt  }
0x7a: {  	_ =	shalt  }
0x7b: {  	_ =	shalt  }
0x7c: {  	_ =	shalt  }
0x7d: {  	_ =	shalt  }
0x7e: {  	_ =	shalt  }
0x7f: {  	_ =	shalt  }
0x80: {  	_ =	shalt  }
0x81: {  	_ =	shalt  }
0x82: {  	_ =	shalt  }
0x83: {  	_ =	shalt  }
0x84: {  	_ =	shalt  }
0x85: {  	_ =	shalt  }
0x86: {  	_ =	shalt  }
0x87: {  	_ =	shalt  }
.Lfunc_end0:
.L_simem_size_0:
called_computation_lowered:
.L_overlay_start_0:
0x88: {  	s2 =	sld [smem:$0x3FD9]  }
0x89: {  	s3 =	sld [smem:$0x3FFE];
	_ =	sdelay $0x1  }
0x8a: {  	s1 =	srdreg.scid  }
0x8b: {  	s0 =	sand.u32 $0x1, s1  }
0x8c: {  	s17 =	sshll.u32 s0, $0xA;
	s2 =	sadd.s32 s3, s2  }
0x8d: {  	s2 =	sadd.s32 s2, s17  }
0x8e: {  	[smem:$0x3FB7] =	sst s2  }
0x8f: {  	_ = 	snop  }
0x90: {  	s2 =	sld [smem:$0x3FD0];
	(tm) =	ssettm $0x1  }
0x91: {  	s18 =	sld [smem:$0x3FFB];
	_ =	sdelay $0x3  }
0x92: {  	_ =	strace s18  }
0x93: {  	s3 =	sld [smem:$0x3FFC];
	_ =	sdelay $0x3  }
0x94: {  	_ =	strace s3  }
0x95: {  	s3 =	sld [smem:$0x3FFD];
	_ =	sdelay $0x3  }
0x96: {  	_ =	strace s3  }
0x97: {  	_ =	strace $0x8FFFFFFF  }
0x98: {  	s19 =	sld [smem:$0x3FDB];
	_ =	sdelay $0x1  }
0x99: {  	s4 =	simm.s32 $_scs_section_size  }
0x9a: {  	s5 =	simm.s32 $_size__tile_overlayer_lowered;
	s6 =	simm.s32 $_tile_overlayer_lowered  }
0x9b: {  	s22 =	simm.s32 $0x1BFF;
	s21 =	sshll.u32 s6, $0x1;
	s3 =	sadd.s32 s4, s19  }
0x9c: {  	s7 =	simm.s32 $0x0;
	s20 =	sshll.u32 s5, $0x1;
	s5 =	sadd.s32 s21, s3  }
0x9d: {  	[timem:s7], [sflag:s22] =	dma.local [hbm:s5], s20  }
0x9e: {  	_ =	swait.ge [sflag:s22], s20  }
0x9f: {  	s4 =	ssub.s32 $0x0, s20;
	[sflag:s22] =	ssyncset.done $0x0  }
0xa0: {  	[sflag:s22] =	ssyncadd.s32 s4;
	_ =	sdelay $0x1  }
0xa1: {  	s23 =	simm.s32 $0x1B8B  }
0xa2: {  	_ =	swait.ge [sflag:s23], $0x1  }
0xa3: {  	[sflag:s23] =	ssyncset.done $0x0  }
0xa4: {  	s25 =	simm.s32 $0x1B8E;
	s24 =	sld [smem:$0x3FFE];
	[sflag:s23] =	ssyncadd.s32 $0xFFFFFFFF  }
0xa5: {  	s26 =	simm.s32 $execute0_lowered;
	[smem:$0x3FD2] =	sst s25  }
0xa6: {  	s5 =	sshll.u32 s26, $0x1;
	_ =	strace $0x80000046;
	[dreg:$0x1] =	wrdreg $0xFFFFFFFF  }
0xa7: {  	s28 =	simm.s32 $_size_execute0_lowered;
	s3 =	sadd.s32 s3, s5;
	[dreg:$0x0] =	wrdreg $0x0  }
0xa8: {  	s5 =	sshll.u32 s28, $0x1;
	[dreg:$0x2] =	wrdreg s3  }
0xa9: {  	[dreg:$0x3] =	wrdreg s5  }
0xaa: {  	[dreg:$0x4] =	wrdreg $0xC0  }
0xab: {  	_ =	task [dreg:s7], $0x5FFFF  }
0xac: {  	[dreg:$0x1] =	wrdreg $0xFFFFFFFF  }
0xad: {  	[dreg:$0x0] =	wrdreg $0x60  }
0xae: {  	[dreg:$0x2] =	wrdreg s2  }
0xaf: {  	[dreg:$0x3] =	wrdreg s24  }
0xb0: {  	[dreg:$0x4] =	wrdreg $0x9  }
0xb1: {  	_ =	task.clear_ibuf [dreg:s7], $0x5FFFF;
	_ =	strace $0x90000046  }
0xb2: {  	s29 =	simm.s32 $0x9;
	_ =	strace $0x80000048  }
0xb3: {  	_ =	swait.ge [sflag:s29], $0x1  }
0xb4: {  	[sflag:s29] =	ssyncadd.s32 $0xFFFFFFFF  }
0xb5: {  	_ =	strace $0x90000048  }
0xb6: {  	_ =	sfence  }
0xb7: {  	s30 =	sld [smem:$0x0];
	_ =	sdelay $0x2  }
0xb8: {  	s31 =	sshll.u32 s1, $0xD;
	s1 =	sshrl.u32 s1, $0x2  }
0xb9: {  	s3 =	sand.u32 $0x4000, s31;
	s1 =	sadd.s32 s1, s30  }
0xba: {  	s0 =	sor.u32 s3, s0;
	s1 =	sshll.u32 s1, $0x11  }
0xbb: {  	s0 =	sor.u32 s1, s0  }
0xbc: {  	s0 =	sadd.s32 $0x8F2B, s0  }
0xbd: {  	[sflag:s0] =	ssyncadd.remote.s32 $0x1  }
0xbe: {  	_ =	sfence.sel $0xFFFF  }
0xbf: {  	[dreg:$0x0] =	wrdreg $0xFFFFFFFF;
	(pc) =	sbr.abs _section_cstart, $3  }
0xc0: {  	[dreg:$0x1] =	wrdreg $0xFFFFFFFF  }
0xc1: {  	_ =	task.clear_ibuf [dreg:s7], $0x2FFFF;
	_ =	strace $0x9FFFFFFF  }
0xc2: {  	(tm) =	ssettm $0x7FFFFFFF  }
0xc3: {  	_ =	shalt  }
tec
execute0_lowered:
.L_overlay_start_1:
0x0: {  	(tag) =	ssettag $0x1  }
0x1: {  	s1 =	rddreg [dreg:$0x0]  }
0x2: {  	s0 =	rddreg [dreg:$0x1];
	s2 =	simm.s32 $0x0  }
0x3: {  	s7 =	srdreg.scid;
	s9 =	stileid.u32;
	v0 =	vlaneseq.u32;
	s12 =	simm.s32 $0x80  }
0x4: {  	s13 =	simm.s32 $0x400;
	s28 =	simm.s32 $0xC00;
	s15 =	simm.s32 $0x3;
	v0 =	vmul.u32 $0x10, v0  }
0x5: {  	s25 =	simm.s32 $0x2400;
	s20 =	simm.s32 $0x2700;
	s21 =	simm.s32 $0x2780  }
0x6: {  	s22 =	simm.s32 $0x2800;
	s23 =	simm.s32 $0x2880;
	s24 =	simm.s32 $0x2900;
	v1 =	vor.u32 $0x1, v0;
	v2 =	vor.u32 $0x2, v0  }
0x7: {  	s26 =	simm.s32 $0x2980;
	s29 =	simm.s32 $0x5;
	s30 =	simm.s32 $0x180;
	v3 =	vor.u32 $0x100, v0;
	v4 =	vor.u32 $0x101, v0;
	v5 =	vor.u32 $0x102, v0  }
0x8: {  	s14 =	simm.s32 $0x4;
	s31 =	simm.s32 $0x100;
	[smem:$0x7FF] =	sst s2;
	v6 =	vor.u32 $0x200, v0;
	v7 =	vor.u32 $0x201, v0;
	v8 =	vor.u32 $0x202, v0  }
0x9: {  	s3 =	sadd.s32 $0x4600, s0;
	_ =	strace $0x80000047;
	[dreg:$0x4] =	wrdreg s20;
	v9 =	vor.u32 $0x300, v0;
	v10 =	vor.u32 $0x301, v0;
	v11 =	vor.u32 $0x302, v0  }
0xa: {  	s4 =	sadd.s32 $0x35400, s0;
	s5 =	sadd.s32 $0x3C400, s0;
	[dreg:$0x5] =	wrdreg s21;
	v12 =	vor.u32 $0x400, v0;
	v13 =	vor.u32 $0x401, v0;
	v14 =	vor.u32 $0x402, v0  }
0xb: {  	s6 =	sadd.s32 $0x11C400, s0;
	s7 =	sand.u32 $0x1, s7;
	[dreg:$0x6] =	wrdreg s22;
	v15 =	vor.u32 $0x500, v0;
	v16 =	vor.u32 $0x501, v0;
	v17 =	vor.u32 $0x502, v0  }
0xc: {  	s9 =	sshll.u32 s9, $0x7;
	s8 =	ssub.s32 $0x2, s7;
	[dreg:$0x7] =	wrdreg s23;
	v18 =	vor.u32 $0x600, v0;
	v19 =	vor.u32 $0x601, v0;
	v20 =	vor.u32 $0x602, v0  }
0xd: {  	s10 =	sshll.u32 s7, $0x6;
	s7 =	sadd.s32 $0x1FC400, s0;
	[dreg:$0x8] =	wrdreg s24;
	v21 =	vor.u32 $0x700, v0;
	v22 =	vor.u32 $0x701, v0;
	v23 =	vor.u32 $0x702, v0  }
0xe: {  	[dreg:$0x9] =	wrdreg s26;
	s26 =	simm.s32 $0x100;
	s21 =	simm.s32 $0x8;
	v24 =	vor.u32 $0x800, v0;
	v25 =	vor.u32 $0x801, v0;
	v26 =	vor.u32 $0x802, v0  }
0xf: {  	s24 =	simm.s32 $0x16A00;
	s17 =	sshrl.u32 s8, $0x1;
	s11 =	sor.u32 s10, s9;
	v27 =	vor.u32 $0x900, v0;
	v28 =	vor.u32 $0x901, v0;
	v29 =	vor.u32 $0x902, v0  }
0x10: {  	v30 =	vor.u32 $0xA00, v0;
	v31 =	vor.u32 $0xA01, v0;
	v32 =	vor.u32 $0xA02, v0;
	s0 =	ssub.s32 s8, s17;
	s18 =	sadd.s32 s4, s11;
	s4 =	sadd.s32 s9, s4  }
0x11: {  	v33 =	vor.u32 $0xB00, v0;
	v34 =	vor.u32 $0xB01, v0;
	v35 =	vor.u32 $0xB02, v0;
	s11 =	simm.s32 $0x1;
	[dreg:$0xa] =	wrdreg s18;
	s8 =	sadd.s32 $0x800, s18  }
0x12: {  	v36 =	vor.u32 $0xC00, v0;
	v37 =	vor.u32 $0xC01, v0;
	v38 =	vor.u32 $0xC02, v0;
	s9 =	simm.s32 $0x1400;
	s0 =	smax.u32 s0, $0x1;
	[dreg:$0xb] =	wrdreg s8  }
0x13: {  	v39 =	vor.u32 $0xD00, v0;
	v40 =	vor.u32 $0xD01, v0;
	v41 =	vor.u32 $0xD02, v0;
	s17 =	simm.s32 $0x300;
	s19 =	sadd.s32 s10, s4;
	[dreg:$0xc] =	wrdreg s0  }
0x14: {  	v42 =	vor.u32 $0xE00, v0;
	v43 =	vor.u32 $0xE01, v0;
	v44 =	vor.u32 $0xE02, v0;
	s4 =	simm.s32 $0x2;
	s10 =	simm.s32 $0x7;
	[dreg:$0x3] =	wrdreg s19  }
0x15: {  	v45 =	vor.u32 $0xF00, v0;
	v46 =	vor.u32 $0xF01, v0;
	v47 =	vor.u32 $0xF02, v0;
	s8 =	simm.s32 $0x6;
	s19 =	simm.s32 $0x380;
	s0 =	simm.s32 $0x0  }
.LBB2_1:
0x16: {  	[dreg:$0xd] =	wrdreg s0  }
0x17: {  	s23 =	rddreg [dreg:$0xa]  }
0x18: {  	[tilespmem:s2], [sflag:$0x1] =	stream.linear.gather [hbm4b:s23+s2], $0x200, $0x38;
	[tilespmem:$0x1AA00] =	vst v63  }
0x19: {  	_ =	swait.ge [sflag:s11], $0x200  }
0x1a: {  	[sflag:s11] =	ssyncset.done $0x0  }
0x1b: {  	[sflag:s11] =	ssyncadd.s32 $0xFFFFFE00  }
0x1c: {  	[tilespmem:s13], [sflag:$0x3] =	stream.indirect.gather [hbm4b:s3+s12], $0x10, s2, s12, $0xb8;
	[tilespmem:$0x1AA00] =	vst v63  }
0x1d: {  	_ = 	snop  }
0x1e: {  	[tilespmem:s28], [sflag:$0x3] =	stream.indirect.gather [hbm4b:s3+s12], $0x10, s12, s12, $0xb8;
	[tilespmem:$0x1AA00] =	vst v63  }
0x1f: {  	_ =	swait.ge [sflag:s15], $0x800  }
0x20: {  	[sflag:s15] =	ssyncset.done $0x0  }
0x21: {  	[sflag:s15] =	ssyncadd.s32 $0xFFFFF800  }
0x22: {  	_ =	swait.ge [sflag:s15], $0x800  }
0x23: {  	[sflag:s15] =	ssyncset.done $0x0  }
0x24: {  	[sflag:s15] =	ssyncadd.s32 $0xFFFFF800  }
0x25: {  	v48 =	vld.idx.msk [tilespmem:v0+s13+$0x0], $0xffff;
	_ =	sdelay $0x4  }
0x26: {  	[tilespmem:$0x2400] =	vst v48  }
0x27: {  	v48 =	vld.idx.msk [tilespmem:v1+s13+$0x0], $0xffff;
	_ =	sdelay $0x4  }
0x28: {  	[tilespmem:$0x2500] =	vst v48  }
0x29: {  	v48 =	vld.idx.msk [tilespmem:v2+s13+$0x0], $0xffff;
	_ =	sdelay $0x4  }
0x2a: {  	[tilespmem:$0x2600] =	vst v48  }
0x2b: {  	v48 =	vld.idx.msk [tilespmem:v3+s13+$0x0], $0xffff;
	_ =	sdelay $0x4  }
0x2c: {  	[tilespmem:$0x2410] =	vst v48  }
0x2d: {  	v48 =	vld.idx.msk [tilespmem:v4+s13+$0x0], $0xffff;
	_ =	sdelay $0x4  }
0x2e: {  	[tilespmem:$0x2510] =	vst v48  }
0x2f: {  	v48 =	vld.idx.msk [tilespmem:v5+s13+$0x0], $0xffff;
	_ =	sdelay $0x4  }
0x30: {  	[tilespmem:$0x2610] =	vst v48  }
0x31: {  	v48 =	vld.idx.msk [tilespmem:v6+s13+$0x0], $0xffff;
	_ =	sdelay $0x4  }
0x32: {  	[tilespmem:$0x2420] =	vst v48  }
0x33: {  	v48 =	vld.idx.msk [tilespmem:v7+s13+$0x0], $0xffff;
	_ =	sdelay $0x4  }
0x34: {  	[tilespmem:$0x2520] =	vst v48  }
0x35: {  	v48 =	vld.idx.msk [tilespmem:v8+s13+$0x0], $0xffff;
	_ =	sdelay $0x4  }
0x36: {  	[tilespmem:$0x2620] =	vst v48  }
0x37: {  	v48 =	vld.idx.msk [tilespmem:v9+s13+$0x0], $0xffff;
	_ =	sdelay $0x4  }
0x38: {  	[tilespmem:$0x2430] =	vst v48  }
0x39: {  	v48 =	vld.idx.msk [tilespmem:v10+s13+$0x0], $0xffff;
	_ =	sdelay $0x4  }
0x3a: {  	[tilespmem:$0x2530] =	vst v48  }
0x3b: {  	v48 =	vld.idx.msk [tilespmem:v11+s13+$0x0], $0xffff;
	_ =	sdelay $0x4  }
0x3c: {  	[tilespmem:$0x2630] =	vst v48  }
0x3d: {  	v48 =	vld.idx.msk [tilespmem:v12+s13+$0x0], $0xffff;
	_ =	sdelay $0x4  }
0x3e: {  	[tilespmem:$0x2440] =	vst v48  }
0x3f: {  	v48 =	vld.idx.msk [tilespmem:v13+s13+$0x0], $0xffff;
	_ =	sdelay $0x4  }
0x40: {  	[tilespmem:$0x2540] =	vst v48  }
0x41: {  	v48 =	vld.idx.msk [tilespmem:v14+s13+$0x0], $0xffff;
	_ =	sdelay $0x4  }
0x42: {  	[tilespmem:$0x2640] =	vst v48  }
0x43: {  	v48 =	vld.idx.msk [tilespmem:v15+s13+$0x0], $0xffff;
	_ =	sdelay $0x4  }
0x44: {  	[tilespmem:$0x2450] =	vst v48  }
0x45: {  	v48 =	vld.idx.msk [tilespmem:v16+s13+$0x0], $0xffff;
	_ =	sdelay $0x4  }
0x46: {  	[tilespmem:$0x2550] =	vst v48  }
0x47: {  	v48 =	vld.idx.msk [tilespmem:v17+s13+$0x0], $0xffff;
	_ =	sdelay $0x4  }
0x48: {  	[tilespmem:$0x2650] =	vst v48  }
0x49: {  	v48 =	vld.idx.msk [tilespmem:v18+s13+$0x0], $0xffff;
	_ =	sdelay $0x4  }
0x4a: {  	[tilespmem:$0x2460] =	vst v48  }
0x4b: {  	v48 =	vld.idx.msk [tilespmem:v19+s13+$0x0], $0xffff;
	_ =	sdelay $0x4  }
0x4c: {  	[tilespmem:$0x2560] =	vst v48  }
0x4d: {  	v48 =	vld.idx.msk [tilespmem:v20+s13+$0x0], $0xffff;
	_ =	sdelay $0x4  }
0x4e: {  	[tilespmem:$0x2660] =	vst v48  }
0x4f: {  	v48 =	vld.idx.msk [tilespmem:v21+s13+$0x0], $0xffff;
	_ =	sdelay $0x4  }
0x50: {  	[tilespmem:$0x2470] =	vst v48  }
0x51: {  	v48 =	vld.idx.msk [tilespmem:v22+s13+$0x0], $0xffff;
	_ =	sdelay $0x4  }
0x52: {  	[tilespmem:$0x2570] =	vst v48  }
0x53: {  	v48 =	vld.idx.msk [tilespmem:v23+s13+$0x0], $0xffff;
	_ =	sdelay $0x4  }
0x54: {  	[tilespmem:$0x2670] =	vst v48  }
0x55: {  	v48 =	vld.idx.msk [tilespmem:v24+s13+$0x0], $0xffff;
	_ =	sdelay $0x4  }
0x56: {  	[tilespmem:$0x2480] =	vst v48  }
0x57: {  	v48 =	vld.idx.msk [tilespmem:v25+s13+$0x0], $0xffff;
	_ =	sdelay $0x4  }
0x58: {  	[tilespmem:$0x2580] =	vst v48  }
0x59: {  	v48 =	vld.idx.msk [tilespmem:v26+s13+$0x0], $0xffff;
	_ =	sdelay $0x4  }
0x5a: {  	[tilespmem:$0x2680] =	vst v48  }
0x5b: {  	v48 =	vld.idx.msk [tilespmem:v27+s13+$0x0], $0xffff;
	_ =	sdelay $0x4  }
0x5c: {  	[tilespmem:$0x2490] =	vst v48  }
0x5d: {  	v48 =	vld.idx.msk [tilespmem:v28+s13+$0x0], $0xffff;
	_ =	sdelay $0x4  }
0x5e: {  	[tilespmem:$0x2590] =	vst v48  }
0x5f: {  	v48 =	vld.idx.msk [tilespmem:v29+s13+$0x0], $0xffff;
	_ =	sdelay $0x4  }
0x60: {  	[tilespmem:$0x2690] =	vst v48  }
0x61: {  	v48 =	vld.idx.msk [tilespmem:v30+s13+$0x0], $0xffff;
	_ =	sdelay $0x4  }
0x62: {  	[tilespmem:$0x24A0] =	vst v48  }
0x63: {  	v48 =	vld.idx.msk [tilespmem:v31+s13+$0x0], $0xffff;
	_ =	sdelay $0x4  }
0x64: {  	[tilespmem:$0x25A0] =	vst v48  }
0x65: {  	v48 =	vld.idx.msk [tilespmem:v32+s13+$0x0], $0xffff;
	_ =	sdelay $0x4  }
0x66: {  	[tilespmem:$0x26A0] =	vst v48  }
0x67: {  	v48 =	vld.idx.msk [tilespmem:v33+s13+$0x0], $0xffff;
	_ =	sdelay $0x4  }
0x68: {  	[tilespmem:$0x24B0] =	vst v48  }
0x69: {  	v48 =	vld.idx.msk [tilespmem:v34+s13+$0x0], $0xffff;
	_ =	sdelay $0x4  }
0x6a: {  	[tilespmem:$0x25B0] =	vst v48  }
0x6b: {  	v48 =	vld.idx.msk [tilespmem:v35+s13+$0x0], $0xffff;
	_ =	sdelay $0x4  }
0x6c: {  	[tilespmem:$0x26B0] =	vst v48  }
0x6d: {  	v48 =	vld.idx.msk [tilespmem:v36+s13+$0x0], $0xffff;
	_ =	sdelay $0x4  }
0x6e: {  	[tilespmem:$0x24C0] =	vst v48  }
0x6f: {  	v48 =	vld.idx.msk [tilespmem:v37+s13+$0x0], $0xffff;
	_ =	sdelay $0x4  }
0x70: {  	[tilespmem:$0x25C0] =	vst v48  }
0x71: {  	v48 =	vld.idx.msk [tilespmem:v38+s13+$0x0], $0xffff;
	_ =	sdelay $0x4  }
0x72: {  	[tilespmem:$0x26C0] =	vst v48  }
0x73: {  	v48 =	vld.idx.msk [tilespmem:v39+s13+$0x0], $0xffff;
	_ =	sdelay $0x4  }
0x74: {  	[tilespmem:$0x24D0] =	vst v48  }
0x75: {  	v48 =	vld.idx.msk [tilespmem:v40+s13+$0x0], $0xffff;
	_ =	sdelay $0x4  }
0x76: {  	[tilespmem:$0x25D0] =	vst v48  }
0x77: {  	v48 =	vld.idx.msk [tilespmem:v41+s13+$0x0], $0xffff;
	_ =	sdelay $0x4  }
0x78: {  	[tilespmem:$0x26D0] =	vst v48  }
0x79: {  	v48 =	vld.idx.msk [tilespmem:v42+s13+$0x0], $0xffff;
	_ =	sdelay $0x4  }
0x7a: {  	[tilespmem:$0x24E0] =	vst v48  }
0x7b: {  	v48 =	vld.idx.msk [tilespmem:v43+s13+$0x0], $0xffff;
	_ =	sdelay $0x4  }
0x7c: {  	[tilespmem:$0x25E0] =	vst v48  }
0x7d: {  	v48 =	vld.idx.msk [tilespmem:v44+s13+$0x0], $0xffff;
	_ =	sdelay $0x4  }
0x7e: {  	[tilespmem:$0x26E0] =	vst v48  }
0x7f: {  	v48 =	vld.idx.msk [tilespmem:v45+s13+$0x0], $0xffff;
	_ =	sdelay $0x4  }
0x80: {  	[tilespmem:$0x24F0] =	vst v48  }
0x81: {  	v48 =	vld.idx.msk [tilespmem:v46+s13+$0x0], $0xffff;
	_ =	sdelay $0x4  }
0x82: {  	[tilespmem:$0x25F0] =	vst v48  }
0x83: {  	v48 =	vld.idx.msk [tilespmem:v47+s13+$0x0], $0xffff;
	_ =	sdelay $0x4  }
0x84: {  	s0 =	simm.s32 $0x2A00;
	[tilespmem:$0x26F0] =	vst v48  }
0x85: {  	[tilespmem:s0], [sflag:$0x5] =	stream.indirect.gather [hbm4b:s1+s12], $0x40, s25, s12, $0xb8;
	[tilespmem:$0x1AA00] =	vst v63  }
0x86: {  	s18 =	simm.s32 $0x2480;
	s16 =	simm.s32 $0x4A00  }
0x87: {  	[tilespmem:s16], [sflag:$0x5] =	stream.indirect.gather [hbm4b:s1+s12], $0x40, s18, s12, $0xb8;
	[tilespmem:$0x1AA00] =	vst v63  }
0x88: {  	s20 =	simm.s32 $0x2500;
	s18 =	simm.s32 $0x6A00  }
0x89: {  	[tilespmem:s18], [sflag:$0x5] =	stream.indirect.gather [hbm4b:s1+s12], $0x40, s20, s12, $0xb8;
	[tilespmem:$0x1AA00] =	vst v63  }
0x8a: {  	s22 =	simm.s32 $0x2580;
	s20 =	simm.s32 $0x8A00  }
0x8b: {  	[tilespmem:s20], [sflag:$0x5] =	stream.indirect.gather [hbm4b:s1+s12], $0x40, s22, s12, $0xb8;
	[tilespmem:$0x1AA00] =	vst v63  }
0x8c: {  	s23 =	simm.s32 $0x2600;
	s22 =	simm.s32 $0xAA00  }
0x8d: {  	[tilespmem:s22], [sflag:$0x5] =	stream.indirect.gather [hbm4b:s1+s12], $0x40, s23, s12, $0xb8;
	[tilespmem:$0x1AA00] =	vst v63  }
0x8e: {  	s28 =	simm.s32 $0xCA00;
	s25 =	simm.s32 $0x2680  }
0x8f: {  	[tilespmem:s28], [sflag:$0x5] =	stream.indirect.gather [hbm4b:s1+s12], $0x40, s25, s12, $0xb8;
	[tilespmem:$0x1AA00] =	vst v63  }
0x90: {  	_ =	swait.ge [sflag:s29], $0x2000  }
0x91: {  	[sflag:s29] =	ssyncset.done $0x0  }
0x92: {  	[sflag:s29] =	ssyncadd.s32 $0xFFFFE000  }
0x93: {  	_ =	swait.ge [sflag:s29], $0x2000  }
0x94: {  	[sflag:s29] =	ssyncset.done $0x0  }
0x95: {  	[sflag:s29] =	ssyncadd.s32 $0xFFFFE000  }
0x96: {  	_ =	swait.ge [sflag:s29], $0x2000  }
0x97: {  	[sflag:s29] =	ssyncset.done $0x0  }
0x98: {  	[sflag:s29] =	ssyncadd.s32 $0xFFFFE000  }
0x99: {  	_ =	swait.ge [sflag:s29], $0x2000  }
0x9a: {  	[sflag:s29] =	ssyncset.done $0x0  }
0x9b: {  	[sflag:s29] =	ssyncadd.s32 $0xFFFFE000  }
0x9c: {  	_ =	swait.ge [sflag:s29], $0x2000  }
0x9d: {  	[sflag:s29] =	ssyncset.done $0x0  }
0x9e: {  	[sflag:s29] =	ssyncadd.s32 $0xFFFFE000  }
0x9f: {  	_ =	swait.ge [sflag:s29], $0x2000  }
0xa0: {  	[sflag:s29] =	ssyncset.done $0x0  }
0xa1: {  	[sflag:s29] =	ssyncadd.s32 $0xFFFFE000  }
0xa2: {  	[hbm4b:s5+s12] =	stream.indirect.scatter [tilespmem:s0], [sflag:$0x7], $0x40, s26, s12, $0xb8;
	[tilespmem:$0x1AA00] =	vst v63  }
0xa3: {  	_ = 	snop  }
0xa4: {  	[hbm4b:s5+s12] =	stream.indirect.scatter [tilespmem:s16], [sflag:$0x7], $0x40, s30, s12, $0xb8;
	[tilespmem:$0x1AA00] =	vst v63  }
0xa5: {  	_ = 	snop  }
0xa6: {  	[hbm4b:s6+s12] =	stream.indirect.scatter [tilespmem:s18], [sflag:$0x7], $0x40, s26, s12, $0xb8;
	[tilespmem:$0x1AA00] =	vst v63  }
0xa7: {  	_ = 	snop  }
0xa8: {  	[hbm4b:s6+s12] =	stream.indirect.scatter [tilespmem:s20], [sflag:$0x7], $0x40, s30, s12, $0xb8;
	[tilespmem:$0x1AA00] =	vst v63  }
0xa9: {  	_ = 	snop  }
0xaa: {  	[hbm4b:s7+s12] =	stream.indirect.scatter [tilespmem:s22], [sflag:$0x7], $0x40, s26, s12, $0xb8;
	[tilespmem:$0x1AA00] =	vst v63  }
0xab: {  	_ = 	snop  }
0xac: {  	[hbm4b:s7+s12] =	stream.indirect.scatter [tilespmem:s28], [sflag:$0x7], $0x40, s30, s12, $0xb8;
	[tilespmem:$0x1AA00] =	vst v63  }
0xad: {  	s25 =	rddreg [dreg:$0xb];
	s26 =	simm.s32 $0x200  }
0xae: {  	[tilespmem:s26], [sflag:$0x2] =	stream.linear.gather [hbm4b:s25+s2], $0x200, $0x38;
	[tilespmem:$0x1AA00] =	vst v63  }
0xaf: {  	_ =	swait.ge [sflag:s4], $0x200  }
0xb0: {  	[sflag:s4] =	ssyncset.done $0x0  }
0xb1: {  	[sflag:s4] =	ssyncadd.s32 $0xFFFFFE00  }
0xb2: {  	[tilespmem:s9], [sflag:$0x4] =	stream.indirect.gather [hbm4b:s3+s12], $0x10, s26, s12, $0xb8;
	[tilespmem:$0x1AA00] =	vst v63  }
0xb3: {  	s28 =	simm.s32 $0x280;
	s30 =	simm.s32 $0x1C00  }
0xb4: {  	[tilespmem:s30], [sflag:$0x4] =	stream.indirect.gather [hbm4b:s3+s12], $0x10, s28, s12, $0xb8;
	[tilespmem:$0x1AA00] =	vst v63  }
0xb5: {  	_ =	swait.ge [sflag:s14], $0x800  }
0xb6: {  	[sflag:s14] =	ssyncset.done $0x0  }
0xb7: {  	[sflag:s14] =	ssyncadd.s32 $0xFFFFF800  }
0xb8: {  	_ =	swait.ge [sflag:s14], $0x800  }
0xb9: {  	[sflag:s14] =	ssyncset.done $0x0  }
0xba: {  	[sflag:s14] =	ssyncadd.s32 $0xFFFFF800  }
0xbb: {  	v63 =	vld.idx.msk [tilespmem:v0+s9+$0x0], $0xffff;
	_ =	sdelay $0x4  }
0xbc: {  	[tilespmem:$0x2700] =	vst v63  }
0xbd: {  	v48 =	vld.idx.msk [tilespmem:v1+s9+$0x0], $0xffff;
	_ =	sdelay $0x4  }
0xbe: {  	[tilespmem:$0x2800] =	vst v48  }
0xbf: {  	v48 =	vld.idx.msk [tilespmem:v2+s9+$0x0], $0xffff;
	_ =	sdelay $0x4  }
0xc0: {  	[tilespmem:$0x2900] =	vst v48  }
0xc1: {  	v48 =	vld.idx.msk [tilespmem:v3+s9+$0x0], $0xffff;
	_ =	sdelay $0x4  }
0xc2: {  	[tilespmem:$0x2710] =	vst v48  }
0xc3: {  	v48 =	vld.idx.msk [tilespmem:v4+s9+$0x0], $0xffff;
	_ =	sdelay $0x4  }
0xc4: {  	[tilespmem:$0x2810] =	vst v48  }
0xc5: {  	v48 =	vld.idx.msk [tilespmem:v5+s9+$0x0], $0xffff;
	_ =	sdelay $0x4  }
0xc6: {  	[tilespmem:$0x2910] =	vst v48  }
0xc7: {  	v48 =	vld.idx.msk [tilespmem:v6+s9+$0x0], $0xffff;
	_ =	sdelay $0x4  }
0xc8: {  	[tilespmem:$0x2720] =	vst v48  }
0xc9: {  	v48 =	vld.idx.msk [tilespmem:v7+s9+$0x0], $0xffff;
	_ =	sdelay $0x4  }
0xca: {  	[tilespmem:$0x2820] =	vst v48  }
0xcb: {  	v48 =	vld.idx.msk [tilespmem:v8+s9+$0x0], $0xffff;
	_ =	sdelay $0x4  }
0xcc: {  	[tilespmem:$0x2920] =	vst v48  }
0xcd: {  	v48 =	vld.idx.msk [tilespmem:v9+s9+$0x0], $0xffff;
	_ =	sdelay $0x4  }
0xce: {  	[tilespmem:$0x2730] =	vst v48  }
0xcf: {  	v48 =	vld.idx.msk [tilespmem:v10+s9+$0x0], $0xffff;
	_ =	sdelay $0x4  }
0xd0: {  	[tilespmem:$0x2830] =	vst v48  }
0xd1: {  	v48 =	vld.idx.msk [tilespmem:v11+s9+$0x0], $0xffff;
	_ =	sdelay $0x4  }
0xd2: {  	[tilespmem:$0x2930] =	vst v48  }
0xd3: {  	v48 =	vld.idx.msk [tilespmem:v12+s9+$0x0], $0xffff;
	_ =	sdelay $0x4  }
0xd4: {  	[tilespmem:$0x2740] =	vst v48  }
0xd5: {  	v48 =	vld.idx.msk [tilespmem:v13+s9+$0x0], $0xffff;
	_ =	sdelay $0x4  }
0xd6: {  	[tilespmem:$0x2840] =	vst v48  }
0xd7: {  	v48 =	vld.idx.msk [tilespmem:v14+s9+$0x0], $0xffff;
	_ =	sdelay $0x4  }
0xd8: {  	[tilespmem:$0x2940] =	vst v48  }
0xd9: {  	v48 =	vld.idx.msk [tilespmem:v15+s9+$0x0], $0xffff;
	_ =	sdelay $0x4  }
0xda: {  	[tilespmem:$0x2750] =	vst v48  }
0xdb: {  	v48 =	vld.idx.msk [tilespmem:v16+s9+$0x0], $0xffff;
	_ =	sdelay $0x4  }
0xdc: {  	[tilespmem:$0x2850] =	vst v48  }
0xdd: {  	v48 =	vld.idx.msk [tilespmem:v17+s9+$0x0], $0xffff;
	_ =	sdelay $0x4  }
0xde: {  	[tilespmem:$0x2950] =	vst v48  }
0xdf: {  	v48 =	vld.idx.msk [tilespmem:v18+s9+$0x0], $0xffff;
	_ =	sdelay $0x4  }
0xe0: {  	[tilespmem:$0x2760] =	vst v48  }
0xe1: {  	v48 =	vld.idx.msk [tilespmem:v19+s9+$0x0], $0xffff;
	_ =	sdelay $0x4  }
0xe2: {  	[tilespmem:$0x2860] =	vst v48  }
0xe3: {  	v48 =	vld.idx.msk [tilespmem:v20+s9+$0x0], $0xffff;
	_ =	sdelay $0x4  }
0xe4: {  	[tilespmem:$0x2960] =	vst v48  }
0xe5: {  	v48 =	vld.idx.msk [tilespmem:v21+s9+$0x0], $0xffff;
	_ =	sdelay $0x4  }
0xe6: {  	[tilespmem:$0x2770] =	vst v48  }
0xe7: {  	v48 =	vld.idx.msk [tilespmem:v22+s9+$0x0], $0xffff;
	_ =	sdelay $0x4  }
0xe8: {  	[tilespmem:$0x2870] =	vst v48  }
0xe9: {  	v48 =	vld.idx.msk [tilespmem:v23+s9+$0x0], $0xffff;
	_ =	sdelay $0x4  }
0xea: {  	[tilespmem:$0x2970] =	vst v48  }
0xeb: {  	v48 =	vld.idx.msk [tilespmem:v24+s9+$0x0], $0xffff;
	_ =	sdelay $0x4  }
0xec: {  	[tilespmem:$0x2780] =	vst v48  }
0xed: {  	v48 =	vld.idx.msk [tilespmem:v25+s9+$0x0], $0xffff;
	_ =	sdelay $0x4  }
0xee: {  	[tilespmem:$0x2880] =	vst v48  }
0xef: {  	v48 =	vld.idx.msk [tilespmem:v26+s9+$0x0], $0xffff;
	_ =	sdelay $0x4  }
0xf0: {  	[tilespmem:$0x2980] =	vst v48  }
0xf1: {  	v48 =	vld.idx.msk [tilespmem:v27+s9+$0x0], $0xffff;
	_ =	sdelay $0x4  }
0xf2: {  	[tilespmem:$0x2790] =	vst v48  }
0xf3: {  	v48 =	vld.idx.msk [tilespmem:v28+s9+$0x0], $0xffff;
	_ =	sdelay $0x4  }
0xf4: {  	[tilespmem:$0x2890] =	vst v48  }
0xf5: {  	v48 =	vld.idx.msk [tilespmem:v29+s9+$0x0], $0xffff;
	_ =	sdelay $0x4  }
0xf6: {  	[tilespmem:$0x2990] =	vst v48  }
0xf7: {  	v48 =	vld.idx.msk [tilespmem:v30+s9+$0x0], $0xffff;
	_ =	sdelay $0x4  }
0xf8: {  	[tilespmem:$0x27A0] =	vst v48  }
0xf9: {  	v48 =	vld.idx.msk [tilespmem:v31+s9+$0x0], $0xffff;
	_ =	sdelay $0x4  }
0xfa: {  	[tilespmem:$0x28A0] =	vst v48  }
0xfb: {  	v48 =	vld.idx.msk [tilespmem:v32+s9+$0x0], $0xffff;
	_ =	sdelay $0x4  }
0xfc: {  	[tilespmem:$0x29A0] =	vst v48  }
0xfd: {  	v48 =	vld.idx.msk [tilespmem:v33+s9+$0x0], $0xffff;
	_ =	sdelay $0x4  }
0xfe: {  	[tilespmem:$0x27B0] =	vst v48  }
0xff: {  	v48 =	vld.idx.msk [tilespmem:v34+s9+$0x0], $0xffff;
	_ =	sdelay $0x4  }
0x100: {  	[tilespmem:$0x28B0] =	vst v48  }
0x101: {  	v48 =	vld.idx.msk [tilespmem:v35+s9+$0x0], $0xffff;
	_ =	sdelay $0x4  }
0x102: {  	[tilespmem:$0x29B0] =	vst v48  }
0x103: {  	v48 =	vld.idx.msk [tilespmem:v36+s9+$0x0], $0xffff;
	_ =	sdelay $0x4  }
0x104: {  	[tilespmem:$0x27C0] =	vst v48  }
0x105: {  	v48 =	vld.idx.msk [tilespmem:v37+s9+$0x0], $0xffff;
	_ =	sdelay $0x4  }
0x106: {  	[tilespmem:$0x28C0] =	vst v48  }
0x107: {  	v48 =	vld.idx.msk [tilespmem:v38+s9+$0x0], $0xffff;
	_ =	sdelay $0x4  }
0x108: {  	[tilespmem:$0x29C0] =	vst v48  }
0x109: {  	v48 =	vld.idx.msk [tilespmem:v39+s9+$0x0], $0xffff;
	_ =	sdelay $0x4  }
0x10a: {  	[tilespmem:$0x27D0] =	vst v48  }
0x10b: {  	v48 =	vld.idx.msk [tilespmem:v40+s9+$0x0], $0xffff;
	_ =	sdelay $0x4  }
0x10c: {  	[tilespmem:$0x28D0] =	vst v48  }
0x10d: {  	v48 =	vld.idx.msk [tilespmem:v41+s9+$0x0], $0xffff;
	_ =	sdelay $0x4  }
0x10e: {  	[tilespmem:$0x29D0] =	vst v48  }
0x10f: {  	v48 =	vld.idx.msk [tilespmem:v42+s9+$0x0], $0xffff;
	_ =	sdelay $0x4  }
0x110: {  	[tilespmem:$0x27E0] =	vst v48  }
0x111: {  	v48 =	vld.idx.msk [tilespmem:v43+s9+$0x0], $0xffff;
	_ =	sdelay $0x4  }
0x112: {  	[tilespmem:$0x28E0] =	vst v48  }
0x113: {  	v48 =	vld.idx.msk [tilespmem:v44+s9+$0x0], $0xffff;
	_ =	sdelay $0x4  }
0x114: {  	[tilespmem:$0x29E0] =	vst v48  }
0x115: {  	v48 =	vld.idx.msk [tilespmem:v45+s9+$0x0], $0xffff;
	_ =	sdelay $0x4  }
0x116: {  	[tilespmem:$0x27F0] =	vst v48  }
0x117: {  	v48 =	vld.idx.msk [tilespmem:v46+s9+$0x0], $0xffff;
	_ =	sdelay $0x4  }
0x118: {  	[tilespmem:$0x28F0] =	vst v48  }
0x119: {  	v48 =	vld.idx.msk [tilespmem:v47+s9+$0x0], $0xffff;
	_ =	sdelay $0x3  }
0x11a: {  	s11 =	simm.s32 $0x18A00  }
0x11b: {  	s23 =	simm.s32 $0xFFFFA000;
	s0 =	simm.s32 $0x1;
	s16 =	simm.s32 $0x0;
	[tilespmem:$0x29F0] =	vst v48  }
.LBB2_2:
0x11c: {  	s25 =	rddreg [dreg:$0x4];
	s2 =	simm.s32 $0xEA00  }
0x11d: {  	[tilespmem:s2], [sflag:$0x6] =	stream.indirect.gather [hbm4b:s1+s12], $0x40, s25, s12, $0xb8;
	[tilespmem:$0x1AA00] =	vst v63  }
0x11e: {  	s28 =	rddreg [dreg:$0x5];
	s4 =	simm.s32 $0x10A00  }
0x11f: {  	[tilespmem:s4], [sflag:$0x6] =	stream.indirect.gather [hbm4b:s1+s12], $0x40, s28, s12, $0xb8;
	[tilespmem:$0x1AA00] =	vst v63  }
0x120: {  	s22 =	rddreg [dreg:$0x6];
	s18 =	simm.s32 $0x12A00  }
0x121: {  	[tilespmem:s18], [sflag:$0x6] =	stream.indirect.gather [hbm4b:s1+s12], $0x40, s22, s12, $0xb8;
	[tilespmem:$0x1AA00] =	vst v63  }
0x122: {  	s20 =	simm.s32 $0x14A00;
	s28 =	rddreg [dreg:$0x7]  }
0x123: {  	[tilespmem:s20], [sflag:$0x6] =	stream.indirect.gather [hbm4b:s1+s12], $0x40, s28, s12, $0xb8;
	[tilespmem:$0x1AA00] =	vst v63  }
0x124: {  	s26 =	rddreg [dreg:$0x8]  }
0x125: {  	[tilespmem:s24], [sflag:$0x6] =	stream.indirect.gather [hbm4b:s1+s12], $0x40, s26, s12, $0xb8;
	[tilespmem:$0x1AA00] =	vst v63  }
0x126: {  	s28 =	rddreg [dreg:$0x9]  }
0x127: {  	[tilespmem:s11], [sflag:$0x6] =	stream.indirect.gather [hbm4b:s1+s12], $0x40, s28, s12, $0xb8;
	[tilespmem:$0x1AA00] =	vst v63  }
0x128: {  	_ =	swait.ge [sflag:s10], $0x2000  }
0x129: {  	[sflag:s10] =	ssyncset.done $0x0  }
0x12a: {  	[sflag:s10] =	ssyncadd.s32 $0xFFFFE000  }
0x12b: {  	_ =	swait.ge [sflag:s10], $0x2000  }
0x12c: {  	[sflag:s10] =	ssyncset.done $0x0  }
0x12d: {  	[sflag:s10] =	ssyncadd.s32 $0xFFFFE000  }
0x12e: {  	_ =	swait.ge [sflag:s10], $0x2000  }
0x12f: {  	[sflag:s10] =	ssyncset.done $0x0  }
0x130: {  	[sflag:s10] =	ssyncadd.s32 $0xFFFFE000  }
0x131: {  	_ =	swait.ge [sflag:s10], $0x2000  }
0x132: {  	[sflag:s10] =	ssyncset.done $0x0  }
0x133: {  	[sflag:s10] =	ssyncadd.s32 $0xFFFFE000  }
0x134: {  	_ =	swait.ge [sflag:s10], $0x2000  }
0x135: {  	[sflag:s10] =	ssyncset.done $0x0  }
0x136: {  	[sflag:s10] =	ssyncadd.s32 $0xFFFFE000  }
0x137: {  	_ =	swait.ge [sflag:s10], $0x2000  }
0x138: {  	[sflag:s10] =	ssyncset.done $0x0  }
0x139: {  	[sflag:s10] =	ssyncadd.s32 $0xFFFFE000  }
0x13a: {  	_ =	swait.ge [sflag:s8], $0x2000  }
0x13b: {  	[sflag:s8] =	ssyncset.done $0x0  }
0x13c: {  	[sflag:s8] =	ssyncadd.s32 $0xFFFFE000  }
0x13d: {  	_ =	swait.ge [sflag:s8], $0x2000  }
0x13e: {  	[sflag:s8] =	ssyncset.done $0x0  }
0x13f: {  	[sflag:s8] =	ssyncadd.s32 $0xFFFFE000  }
0x140: {  	_ =	swait.ge [sflag:s8], $0x2000  }
0x141: {  	[sflag:s8] =	ssyncset.done $0x0  }
0x142: {  	[sflag:s8] =	ssyncadd.s32 $0xFFFFE000  }
0x143: {  	_ =	swait.ge [sflag:s8], $0x2000  }
0x144: {  	[sflag:s8] =	ssyncset.done $0x0  }
0x145: {  	[sflag:s8] =	ssyncadd.s32 $0xFFFFE000  }
0x146: {  	_ =	swait.ge [sflag:s8], $0x2000  }
0x147: {  	[sflag:s8] =	ssyncset.done $0x0  }
0x148: {  	[sflag:s8] =	ssyncadd.s32 $0xFFFFE000  }
0x149: {  	_ =	swait.ge [sflag:s8], $0x2000  }
0x14a: {  	[sflag:s8] =	ssyncset.done $0x0  }
0x14b: {  	[sflag:s8] =	ssyncadd.s32 $0xFFFFE000  }
0x14c: {  	[hbm4b:s5+s12] =	stream.indirect.scatter [tilespmem:s2], [sflag:$0x8], $0x40, s17, s12, $0xb8;
	[tilespmem:$0x1AA00] =	vst v63  }
0x14d: {  	_ = 	snop  }
0x14e: {  	[hbm4b:s5+s12] =	stream.indirect.scatter [tilespmem:s4], [sflag:$0x8], $0x40, s19, s12, $0xb8;
	[tilespmem:$0x1AA00] =	vst v63  }
0x14f: {  	_ = 	snop  }
0x150: {  	[hbm4b:s6+s12] =	stream.indirect.scatter [tilespmem:s18], [sflag:$0x8], $0x40, s17, s12, $0xb8;
	[tilespmem:$0x1AA00] =	vst v63  }
0x151: {  	_ = 	snop  }
0x152: {  	[hbm4b:s6+s12] =	stream.indirect.scatter [tilespmem:s20], [sflag:$0x8], $0x40, s19, s12, $0xb8;
	[tilespmem:$0x1AA00] =	vst v63  }
0x153: {  	s4 =	rddreg [dreg:$0x3]  }
0x154: {  	[hbm4b:s7+s12] =	stream.indirect.scatter [tilespmem:s24], [sflag:$0x8], $0x40, s17, s12, $0xb8;
	[tilespmem:$0x1AA00] =	vst v63  }
0x155: {  	s25 =	sadd.s32 s23, s4  }
0x156: {  	[hbm4b:s7+s12] =	stream.indirect.scatter [tilespmem:s11], [sflag:$0x8], $0x40, s19, s12, $0xb8;
	[tilespmem:$0x1AA00] =	vst v63  }
0x157: {  	s28 =	sadd.s32 $0x7000, s25  }
0x158: {  	[tilespmem:s16], [sflag:$0x1] =	stream.linear.gather [hbm4b:s28+s16], $0x200, $0x38;
	[tilespmem:$0x1AA00] =	vst v63  }
0x159: {  	_ =	swait.ge [sflag:s0], $0x200  }
0x15a: {  	[sflag:s0] =	ssyncset.done $0x0  }
0x15b: {  	[sflag:s0] =	ssyncadd.s32 $0xFFFFFE00  }
0x15c: {  	[tilespmem:s13], [sflag:$0x3] =	stream.indirect.gather [hbm4b:s3+s12], $0x10, s16, s12, $0xb8;
	[tilespmem:$0x1AA00] =	vst v63  }
0x15d: {  	s28 =	simm.s32 $0xC00  }
0x15e: {  	[tilespmem:s28], [sflag:$0x3] =	stream.indirect.gather [hbm4b:s3+s12], $0x10, s12, s12, $0xb8;
	[tilespmem:$0x1AA00] =	vst v63  }
0x15f: {  	_ =	swait.ge [sflag:s15], $0x800  }
0x160: {  	[sflag:s15] =	ssyncset.done $0x0  }
0x161: {  	[sflag:s15] =	ssyncadd.s32 $0xFFFFF800  }
0x162: {  	_ =	swait.ge [sflag:s15], $0x800  }
0x163: {  	[sflag:s15] =	ssyncset.done $0x0  }
0x164: {  	[sflag:s15] =	ssyncadd.s32 $0xFFFFF800  }
0x165: {  	v48 =	vld.idx.msk [tilespmem:v0+s13+$0x0], $0xffff;
	_ =	sdelay $0x4  }
0x166: {  	[tilespmem:$0x2400] =	vst v48  }
0x167: {  	v48 =	vld.idx.msk [tilespmem:v1+s13+$0x0], $0xffff;
	_ =	sdelay $0x4  }
0x168: {  	[tilespmem:$0x2500] =	vst v48  }
0x169: {  	v48 =	vld.idx.msk [tilespmem:v2+s13+$0x0], $0xffff;
	_ =	sdelay $0x4  }
0x16a: {  	[tilespmem:$0x2600] =	vst v48  }
0x16b: {  	v48 =	vld.idx.msk [tilespmem:v3+s13+$0x0], $0xffff;
	_ =	sdelay $0x4  }
0x16c: {  	[tilespmem:$0x2410] =	vst v48  }
0x16d: {  	v48 =	vld.idx.msk [tilespmem:v4+s13+$0x0], $0xffff;
	_ =	sdelay $0x4  }
0x16e: {  	[tilespmem:$0x2510] =	vst v48  }
0x16f: {  	v48 =	vld.idx.msk [tilespmem:v5+s13+$0x0], $0xffff;
	_ =	sdelay $0x4  }
0x170: {  	[tilespmem:$0x2610] =	vst v48  }
0x171: {  	v48 =	vld.idx.msk [tilespmem:v6+s13+$0x0], $0xffff;
	_ =	sdelay $0x4  }
0x172: {  	[tilespmem:$0x2420] =	vst v48  }
0x173: {  	v48 =	vld.idx.msk [tilespmem:v7+s13+$0x0], $0xffff;
	_ =	sdelay $0x4  }
0x174: {  	[tilespmem:$0x2520] =	vst v48  }
0x175: {  	v48 =	vld.idx.msk [tilespmem:v8+s13+$0x0], $0xffff;
	_ =	sdelay $0x4  }
0x176: {  	[tilespmem:$0x2620] =	vst v48  }
0x177: {  	v48 =	vld.idx.msk [tilespmem:v9+s13+$0x0], $0xffff;
	_ =	sdelay $0x4  }
0x178: {  	[tilespmem:$0x2430] =	vst v48  }
0x179: {  	v48 =	vld.idx.msk [tilespmem:v10+s13+$0x0], $0xffff;
	_ =	sdelay $0x4  }
0x17a: {  	[tilespmem:$0x2530] =	vst v48  }
0x17b: {  	v48 =	vld.idx.msk [tilespmem:v11+s13+$0x0], $0xffff;
	_ =	sdelay $0x4  }
0x17c: {  	[tilespmem:$0x2630] =	vst v48  }
0x17d: {  	v48 =	vld.idx.msk [tilespmem:v12+s13+$0x0], $0xffff;
	_ =	sdelay $0x4  }
0x17e: {  	[tilespmem:$0x2440] =	vst v48  }
0x17f: {  	v48 =	vld.idx.msk [tilespmem:v13+s13+$0x0], $0xffff;
	_ =	sdelay $0x4  }
0x180: {  	[tilespmem:$0x2540] =	vst v48  }
0x181: {  	v48 =	vld.idx.msk [tilespmem:v14+s13+$0x0], $0xffff;
	_ =	sdelay $0x4  }
0x182: {  	[tilespmem:$0x2640] =	vst v48  }
0x183: {  	v48 =	vld.idx.msk [tilespmem:v15+s13+$0x0], $0xffff;
	_ =	sdelay $0x4  }
0x184: {  	[tilespmem:$0x2450] =	vst v48  }
0x185: {  	v48 =	vld.idx.msk [tilespmem:v16+s13+$0x0], $0xffff;
	_ =	sdelay $0x4  }
0x186: {  	[tilespmem:$0x2550] =	vst v48  }
0x187: {  	v48 =	vld.idx.msk [tilespmem:v17+s13+$0x0], $0xffff;
	_ =	sdelay $0x4  }
0x188: {  	[tilespmem:$0x2650] =	vst v48  }
0x189: {  	v48 =	vld.idx.msk [tilespmem:v18+s13+$0x0], $0xffff;
	_ =	sdelay $0x4  }
0x18a: {  	[tilespmem:$0x2460] =	vst v48  }
0x18b: {  	v48 =	vld.idx.msk [tilespmem:v19+s13+$0x0], $0xffff;
	_ =	sdelay $0x4  }
0x18c: {  	[tilespmem:$0x2560] =	vst v48  }
0x18d: {  	v48 =	vld.idx.msk [tilespmem:v20+s13+$0x0], $0xffff;
	_ =	sdelay $0x4  }
0x18e: {  	[tilespmem:$0x2660] =	vst v48  }
0x18f: {  	v48 =	vld.idx.msk [tilespmem:v21+s13+$0x0], $0xffff;
	_ =	sdelay $0x4  }
0x190: {  	[tilespmem:$0x2470] =	vst v48  }
0x191: {  	v48 =	vld.idx.msk [tilespmem:v22+s13+$0x0], $0xffff;
	_ =	sdelay $0x4  }
0x192: {  	[tilespmem:$0x2570] =	vst v48  }
0x193: {  	v48 =	vld.idx.msk [tilespmem:v23+s13+$0x0], $0xffff;
	_ =	sdelay $0x4  }
0x194: {  	[tilespmem:$0x2670] =	vst v48  }
0x195: {  	v48 =	vld.idx.msk [tilespmem:v24+s13+$0x0], $0xffff;
	_ =	sdelay $0x4  }
0x196: {  	[tilespmem:$0x2480] =	vst v48  }
0x197: {  	v48 =	vld.idx.msk [tilespmem:v25+s13+$0x0], $0xffff;
	_ =	sdelay $0x4  }
0x198: {  	[tilespmem:$0x2580] =	vst v48  }
0x199: {  	v48 =	vld.idx.msk [tilespmem:v26+s13+$0x0], $0xffff;
	_ =	sdelay $0x4  }
0x19a: {  	[tilespmem:$0x2680] =	vst v48  }
0x19b: {  	v48 =	vld.idx.msk [tilespmem:v27+s13+$0x0], $0xffff;
	_ =	sdelay $0x4  }
0x19c: {  	[tilespmem:$0x2490] =	vst v48  }
0x19d: {  	v48 =	vld.idx.msk [tilespmem:v28+s13+$0x0], $0xffff;
	_ =	sdelay $0x4  }
0x19e: {  	[tilespmem:$0x2590] =	vst v48  }
0x19f: {  	v48 =	vld.idx.msk [tilespmem:v29+s13+$0x0], $0xffff;
	_ =	sdelay $0x4  }
0x1a0: {  	[tilespmem:$0x2690] =	vst v48  }
0x1a1: {  	v48 =	vld.idx.msk [tilespmem:v30+s13+$0x0], $0xffff;
	_ =	sdelay $0x4  }
0x1a2: {  	[tilespmem:$0x24A0] =	vst v48  }
0x1a3: {  	v48 =	vld.idx.msk [tilespmem:v31+s13+$0x0], $0xffff;
	_ =	sdelay $0x4  }
0x1a4: {  	[tilespmem:$0x25A0] =	vst v48  }
0x1a5: {  	v48 =	vld.idx.msk [tilespmem:v32+s13+$0x0], $0xffff;
	_ =	sdelay $0x4  }
0x1a6: {  	[tilespmem:$0x26A0] =	vst v48  }
0x1a7: {  	v48 =	vld.idx.msk [tilespmem:v33+s13+$0x0], $0xffff;
	_ =	sdelay $0x4  }
0x1a8: {  	[tilespmem:$0x24B0] =	vst v48  }
0x1a9: {  	v48 =	vld.idx.msk [tilespmem:v34+s13+$0x0], $0xffff;
	_ =	sdelay $0x4  }
0x1aa: {  	[tilespmem:$0x25B0] =	vst v48  }
0x1ab: {  	v48 =	vld.idx.msk [tilespmem:v35+s13+$0x0], $0xffff;
	_ =	sdelay $0x4  }
0x1ac: {  	[tilespmem:$0x26B0] =	vst v48  }
0x1ad: {  	v48 =	vld.idx.msk [tilespmem:v36+s13+$0x0], $0xffff;
	_ =	sdelay $0x4  }
0x1ae: {  	[tilespmem:$0x24C0] =	vst v48  }
0x1af: {  	v48 =	vld.idx.msk [tilespmem:v37+s13+$0x0], $0xffff;
	_ =	sdelay $0x4  }
0x1b0: {  	[tilespmem:$0x25C0] =	vst v48  }
0x1b1: {  	v48 =	vld.idx.msk [tilespmem:v38+s13+$0x0], $0xffff;
	_ =	sdelay $0x4  }
0x1b2: {  	[tilespmem:$0x26C0] =	vst v48  }
0x1b3: {  	v48 =	vld.idx.msk [tilespmem:v39+s13+$0x0], $0xffff;
	_ =	sdelay $0x4  }
0x1b4: {  	[tilespmem:$0x24D0] =	vst v48  }
0x1b5: {  	v48 =	vld.idx.msk [tilespmem:v40+s13+$0x0], $0xffff;
	_ =	sdelay $0x4  }
0x1b6: {  	[tilespmem:$0x25D0] =	vst v48  }
0x1b7: {  	v48 =	vld.idx.msk [tilespmem:v41+s13+$0x0], $0xffff;
	_ =	sdelay $0x4  }
0x1b8: {  	[tilespmem:$0x26D0] =	vst v48  }
0x1b9: {  	v48 =	vld.idx.msk [tilespmem:v42+s13+$0x0], $0xffff;
	_ =	sdelay $0x4  }
0x1ba: {  	[tilespmem:$0x24E0] =	vst v48  }
0x1bb: {  	v48 =	vld.idx.msk [tilespmem:v43+s13+$0x0], $0xffff;
	_ =	sdelay $0x4  }
0x1bc: {  	[tilespmem:$0x25E0] =	vst v48  }
0x1bd: {  	v48 =	vld.idx.msk [tilespmem:v44+s13+$0x0], $0xffff;
	_ =	sdelay $0x4  }
0x1be: {  	[tilespmem:$0x26E0] =	vst v48  }
0x1bf: {  	v48 =	vld.idx.msk [tilespmem:v45+s13+$0x0], $0xffff;
	_ =	sdelay $0x4  }
0x1c0: {  	[tilespmem:$0x24F0] =	vst v48  }
0x1c1: {  	v48 =	vld.idx.msk [tilespmem:v46+s13+$0x0], $0xffff;
	_ =	sdelay $0x4  }
0x1c2: {  	[tilespmem:$0x25F0] =	vst v48  }
0x1c3: {  	v48 =	vld.idx.msk [tilespmem:v47+s13+$0x0], $0xffff;
	_ =	sdelay $0x4  }
0x1c4: {  	s26 =	simm.s32 $0x2A00;
	s17 =	simm.s32 $0x2400;
	[tilespmem:$0x26F0] =	vst v48  }
0x1c5: {  	[tilespmem:s26], [sflag:$0x5] =	stream.indirect.gather [hbm4b:s1+s12], $0x40, s17, s12, $0xb8;
	[tilespmem:$0x1AA00] =	vst v63  }
0x1c6: {  	s30 =	simm.s32 $0x2480;
	s4 =	simm.s32 $0x4A00  }
0x1c7: {  	[tilespmem:s4], [sflag:$0x5] =	stream.indirect.gather [hbm4b:s1+s12], $0x40, s30, s12, $0xb8;
	[tilespmem:$0x1AA00] =	vst v63  }
0x1c8: {  	s18 =	simm.s32 $0x2500;
	s19 =	simm.s32 $0x6A00  }
0x1c9: {  	[tilespmem:s19], [sflag:$0x5] =	stream.indirect.gather [hbm4b:s1+s12], $0x40, s18, s12, $0xb8;
	[tilespmem:$0x1AA00] =	vst v63  }
0x1ca: {  	s20 =	simm.s32 $0x2580;
	s18 =	simm.s32 $0x8A00  }
0x1cb: {  	[tilespmem:s18], [sflag:$0x5] =	stream.indirect.gather [hbm4b:s1+s12], $0x40, s20, s12, $0xb8;
	[tilespmem:$0x1AA00] =	vst v63  }
0x1cc: {  	s22 =	simm.s32 $0x2600;
	s20 =	simm.s32 $0xAA00  }
0x1cd: {  	[tilespmem:s20], [sflag:$0x5] =	stream.indirect.gather [hbm4b:s1+s12], $0x40, s22, s12, $0xb8;
	[tilespmem:$0x1AA00] =	vst v63  }
0x1ce: {  	s2 =	simm.s32 $0x2680;
	s22 =	simm.s32 $0xCA00  }
0x1cf: {  	[tilespmem:s22], [sflag:$0x5] =	stream.indirect.gather [hbm4b:s1+s12], $0x40, s2, s12, $0xb8;
	[tilespmem:$0x1AA00] =	vst v63  }
0x1d0: {  	_ =	swait.ge [sflag:s21], $0x2000  }
0x1d1: {  	[sflag:s21] =	ssyncset.done $0x0  }
0x1d2: {  	[sflag:s21] =	ssyncadd.s32 $0xFFFFE000  }
0x1d3: {  	_ =	swait.ge [sflag:s21], $0x2000  }
0x1d4: {  	[sflag:s21] =	ssyncset.done $0x0  }
0x1d5: {  	[sflag:s21] =	ssyncadd.s32 $0xFFFFE000  }
0x1d6: {  	_ =	swait.ge [sflag:s21], $0x2000  }
0x1d7: {  	[sflag:s21] =	ssyncset.done $0x0  }
0x1d8: {  	[sflag:s21] =	ssyncadd.s32 $0xFFFFE000  }
0x1d9: {  	_ =	swait.ge [sflag:s21], $0x2000  }
0x1da: {  	[sflag:s21] =	ssyncset.done $0x0  }
0x1db: {  	[sflag:s21] =	ssyncadd.s32 $0xFFFFE000  }
0x1dc: {  	_ =	swait.ge [sflag:s21], $0x2000  }
0x1dd: {  	[sflag:s21] =	ssyncset.done $0x0  }
0x1de: {  	[sflag:s21] =	ssyncadd.s32 $0xFFFFE000  }
0x1df: {  	_ =	swait.ge [sflag:s21], $0x2000  }
0x1e0: {  	[sflag:s21] =	ssyncset.done $0x0  }
0x1e1: {  	[sflag:s21] =	ssyncadd.s32 $0xFFFFE000  }
0x1e2: {  	_ =	swait.ge [sflag:s29], $0x2000  }
0x1e3: {  	[sflag:s29] =	ssyncset.done $0x0  }
0x1e4: {  	[sflag:s29] =	ssyncadd.s32 $0xFFFFE000  }
0x1e5: {  	_ =	swait.ge [sflag:s29], $0x2000  }
0x1e6: {  	[sflag:s29] =	ssyncset.done $0x0  }
0x1e7: {  	[sflag:s29] =	ssyncadd.s32 $0xFFFFE000  }
0x1e8: {  	_ =	swait.ge [sflag:s29], $0x2000  }
0x1e9: {  	[sflag:s29] =	ssyncset.done $0x0  }
0x1ea: {  	[sflag:s29] =	ssyncadd.s32 $0xFFFFE000  }
0x1eb: {  	_ =	swait.ge [sflag:s29], $0x2000  }
0x1ec: {  	[sflag:s29] =	ssyncset.done $0x0  }
0x1ed: {  	[sflag:s29] =	ssyncadd.s32 $0xFFFFE000  }
0x1ee: {  	_ =	swait.ge [sflag:s29], $0x2000  }
0x1ef: {  	[sflag:s29] =	ssyncset.done $0x0  }
0x1f0: {  	[sflag:s29] =	ssyncadd.s32 $0xFFFFE000  }
0x1f1: {  	_ =	swait.ge [sflag:s29], $0x2000  }
0x1f2: {  	[sflag:s29] =	ssyncset.done $0x0  }
0x1f3: {  	[sflag:s29] =	ssyncadd.s32 $0xFFFFE000  }
0x1f4: {  	[hbm4b:s5+s12] =	stream.indirect.scatter [tilespmem:s26], [sflag:$0x7], $0x40, s31, s12, $0xb8;
	[tilespmem:$0x1AA00] =	vst v63  }
0x1f5: {  	s30 =	simm.s32 $0x180  }
0x1f6: {  	[hbm4b:s5+s12] =	stream.indirect.scatter [tilespmem:s4], [sflag:$0x7], $0x40, s30, s12, $0xb8;
	[tilespmem:$0x1AA00] =	vst v63  }
0x1f7: {  	s26 =	simm.s32 $0x100  }
0x1f8: {  	[hbm4b:s6+s12] =	stream.indirect.scatter [tilespmem:s19], [sflag:$0x7], $0x40, s26, s12, $0xb8;
	[tilespmem:$0x1AA00] =	vst v63  }
0x1f9: {  	_ = 	snop  }
0x1fa: {  	[hbm4b:s6+s12] =	stream.indirect.scatter [tilespmem:s18], [sflag:$0x7], $0x40, s30, s12, $0xb8;
	[tilespmem:$0x1AA00] =	vst v63  }
0x1fb: {  	_ = 	snop  }
0x1fc: {  	[hbm4b:s7+s12] =	stream.indirect.scatter [tilespmem:s20], [sflag:$0x7], $0x40, s26, s12, $0xb8;
	[tilespmem:$0x1AA00] =	vst v63  }
0x1fd: {  	_ = 	snop  }
0x1fe: {  	[hbm4b:s7+s12] =	stream.indirect.scatter [tilespmem:s22], [sflag:$0x7], $0x40, s30, s12, $0xb8;
	[tilespmem:$0x1AA00] =	vst v63  }
0x1ff: {  	s25 =	sadd.s32 $0x7800, s25;
	s4 =	simm.s32 $0x2;
	s20 =	simm.s32 $0x200  }
0x200: {  	[tilespmem:s20], [sflag:$0x2] =	stream.linear.gather [hbm4b:s25+s16], $0x200, $0x38;
	[tilespmem:$0x1AA00] =	vst v63  }
0x201: {  	_ =	swait.ge [sflag:s4], $0x200  }
0x202: {  	[sflag:s4] =	ssyncset.done $0x0  }
0x203: {  	[sflag:s4] =	ssyncadd.s32 $0xFFFFFE00  }
0x204: {  	[tilespmem:s9], [sflag:$0x4] =	stream.indirect.gather [hbm4b:s3+s12], $0x10, s20, s12, $0xb8;
	[tilespmem:$0x1AA00] =	vst v63  }
0x205: {  	s22 =	simm.s32 $0x280;
	s25 =	simm.s32 $0x1C00  }
0x206: {  	[tilespmem:s25], [sflag:$0x4] =	stream.indirect.gather [hbm4b:s3+s12], $0x10, s22, s12, $0xb8;
	[tilespmem:$0x1AA00] =	vst v63  }
0x207: {  	_ =	swait.ge [sflag:s14], $0x800  }
0x208: {  	[sflag:s14] =	ssyncset.done $0x0  }
0x209: {  	[sflag:s14] =	ssyncadd.s32 $0xFFFFF800  }
0x20a: {  	_ =	swait.ge [sflag:s14], $0x800  }
0x20b: {  	[sflag:s14] =	ssyncset.done $0x0  }
0x20c: {  	[sflag:s14] =	ssyncadd.s32 $0xFFFFF800  }
0x20d: {  	v63 =	vld.idx.msk [tilespmem:v0+s9+$0x0], $0xffff;
	_ =	sdelay $0x4  }
0x20e: {  	[tilespmem:$0x2700] =	vst v63  }
0x20f: {  	v48 =	vld.idx.msk [tilespmem:v1+s9+$0x0], $0xffff;
	_ =	sdelay $0x4  }
0x210: {  	[tilespmem:$0x2800] =	vst v48  }
0x211: {  	v48 =	vld.idx.msk [tilespmem:v2+s9+$0x0], $0xffff;
	_ =	sdelay $0x4  }
0x212: {  	[tilespmem:$0x2900] =	vst v48  }
0x213: {  	v48 =	vld.idx.msk [tilespmem:v3+s9+$0x0], $0xffff;
	_ =	sdelay $0x4  }
0x214: {  	[tilespmem:$0x2710] =	vst v48  }
0x215: {  	v48 =	vld.idx.msk [tilespmem:v4+s9+$0x0], $0xffff;
	_ =	sdelay $0x4  }
0x216: {  	[tilespmem:$0x2810] =	vst v48  }
0x217: {  	v48 =	vld.idx.msk [tilespmem:v5+s9+$0x0], $0xffff;
	_ =	sdelay $0x4  }
0x218: {  	[tilespmem:$0x2910] =	vst v48  }
0x219: {  	v48 =	vld.idx.msk [tilespmem:v6+s9+$0x0], $0xffff;
	_ =	sdelay $0x4  }
0x21a: {  	[tilespmem:$0x2720] =	vst v48  }
0x21b: {  	v48 =	vld.idx.msk [tilespmem:v7+s9+$0x0], $0xffff;
	_ =	sdelay $0x4  }
0x21c: {  	[tilespmem:$0x2820] =	vst v48  }
0x21d: {  	v48 =	vld.idx.msk [tilespmem:v8+s9+$0x0], $0xffff;
	_ =	sdelay $0x4  }
0x21e: {  	[tilespmem:$0x2920] =	vst v48  }
0x21f: {  	v48 =	vld.idx.msk [tilespmem:v9+s9+$0x0], $0xffff;
	_ =	sdelay $0x4  }
0x220: {  	[tilespmem:$0x2730] =	vst v48  }
0x221: {  	v48 =	vld.idx.msk [tilespmem:v10+s9+$0x0], $0xffff;
	_ =	sdelay $0x4  }
0x222: {  	[tilespmem:$0x2830] =	vst v48  }
0x223: {  	v48 =	vld.idx.msk [tilespmem:v11+s9+$0x0], $0xffff;
	_ =	sdelay $0x4  }
0x224: {  	[tilespmem:$0x2930] =	vst v48  }
0x225: {  	v48 =	vld.idx.msk [tilespmem:v12+s9+$0x0], $0xffff;
	_ =	sdelay $0x4  }
0x226: {  	[tilespmem:$0x2740] =	vst v48  }
0x227: {  	v48 =	vld.idx.msk [tilespmem:v13+s9+$0x0], $0xffff;
	_ =	sdelay $0x4  }
0x228: {  	[tilespmem:$0x2840] =	vst v48  }
0x229: {  	v48 =	vld.idx.msk [tilespmem:v14+s9+$0x0], $0xffff;
	_ =	sdelay $0x4  }
0x22a: {  	[tilespmem:$0x2940] =	vst v48  }
0x22b: {  	v48 =	vld.idx.msk [tilespmem:v15+s9+$0x0], $0xffff;
	_ =	sdelay $0x4  }
0x22c: {  	[tilespmem:$0x2750] =	vst v48  }
0x22d: {  	v48 =	vld.idx.msk [tilespmem:v16+s9+$0x0], $0xffff;
	_ =	sdelay $0x4  }
0x22e: {  	[tilespmem:$0x2850] =	vst v48  }
0x22f: {  	v48 =	vld.idx.msk [tilespmem:v17+s9+$0x0], $0xffff;
	_ =	sdelay $0x4  }
0x230: {  	[tilespmem:$0x2950] =	vst v48  }
0x231: {  	v48 =	vld.idx.msk [tilespmem:v18+s9+$0x0], $0xffff;
	_ =	sdelay $0x4  }
0x232: {  	[tilespmem:$0x2760] =	vst v48  }
0x233: {  	v48 =	vld.idx.msk [tilespmem:v19+s9+$0x0], $0xffff;
	_ =	sdelay $0x4  }
0x234: {  	[tilespmem:$0x2860] =	vst v48  }
0x235: {  	v48 =	vld.idx.msk [tilespmem:v20+s9+$0x0], $0xffff;
	_ =	sdelay $0x4  }
0x236: {  	[tilespmem:$0x2960] =	vst v48  }
0x237: {  	v48 =	vld.idx.msk [tilespmem:v21+s9+$0x0], $0xffff;
	_ =	sdelay $0x4  }
0x238: {  	[tilespmem:$0x2770] =	vst v48  }
0x239: {  	v48 =	vld.idx.msk [tilespmem:v22+s9+$0x0], $0xffff;
	_ =	sdelay $0x4  }
0x23a: {  	[tilespmem:$0x2870] =	vst v48  }
0x23b: {  	v48 =	vld.idx.msk [tilespmem:v23+s9+$0x0], $0xffff;
	_ =	sdelay $0x4  }
0x23c: {  	[tilespmem:$0x2970] =	vst v48  }
0x23d: {  	v48 =	vld.idx.msk [tilespmem:v24+s9+$0x0], $0xffff;
	_ =	sdelay $0x4  }
0x23e: {  	[tilespmem:$0x2780] =	vst v48  }
0x23f: {  	v48 =	vld.idx.msk [tilespmem:v25+s9+$0x0], $0xffff;
	_ =	sdelay $0x4  }
0x240: {  	[tilespmem:$0x2880] =	vst v48  }
0x241: {  	v48 =	vld.idx.msk [tilespmem:v26+s9+$0x0], $0xffff;
	_ =	sdelay $0x4  }
0x242: {  	[tilespmem:$0x2980] =	vst v48  }
0x243: {  	v48 =	vld.idx.msk [tilespmem:v27+s9+$0x0], $0xffff;
	_ =	sdelay $0x4  }
0x244: {  	[tilespmem:$0x2790] =	vst v48  }
0x245: {  	v48 =	vld.idx.msk [tilespmem:v28+s9+$0x0], $0xffff;
	_ =	sdelay $0x4  }
0x246: {  	[tilespmem:$0x2890] =	vst v48  }
0x247: {  	v48 =	vld.idx.msk [tilespmem:v29+s9+$0x0], $0xffff;
	_ =	sdelay $0x4  }
0x248: {  	[tilespmem:$0x2990] =	vst v48  }
0x249: {  	v48 =	vld.idx.msk [tilespmem:v30+s9+$0x0], $0xffff;
	_ =	sdelay $0x4  }
0x24a: {  	[tilespmem:$0x27A0] =	vst v48  }
0x24b: {  	v48 =	vld.idx.msk [tilespmem:v31+s9+$0x0], $0xffff;
	_ =	sdelay $0x4  }
0x24c: {  	[tilespmem:$0x28A0] =	vst v48  }
0x24d: {  	v48 =	vld.idx.msk [tilespmem:v32+s9+$0x0], $0xffff;
	_ =	sdelay $0x4  }
0x24e: {  	[tilespmem:$0x29A0] =	vst v48  }
0x24f: {  	v48 =	vld.idx.msk [tilespmem:v33+s9+$0x0], $0xffff;
	_ =	sdelay $0x4  }
0x250: {  	[tilespmem:$0x27B0] =	vst v48  }
0x251: {  	v48 =	vld.idx.msk [tilespmem:v34+s9+$0x0], $0xffff;
	_ =	sdelay $0x4  }
0x252: {  	[tilespmem:$0x28B0] =	vst v48  }
0x253: {  	v48 =	vld.idx.msk [tilespmem:v35+s9+$0x0], $0xffff;
	_ =	sdelay $0x4  }
0x254: {  	[tilespmem:$0x29B0] =	vst v48  }
0x255: {  	v48 =	vld.idx.msk [tilespmem:v36+s9+$0x0], $0xffff;
	_ =	sdelay $0x4  }
0x256: {  	[tilespmem:$0x27C0] =	vst v48  }
0x257: {  	v48 =	vld.idx.msk [tilespmem:v37+s9+$0x0], $0xffff;
	_ =	sdelay $0x4  }
0x258: {  	[tilespmem:$0x28C0] =	vst v48  }
0x259: {  	v48 =	vld.idx.msk [tilespmem:v38+s9+$0x0], $0xffff;
	_ =	sdelay $0x4  }
0x25a: {  	[tilespmem:$0x29C0] =	vst v48  }
0x25b: {  	v48 =	vld.idx.msk [tilespmem:v39+s9+$0x0], $0xffff;
	_ =	sdelay $0x4  }
0x25c: {  	[tilespmem:$0x27D0] =	vst v48  }
0x25d: {  	v48 =	vld.idx.msk [tilespmem:v40+s9+$0x0], $0xffff;
	_ =	sdelay $0x4  }
0x25e: {  	[tilespmem:$0x28D0] =	vst v48  }
0x25f: {  	v48 =	vld.idx.msk [tilespmem:v41+s9+$0x0], $0xffff;
	_ =	sdelay $0x4  }
0x260: {  	[tilespmem:$0x29D0] =	vst v48  }
0x261: {  	v48 =	vld.idx.msk [tilespmem:v42+s9+$0x0], $0xffff;
	_ =	sdelay $0x4  }
0x262: {  	[tilespmem:$0x27E0] =	vst v48  }
0x263: {  	v48 =	vld.idx.msk [tilespmem:v43+s9+$0x0], $0xffff;
	_ =	sdelay $0x4  }
0x264: {  	[tilespmem:$0x28E0] =	vst v48  }
0x265: {  	v48 =	vld.idx.msk [tilespmem:v44+s9+$0x0], $0xffff;
	_ =	sdelay $0x4  }
0x266: {  	[tilespmem:$0x29E0] =	vst v48  }
0x267: {  	v48 =	vld.idx.msk [tilespmem:v45+s9+$0x0], $0xffff;
	_ =	sdelay $0x4  }
0x268: {  	[tilespmem:$0x27F0] =	vst v48  }
0x269: {  	v48 =	vld.idx.msk [tilespmem:v46+s9+$0x0], $0xffff;
	_ =	sdelay $0x4  }
0x26a: {  	[tilespmem:$0x28F0] =	vst v48  }
0x26b: {  	p0 =	sne.s32 s23, $0xFFFFF000;
	v48 =	vld.idx.msk [tilespmem:v47+s9+$0x0], $0xffff  }
.Ltmp0:
0x26c: {  	_ = 	snop;
	(pc) =	sbr.rel @p0 .LBB2_2-.Ltmp0, $2  }
0x26d: {  	_ =	sdelay $0x2  }
0x26e: {  	s23 =	sadd.s32 $0x1000, s23;
	s17 =	simm.s32 $0x300;
	s19 =	simm.s32 $0x380;
	[tilespmem:$0x29F0] =	vst v48  }
0x26f: {  	_ =	swait.ge [sflag:s10], $0x2000  }
0x270: {  	[sflag:s10] =	ssyncset.done $0x0  }
0x271: {  	[sflag:s10] =	ssyncadd.s32 $0xFFFFE000  }
0x272: {  	_ =	swait.ge [sflag:s10], $0x2000  }
0x273: {  	[sflag:s10] =	ssyncset.done $0x0  }
0x274: {  	[sflag:s10] =	ssyncadd.s32 $0xFFFFE000  }
0x275: {  	_ =	swait.ge [sflag:s10], $0x2000  }
0x276: {  	[sflag:s10] =	ssyncset.done $0x0  }
0x277: {  	[sflag:s10] =	ssyncadd.s32 $0xFFFFE000  }
0x278: {  	_ =	swait.ge [sflag:s10], $0x2000  }
0x279: {  	[sflag:s10] =	ssyncset.done $0x0  }
0x27a: {  	[sflag:s10] =	ssyncadd.s32 $0xFFFFE000  }
0x27b: {  	_ =	swait.ge [sflag:s10], $0x2000  }
0x27c: {  	[sflag:s10] =	ssyncset.done $0x0  }
0x27d: {  	[sflag:s10] =	ssyncadd.s32 $0xFFFFE000  }
0x27e: {  	_ =	swait.ge [sflag:s10], $0x2000  }
0x27f: {  	s0 =	rddreg [dreg:$0xd]  }
0x280: {  	s23 =	rddreg [dreg:$0xc];
	s0 =	sadd.s32 $0x1, s0  }
0x281: {  	p0 =	sne.s32 s0, s23  }
.Ltmp1:
0x282: {  	_ = 	snop;
	(pc) =	sbr.rel @p0 .LBB2_1-.Ltmp1, $3  }
0x283: {  	_ =	sdelay $0x1  }
0x284: {  	s25 =	simm.s32 $0x2400;
	[sflag:s10] =	ssyncset.done $0x0  }
0x285: {  	s2 =	simm.s32 $0x0;
	s11 =	simm.s32 $0x1;
	[sflag:s10] =	ssyncadd.s32 $0xFFFFE000  }
0x286: {  	_ =	sfence.sel $0x180000  }
0x287: {  	[bflag:$0x0] =	sbarrier.arrive $0xFFFF  }
0x288: {  	_ =	strace $0x90000047  }
0x289: {  	s0 =	stileid.u32;
	[bflag:$0x2] =	sbarrier.arrive $0xFFFF  }
0x28a: {  	p0 =	sne.s32 s0, $0x0;
	s0 =	rddreg [dreg:$0x2]  }
0x28b: {  	s0 =	sadd.s32 @!p0 $0x100000, s0  }
0x28c: {  	[sflag:s0] =	ssyncadd.tile.s32 @!p0 $0x1;
	_ =	shalt  }
.Lfunc_end2:
_tile_overlayer_lowered:
.L_overlay_start_2:
0x28d: {  	(tag) =	ssettag $0x2  }
0x28e: {  	s0 =	rddreg [dreg:$0x0];
	s2 =	stileid.u32  }
0x28f: {  	s1 =	rddreg [dreg:$0x1];
	p0 =	sne.s32 s2, $0x0  }
0x290: {  	s3 =	rddreg [dreg:$0x2];
	[bflag:$0x3] =	sbarrier.arrive $0xFFFF;
	s2 =	simm.s32 @!p0 $0x1C09  }
0x291: {  	[timem:s3], [sflag:s2] =	dma.local @!p0 [hbm:s0], s1  }
0x292: {  	s0 =	simm.s32 @!p0 $0x9  }
0x293: {  	_ =	swait.ge @!p0 [sflag:s0], s1  }
0x294: {  	s1 =	ssub.s32 @!p0 $0x0, s1;
	[sflag:s0] =	ssyncset.done @!p0 $0x0  }
0x295: {  	[sflag:s0] =	ssyncadd.s32 @!p0 s1  }
0x296: {  	[bflag:$0x3] =	sbarrier.arrive $0xFFFF  }
0x297: {  	_ =	shalt  }

</sc_bundles>
